<compile_context>
chip_gen: v7x
topology: tpu7x:2x2x1
jax: 0.10.2.dev20260603
libtpu: 0.0.44.dev20260713+nightly
codegen_flags: <defaults>
</compile_context>

<pallas_src>
import jax
import jax.numpy as jnp
from jax import lax
from jax.experimental import pallas as pl
from jax.experimental.pallas import tpu as pltpu
from jax.experimental.pallas import tpu_sc as plsc

N = 4096
NNZ = 16777
L = 16
MAXC = 1120
NNZP = MAXC * L
G = NNZP // L
NW = 32
ROWS_PER_W = N // NW
R = 4
CHUNKS = ROWS_PER_W // R
PCHUNK = NNZP // 8


def _body(x_hbm, pk0_hbm, vv0_hbm, ps0_hbm, pk1_hbm, vv1_hbm, ps1_hbm,
          bias_hbm, scal_hbm, out_hbm,
          p0, v0, p1, v1, bias_v, scal_v, xb0, xb1, hbuf, tmp_i, stage_f,
          sin0, sin1, sout0, sout1):
    wid = lax.axis_index("s") * 2 + lax.axis_index("c")
    row_base = wid * ROWS_PER_W

    pltpu.sync_copy(bias_hbm, bias_v)
    pltpu.sync_copy(scal_hbm, scal_v)

    def permute_in(pk_hbm, vv_hbm, ps_hbm, pk_dst, vv_dst):
        for t in range(NNZP // PCHUNK):
            sl = pl.ds(t * PCHUNK, PCHUNK)
            pltpu.sync_copy(ps_hbm.at[sl], tmp_i)
            pltpu.sync_copy(pk_hbm.at[sl], stage_f)

            @plsc.parallel_loop(0, PCHUNK // L, 1, unroll=4)
            def scat_p(g):
                dst = tmp_i[pl.ds(g * L, L)]
                val = plsc.bitcast(stage_f[pl.ds(g * L, L)], jnp.int32)
                plsc.store_scatter(pk_dst, [dst], val)

            pltpu.sync_copy(vv_hbm.at[sl], stage_f)

            @plsc.parallel_loop(0, PCHUNK // L, 1, unroll=4)
            def scat_v(g):
                dst = tmp_i[pl.ds(g * L, L)]
                plsc.store_scatter(vv_dst, [dst], stage_f[pl.ds(g * L, L)])

    permute_in(pk0_hbm, vv0_hbm, ps0_hbm, p0, v0)
    permute_in(pk1_hbm, vv1_hbm, ps1_hbm, p1, v1)

    scal = scal_v[pl.ds(0, L)]
    zero16 = jnp.zeros((L,), jnp.float32)
    xbufs = (xb0, xb1)
    sins = (sin0, sin1)
    souts = (sout0, sout1)

    def xslice(ci):
        return x_hbm.at[pl.ds(row_base + ci * R, R)]

    def oslice(ci):
        return out_hbm.at[pl.ds(row_base + ci * R, R)]

    jrows = [jnp.full((L,), j, jnp.int32) for j in range(R)]

    def run_layer(src, dst, pk_ref, vv_ref):
        @plsc.parallel_loop(0, G, 1, unroll=4)
        def layer(g):
            pk = pk_ref[pl.ds(g * L, L)]
            vv = vv_ref[pl.ds(g * L, L)]
            ir = jnp.right_shift(pk, 12)
            ic = jnp.bitwise_and(pk, 4095)
            for j in range(R):
                gath = plsc.load_gather(src, [jrows[j], ir])
                plsc.addupdate_scatter(dst, [jrows[j], ic], gath * vv)

    pltpu.async_copy(xslice(0), xb0, sin0)

    def pair_body(cp, _):
        for b in (0, 1):
            ci = cp * 2 + b
            xb = xbufs[b]

            pltpu.make_async_copy(xslice(ci), xb, sins[b]).wait()

            @plsc.parallel_loop(0, N // L, 1, unroll=8)
            def zero_h(g):
                for j in range(R):
                    hbuf[j, pl.ds(g * L, L)] = zero16

            run_layer(xb, hbuf, p0, v0)

            @pl.when(ci > 0)
            def _drain():
                pltpu.make_async_copy(xbufs[1 - b], oslice(ci - 1),
                                      souts[1 - b]).wait()

            @pl.when(ci + 1 < CHUNKS)
            def _prefetch():
                pltpu.async_copy(xslice(ci + 1), xbufs[1 - b], sins[1 - b])

            @plsc.parallel_loop(0, N // L, 1, unroll=8)
            def zero_x(g):
                for j in range(R):
                    xb[j, pl.ds(g * L, L)] = zero16

            run_layer(hbuf, xb, p1, v1)

            @plsc.parallel_loop(0, N // L, 1, unroll=8)
            def epi(g):
                bv = bias_v[pl.ds(g * L, L)]
                for j in range(R):
                    acc = xb[j, pl.ds(g * L, L)]
                    xb[j, pl.ds(g * L, L)] = jnp.maximum(
                        acc * scal + bv, 0.0)

            pltpu.async_copy(xb, oslice(ci), souts[b])
        return 0

    lax.fori_loop(0, CHUNKS // 2, pair_body, 0)

    pltpu.make_async_copy(xb1, oslice(CHUNKS - 1), sout1).wait()


def _disperse(rows, cols, vals):
    b = jnp.bitwise_and(cols, 15)
    cnt = (b[:, None] == jnp.arange(L, dtype=jnp.int32)).sum(
        axis=0, dtype=jnp.int32)
    deficit = MAXC - cnt
    cumdef = jnp.cumsum(deficit)
    t = jnp.arange(NNZP - NNZ, dtype=jnp.int32)
    dummy_b = (t[:, None] >= cumdef[None, :]).sum(axis=1, dtype=jnp.int32)
    b_ext = jnp.concatenate([b, dummy_b])
    pk_ext = jnp.concatenate([rows * N + cols, dummy_b])
    vv_ext = jnp.concatenate([vals, jnp.zeros((NNZP - NNZ,), jnp.float32)])

    nblk, blk = NNZP // 128, 128
    oh = (b_ext.reshape(nblk, blk)[:, :, None]
          == jnp.arange(L, dtype=jnp.int32)).astype(jnp.float32)
    tri = (jnp.arange(blk)[:, None] > jnp.arange(blk)[None, :]).astype(
        jnp.float32)
    within = jnp.einsum("ij,bjk->bik", tri, oh,
                        preferred_element_type=jnp.float32)
    sums = oh.sum(axis=1)
    offs = jnp.cumsum(sums, axis=0) - sums
    rank_all = (within + offs[:, None, :]).reshape(NNZP, L)
    rank = jnp.take_along_axis(rank_all, b_ext[:, None], axis=1)[:, 0]
    pos = rank.astype(jnp.int32) * L + b_ext
    return (lax.bitcast_convert_type(pk_ext, jnp.float32), vv_ext, pos)


def kernel(inputs, kernel0, kernel1, scaling, bias, rows0, cols0, rows1, cols1):
    pk0, vv0, ps0 = _disperse(rows0, cols0, kernel0)
    pk1, vv1, ps1 = _disperse(rows1, cols1, kernel1)
    scal16 = jnp.broadcast_to(scaling, (L,)).astype(jnp.float32)

    mesh = plsc.VectorSubcoreMesh(core_axis_name="c", subcore_axis_name="s")
    f = pl.kernel(
        _body,
        out_type=jax.ShapeDtypeStruct((N, N), jnp.float32),
        mesh=mesh,
        compiler_params=pltpu.CompilerParams(needs_layout_passes=False),
        scratch_types=[
            pltpu.VMEM((NNZP,), jnp.int32),
            pltpu.VMEM((NNZP,), jnp.float32),
            pltpu.VMEM((NNZP,), jnp.int32),
            pltpu.VMEM((NNZP,), jnp.float32),
            pltpu.VMEM((N,), jnp.float32),
            pltpu.VMEM((L,), jnp.float32),
            pltpu.VMEM((R, N), jnp.float32),
            pltpu.VMEM((R, N), jnp.float32),
            pltpu.VMEM((R, N), jnp.float32),
            pltpu.VMEM((PCHUNK,), jnp.int32),
            pltpu.VMEM((PCHUNK,), jnp.float32),
            pltpu.SemaphoreType.DMA,
            pltpu.SemaphoreType.DMA,
            pltpu.SemaphoreType.DMA,
            pltpu.SemaphoreType.DMA,
        ],
    )
    return f(inputs, pk0, vv0, ps0, pk1, vv1, ps1, bias, scal16)

# --- scband reference (transcript-rebuilt; emitter-appended) ---
"""Pipeline reference for scband-sparse-factorisation-dense-44830868635743 (READ-ONLY COPY).

The authoritative reference and input builder live on the scoring server;
editing this copy changes nothing except your own understanding.
"""

import jax, jax.numpy as jnp
import numpy as np

N = 4096
NNZ = 16777


def _make_pattern(seed):
    rs = np.random.RandomState(seed)
    idx = rs.choice(N * N, NNZ, replace=False)
    rows = (idx // N).astype(np.int32)
    cols = (idx % N).astype(np.int32)
    order = np.lexsort((cols, rows))  # coo_matrix canonical (row-major) order
    return jnp.asarray(rows[order]), jnp.asarray(cols[order])


def setup_inputs(seed: int = 0) -> dict:
    key = jax.random.key(seed)
    k1, k2, k3, k4 = jax.random.split(key, 4)
    x = jax.random.normal(k1, (4096, N), dtype=jnp.float32)
    rows0, cols0 = _make_pattern(42)
    rows1, cols1 = _make_pattern(43)
    kernel0 = jax.random.normal(k2, (NNZ,), dtype=jnp.float32) * 0.05
    kernel1 = jax.random.normal(k3, (NNZ,), dtype=jnp.float32) * 0.05
    scaling = jax.random.uniform(k4, (1,), dtype=jnp.float32, minval=0.9, maxval=1.1)
    bias = jnp.zeros((N,), dtype=jnp.float32)
    return {"inputs": x, "kernel0": kernel0, "kernel1": kernel1, "scaling": scaling,
            "bias": bias, "rows0": rows0, "cols0": cols0, "rows1": rows1, "cols1": cols1}


def _spmm(h, rows, cols, vals):
    # h @ W where W is sparse with W[rows[j], cols[j]] = vals[j]
    gathered = h[:, rows] * vals  # [B, nnz] gather + elementwise
    out = jax.ops.segment_sum(gathered.T, cols, num_segments=N)  # [N, B] scatter-add
    return out.T  # [B, N]


def reference(inputs, kernel0, kernel1, scaling, bias, rows0, cols0, rows1, cols1):
    # output = relu(scaling * (x @ W0 @ W1) + bias)
    out = _spmm(inputs, rows0, cols0, kernel0)
    out = _spmm(out, rows1, cols1, kernel1)
    out = scaling * out
    out = out + bias
    return jax.nn.relu(out)

if __name__ == "__main__":
    import jax
    _d = setup_inputs()
    print(jax.jit(kernel)(*tuple(_d.values())))

</pallas_src>

<mosaic_0001>
#map = affine_map<(d0, d1) -> (0, 0)>
#map1 = affine_map<(d0, d1) -> (0)>
module attributes {stable_mosaic.version = 14 : i64} {
  func.func @_body(%arg0: i32, %arg1: i32, %arg2: memref<4096x4096xf32, #tpu.memory_space<hbm>>, %arg3: memref<17920xf32, #tpu.memory_space<hbm>>, %arg4: memref<17920xf32, #tpu.memory_space<hbm>>, %arg5: memref<17920xi32, #tpu.memory_space<hbm>>, %arg6: memref<17920xf32, #tpu.memory_space<hbm>>, %arg7: memref<17920xf32, #tpu.memory_space<hbm>>, %arg8: memref<17920xi32, #tpu.memory_space<hbm>>, %arg9: memref<4096xf32, #tpu.memory_space<hbm>>, %arg10: memref<16xf32, #tpu.memory_space<hbm>>, %arg11: memref<4096x4096xf32, #tpu.memory_space<hbm>>, %arg12: memref<17920xi32, #tpu.memory_space<vmem>>, %arg13: memref<17920xf32, #tpu.memory_space<vmem>>, %arg14: memref<17920xi32, #tpu.memory_space<vmem>>, %arg15: memref<17920xf32, #tpu.memory_space<vmem>>, %arg16: memref<4096xf32, #tpu.memory_space<vmem>>, %arg17: memref<16xf32, #tpu.memory_space<vmem>>, %arg18: memref<4x4096xf32, #tpu.memory_space<vmem>>, %arg19: memref<4x4096xf32, #tpu.memory_space<vmem>>, %arg20: memref<4x4096xf32, #tpu.memory_space<vmem>>, %arg21: memref<2240xi32, #tpu.memory_space<vmem>>, %arg22: memref<2240xf32, #tpu.memory_space<vmem>>, %arg23: memref<!tpu.dma_semaphore, #tpu.memory_space<semaphore_mem>>, %arg24: memref<!tpu.dma_semaphore, #tpu.memory_space<semaphore_mem>>, %arg25: memref<!tpu.dma_semaphore, #tpu.memory_space<semaphore_mem>>, %arg26: memref<!tpu.dma_semaphore, #tpu.memory_space<semaphore_mem>>) attributes {dimension_semantics = [#tpu.dimension_semantics<core_parallel>, #tpu.dimension_semantics<subcore_parallel>], iteration_bounds = array<i64: 2, 16>, scalar_prefetch = 0 : i64, scratch_operands = 15 : i64, tpu.core_type = #tpu.core_type<sc_vector_subcore>, window_params = [{transform_indices = #map}, {transform_indices = #map1}, {transform_indices = #map1}, {transform_indices = #map1}, {transform_indices = #map1}, {transform_indices = #map1}, {transform_indices = #map1}, {transform_indices = #map1}, {transform_indices = #map1}, {transform_indices = #map}]} {
    %mul3A = arith.constant 2 : i32
    %mul3A_0 = arith.muli %arg1, %mul3A : i32
    %add3A = arith.addi %mul3A_0, %arg0 : i32
    %mul3A_1 = arith.constant 128 : i32
    %mul3A_2 = arith.muli %add3A, %mul3A_1 : i32
    "tpu.region"() ({
      %run_scoped3A = tpu.sem_alloc : memref<!tpu.dma_semaphore, #tpu.memory_space<semaphore_mem>>
      tpu.enqueue_dma source(%arg9 : memref<4096xf32, #tpu.memory_space<hbm>>) target(%arg16 : memref<4096xf32, #tpu.memory_space<vmem>>) target_semaphore(%run_scoped3A : memref<!tpu.dma_semaphore, #tpu.memory_space<semaphore_mem>>)
      tpu.wait_dma2 semaphore(%run_scoped3A : memref<!tpu.dma_semaphore, #tpu.memory_space<semaphore_mem>>) src(%arg9 : memref<4096xf32, #tpu.memory_space<hbm>>) dst(%arg16 : memref<4096xf32, #tpu.memory_space<vmem>>)
      tpu.yield
    }) : () -> ()
    "tpu.region"() ({
      %run_scoped3A = tpu.sem_alloc : memref<!tpu.dma_semaphore, #tpu.memory_space<semaphore_mem>>
      tpu.enqueue_dma source(%arg10 : memref<16xf32, #tpu.memory_space<hbm>>) target(%arg17 : memref<16xf32, #tpu.memory_space<vmem>>) target_semaphore(%run_scoped3A : memref<!tpu.dma_semaphore, #tpu.memory_space<semaphore_mem>>)
      tpu.wait_dma2 semaphore(%run_scoped3A : memref<!tpu.dma_semaphore, #tpu.memory_space<semaphore_mem>>) src(%arg10 : memref<16xf32, #tpu.memory_space<hbm>>) dst(%arg17 : memref<16xf32, #tpu.memory_space<vmem>>)
      tpu.yield
    }) : () -> ()
    "tpu.region"() ({
      %run_scoped3A = tpu.sem_alloc : memref<!tpu.dma_semaphore, #tpu.memory_space<semaphore_mem>>
      %dma_start3A_124 = arith.constant 0 : i32
      %dma_start3A_125 = tpu.memref_slice %arg5[%dma_start3A_124] : memref<17920xi32, #tpu.memory_space<hbm>> -> memref<2240xi32, #tpu.memory_space<hbm>>
      %dma_start3A_126 = arith.constant 0 : i32
      %dma_start3A_127 = tpu.memref_slice %arg5[%dma_start3A_126] : memref<17920xi32, #tpu.memory_space<hbm>> -> memref<2240xi32, #tpu.memory_space<hbm>>
      tpu.enqueue_dma source(%dma_start3A_127 : memref<2240xi32, #tpu.memory_space<hbm>>) target(%arg21 : memref<2240xi32, #tpu.memory_space<vmem>>) target_semaphore(%run_scoped3A : memref<!tpu.dma_semaphore, #tpu.memory_space<semaphore_mem>>)
      %dma_wait3A_128 = arith.constant 0 : i32
      %dma_wait3A_129 = tpu.memref_slice %arg5[%dma_wait3A_128] : memref<17920xi32, #tpu.memory_space<hbm>> -> memref<2240xi32, #tpu.memory_space<hbm>>
      %dma_wait3A_130 = arith.constant 0 : i32
      %dma_wait3A_131 = tpu.memref_slice %arg5[%dma_wait3A_130] : memref<17920xi32, #tpu.memory_space<hbm>> -> memref<2240xi32, #tpu.memory_space<hbm>>
      tpu.wait_dma2 semaphore(%run_scoped3A : memref<!tpu.dma_semaphore, #tpu.memory_space<semaphore_mem>>) src(%dma_wait3A_131 : memref<2240xi32, #tpu.memory_space<hbm>>) dst(%arg21 : memref<2240xi32, #tpu.memory_space<vmem>>)
      tpu.yield
    }) : () -> ()
    "tpu.region"() ({
      %run_scoped3A = tpu.sem_alloc : memref<!tpu.dma_semaphore, #tpu.memory_space<semaphore_mem>>
      %dma_start3A_124 = arith.constant 0 : i32
      %dma_start3A_125 = tpu.memref_slice %arg3[%dma_start3A_124] : memref<17920xf32, #tpu.memory_space<hbm>> -> memref<2240xf32, #tpu.memory_space<hbm>>
      %dma_start3A_126 = arith.constant 0 : i32
      %dma_start3A_127 = tpu.memref_slice %arg3[%dma_start3A_126] : memref<17920xf32, #tpu.memory_space<hbm>> -> memref<2240xf32, #tpu.memory_space<hbm>>
      tpu.enqueue_dma source(%dma_start3A_127 : memref<2240xf32, #tpu.memory_space<hbm>>) target(%arg22 : memref<2240xf32, #tpu.memory_space<vmem>>) target_semaphore(%run_scoped3A : memref<!tpu.dma_semaphore, #tpu.memory_space<semaphore_mem>>)
      %dma_wait3A_128 = arith.constant 0 : i32
      %dma_wait3A_129 = tpu.memref_slice %arg3[%dma_wait3A_128] : memref<17920xf32, #tpu.memory_space<hbm>> -> memref<2240xf32, #tpu.memory_space<hbm>>
      %dma_wait3A_130 = arith.constant 0 : i32
      %dma_wait3A_131 = tpu.memref_slice %arg3[%dma_wait3A_130] : memref<17920xf32, #tpu.memory_space<hbm>> -> memref<2240xf32, #tpu.memory_space<hbm>>
      tpu.wait_dma2 semaphore(%run_scoped3A : memref<!tpu.dma_semaphore, #tpu.memory_space<semaphore_mem>>) src(%dma_wait3A_131 : memref<2240xf32, #tpu.memory_space<hbm>>) dst(%arg22 : memref<2240xf32, #tpu.memory_space<vmem>>)
      tpu.yield
    }) : () -> ()
    %parallel_loop3A = arith.constant 0 : i32
    %parallel_loop3A_3 = arith.constant 140 : i32
    %parallel_loop3A_4 = arith.constant 1 : i32
    scf.for %parallel_loop3A_124 = %parallel_loop3A to %parallel_loop3A_3 step %parallel_loop3A_4  : i32 {
      %parallel_loop3A_125 = arith.constant 16 : i32
      %parallel_loop3A_126 = arith.muli %parallel_loop3A_124, %parallel_loop3A_125 : i32
      %parallel_loop3A_127 = arith.index_cast %parallel_loop3A_126 : i32 to index
      %parallel_loop3A_128 = tpu.vector_load %arg21[%parallel_loop3A_127] {strides = array<i32>} : memref<2240xi32, #tpu.memory_space<vmem>>, vector<16xi32>,
      %parallel_loop3A_129 = arith.constant 16 : i32
      %parallel_loop3A_130 = arith.muli %parallel_loop3A_124, %parallel_loop3A_129 : i32
      %parallel_loop3A_131 = arith.index_cast %parallel_loop3A_130 : i32 to index
      %parallel_loop3A_132 = tpu.vector_load %arg22[%parallel_loop3A_131] {strides = array<i32>} : memref<2240xf32, #tpu.memory_space<vmem>>, vector<16xf32>,
      %parallel_loop3A_133 = vector.bitcast %parallel_loop3A_132 : vector<16xf32> to vector<16xi32>
      tpu.vector_store_idx %arg12[%parallel_loop3A_128], %parallel_loop3A_133 : memref<17920xi32, #tpu.memory_space<vmem>>[vector<16xi32>], vector<16xi32>,
    } {sc.loop_unroll_factor = 4 : i64, sc.parallel_access}
    "tpu.region"() ({
      %run_scoped3A = tpu.sem_alloc : memref<!tpu.dma_semaphore, #tpu.memory_space<semaphore_mem>>
      %dma_start3A_124 = arith.constant 0 : i32
      %dma_start3A_125 = tpu.memref_slice %arg4[%dma_start3A_124] : memref<17920xf32, #tpu.memory_space<hbm>> -> memref<2240xf32, #tpu.memory_space<hbm>>
      %dma_start3A_126 = arith.constant 0 : i32
      %dma_start3A_127 = tpu.memref_slice %arg4[%dma_start3A_126] : memref<17920xf32, #tpu.memory_space<hbm>> -> memref<2240xf32, #tpu.memory_space<hbm>>
      tpu.enqueue_dma source(%dma_start3A_127 : memref<2240xf32, #tpu.memory_space<hbm>>) target(%arg22 : memref<2240xf32, #tpu.memory_space<vmem>>) target_semaphore(%run_scoped3A : memref<!tpu.dma_semaphore, #tpu.memory_space<semaphore_mem>>)
      %dma_wait3A_128 = arith.constant 0 : i32
      %dma_wait3A_129 = tpu.memref_slice %arg4[%dma_wait3A_128] : memref<17920xf32, #tpu.memory_space<hbm>> -> memref<2240xf32, #tpu.memory_space<hbm>>
      %dma_wait3A_130 = arith.constant 0 : i32
      %dma_wait3A_131 = tpu.memref_slice %arg4[%dma_wait3A_130] : memref<17920xf32, #tpu.memory_space<hbm>> -> memref<2240xf32, #tpu.memory_space<hbm>>
      tpu.wait_dma2 semaphore(%run_scoped3A : memref<!tpu.dma_semaphore, #tpu.memory_space<semaphore_mem>>) src(%dma_wait3A_131 : memref<2240xf32, #tpu.memory_space<hbm>>) dst(%arg22 : memref<2240xf32, #tpu.memory_space<vmem>>)
      tpu.yield
    }) : () -> ()
    %parallel_loop3A_5 = arith.constant 0 : i32
    %parallel_loop3A_6 = arith.constant 140 : i32
    %parallel_loop3A_7 = arith.constant 1 : i32
    scf.for %parallel_loop3A_124 = %parallel_loop3A_5 to %parallel_loop3A_6 step %parallel_loop3A_7  : i32 {
      %parallel_loop3A_125 = arith.constant 16 : i32
      %parallel_loop3A_126 = arith.muli %parallel_loop3A_124, %parallel_loop3A_125 : i32
      %parallel_loop3A_127 = arith.index_cast %parallel_loop3A_126 : i32 to index
      %parallel_loop3A_128 = tpu.vector_load %arg21[%parallel_loop3A_127] {strides = array<i32>} : memref<2240xi32, #tpu.memory_space<vmem>>, vector<16xi32>,
      %parallel_loop3A_129 = arith.constant 16 : i32
      %parallel_loop3A_130 = arith.muli %parallel_loop3A_124, %parallel_loop3A_129 : i32
      %parallel_loop3A_131 = arith.index_cast %parallel_loop3A_130 : i32 to index
      %parallel_loop3A_132 = tpu.vector_load %arg22[%parallel_loop3A_131] {strides = array<i32>} : memref<2240xf32, #tpu.memory_space<vmem>>, vector<16xf32>,
      tpu.vector_store_idx %arg13[%parallel_loop3A_128], %parallel_loop3A_132 : memref<17920xf32, #tpu.memory_space<vmem>>[vector<16xi32>], vector<16xf32>,
    } {sc.loop_unroll_factor = 4 : i64, sc.parallel_access}
    "tpu.region"() ({
      %run_scoped3A = tpu.sem_alloc : memref<!tpu.dma_semaphore, #tpu.memory_space<semaphore_mem>>
      %dma_start3A_124 = arith.constant 2240 : i32
      %dma_start3A_125 = tpu.memref_slice %arg5[%dma_start3A_124] : memref<17920xi32, #tpu.memory_space<hbm>> -> memref<2240xi32, #tpu.memory_space<hbm>>
      %dma_start3A_126 = arith.constant 2240 : i32
      %dma_start3A_127 = tpu.memref_slice %arg5[%dma_start3A_126] : memref<17920xi32, #tpu.memory_space<hbm>> -> memref<2240xi32, #tpu.memory_space<hbm>>
      tpu.enqueue_dma source(%dma_start3A_127 : memref<2240xi32, #tpu.memory_space<hbm>>) target(%arg21 : memref<2240xi32, #tpu.memory_space<vmem>>) target_semaphore(%run_scoped3A : memref<!tpu.dma_semaphore, #tpu.memory_space<semaphore_mem>>)
      %dma_wait3A_128 = arith.constant 2240 : i32
      %dma_wait3A_129 = tpu.memref_slice %arg5[%dma_wait3A_128] : memref<17920xi32, #tpu.memory_space<hbm>> -> memref<2240xi32, #tpu.memory_space<hbm>>
      %dma_wait3A_130 = arith.constant 2240 : i32
      %dma_wait3A_131 = tpu.memref_slice %arg5[%dma_wait3A_130] : memref<17920xi32, #tpu.memory_space<hbm>> -> memref<2240xi32, #tpu.memory_space<hbm>>
      tpu.wait_dma2 semaphore(%run_scoped3A : memref<!tpu.dma_semaphore, #tpu.memory_space<semaphore_mem>>) src(%dma_wait3A_131 : memref<2240xi32, #tpu.memory_space<hbm>>) dst(%arg21 : memref<2240xi32, #tpu.memory_space<vmem>>)
      tpu.yield
    }) : () -> ()
    "tpu.region"() ({
      %run_scoped3A = tpu.sem_alloc : memref<!tpu.dma_semaphore, #tpu.memory_space<semaphore_mem>>
      %dma_start3A_124 = arith.constant 2240 : i32
      %dma_start3A_125 = tpu.memref_slice %arg3[%dma_start3A_124] : memref<17920xf32, #tpu.memory_space<hbm>> -> memref<2240xf32, #tpu.memory_space<hbm>>
      %dma_start3A_126 = arith.constant 2240 : i32
      %dma_start3A_127 = tpu.memref_slice %arg3[%dma_start3A_126] : memref<17920xf32, #tpu.memory_space<hbm>> -> memref<2240xf32, #tpu.memory_space<hbm>>
      tpu.enqueue_dma source(%dma_start3A_127 : memref<2240xf32, #tpu.memory_space<hbm>>) target(%arg22 : memref<2240xf32, #tpu.memory_space<vmem>>) target_semaphore(%run_scoped3A : memref<!tpu.dma_semaphore, #tpu.memory_space<semaphore_mem>>)
      %dma_wait3A_128 = arith.constant 2240 : i32
      %dma_wait3A_129 = tpu.memref_slice %arg3[%dma_wait3A_128] : memref<17920xf32, #tpu.memory_space<hbm>> -> memref<2240xf32, #tpu.memory_space<hbm>>
      %dma_wait3A_130 = arith.constant 2240 : i32
      %dma_wait3A_131 = tpu.memref_slice %arg3[%dma_wait3A_130] : memref<17920xf32, #tpu.memory_space<hbm>> -> memref<2240xf32, #tpu.memory_space<hbm>>
      tpu.wait_dma2 semaphore(%run_scoped3A : memref<!tpu.dma_semaphore, #tpu.memory_space<semaphore_mem>>) src(%dma_wait3A_131 : memref<2240xf32, #tpu.memory_space<hbm>>) dst(%arg22 : memref<2240xf32, #tpu.memory_space<vmem>>)
      tpu.yield
    }) : () -> ()
    %parallel_loop3A_8 = arith.constant 0 : i32
    %parallel_loop3A_9 = arith.constant 140 : i32
    %parallel_loop3A_10 = arith.constant 1 : i32
    scf.for %parallel_loop3A_124 = %parallel_loop3A_8 to %parallel_loop3A_9 step %parallel_loop3A_10  : i32 {
      %parallel_loop3A_125 = arith.constant 16 : i32
      %parallel_loop3A_126 = arith.muli %parallel_loop3A_124, %parallel_loop3A_125 : i32
      %parallel_loop3A_127 = arith.index_cast %parallel_loop3A_126 : i32 to index
      %parallel_loop3A_128 = tpu.vector_load %arg21[%parallel_loop3A_127] {strides = array<i32>} : memref<2240xi32, #tpu.memory_space<vmem>>, vector<16xi32>,
      %parallel_loop3A_129 = arith.constant 16 : i32
      %parallel_loop3A_130 = arith.muli %parallel_loop3A_124, %parallel_loop3A_129 : i32
      %parallel_loop3A_131 = arith.index_cast %parallel_loop3A_130 : i32 to index
      %parallel_loop3A_132 = tpu.vector_load %arg22[%parallel_loop3A_131] {strides = array<i32>} : memref<2240xf32, #tpu.memory_space<vmem>>, vector<16xf32>,
      %parallel_loop3A_133 = vector.bitcast %parallel_loop3A_132 : vector<16xf32> to vector<16xi32>
      tpu.vector_store_idx %arg12[%parallel_loop3A_128], %parallel_loop3A_133 : memref<17920xi32, #tpu.memory_space<vmem>>[vector<16xi32>], vector<16xi32>,
    } {sc.loop_unroll_factor = 4 : i64, sc.parallel_access}
    "tpu.region"() ({
      %run_scoped3A = tpu.sem_alloc : memref<!tpu.dma_semaphore, #tpu.memory_space<semaphore_mem>>
      %dma_start3A_124 = arith.constant 2240 : i32
      %dma_start3A_125 = tpu.memref_slice %arg4[%dma_start3A_124] : memref<17920xf32, #tpu.memory_space<hbm>> -> memref<2240xf32, #tpu.memory_space<hbm>>
      %dma_start3A_126 = arith.constant 2240 : i32
      %dma_start3A_127 = tpu.memref_slice %arg4[%dma_start3A_126] : memref<17920xf32, #tpu.memory_space<hbm>> -> memref<2240xf32, #tpu.memory_space<hbm>>
      tpu.enqueue_dma source(%dma_start3A_127 : memref<2240xf32, #tpu.memory_space<hbm>>) target(%arg22 : memref<2240xf32, #tpu.memory_space<vmem>>) target_semaphore(%run_scoped3A : memref<!tpu.dma_semaphore, #tpu.memory_space<semaphore_mem>>)
      %dma_wait3A_128 = arith.constant 2240 : i32
      %dma_wait3A_129 = tpu.memref_slice %arg4[%dma_wait3A_128] : memref<17920xf32, #tpu.memory_space<hbm>> -> memref<2240xf32, #tpu.memory_space<hbm>>
      %dma_wait3A_130 = arith.constant 2240 : i32
      %dma_wait3A_131 = tpu.memref_slice %arg4[%dma_wait3A_130] : memref<17920xf32, #tpu.memory_space<hbm>> -> memref<2240xf32, #tpu.memory_space<hbm>>
      tpu.wait_dma2 semaphore(%run_scoped3A : memref<!tpu.dma_semaphore, #tpu.memory_space<semaphore_mem>>) src(%dma_wait3A_131 : memref<2240xf32, #tpu.memory_space<hbm>>) dst(%arg22 : memref<2240xf32, #tpu.memory_space<vmem>>)
      tpu.yield
    }) : () -> ()
    %parallel_loop3A_11 = arith.constant 0 : i32
    %parallel_loop3A_12 = arith.constant 140 : i32
    %parallel_loop3A_13 = arith.constant 1 : i32
    scf.for %parallel_loop3A_124 = %parallel_loop3A_11 to %parallel_loop3A_12 step %parallel_loop3A_13  : i32 {
      %parallel_loop3A_125 = arith.constant 16 : i32
      %parallel_loop3A_126 = arith.muli %parallel_loop3A_124, %parallel_loop3A_125 : i32
      %parallel_loop3A_127 = arith.index_cast %parallel_loop3A_126 : i32 to index
      %parallel_loop3A_128 = tpu.vector_load %arg21[%parallel_loop3A_127] {strides = array<i32>} : memref<2240xi32, #tpu.memory_space<vmem>>, vector<16xi32>,
      %parallel_loop3A_129 = arith.constant 16 : i32
      %parallel_loop3A_130 = arith.muli %parallel_loop3A_124, %parallel_loop3A_129 : i32
      %parallel_loop3A_131 = arith.index_cast %parallel_loop3A_130 : i32 to index
      %parallel_loop3A_132 = tpu.vector_load %arg22[%parallel_loop3A_131] {strides = array<i32>} : memref<2240xf32, #tpu.memory_space<vmem>>, vector<16xf32>,
      tpu.vector_store_idx %arg13[%parallel_loop3A_128], %parallel_loop3A_132 : memref<17920xf32, #tpu.memory_space<vmem>>[vector<16xi32>], vector<16xf32>,
    } {sc.loop_unroll_factor = 4 : i64, sc.parallel_access}
    "tpu.region"() ({
      %run_scoped3A = tpu.sem_alloc : memref<!tpu.dma_semaphore, #tpu.memory_space<semaphore_mem>>
      %dma_start3A_124 = arith.constant 4480 : i32
      %dma_start3A_125 = tpu.memref_slice %arg5[%dma_start3A_124] : memref<17920xi32, #tpu.memory_space<hbm>> -> memref<2240xi32, #tpu.memory_space<hbm>>
      %dma_start3A_126 = arith.constant 4480 : i32
      %dma_start3A_127 = tpu.memref_slice %arg5[%dma_start3A_126] : memref<17920xi32, #tpu.memory_space<hbm>> -> memref<2240xi32, #tpu.memory_space<hbm>>
      tpu.enqueue_dma source(%dma_start3A_127 : memref<2240xi32, #tpu.memory_space<hbm>>) target(%arg21 : memref<2240xi32, #tpu.memory_space<vmem>>) target_semaphore(%run_scoped3A : memref<!tpu.dma_semaphore, #tpu.memory_space<semaphore_mem>>)
      %dma_wait3A_128 = arith.constant 4480 : i32
      %dma_wait3A_129 = tpu.memref_slice %arg5[%dma_wait3A_128] : memref<17920xi32, #tpu.memory_space<hbm>> -> memref<2240xi32, #tpu.memory_space<hbm>>
      %dma_wait3A_130 = arith.constant 4480 : i32
      %dma_wait3A_131 = tpu.memref_slice %arg5[%dma_wait3A_130] : memref<17920xi32, #tpu.memory_space<hbm>> -> memref<2240xi32, #tpu.memory_space<hbm>>
      tpu.wait_dma2 semaphore(%run_scoped3A : memref<!tpu.dma_semaphore, #tpu.memory_space<semaphore_mem>>) src(%dma_wait3A_131 : memref<2240xi32, #tpu.memory_space<hbm>>) dst(%arg21 : memref<2240xi32, #tpu.memory_space<vmem>>)
      tpu.yield
    }) : () -> ()
    "tpu.region"() ({
      %run_scoped3A = tpu.sem_alloc : memref<!tpu.dma_semaphore, #tpu.memory_space<semaphore_mem>>
      %dma_start3A_124 = arith.constant 4480 : i32
      %dma_start3A_125 = tpu.memref_slice %arg3[%dma_start3A_124] : memref<17920xf32, #tpu.memory_space<hbm>> -> memref<2240xf32, #tpu.memory_space<hbm>>
      %dma_start3A_126 = arith.constant 4480 : i32
      %dma_start3A_127 = tpu.memref_slice %arg3[%dma_start3A_126] : memref<17920xf32, #tpu.memory_space<hbm>> -> memref<2240xf32, #tpu.memory_space<hbm>>
      tpu.enqueue_dma source(%dma_start3A_127 : memref<2240xf32, #tpu.memory_space<hbm>>) target(%arg22 : memref<2240xf32, #tpu.memory_space<vmem>>) target_semaphore(%run_scoped3A : memref<!tpu.dma_semaphore, #tpu.memory_space<semaphore_mem>>)
      %dma_wait3A_128 = arith.constant 4480 : i32
      %dma_wait3A_129 = tpu.memref_slice %arg3[%dma_wait3A_128] : memref<17920xf32, #tpu.memory_space<hbm>> -> memref<2240xf32, #tpu.memory_space<hbm>>
      %dma_wait3A_130 = arith.constant 4480 : i32
      %dma_wait3A_131 = tpu.memref_slice %arg3[%dma_wait3A_130] : memref<17920xf32, #tpu.memory_space<hbm>> -> memref<2240xf32, #tpu.memory_space<hbm>>
      tpu.wait_dma2 semaphore(%run_scoped3A : memref<!tpu.dma_semaphore, #tpu.memory_space<semaphore_mem>>) src(%dma_wait3A_131 : memref<2240xf32, #tpu.memory_space<hbm>>) dst(%arg22 : memref<2240xf32, #tpu.memory_space<vmem>>)
      tpu.yield
    }) : () -> ()
    %parallel_loop3A_14 = arith.constant 0 : i32
    %parallel_loop3A_15 = arith.constant 140 : i32
    %parallel_loop3A_16 = arith.constant 1 : i32
    scf.for %parallel_loop3A_124 = %parallel_loop3A_14 to %parallel_loop3A_15 step %parallel_loop3A_16  : i32 {
      %parallel_loop3A_125 = arith.constant 16 : i32
      %parallel_loop3A_126 = arith.muli %parallel_loop3A_124, %parallel_loop3A_125 : i32
      %parallel_loop3A_127 = arith.index_cast %parallel_loop3A_126 : i32 to index
      %parallel_loop3A_128 = tpu.vector_load %arg21[%parallel_loop3A_127] {strides = array<i32>} : memref<2240xi32, #tpu.memory_space<vmem>>, vector<16xi32>,
      %parallel_loop3A_129 = arith.constant 16 : i32
      %parallel_loop3A_130 = arith.muli %parallel_loop3A_124, %parallel_loop3A_129 : i32
      %parallel_loop3A_131 = arith.index_cast %parallel_loop3A_130 : i32 to index
      %parallel_loop3A_132 = tpu.vector_load %arg22[%parallel_loop3A_131] {strides = array<i32>} : memref<2240xf32, #tpu.memory_space<vmem>>, vector<16xf32>,
      %parallel_loop3A_133 = vector.bitcast %parallel_loop3A_132 : vector<16xf32> to vector<16xi32>
      tpu.vector_store_idx %arg12[%parallel_loop3A_128], %parallel_loop3A_133 : memref<17920xi32, #tpu.memory_space<vmem>>[vector<16xi32>], vector<16xi32>,
    } {sc.loop_unroll_factor = 4 : i64, sc.parallel_access}
    "tpu.region"() ({
      %run_scoped3A = tpu.sem_alloc : memref<!tpu.dma_semaphore, #tpu.memory_space<semaphore_mem>>
      %dma_start3A_124 = arith.constant 4480 : i32
      %dma_start3A_125 = tpu.memref_slice %arg4[%dma_start3A_124] : memref<17920xf32, #tpu.memory_space<hbm>> -> memref<2240xf32, #tpu.memory_space<hbm>>
      %dma_start3A_126 = arith.constant 4480 : i32
      %dma_start3A_127 = tpu.memref_slice %arg4[%dma_start3A_126] : memref<17920xf32, #tpu.memory_space<hbm>> -> memref<2240xf32, #tpu.memory_space<hbm>>
      tpu.enqueue_dma source(%dma_start3A_127 : memref<2240xf32, #tpu.memory_space<hbm>>) target(%arg22 : memref<2240xf32, #tpu.memory_space<vmem>>) target_semaphore(%run_scoped3A : memref<!tpu.dma_semaphore, #tpu.memory_space<semaphore_mem>>)
      %dma_wait3A_128 = arith.constant 4480 : i32
      %dma_wait3A_129 = tpu.memref_slice %arg4[%dma_wait3A_128] : memref<17920xf32, #tpu.memory_space<hbm>> -> memref<2240xf32, #tpu.memory_space<hbm>>
      %dma_wait3A_130 = arith.constant 4480 : i32
      %dma_wait3A_131 = tpu.memref_slice %arg4[%dma_wait3A_130] : memref<17920xf32, #tpu.memory_space<hbm>> -> memref<2240xf32, #tpu.memory_space<hbm>>
      tpu.wait_dma2 semaphore(%run_scoped3A : memref<!tpu.dma_semaphore, #tpu.memory_space<semaphore_mem>>) src(%dma_wait3A_131 : memref<2240xf32, #tpu.memory_space<hbm>>) dst(%arg22 : memref<2240xf32, #tpu.memory_space<vmem>>)
      tpu.yield
    }) : () -> ()
    %parallel_loop3A_17 = arith.constant 0 : i32
    %parallel_loop3A_18 = arith.constant 140 : i32
    %parallel_loop3A_19 = arith.constant 1 : i32
    scf.for %parallel_loop3A_124 = %parallel_loop3A_17 to %parallel_loop3A_18 step %parallel_loop3A_19  : i32 {
      %parallel_loop3A_125 = arith.constant 16 : i32
      %parallel_loop3A_126 = arith.muli %parallel_loop3A_124, %parallel_loop3A_125 : i32
      %parallel_loop3A_127 = arith.index_cast %parallel_loop3A_126 : i32 to index
      %parallel_loop3A_128 = tpu.vector_load %arg21[%parallel_loop3A_127] {strides = array<i32>} : memref<2240xi32, #tpu.memory_space<vmem>>, vector<16xi32>,
      %parallel_loop3A_129 = arith.constant 16 : i32
      %parallel_loop3A_130 = arith.muli %parallel_loop3A_124, %parallel_loop3A_129 : i32
      %parallel_loop3A_131 = arith.index_cast %parallel_loop3A_130 : i32 to index
      %parallel_loop3A_132 = tpu.vector_load %arg22[%parallel_loop3A_131] {strides = array<i32>} : memref<2240xf32, #tpu.memory_space<vmem>>, vector<16xf32>,
      tpu.vector_store_idx %arg13[%parallel_loop3A_128], %parallel_loop3A_132 : memref<17920xf32, #tpu.memory_space<vmem>>[vector<16xi32>], vector<16xf32>,
    } {sc.loop_unroll_factor = 4 : i64, sc.parallel_access}
    "tpu.region"() ({
      %run_scoped3A = tpu.sem_alloc : memref<!tpu.dma_semaphore, #tpu.memory_space<semaphore_mem>>
      %dma_start3A_124 = arith.constant 6720 : i32
      %dma_start3A_125 = tpu.memref_slice %arg5[%dma_start3A_124] : memref<17920xi32, #tpu.memory_space<hbm>> -> memref<2240xi32, #tpu.memory_space<hbm>>
      %dma_start3A_126 = arith.constant 6720 : i32
      %dma_start3A_127 = tpu.memref_slice %arg5[%dma_start3A_126] : memref<17920xi32, #tpu.memory_space<hbm>> -> memref<2240xi32, #tpu.memory_space<hbm>>
      tpu.enqueue_dma source(%dma_start3A_127 : memref<2240xi32, #tpu.memory_space<hbm>>) target(%arg21 : memref<2240xi32, #tpu.memory_space<vmem>>) target_semaphore(%run_scoped3A : memref<!tpu.dma_semaphore, #tpu.memory_space<semaphore_mem>>)
      %dma_wait3A_128 = arith.constant 6720 : i32
      %dma_wait3A_129 = tpu.memref_slice %arg5[%dma_wait3A_128] : memref<17920xi32, #tpu.memory_space<hbm>> -> memref<2240xi32, #tpu.memory_space<hbm>>
      %dma_wait3A_130 = arith.constant 6720 : i32
      %dma_wait3A_131 = tpu.memref_slice %arg5[%dma_wait3A_130] : memref<17920xi32, #tpu.memory_space<hbm>> -> memref<2240xi32, #tpu.memory_space<hbm>>
      tpu.wait_dma2 semaphore(%run_scoped3A : memref<!tpu.dma_semaphore, #tpu.memory_space<semaphore_mem>>) src(%dma_wait3A_131 : memref<2240xi32, #tpu.memory_space<hbm>>) dst(%arg21 : memref<2240xi32, #tpu.memory_space<vmem>>)
      tpu.yield
    }) : () -> ()
    "tpu.region"() ({
      %run_scoped3A = tpu.sem_alloc : memref<!tpu.dma_semaphore, #tpu.memory_space<semaphore_mem>>
      %dma_start3A_124 = arith.constant 6720 : i32
      %dma_start3A_125 = tpu.memref_slice %arg3[%dma_start3A_124] : memref<17920xf32, #tpu.memory_space<hbm>> -> memref<2240xf32, #tpu.memory_space<hbm>>
      %dma_start3A_126 = arith.constant 6720 : i32
      %dma_start3A_127 = tpu.memref_slice %arg3[%dma_start3A_126] : memref<17920xf32, #tpu.memory_space<hbm>> -> memref<2240xf32, #tpu.memory_space<hbm>>
      tpu.enqueue_dma source(%dma_start3A_127 : memref<2240xf32, #tpu.memory_space<hbm>>) target(%arg22 : memref<2240xf32, #tpu.memory_space<vmem>>) target_semaphore(%run_scoped3A : memref<!tpu.dma_semaphore, #tpu.memory_space<semaphore_mem>>)
      %dma_wait3A_128 = arith.constant 6720 : i32
      %dma_wait3A_129 = tpu.memref_slice %arg3[%dma_wait3A_128] : memref<17920xf32, #tpu.memory_space<hbm>> -> memref<2240xf32, #tpu.memory_space<hbm>>
      %dma_wait3A_130 = arith.constant 6720 : i32
      %dma_wait3A_131 = tpu.memref_slice %arg3[%dma_wait3A_130] : memref<17920xf32, #tpu.memory_space<hbm>> -> memref<2240xf32, #tpu.memory_space<hbm>>
      tpu.wait_dma2 semaphore(%run_scoped3A : memref<!tpu.dma_semaphore, #tpu.memory_space<semaphore_mem>>) src(%dma_wait3A_131 : memref<2240xf32, #tpu.memory_space<hbm>>) dst(%arg22 : memref<2240xf32, #tpu.memory_space<vmem>>)
      tpu.yield
    }) : () -> ()
    %parallel_loop3A_20 = arith.constant 0 : i32
    %parallel_loop3A_21 = arith.constant 140 : i32
    %parallel_loop3A_22 = arith.constant 1 : i32
    scf.for %parallel_loop3A_124 = %parallel_loop3A_20 to %parallel_loop3A_21 step %parallel_loop3A_22  : i32 {
      %parallel_loop3A_125 = arith.constant 16 : i32
      %parallel_loop3A_126 = arith.muli %parallel_loop3A_124, %parallel_loop3A_125 : i32
      %parallel_loop3A_127 = arith.index_cast %parallel_loop3A_126 : i32 to index
      %parallel_loop3A_128 = tpu.vector_load %arg21[%parallel_loop3A_127] {strides = array<i32>} : memref<2240xi32, #tpu.memory_space<vmem>>, vector<16xi32>,
      %parallel_loop3A_129 = arith.constant 16 : i32
      %parallel_loop3A_130 = arith.muli %parallel_loop3A_124, %parallel_loop3A_129 : i32
      %parallel_loop3A_131 = arith.index_cast %parallel_loop3A_130 : i32 to index
      %parallel_loop3A_132 = tpu.vector_load %arg22[%parallel_loop3A_131] {strides = array<i32>} : memref<2240xf32, #tpu.memory_space<vmem>>, vector<16xf32>,
      %parallel_loop3A_133 = vector.bitcast %parallel_loop3A_132 : vector<16xf32> to vector<16xi32>
      tpu.vector_store_idx %arg12[%parallel_loop3A_128], %parallel_loop3A_133 : memref<17920xi32, #tpu.memory_space<vmem>>[vector<16xi32>], vector<16xi32>,
    } {sc.loop_unroll_factor = 4 : i64, sc.parallel_access}
    "tpu.region"() ({
      %run_scoped3A = tpu.sem_alloc : memref<!tpu.dma_semaphore, #tpu.memory_space<semaphore_mem>>
      %dma_start3A_124 = arith.constant 6720 : i32
      %dma_start3A_125 = tpu.memref_slice %arg4[%dma_start3A_124] : memref<17920xf32, #tpu.memory_space<hbm>> -> memref<2240xf32, #tpu.memory_space<hbm>>
      %dma_start3A_126 = arith.constant 6720 : i32
      %dma_start3A_127 = tpu.memref_slice %arg4[%dma_start3A_126] : memref<17920xf32, #tpu.memory_space<hbm>> -> memref<2240xf32, #tpu.memory_space<hbm>>
      tpu.enqueue_dma source(%dma_start3A_127 : memref<2240xf32, #tpu.memory_space<hbm>>) target(%arg22 : memref<2240xf32, #tpu.memory_space<vmem>>) target_semaphore(%run_scoped3A : memref<!tpu.dma_semaphore, #tpu.memory_space<semaphore_mem>>)
      %dma_wait3A_128 = arith.constant 6720 : i32
      %dma_wait3A_129 = tpu.memref_slice %arg4[%dma_wait3A_128] : memref<17920xf32, #tpu.memory_space<hbm>> -> memref<2240xf32, #tpu.memory_space<hbm>>
      %dma_wait3A_130 = arith.constant 6720 : i32
      %dma_wait3A_131 = tpu.memref_slice %arg4[%dma_wait3A_130] : memref<17920xf32, #tpu.memory_space<hbm>> -> memref<2240xf32, #tpu.memory_space<hbm>>
      tpu.wait_dma2 semaphore(%run_scoped3A : memref<!tpu.dma_semaphore, #tpu.memory_space<semaphore_mem>>) src(%dma_wait3A_131 : memref<2240xf32, #tpu.memory_space<hbm>>) dst(%arg22 : memref<2240xf32, #tpu.memory_space<vmem>>)
      tpu.yield
    }) : () -> ()
    %parallel_loop3A_23 = arith.constant 0 : i32
    %parallel_loop3A_24 = arith.constant 140 : i32
    %parallel_loop3A_25 = arith.constant 1 : i32
    scf.for %parallel_loop3A_124 = %parallel_loop3A_23 to %parallel_loop3A_24 step %parallel_loop3A_25  : i32 {
      %parallel_loop3A_125 = arith.constant 16 : i32
      %parallel_loop3A_126 = arith.muli %parallel_loop3A_124, %parallel_loop3A_125 : i32
      %parallel_loop3A_127 = arith.index_cast %parallel_loop3A_126 : i32 to index
      %parallel_loop3A_128 = tpu.vector_load %arg21[%parallel_loop3A_127] {strides = array<i32>} : memref<2240xi32, #tpu.memory_space<vmem>>, vector<16xi32>,
      %parallel_loop3A_129 = arith.constant 16 : i32
      %parallel_loop3A_130 = arith.muli %parallel_loop3A_124, %parallel_loop3A_129 : i32
      %parallel_loop3A_131 = arith.index_cast %parallel_loop3A_130 : i32 to index
      %parallel_loop3A_132 = tpu.vector_load %arg22[%parallel_loop3A_131] {strides = array<i32>} : memref<2240xf32, #tpu.memory_space<vmem>>, vector<16xf32>,
      tpu.vector_store_idx %arg13[%parallel_loop3A_128], %parallel_loop3A_132 : memref<17920xf32, #tpu.memory_space<vmem>>[vector<16xi32>], vector<16xf32>,
    } {sc.loop_unroll_factor = 4 : i64, sc.parallel_access}
    "tpu.region"() ({
      %run_scoped3A = tpu.sem_alloc : memref<!tpu.dma_semaphore, #tpu.memory_space<semaphore_mem>>
      %dma_start3A_124 = arith.constant 8960 : i32
      %dma_start3A_125 = tpu.memref_slice %arg5[%dma_start3A_124] : memref<17920xi32, #tpu.memory_space<hbm>> -> memref<2240xi32, #tpu.memory_space<hbm>>
      %dma_start3A_126 = arith.constant 8960 : i32
      %dma_start3A_127 = tpu.memref_slice %arg5[%dma_start3A_126] : memref<17920xi32, #tpu.memory_space<hbm>> -> memref<2240xi32, #tpu.memory_space<hbm>>
      tpu.enqueue_dma source(%dma_start3A_127 : memref<2240xi32, #tpu.memory_space<hbm>>) target(%arg21 : memref<2240xi32, #tpu.memory_space<vmem>>) target_semaphore(%run_scoped3A : memref<!tpu.dma_semaphore, #tpu.memory_space<semaphore_mem>>)
      %dma_wait3A_128 = arith.constant 8960 : i32
      %dma_wait3A_129 = tpu.memref_slice %arg5[%dma_wait3A_128] : memref<17920xi32, #tpu.memory_space<hbm>> -> memref<2240xi32, #tpu.memory_space<hbm>>
      %dma_wait3A_130 = arith.constant 8960 : i32
      %dma_wait3A_131 = tpu.memref_slice %arg5[%dma_wait3A_130] : memref<17920xi32, #tpu.memory_space<hbm>> -> memref<2240xi32, #tpu.memory_space<hbm>>
      tpu.wait_dma2 semaphore(%run_scoped3A : memref<!tpu.dma_semaphore, #tpu.memory_space<semaphore_mem>>) src(%dma_wait3A_131 : memref<2240xi32, #tpu.memory_space<hbm>>) dst(%arg21 : memref<2240xi32, #tpu.memory_space<vmem>>)
      tpu.yield
    }) : () -> ()
    "tpu.region"() ({
      %run_scoped3A = tpu.sem_alloc : memref<!tpu.dma_semaphore, #tpu.memory_space<semaphore_mem>>
      %dma_start3A_124 = arith.constant 8960 : i32
      %dma_start3A_125 = tpu.memref_slice %arg3[%dma_start3A_124] : memref<17920xf32, #tpu.memory_space<hbm>> -> memref<2240xf32, #tpu.memory_space<hbm>>
      %dma_start3A_126 = arith.constant 8960 : i32
      %dma_start3A_127 = tpu.memref_slice %arg3[%dma_start3A_126] : memref<17920xf32, #tpu.memory_space<hbm>> -> memref<2240xf32, #tpu.memory_space<hbm>>
      tpu.enqueue_dma source(%dma_start3A_127 : memref<2240xf32, #tpu.memory_space<hbm>>) target(%arg22 : memref<2240xf32, #tpu.memory_space<vmem>>) target_semaphore(%run_scoped3A : memref<!tpu.dma_semaphore, #tpu.memory_space<semaphore_mem>>)
      %dma_wait3A_128 = arith.constant 8960 : i32
      %dma_wait3A_129 = tpu.memref_slice %arg3[%dma_wait3A_128] : memref<17920xf32, #tpu.memory_space<hbm>> -> memref<2240xf32, #tpu.memory_space<hbm>>
      %dma_wait3A_130 = arith.constant 8960 : i32
      %dma_wait3A_131 = tpu.memref_slice %arg3[%dma_wait3A_130] : memref<17920xf32, #tpu.memory_space<hbm>> -> memref<2240xf32, #tpu.memory_space<hbm>>
      tpu.wait_dma2 semaphore(%run_scoped3A : memref<!tpu.dma_semaphore, #tpu.memory_space<semaphore_mem>>) src(%dma_wait3A_131 : memref<2240xf32, #tpu.memory_space<hbm>>) dst(%arg22 : memref<2240xf32, #tpu.memory_space<vmem>>)
      tpu.yield
    }) : () -> ()
    %parallel_loop3A_26 = arith.constant 0 : i32
    %parallel_loop3A_27 = arith.constant 140 : i32
    %parallel_loop3A_28 = arith.constant 1 : i32
    scf.for %parallel_loop3A_124 = %parallel_loop3A_26 to %parallel_loop3A_27 step %parallel_loop3A_28  : i32 {
      %parallel_loop3A_125 = arith.constant 16 : i32
      %parallel_loop3A_126 = arith.muli %parallel_loop3A_124, %parallel_loop3A_125 : i32
      %parallel_loop3A_127 = arith.index_cast %parallel_loop3A_126 : i32 to index
      %parallel_loop3A_128 = tpu.vector_load %arg21[%parallel_loop3A_127] {strides = array<i32>} : memref<2240xi32, #tpu.memory_space<vmem>>, vector<16xi32>,
      %parallel_loop3A_129 = arith.constant 16 : i32
      %parallel_loop3A_130 = arith.muli %parallel_loop3A_124, %parallel_loop3A_129 : i32
      %parallel_loop3A_131 = arith.index_cast %parallel_loop3A_130 : i32 to index
      %parallel_loop3A_132 = tpu.vector_load %arg22[%parallel_loop3A_131] {strides = array<i32>} : memref<2240xf32, #tpu.memory_space<vmem>>, vector<16xf32>,
      %parallel_loop3A_133 = vector.bitcast %parallel_loop3A_132 : vector<16xf32> to vector<16xi32>
      tpu.vector_store_idx %arg12[%parallel_loop3A_128], %parallel_loop3A_133 : memref<17920xi32, #tpu.memory_space<vmem>>[vector<16xi32>], vector<16xi32>,
    } {sc.loop_unroll_factor = 4 : i64, sc.parallel_access}
    "tpu.region"() ({
      %run_scoped3A = tpu.sem_alloc : memref<!tpu.dma_semaphore, #tpu.memory_space<semaphore_mem>>
      %dma_start3A_124 = arith.constant 8960 : i32
      %dma_start3A_125 = tpu.memref_slice %arg4[%dma_start3A_124] : memref<17920xf32, #tpu.memory_space<hbm>> -> memref<2240xf32, #tpu.memory_space<hbm>>
      %dma_start3A_126 = arith.constant 8960 : i32
      %dma_start3A_127 = tpu.memref_slice %arg4[%dma_start3A_126] : memref<17920xf32, #tpu.memory_space<hbm>> -> memref<2240xf32, #tpu.memory_space<hbm>>
      tpu.enqueue_dma source(%dma_start3A_127 : memref<2240xf32, #tpu.memory_space<hbm>>) target(%arg22 : memref<2240xf32, #tpu.memory_space<vmem>>) target_semaphore(%run_scoped3A : memref<!tpu.dma_semaphore, #tpu.memory_space<semaphore_mem>>)
      %dma_wait3A_128 = arith.constant 8960 : i32
      %dma_wait3A_129 = tpu.memref_slice %arg4[%dma_wait3A_128] : memref<17920xf32, #tpu.memory_space<hbm>> -> memref<2240xf32, #tpu.memory_space<hbm>>
      %dma_wait3A_130 = arith.constant 8960 : i32
      %dma_wait3A_131 = tpu.memref_slice %arg4[%dma_wait3A_130] : memref<17920xf32, #tpu.memory_space<hbm>> -> memref<2240xf32, #tpu.memory_space<hbm>>
      tpu.wait_dma2 semaphore(%run_scoped3A : memref<!tpu.dma_semaphore, #tpu.memory_space<semaphore_mem>>) src(%dma_wait3A_131 : memref<2240xf32, #tpu.memory_space<hbm>>) dst(%arg22 : memref<2240xf32, #tpu.memory_space<vmem>>)
      tpu.yield
    }) : () -> ()
    %parallel_loop3A_29 = arith.constant 0 : i32
    %parallel_loop3A_30 = arith.constant 140 : i32
    %parallel_loop3A_31 = arith.constant 1 : i32
    scf.for %parallel_loop3A_124 = %parallel_loop3A_29 to %parallel_loop3A_30 step %parallel_loop3A_31  : i32 {
      %parallel_loop3A_125 = arith.constant 16 : i32
      %parallel_loop3A_126 = arith.muli %parallel_loop3A_124, %parallel_loop3A_125 : i32
      %parallel_loop3A_127 = arith.index_cast %parallel_loop3A_126 : i32 to index
      %parallel_loop3A_128 = tpu.vector_load %arg21[%parallel_loop3A_127] {strides = array<i32>} : memref<2240xi32, #tpu.memory_space<vmem>>, vector<16xi32>,
      %parallel_loop3A_129 = arith.constant 16 : i32
      %parallel_loop3A_130 = arith.muli %parallel_loop3A_124, %parallel_loop3A_129 : i32
      %parallel_loop3A_131 = arith.index_cast %parallel_loop3A_130 : i32 to index
      %parallel_loop3A_132 = tpu.vector_load %arg22[%parallel_loop3A_131] {strides = array<i32>} : memref<2240xf32, #tpu.memory_space<vmem>>, vector<16xf32>,
      tpu.vector_store_idx %arg13[%parallel_loop3A_128], %parallel_loop3A_132 : memref<17920xf32, #tpu.memory_space<vmem>>[vector<16xi32>], vector<16xf32>,
    } {sc.loop_unroll_factor = 4 : i64, sc.parallel_access}
    "tpu.region"() ({
      %run_scoped3A = tpu.sem_alloc : memref<!tpu.dma_semaphore, #tpu.memory_space<semaphore_mem>>
      %dma_start3A_124 = arith.constant 11200 : i32
      %dma_start3A_125 = tpu.memref_slice %arg5[%dma_start3A_124] : memref<17920xi32, #tpu.memory_space<hbm>> -> memref<2240xi32, #tpu.memory_space<hbm>>
      %dma_start3A_126 = arith.constant 11200 : i32
      %dma_start3A_127 = tpu.memref_slice %arg5[%dma_start3A_126] : memref<17920xi32, #tpu.memory_space<hbm>> -> memref<2240xi32, #tpu.memory_space<hbm>>
      tpu.enqueue_dma source(%dma_start3A_127 : memref<2240xi32, #tpu.memory_space<hbm>>) target(%arg21 : memref<2240xi32, #tpu.memory_space<vmem>>) target_semaphore(%run_scoped3A : memref<!tpu.dma_semaphore, #tpu.memory_space<semaphore_mem>>)
      %dma_wait3A_128 = arith.constant 11200 : i32
      %dma_wait3A_129 = tpu.memref_slice %arg5[%dma_wait3A_128] : memref<17920xi32, #tpu.memory_space<hbm>> -> memref<2240xi32, #tpu.memory_space<hbm>>
      %dma_wait3A_130 = arith.constant 11200 : i32
      %dma_wait3A_131 = tpu.memref_slice %arg5[%dma_wait3A_130] : memref<17920xi32, #tpu.memory_space<hbm>> -> memref<2240xi32, #tpu.memory_space<hbm>>
      tpu.wait_dma2 semaphore(%run_scoped3A : memref<!tpu.dma_semaphore, #tpu.memory_space<semaphore_mem>>) src(%dma_wait3A_131 : memref<2240xi32, #tpu.memory_space<hbm>>) dst(%arg21 : memref<2240xi32, #tpu.memory_space<vmem>>)
      tpu.yield
    }) : () -> ()
    "tpu.region"() ({
      %run_scoped3A = tpu.sem_alloc : memref<!tpu.dma_semaphore, #tpu.memory_space<semaphore_mem>>
      %dma_start3A_124 = arith.constant 11200 : i32
      %dma_start3A_125 = tpu.memref_slice %arg3[%dma_start3A_124] : memref<17920xf32, #tpu.memory_space<hbm>> -> memref<2240xf32, #tpu.memory_space<hbm>>
      %dma_start3A_126 = arith.constant 11200 : i32
      %dma_start3A_127 = tpu.memref_slice %arg3[%dma_start3A_126] : memref<17920xf32, #tpu.memory_space<hbm>> -> memref<2240xf32, #tpu.memory_space<hbm>>
      tpu.enqueue_dma source(%dma_start3A_127 : memref<2240xf32, #tpu.memory_space<hbm>>) target(%arg22 : memref<2240xf32, #tpu.memory_space<vmem>>) target_semaphore(%run_scoped3A : memref<!tpu.dma_semaphore, #tpu.memory_space<semaphore_mem>>)
      %dma_wait3A_128 = arith.constant 11200 : i32
      %dma_wait3A_129 = tpu.memref_slice %arg3[%dma_wait3A_128] : memref<17920xf32, #tpu.memory_space<hbm>> -> memref<2240xf32, #tpu.memory_space<hbm>>
      %dma_wait3A_130 = arith.constant 11200 : i32
      %dma_wait3A_131 = tpu.memref_slice %arg3[%dma_wait3A_130] : memref<17920xf32, #tpu.memory_space<hbm>> -> memref<2240xf32, #tpu.memory_space<hbm>>
      tpu.wait_dma2 semaphore(%run_scoped3A : memref<!tpu.dma_semaphore, #tpu.memory_space<semaphore_mem>>) src(%dma_wait3A_131 : memref<2240xf32, #tpu.memory_space<hbm>>) dst(%arg22 : memref<2240xf32, #tpu.memory_space<vmem>>)
      tpu.yield
    }) : () -> ()
    %parallel_loop3A_32 = arith.constant 0 : i32
    %parallel_loop3A_33 = arith.constant 140 : i32
    %parallel_loop3A_34 = arith.constant 1 : i32
    scf.for %parallel_loop3A_124 = %parallel_loop3A_32 to %parallel_loop3A_33 step %parallel_loop3A_34  : i32 {
      %parallel_loop3A_125 = arith.constant 16 : i32
      %parallel_loop3A_126 = arith.muli %parallel_loop3A_124, %parallel_loop3A_125 : i32
      %parallel_loop3A_127 = arith.index_cast %parallel_loop3A_126 : i32 to index
      %parallel_loop3A_128 = tpu.vector_load %arg21[%parallel_loop3A_127] {strides = array<i32>} : memref<2240xi32, #tpu.memory_space<vmem>>, vector<16xi32>,
      %parallel_loop3A_129 = arith.constant 16 : i32
      %parallel_loop3A_130 = arith.muli %parallel_loop3A_124, %parallel_loop3A_129 : i32
      %parallel_loop3A_131 = arith.index_cast %parallel_loop3A_130 : i32 to index
      %parallel_loop3A_132 = tpu.vector_load %arg22[%parallel_loop3A_131] {strides = array<i32>} : memref<2240xf32, #tpu.memory_space<vmem>>, vector<16xf32>,
      %parallel_loop3A_133 = vector.bitcast %parallel_loop3A_132 : vector<16xf32> to vector<16xi32>
      tpu.vector_store_idx %arg12[%parallel_loop3A_128], %parallel_loop3A_133 : memref<17920xi32, #tpu.memory_space<vmem>>[vector<16xi32>], vector<16xi32>,
    } {sc.loop_unroll_factor = 4 : i64, sc.parallel_access}
    "tpu.region"() ({
      %run_scoped3A = tpu.sem_alloc : memref<!tpu.dma_semaphore, #tpu.memory_space<semaphore_mem>>
      %dma_start3A_124 = arith.constant 11200 : i32
      %dma_start3A_125 = tpu.memref_slice %arg4[%dma_start3A_124] : memref<17920xf32, #tpu.memory_space<hbm>> -> memref<2240xf32, #tpu.memory_space<hbm>>
      %dma_start3A_126 = arith.constant 11200 : i32
      %dma_start3A_127 = tpu.memref_slice %arg4[%dma_start3A_126] : memref<17920xf32, #tpu.memory_space<hbm>> -> memref<2240xf32, #tpu.memory_space<hbm>>
      tpu.enqueue_dma source(%dma_start3A_127 : memref<2240xf32, #tpu.memory_space<hbm>>) target(%arg22 : memref<2240xf32, #tpu.memory_space<vmem>>) target_semaphore(%run_scoped3A : memref<!tpu.dma_semaphore, #tpu.memory_space<semaphore_mem>>)
      %dma_wait3A_128 = arith.constant 11200 : i32
      %dma_wait3A_129 = tpu.memref_slice %arg4[%dma_wait3A_128] : memref<17920xf32, #tpu.memory_space<hbm>> -> memref<2240xf32, #tpu.memory_space<hbm>>
      %dma_wait3A_130 = arith.constant 11200 : i32
      %dma_wait3A_131 = tpu.memref_slice %arg4[%dma_wait3A_130] : memref<17920xf32, #tpu.memory_space<hbm>> -> memref<2240xf32, #tpu.memory_space<hbm>>
      tpu.wait_dma2 semaphore(%run_scoped3A : memref<!tpu.dma_semaphore, #tpu.memory_space<semaphore_mem>>) src(%dma_wait3A_131 : memref<2240xf32, #tpu.memory_space<hbm>>) dst(%arg22 : memref<2240xf32, #tpu.memory_space<vmem>>)
      tpu.yield
    }) : () -> ()
    %parallel_loop3A_35 = arith.constant 0 : i32
    %parallel_loop3A_36 = arith.constant 140 : i32
    %parallel_loop3A_37 = arith.constant 1 : i32
    scf.for %parallel_loop3A_124 = %parallel_loop3A_35 to %parallel_loop3A_36 step %parallel_loop3A_37  : i32 {
      %parallel_loop3A_125 = arith.constant 16 : i32
      %parallel_loop3A_126 = arith.muli %parallel_loop3A_124, %parallel_loop3A_125 : i32
      %parallel_loop3A_127 = arith.index_cast %parallel_loop3A_126 : i32 to index
      %parallel_loop3A_128 = tpu.vector_load %arg21[%parallel_loop3A_127] {strides = array<i32>} : memref<2240xi32, #tpu.memory_space<vmem>>, vector<16xi32>,
      %parallel_loop3A_129 = arith.constant 16 : i32
      %parallel_loop3A_130 = arith.muli %parallel_loop3A_124, %parallel_loop3A_129 : i32
      %parallel_loop3A_131 = arith.index_cast %parallel_loop3A_130 : i32 to index
      %parallel_loop3A_132 = tpu.vector_load %arg22[%parallel_loop3A_131] {strides = array<i32>} : memref<2240xf32, #tpu.memory_space<vmem>>, vector<16xf32>,
      tpu.vector_store_idx %arg13[%parallel_loop3A_128], %parallel_loop3A_132 : memref<17920xf32, #tpu.memory_space<vmem>>[vector<16xi32>], vector<16xf32>,
    } {sc.loop_unroll_factor = 4 : i64, sc.parallel_access}
    "tpu.region"() ({
      %run_scoped3A = tpu.sem_alloc : memref<!tpu.dma_semaphore, #tpu.memory_space<semaphore_mem>>
      %dma_start3A_124 = arith.constant 13440 : i32
      %dma_start3A_125 = tpu.memref_slice %arg5[%dma_start3A_124] : memref<17920xi32, #tpu.memory_space<hbm>> -> memref<2240xi32, #tpu.memory_space<hbm>>
      %dma_start3A_126 = arith.constant 13440 : i32
      %dma_start3A_127 = tpu.memref_slice %arg5[%dma_start3A_126] : memref<17920xi32, #tpu.memory_space<hbm>> -> memref<2240xi32, #tpu.memory_space<hbm>>
      tpu.enqueue_dma source(%dma_start3A_127 : memref<2240xi32, #tpu.memory_space<hbm>>) target(%arg21 : memref<2240xi32, #tpu.memory_space<vmem>>) target_semaphore(%run_scoped3A : memref<!tpu.dma_semaphore, #tpu.memory_space<semaphore_mem>>)
      %dma_wait3A_128 = arith.constant 13440 : i32
      %dma_wait3A_129 = tpu.memref_slice %arg5[%dma_wait3A_128] : memref<17920xi32, #tpu.memory_space<hbm>> -> memref<2240xi32, #tpu.memory_space<hbm>>
      %dma_wait3A_130 = arith.constant 13440 : i32
      %dma_wait3A_131 = tpu.memref_slice %arg5[%dma_wait3A_130] : memref<17920xi32, #tpu.memory_space<hbm>> -> memref<2240xi32, #tpu.memory_space<hbm>>
      tpu.wait_dma2 semaphore(%run_scoped3A : memref<!tpu.dma_semaphore, #tpu.memory_space<semaphore_mem>>) src(%dma_wait3A_131 : memref<2240xi32, #tpu.memory_space<hbm>>) dst(%arg21 : memref<2240xi32, #tpu.memory_space<vmem>>)
      tpu.yield
    }) : () -> ()
    "tpu.region"() ({
      %run_scoped3A = tpu.sem_alloc : memref<!tpu.dma_semaphore, #tpu.memory_space<semaphore_mem>>
      %dma_start3A_124 = arith.constant 13440 : i32
      %dma_start3A_125 = tpu.memref_slice %arg3[%dma_start3A_124] : memref<17920xf32, #tpu.memory_space<hbm>> -> memref<2240xf32, #tpu.memory_space<hbm>>
      %dma_start3A_126 = arith.constant 13440 : i32
      %dma_start3A_127 = tpu.memref_slice %arg3[%dma_start3A_126] : memref<17920xf32, #tpu.memory_space<hbm>> -> memref<2240xf32, #tpu.memory_space<hbm>>
      tpu.enqueue_dma source(%dma_start3A_127 : memref<2240xf32, #tpu.memory_space<hbm>>) target(%arg22 : memref<2240xf32, #tpu.memory_space<vmem>>) target_semaphore(%run_scoped3A : memref<!tpu.dma_semaphore, #tpu.memory_space<semaphore_mem>>)
      %dma_wait3A_128 = arith.constant 13440 : i32
      %dma_wait3A_129 = tpu.memref_slice %arg3[%dma_wait3A_128] : memref<17920xf32, #tpu.memory_space<hbm>> -> memref<2240xf32, #tpu.memory_space<hbm>>
      %dma_wait3A_130 = arith.constant 13440 : i32
      %dma_wait3A_131 = tpu.memref_slice %arg3[%dma_wait3A_130] : memref<17920xf32, #tpu.memory_space<hbm>> -> memref<2240xf32, #tpu.memory_space<hbm>>
      tpu.wait_dma2 semaphore(%run_scoped3A : memref<!tpu.dma_semaphore, #tpu.memory_space<semaphore_mem>>) src(%dma_wait3A_131 : memref<2240xf32, #tpu.memory_space<hbm>>) dst(%arg22 : memref<2240xf32, #tpu.memory_space<vmem>>)
      tpu.yield
    }) : () -> ()
    %parallel_loop3A_38 = arith.constant 0 : i32
    %parallel_loop3A_39 = arith.constant 140 : i32
    %parallel_loop3A_40 = arith.constant 1 : i32
    scf.for %parallel_loop3A_124 = %parallel_loop3A_38 to %parallel_loop3A_39 step %parallel_loop3A_40  : i32 {
      %parallel_loop3A_125 = arith.constant 16 : i32
      %parallel_loop3A_126 = arith.muli %parallel_loop3A_124, %parallel_loop3A_125 : i32
      %parallel_loop3A_127 = arith.index_cast %parallel_loop3A_126 : i32 to index
      %parallel_loop3A_128 = tpu.vector_load %arg21[%parallel_loop3A_127] {strides = array<i32>} : memref<2240xi32, #tpu.memory_space<vmem>>, vector<16xi32>,
      %parallel_loop3A_129 = arith.constant 16 : i32
      %parallel_loop3A_130 = arith.muli %parallel_loop3A_124, %parallel_loop3A_129 : i32
      %parallel_loop3A_131 = arith.index_cast %parallel_loop3A_130 : i32 to index
      %parallel_loop3A_132 = tpu.vector_load %arg22[%parallel_loop3A_131] {strides = array<i32>} : memref<2240xf32, #tpu.memory_space<vmem>>, vector<16xf32>,
      %parallel_loop3A_133 = vector.bitcast %parallel_loop3A_132 : vector<16xf32> to vector<16xi32>
      tpu.vector_store_idx %arg12[%parallel_loop3A_128], %parallel_loop3A_133 : memref<17920xi32, #tpu.memory_space<vmem>>[vector<16xi32>], vector<16xi32>,
    } {sc.loop_unroll_factor = 4 : i64, sc.parallel_access}
    "tpu.region"() ({
      %run_scoped3A = tpu.sem_alloc : memref<!tpu.dma_semaphore, #tpu.memory_space<semaphore_mem>>
      %dma_start3A_124 = arith.constant 13440 : i32
      %dma_start3A_125 = tpu.memref_slice %arg4[%dma_start3A_124] : memref<17920xf32, #tpu.memory_space<hbm>> -> memref<2240xf32, #tpu.memory_space<hbm>>
      %dma_start3A_126 = arith.constant 13440 : i32
      %dma_start3A_127 = tpu.memref_slice %arg4[%dma_start3A_126] : memref<17920xf32, #tpu.memory_space<hbm>> -> memref<2240xf32, #tpu.memory_space<hbm>>
      tpu.enqueue_dma source(%dma_start3A_127 : memref<2240xf32, #tpu.memory_space<hbm>>) target(%arg22 : memref<2240xf32, #tpu.memory_space<vmem>>) target_semaphore(%run_scoped3A : memref<!tpu.dma_semaphore, #tpu.memory_space<semaphore_mem>>)
      %dma_wait3A_128 = arith.constant 13440 : i32
      %dma_wait3A_129 = tpu.memref_slice %arg4[%dma_wait3A_128] : memref<17920xf32, #tpu.memory_space<hbm>> -> memref<2240xf32, #tpu.memory_space<hbm>>
      %dma_wait3A_130 = arith.constant 13440 : i32
      %dma_wait3A_131 = tpu.memref_slice %arg4[%dma_wait3A_130] : memref<17920xf32, #tpu.memory_space<hbm>> -> memref<2240xf32, #tpu.memory_space<hbm>>
      tpu.wait_dma2 semaphore(%run_scoped3A : memref<!tpu.dma_semaphore, #tpu.memory_space<semaphore_mem>>) src(%dma_wait3A_131 : memref<2240xf32, #tpu.memory_space<hbm>>) dst(%arg22 : memref<2240xf32, #tpu.memory_space<vmem>>)
      tpu.yield
    }) : () -> ()
    %parallel_loop3A_41 = arith.constant 0 : i32
    %parallel_loop3A_42 = arith.constant 140 : i32
    %parallel_loop3A_43 = arith.constant 1 : i32
    scf.for %parallel_loop3A_124 = %parallel_loop3A_41 to %parallel_loop3A_42 step %parallel_loop3A_43  : i32 {
      %parallel_loop3A_125 = arith.constant 16 : i32
      %parallel_loop3A_126 = arith.muli %parallel_loop3A_124, %parallel_loop3A_125 : i32
      %parallel_loop3A_127 = arith.index_cast %parallel_loop3A_126 : i32 to index
      %parallel_loop3A_128 = tpu.vector_load %arg21[%parallel_loop3A_127] {strides = array<i32>} : memref<2240xi32, #tpu.memory_space<vmem>>, vector<16xi32>,
      %parallel_loop3A_129 = arith.constant 16 : i32
      %parallel_loop3A_130 = arith.muli %parallel_loop3A_124, %parallel_loop3A_129 : i32
      %parallel_loop3A_131 = arith.index_cast %parallel_loop3A_130 : i32 to index
      %parallel_loop3A_132 = tpu.vector_load %arg22[%parallel_loop3A_131] {strides = array<i32>} : memref<2240xf32, #tpu.memory_space<vmem>>, vector<16xf32>,
      tpu.vector_store_idx %arg13[%parallel_loop3A_128], %parallel_loop3A_132 : memref<17920xf32, #tpu.memory_space<vmem>>[vector<16xi32>], vector<16xf32>,
    } {sc.loop_unroll_factor = 4 : i64, sc.parallel_access}
    "tpu.region"() ({
      %run_scoped3A = tpu.sem_alloc : memref<!tpu.dma_semaphore, #tpu.memory_space<semaphore_mem>>
      %dma_start3A_124 = arith.constant 15680 : i32
      %dma_start3A_125 = tpu.memref_slice %arg5[%dma_start3A_124] : memref<17920xi32, #tpu.memory_space<hbm>> -> memref<2240xi32, #tpu.memory_space<hbm>>
      %dma_start3A_126 = arith.constant 15680 : i32
      %dma_start3A_127 = tpu.memref_slice %arg5[%dma_start3A_126] : memref<17920xi32, #tpu.memory_space<hbm>> -> memref<2240xi32, #tpu.memory_space<hbm>>
      tpu.enqueue_dma source(%dma_start3A_127 : memref<2240xi32, #tpu.memory_space<hbm>>) target(%arg21 : memref<2240xi32, #tpu.memory_space<vmem>>) target_semaphore(%run_scoped3A : memref<!tpu.dma_semaphore, #tpu.memory_space<semaphore_mem>>)
      %dma_wait3A_128 = arith.constant 15680 : i32
      %dma_wait3A_129 = tpu.memref_slice %arg5[%dma_wait3A_128] : memref<17920xi32, #tpu.memory_space<hbm>> -> memref<2240xi32, #tpu.memory_space<hbm>>
      %dma_wait3A_130 = arith.constant 15680 : i32
      %dma_wait3A_131 = tpu.memref_slice %arg5[%dma_wait3A_130] : memref<17920xi32, #tpu.memory_space<hbm>> -> memref<2240xi32, #tpu.memory_space<hbm>>
      tpu.wait_dma2 semaphore(%run_scoped3A : memref<!tpu.dma_semaphore, #tpu.memory_space<semaphore_mem>>) src(%dma_wait3A_131 : memref<2240xi32, #tpu.memory_space<hbm>>) dst(%arg21 : memref<2240xi32, #tpu.memory_space<vmem>>)
      tpu.yield
    }) : () -> ()
    "tpu.region"() ({
      %run_scoped3A = tpu.sem_alloc : memref<!tpu.dma_semaphore, #tpu.memory_space<semaphore_mem>>
      %dma_start3A_124 = arith.constant 15680 : i32
      %dma_start3A_125 = tpu.memref_slice %arg3[%dma_start3A_124] : memref<17920xf32, #tpu.memory_space<hbm>> -> memref<2240xf32, #tpu.memory_space<hbm>>
      %dma_start3A_126 = arith.constant 15680 : i32
      %dma_start3A_127 = tpu.memref_slice %arg3[%dma_start3A_126] : memref<17920xf32, #tpu.memory_space<hbm>> -> memref<2240xf32, #tpu.memory_space<hbm>>
      tpu.enqueue_dma source(%dma_start3A_127 : memref<2240xf32, #tpu.memory_space<hbm>>) target(%arg22 : memref<2240xf32, #tpu.memory_space<vmem>>) target_semaphore(%run_scoped3A : memref<!tpu.dma_semaphore, #tpu.memory_space<semaphore_mem>>)
      %dma_wait3A_128 = arith.constant 15680 : i32
      %dma_wait3A_129 = tpu.memref_slice %arg3[%dma_wait3A_128] : memref<17920xf32, #tpu.memory_space<hbm>> -> memref<2240xf32, #tpu.memory_space<hbm>>
      %dma_wait3A_130 = arith.constant 15680 : i32
      %dma_wait3A_131 = tpu.memref_slice %arg3[%dma_wait3A_130] : memref<17920xf32, #tpu.memory_space<hbm>> -> memref<2240xf32, #tpu.memory_space<hbm>>
      tpu.wait_dma2 semaphore(%run_scoped3A : memref<!tpu.dma_semaphore, #tpu.memory_space<semaphore_mem>>) src(%dma_wait3A_131 : memref<2240xf32, #tpu.memory_space<hbm>>) dst(%arg22 : memref<2240xf32, #tpu.memory_space<vmem>>)
      tpu.yield
    }) : () -> ()
    %parallel_loop3A_44 = arith.constant 0 : i32
    %parallel_loop3A_45 = arith.constant 140 : i32
    %parallel_loop3A_46 = arith.constant 1 : i32
    scf.for %parallel_loop3A_124 = %parallel_loop3A_44 to %parallel_loop3A_45 step %parallel_loop3A_46  : i32 {
      %parallel_loop3A_125 = arith.constant 16 : i32
      %parallel_loop3A_126 = arith.muli %parallel_loop3A_124, %parallel_loop3A_125 : i32
      %parallel_loop3A_127 = arith.index_cast %parallel_loop3A_126 : i32 to index
      %parallel_loop3A_128 = tpu.vector_load %arg21[%parallel_loop3A_127] {strides = array<i32>} : memref<2240xi32, #tpu.memory_space<vmem>>, vector<16xi32>,
      %parallel_loop3A_129 = arith.constant 16 : i32
      %parallel_loop3A_130 = arith.muli %parallel_loop3A_124, %parallel_loop3A_129 : i32
      %parallel_loop3A_131 = arith.index_cast %parallel_loop3A_130 : i32 to index
      %parallel_loop3A_132 = tpu.vector_load %arg22[%parallel_loop3A_131] {strides = array<i32>} : memref<2240xf32, #tpu.memory_space<vmem>>, vector<16xf32>,
      %parallel_loop3A_133 = vector.bitcast %parallel_loop3A_132 : vector<16xf32> to vector<16xi32>
      tpu.vector_store_idx %arg12[%parallel_loop3A_128], %parallel_loop3A_133 : memref<17920xi32, #tpu.memory_space<vmem>>[vector<16xi32>], vector<16xi32>,
    } {sc.loop_unroll_factor = 4 : i64, sc.parallel_access}
    "tpu.region"() ({
      %run_scoped3A = tpu.sem_alloc : memref<!tpu.dma_semaphore, #tpu.memory_space<semaphore_mem>>
      %dma_start3A_124 = arith.constant 15680 : i32
      %dma_start3A_125 = tpu.memref_slice %arg4[%dma_start3A_124] : memref<17920xf32, #tpu.memory_space<hbm>> -> memref<2240xf32, #tpu.memory_space<hbm>>
      %dma_start3A_126 = arith.constant 15680 : i32
      %dma_start3A_127 = tpu.memref_slice %arg4[%dma_start3A_126] : memref<17920xf32, #tpu.memory_space<hbm>> -> memref<2240xf32, #tpu.memory_space<hbm>>
      tpu.enqueue_dma source(%dma_start3A_127 : memref<2240xf32, #tpu.memory_space<hbm>>) target(%arg22 : memref<2240xf32, #tpu.memory_space<vmem>>) target_semaphore(%run_scoped3A : memref<!tpu.dma_semaphore, #tpu.memory_space<semaphore_mem>>)
      %dma_wait3A_128 = arith.constant 15680 : i32
      %dma_wait3A_129 = tpu.memref_slice %arg4[%dma_wait3A_128] : memref<17920xf32, #tpu.memory_space<hbm>> -> memref<2240xf32, #tpu.memory_space<hbm>>
      %dma_wait3A_130 = arith.constant 15680 : i32
      %dma_wait3A_131 = tpu.memref_slice %arg4[%dma_wait3A_130] : memref<17920xf32, #tpu.memory_space<hbm>> -> memref<2240xf32, #tpu.memory_space<hbm>>
      tpu.wait_dma2 semaphore(%run_scoped3A : memref<!tpu.dma_semaphore, #tpu.memory_space<semaphore_mem>>) src(%dma_wait3A_131 : memref<2240xf32, #tpu.memory_space<hbm>>) dst(%arg22 : memref<2240xf32, #tpu.memory_space<vmem>>)
      tpu.yield
    }) : () -> ()
    %parallel_loop3A_47 = arith.constant 0 : i32
    %parallel_loop3A_48 = arith.constant 140 : i32
    %parallel_loop3A_49 = arith.constant 1 : i32
    scf.for %parallel_loop3A_124 = %parallel_loop3A_47 to %parallel_loop3A_48 step %parallel_loop3A_49  : i32 {
      %parallel_loop3A_125 = arith.constant 16 : i32
      %parallel_loop3A_126 = arith.muli %parallel_loop3A_124, %parallel_loop3A_125 : i32
      %parallel_loop3A_127 = arith.index_cast %parallel_loop3A_126 : i32 to index
      %parallel_loop3A_128 = tpu.vector_load %arg21[%parallel_loop3A_127] {strides = array<i32>} : memref<2240xi32, #tpu.memory_space<vmem>>, vector<16xi32>,
      %parallel_loop3A_129 = arith.constant 16 : i32
      %parallel_loop3A_130 = arith.muli %parallel_loop3A_124, %parallel_loop3A_129 : i32
      %parallel_loop3A_131 = arith.index_cast %parallel_loop3A_130 : i32 to index
      %parallel_loop3A_132 = tpu.vector_load %arg22[%parallel_loop3A_131] {strides = array<i32>} : memref<2240xf32, #tpu.memory_space<vmem>>, vector<16xf32>,
      tpu.vector_store_idx %arg13[%parallel_loop3A_128], %parallel_loop3A_132 : memref<17920xf32, #tpu.memory_space<vmem>>[vector<16xi32>], vector<16xf32>,
    } {sc.loop_unroll_factor = 4 : i64, sc.parallel_access}
    "tpu.region"() ({
      %run_scoped3A = tpu.sem_alloc : memref<!tpu.dma_semaphore, #tpu.memory_space<semaphore_mem>>
      %dma_start3A_124 = arith.constant 0 : i32
      %dma_start3A_125 = tpu.memref_slice %arg8[%dma_start3A_124] : memref<17920xi32, #tpu.memory_space<hbm>> -> memref<2240xi32, #tpu.memory_space<hbm>>
      %dma_start3A_126 = arith.constant 0 : i32
      %dma_start3A_127 = tpu.memref_slice %arg8[%dma_start3A_126] : memref<17920xi32, #tpu.memory_space<hbm>> -> memref<2240xi32, #tpu.memory_space<hbm>>
      tpu.enqueue_dma source(%dma_start3A_127 : memref<2240xi32, #tpu.memory_space<hbm>>) target(%arg21 : memref<2240xi32, #tpu.memory_space<vmem>>) target_semaphore(%run_scoped3A : memref<!tpu.dma_semaphore, #tpu.memory_space<semaphore_mem>>)
      %dma_wait3A_128 = arith.constant 0 : i32
      %dma_wait3A_129 = tpu.memref_slice %arg8[%dma_wait3A_128] : memref<17920xi32, #tpu.memory_space<hbm>> -> memref<2240xi32, #tpu.memory_space<hbm>>
      %dma_wait3A_130 = arith.constant 0 : i32
      %dma_wait3A_131 = tpu.memref_slice %arg8[%dma_wait3A_130] : memref<17920xi32, #tpu.memory_space<hbm>> -> memref<2240xi32, #tpu.memory_space<hbm>>
      tpu.wait_dma2 semaphore(%run_scoped3A : memref<!tpu.dma_semaphore, #tpu.memory_space<semaphore_mem>>) src(%dma_wait3A_131 : memref<2240xi32, #tpu.memory_space<hbm>>) dst(%arg21 : memref<2240xi32, #tpu.memory_space<vmem>>)
      tpu.yield
    }) : () -> ()
    "tpu.region"() ({
      %run_scoped3A = tpu.sem_alloc : memref<!tpu.dma_semaphore, #tpu.memory_space<semaphore_mem>>
      %dma_start3A_124 = arith.constant 0 : i32
      %dma_start3A_125 = tpu.memref_slice %arg6[%dma_start3A_124] : memref<17920xf32, #tpu.memory_space<hbm>> -> memref<2240xf32, #tpu.memory_space<hbm>>
      %dma_start3A_126 = arith.constant 0 : i32
      %dma_start3A_127 = tpu.memref_slice %arg6[%dma_start3A_126] : memref<17920xf32, #tpu.memory_space<hbm>> -> memref<2240xf32, #tpu.memory_space<hbm>>
      tpu.enqueue_dma source(%dma_start3A_127 : memref<2240xf32, #tpu.memory_space<hbm>>) target(%arg22 : memref<2240xf32, #tpu.memory_space<vmem>>) target_semaphore(%run_scoped3A : memref<!tpu.dma_semaphore, #tpu.memory_space<semaphore_mem>>)
      %dma_wait3A_128 = arith.constant 0 : i32
      %dma_wait3A_129 = tpu.memref_slice %arg6[%dma_wait3A_128] : memref<17920xf32, #tpu.memory_space<hbm>> -> memref<2240xf32, #tpu.memory_space<hbm>>
      %dma_wait3A_130 = arith.constant 0 : i32
      %dma_wait3A_131 = tpu.memref_slice %arg6[%dma_wait3A_130] : memref<17920xf32, #tpu.memory_space<hbm>> -> memref<2240xf32, #tpu.memory_space<hbm>>
      tpu.wait_dma2 semaphore(%run_scoped3A : memref<!tpu.dma_semaphore, #tpu.memory_space<semaphore_mem>>) src(%dma_wait3A_131 : memref<2240xf32, #tpu.memory_space<hbm>>) dst(%arg22 : memref<2240xf32, #tpu.memory_space<vmem>>)
      tpu.yield
    }) : () -> ()
    %parallel_loop3A_50 = arith.constant 0 : i32
    %parallel_loop3A_51 = arith.constant 140 : i32
    %parallel_loop3A_52 = arith.constant 1 : i32
    scf.for %parallel_loop3A_124 = %parallel_loop3A_50 to %parallel_loop3A_51 step %parallel_loop3A_52  : i32 {
      %parallel_loop3A_125 = arith.constant 16 : i32
      %parallel_loop3A_126 = arith.muli %parallel_loop3A_124, %parallel_loop3A_125 : i32
      %parallel_loop3A_127 = arith.index_cast %parallel_loop3A_126 : i32 to index
      %parallel_loop3A_128 = tpu.vector_load %arg21[%parallel_loop3A_127] {strides = array<i32>} : memref<2240xi32, #tpu.memory_space<vmem>>, vector<16xi32>,
      %parallel_loop3A_129 = arith.constant 16 : i32
      %parallel_loop3A_130 = arith.muli %parallel_loop3A_124, %parallel_loop3A_129 : i32
      %parallel_loop3A_131 = arith.index_cast %parallel_loop3A_130 : i32 to index
      %parallel_loop3A_132 = tpu.vector_load %arg22[%parallel_loop3A_131] {strides = array<i32>} : memref<2240xf32, #tpu.memory_space<vmem>>, vector<16xf32>,
      %parallel_loop3A_133 = vector.bitcast %parallel_loop3A_132 : vector<16xf32> to vector<16xi32>
      tpu.vector_store_idx %arg14[%parallel_loop3A_128], %parallel_loop3A_133 : memref<17920xi32, #tpu.memory_space<vmem>>[vector<16xi32>], vector<16xi32>,
    } {sc.loop_unroll_factor = 4 : i64, sc.parallel_access}
    "tpu.region"() ({
      %run_scoped3A = tpu.sem_alloc : memref<!tpu.dma_semaphore, #tpu.memory_space<semaphore_mem>>
      %dma_start3A_124 = arith.constant 0 : i32
      %dma_start3A_125 = tpu.memref_slice %arg7[%dma_start3A_124] : memref<17920xf32, #tpu.memory_space<hbm>> -> memref<2240xf32, #tpu.memory_space<hbm>>
      %dma_start3A_126 = arith.constant 0 : i32
      %dma_start3A_127 = tpu.memref_slice %arg7[%dma_start3A_126] : memref<17920xf32, #tpu.memory_space<hbm>> -> memref<2240xf32, #tpu.memory_space<hbm>>
      tpu.enqueue_dma source(%dma_start3A_127 : memref<2240xf32, #tpu.memory_space<hbm>>) target(%arg22 : memref<2240xf32, #tpu.memory_space<vmem>>) target_semaphore(%run_scoped3A : memref<!tpu.dma_semaphore, #tpu.memory_space<semaphore_mem>>)
      %dma_wait3A_128 = arith.constant 0 : i32
      %dma_wait3A_129 = tpu.memref_slice %arg7[%dma_wait3A_128] : memref<17920xf32, #tpu.memory_space<hbm>> -> memref<2240xf32, #tpu.memory_space<hbm>>
      %dma_wait3A_130 = arith.constant 0 : i32
      %dma_wait3A_131 = tpu.memref_slice %arg7[%dma_wait3A_130] : memref<17920xf32, #tpu.memory_space<hbm>> -> memref<2240xf32, #tpu.memory_space<hbm>>
      tpu.wait_dma2 semaphore(%run_scoped3A : memref<!tpu.dma_semaphore, #tpu.memory_space<semaphore_mem>>) src(%dma_wait3A_131 : memref<2240xf32, #tpu.memory_space<hbm>>) dst(%arg22 : memref<2240xf32, #tpu.memory_space<vmem>>)
      tpu.yield
    }) : () -> ()
    %parallel_loop3A_53 = arith.constant 0 : i32
    %parallel_loop3A_54 = arith.constant 140 : i32
    %parallel_loop3A_55 = arith.constant 1 : i32
    scf.for %parallel_loop3A_124 = %parallel_loop3A_53 to %parallel_loop3A_54 step %parallel_loop3A_55  : i32 {
      %parallel_loop3A_125 = arith.constant 16 : i32
      %parallel_loop3A_126 = arith.muli %parallel_loop3A_124, %parallel_loop3A_125 : i32
      %parallel_loop3A_127 = arith.index_cast %parallel_loop3A_126 : i32 to index
      %parallel_loop3A_128 = tpu.vector_load %arg21[%parallel_loop3A_127] {strides = array<i32>} : memref<2240xi32, #tpu.memory_space<vmem>>, vector<16xi32>,
      %parallel_loop3A_129 = arith.constant 16 : i32
      %parallel_loop3A_130 = arith.muli %parallel_loop3A_124, %parallel_loop3A_129 : i32
      %parallel_loop3A_131 = arith.index_cast %parallel_loop3A_130 : i32 to index
      %parallel_loop3A_132 = tpu.vector_load %arg22[%parallel_loop3A_131] {strides = array<i32>} : memref<2240xf32, #tpu.memory_space<vmem>>, vector<16xf32>,
      tpu.vector_store_idx %arg15[%parallel_loop3A_128], %parallel_loop3A_132 : memref<17920xf32, #tpu.memory_space<vmem>>[vector<16xi32>], vector<16xf32>,
    } {sc.loop_unroll_factor = 4 : i64, sc.parallel_access}
    "tpu.region"() ({
      %run_scoped3A = tpu.sem_alloc : memref<!tpu.dma_semaphore, #tpu.memory_space<semaphore_mem>>
      %dma_start3A_124 = arith.constant 2240 : i32
      %dma_start3A_125 = tpu.memref_slice %arg8[%dma_start3A_124] : memref<17920xi32, #tpu.memory_space<hbm>> -> memref<2240xi32, #tpu.memory_space<hbm>>
      %dma_start3A_126 = arith.constant 2240 : i32
      %dma_start3A_127 = tpu.memref_slice %arg8[%dma_start3A_126] : memref<17920xi32, #tpu.memory_space<hbm>> -> memref<2240xi32, #tpu.memory_space<hbm>>
      tpu.enqueue_dma source(%dma_start3A_127 : memref<2240xi32, #tpu.memory_space<hbm>>) target(%arg21 : memref<2240xi32, #tpu.memory_space<vmem>>) target_semaphore(%run_scoped3A : memref<!tpu.dma_semaphore, #tpu.memory_space<semaphore_mem>>)
      %dma_wait3A_128 = arith.constant 2240 : i32
      %dma_wait3A_129 = tpu.memref_slice %arg8[%dma_wait3A_128] : memref<17920xi32, #tpu.memory_space<hbm>> -> memref<2240xi32, #tpu.memory_space<hbm>>
      %dma_wait3A_130 = arith.constant 2240 : i32
      %dma_wait3A_131 = tpu.memref_slice %arg8[%dma_wait3A_130] : memref<17920xi32, #tpu.memory_space<hbm>> -> memref<2240xi32, #tpu.memory_space<hbm>>
      tpu.wait_dma2 semaphore(%run_scoped3A : memref<!tpu.dma_semaphore, #tpu.memory_space<semaphore_mem>>) src(%dma_wait3A_131 : memref<2240xi32, #tpu.memory_space<hbm>>) dst(%arg21 : memref<2240xi32, #tpu.memory_space<vmem>>)
      tpu.yield
    }) : () -> ()
    "tpu.region"() ({
      %run_scoped3A = tpu.sem_alloc : memref<!tpu.dma_semaphore, #tpu.memory_space<semaphore_mem>>
      %dma_start3A_124 = arith.constant 2240 : i32
      %dma_start3A_125 = tpu.memref_slice %arg6[%dma_start3A_124] : memref<17920xf32, #tpu.memory_space<hbm>> -> memref<2240xf32, #tpu.memory_space<hbm>>
      %dma_start3A_126 = arith.constant 2240 : i32
      %dma_start3A_127 = tpu.memref_slice %arg6[%dma_start3A_126] : memref<17920xf32, #tpu.memory_space<hbm>> -> memref<2240xf32, #tpu.memory_space<hbm>>
      tpu.enqueue_dma source(%dma_start3A_127 : memref<2240xf32, #tpu.memory_space<hbm>>) target(%arg22 : memref<2240xf32, #tpu.memory_space<vmem>>) target_semaphore(%run_scoped3A : memref<!tpu.dma_semaphore, #tpu.memory_space<semaphore_mem>>)
      %dma_wait3A_128 = arith.constant 2240 : i32
      %dma_wait3A_129 = tpu.memref_slice %arg6[%dma_wait3A_128] : memref<17920xf32, #tpu.memory_space<hbm>> -> memref<2240xf32, #tpu.memory_space<hbm>>
      %dma_wait3A_130 = arith.constant 2240 : i32
      %dma_wait3A_131 = tpu.memref_slice %arg6[%dma_wait3A_130] : memref<17920xf32, #tpu.memory_space<hbm>> -> memref<2240xf32, #tpu.memory_space<hbm>>
      tpu.wait_dma2 semaphore(%run_scoped3A : memref<!tpu.dma_semaphore, #tpu.memory_space<semaphore_mem>>) src(%dma_wait3A_131 : memref<2240xf32, #tpu.memory_space<hbm>>) dst(%arg22 : memref<2240xf32, #tpu.memory_space<vmem>>)
      tpu.yield
    }) : () -> ()
    %parallel_loop3A_56 = arith.constant 0 : i32
    %parallel_loop3A_57 = arith.constant 140 : i32
    %parallel_loop3A_58 = arith.constant 1 : i32
    scf.for %parallel_loop3A_124 = %parallel_loop3A_56 to %parallel_loop3A_57 step %parallel_loop3A_58  : i32 {
      %parallel_loop3A_125 = arith.constant 16 : i32
      %parallel_loop3A_126 = arith.muli %parallel_loop3A_124, %parallel_loop3A_125 : i32
      %parallel_loop3A_127 = arith.index_cast %parallel_loop3A_126 : i32 to index
      %parallel_loop3A_128 = tpu.vector_load %arg21[%parallel_loop3A_127] {strides = array<i32>} : memref<2240xi32, #tpu.memory_space<vmem>>, vector<16xi32>,
      %parallel_loop3A_129 = arith.constant 16 : i32
      %parallel_loop3A_130 = arith.muli %parallel_loop3A_124, %parallel_loop3A_129 : i32
      %parallel_loop3A_131 = arith.index_cast %parallel_loop3A_130 : i32 to index
      %parallel_loop3A_132 = tpu.vector_load %arg22[%parallel_loop3A_131] {strides = array<i32>} : memref<2240xf32, #tpu.memory_space<vmem>>, vector<16xf32>,
      %parallel_loop3A_133 = vector.bitcast %parallel_loop3A_132 : vector<16xf32> to vector<16xi32>
      tpu.vector_store_idx %arg14[%parallel_loop3A_128], %parallel_loop3A_133 : memref<17920xi32, #tpu.memory_space<vmem>>[vector<16xi32>], vector<16xi32>,
    } {sc.loop_unroll_factor = 4 : i64, sc.parallel_access}
    "tpu.region"() ({
      %run_scoped3A = tpu.sem_alloc : memref<!tpu.dma_semaphore, #tpu.memory_space<semaphore_mem>>
      %dma_start3A_124 = arith.constant 2240 : i32
      %dma_start3A_125 = tpu.memref_slice %arg7[%dma_start3A_124] : memref<17920xf32, #tpu.memory_space<hbm>> -> memref<2240xf32, #tpu.memory_space<hbm>>
      %dma_start3A_126 = arith.constant 2240 : i32
      %dma_start3A_127 = tpu.memref_slice %arg7[%dma_start3A_126] : memref<17920xf32, #tpu.memory_space<hbm>> -> memref<2240xf32, #tpu.memory_space<hbm>>
      tpu.enqueue_dma source(%dma_start3A_127 : memref<2240xf32, #tpu.memory_space<hbm>>) target(%arg22 : memref<2240xf32, #tpu.memory_space<vmem>>) target_semaphore(%run_scoped3A : memref<!tpu.dma_semaphore, #tpu.memory_space<semaphore_mem>>)
      %dma_wait3A_128 = arith.constant 2240 : i32
      %dma_wait3A_129 = tpu.memref_slice %arg7[%dma_wait3A_128] : memref<17920xf32, #tpu.memory_space<hbm>> -> memref<2240xf32, #tpu.memory_space<hbm>>
      %dma_wait3A_130 = arith.constant 2240 : i32
      %dma_wait3A_131 = tpu.memref_slice %arg7[%dma_wait3A_130] : memref<17920xf32, #tpu.memory_space<hbm>> -> memref<2240xf32, #tpu.memory_space<hbm>>
      tpu.wait_dma2 semaphore(%run_scoped3A : memref<!tpu.dma_semaphore, #tpu.memory_space<semaphore_mem>>) src(%dma_wait3A_131 : memref<2240xf32, #tpu.memory_space<hbm>>) dst(%arg22 : memref<2240xf32, #tpu.memory_space<vmem>>)
      tpu.yield
    }) : () -> ()
    %parallel_loop3A_59 = arith.constant 0 : i32
    %parallel_loop3A_60 = arith.constant 140 : i32
    %parallel_loop3A_61 = arith.constant 1 : i32
    scf.for %parallel_loop3A_124 = %parallel_loop3A_59 to %parallel_loop3A_60 step %parallel_loop3A_61  : i32 {
      %parallel_loop3A_125 = arith.constant 16 : i32
      %parallel_loop3A_126 = arith.muli %parallel_loop3A_124, %parallel_loop3A_125 : i32
      %parallel_loop3A_127 = arith.index_cast %parallel_loop3A_126 : i32 to index
      %parallel_loop3A_128 = tpu.vector_load %arg21[%parallel_loop3A_127] {strides = array<i32>} : memref<2240xi32, #tpu.memory_space<vmem>>, vector<16xi32>,
      %parallel_loop3A_129 = arith.constant 16 : i32
      %parallel_loop3A_130 = arith.muli %parallel_loop3A_124, %parallel_loop3A_129 : i32
      %parallel_loop3A_131 = arith.index_cast %parallel_loop3A_130 : i32 to index
      %parallel_loop3A_132 = tpu.vector_load %arg22[%parallel_loop3A_131] {strides = array<i32>} : memref<2240xf32, #tpu.memory_space<vmem>>, vector<16xf32>,
      tpu.vector_store_idx %arg15[%parallel_loop3A_128], %parallel_loop3A_132 : memref<17920xf32, #tpu.memory_space<vmem>>[vector<16xi32>], vector<16xf32>,
    } {sc.loop_unroll_factor = 4 : i64, sc.parallel_access}
    "tpu.region"() ({
      %run_scoped3A = tpu.sem_alloc : memref<!tpu.dma_semaphore, #tpu.memory_space<semaphore_mem>>
      %dma_start3A_124 = arith.constant 4480 : i32
      %dma_start3A_125 = tpu.memref_slice %arg8[%dma_start3A_124] : memref<17920xi32, #tpu.memory_space<hbm>> -> memref<2240xi32, #tpu.memory_space<hbm>>
      %dma_start3A_126 = arith.constant 4480 : i32
      %dma_start3A_127 = tpu.memref_slice %arg8[%dma_start3A_126] : memref<17920xi32, #tpu.memory_space<hbm>> -> memref<2240xi32, #tpu.memory_space<hbm>>
      tpu.enqueue_dma source(%dma_start3A_127 : memref<2240xi32, #tpu.memory_space<hbm>>) target(%arg21 : memref<2240xi32, #tpu.memory_space<vmem>>) target_semaphore(%run_scoped3A : memref<!tpu.dma_semaphore, #tpu.memory_space<semaphore_mem>>)
      %dma_wait3A_128 = arith.constant 4480 : i32
      %dma_wait3A_129 = tpu.memref_slice %arg8[%dma_wait3A_128] : memref<17920xi32, #tpu.memory_space<hbm>> -> memref<2240xi32, #tpu.memory_space<hbm>>
      %dma_wait3A_130 = arith.constant 4480 : i32
      %dma_wait3A_131 = tpu.memref_slice %arg8[%dma_wait3A_130] : memref<17920xi32, #tpu.memory_space<hbm>> -> memref<2240xi32, #tpu.memory_space<hbm>>
      tpu.wait_dma2 semaphore(%run_scoped3A : memref<!tpu.dma_semaphore, #tpu.memory_space<semaphore_mem>>) src(%dma_wait3A_131 : memref<2240xi32, #tpu.memory_space<hbm>>) dst(%arg21 : memref<2240xi32, #tpu.memory_space<vmem>>)
      tpu.yield
    }) : () -> ()
    "tpu.region"() ({
      %run_scoped3A = tpu.sem_alloc : memref<!tpu.dma_semaphore, #tpu.memory_space<semaphore_mem>>
      %dma_start3A_124 = arith.constant 4480 : i32
      %dma_start3A_125 = tpu.memref_slice %arg6[%dma_start3A_124] : memref<17920xf32, #tpu.memory_space<hbm>> -> memref<2240xf32, #tpu.memory_space<hbm>>
      %dma_start3A_126 = arith.constant 4480 : i32
      %dma_start3A_127 = tpu.memref_slice %arg6[%dma_start3A_126] : memref<17920xf32, #tpu.memory_space<hbm>> -> memref<2240xf32, #tpu.memory_space<hbm>>
      tpu.enqueue_dma source(%dma_start3A_127 : memref<2240xf32, #tpu.memory_space<hbm>>) target(%arg22 : memref<2240xf32, #tpu.memory_space<vmem>>) target_semaphore(%run_scoped3A : memref<!tpu.dma_semaphore, #tpu.memory_space<semaphore_mem>>)
      %dma_wait3A_128 = arith.constant 4480 : i32
      %dma_wait3A_129 = tpu.memref_slice %arg6[%dma_wait3A_128] : memref<17920xf32, #tpu.memory_space<hbm>> -> memref<2240xf32, #tpu.memory_space<hbm>>
      %dma_wait3A_130 = arith.constant 4480 : i32
      %dma_wait3A_131 = tpu.memref_slice %arg6[%dma_wait3A_130] : memref<17920xf32, #tpu.memory_space<hbm>> -> memref<2240xf32, #tpu.memory_space<hbm>>
      tpu.wait_dma2 semaphore(%run_scoped3A : memref<!tpu.dma_semaphore, #tpu.memory_space<semaphore_mem>>) src(%dma_wait3A_131 : memref<2240xf32, #tpu.memory_space<hbm>>) dst(%arg22 : memref<2240xf32, #tpu.memory_space<vmem>>)
      tpu.yield
    }) : () -> ()
    %parallel_loop3A_62 = arith.constant 0 : i32
    %parallel_loop3A_63 = arith.constant 140 : i32
    %parallel_loop3A_64 = arith.constant 1 : i32
    scf.for %parallel_loop3A_124 = %parallel_loop3A_62 to %parallel_loop3A_63 step %parallel_loop3A_64  : i32 {
      %parallel_loop3A_125 = arith.constant 16 : i32
      %parallel_loop3A_126 = arith.muli %parallel_loop3A_124, %parallel_loop3A_125 : i32
      %parallel_loop3A_127 = arith.index_cast %parallel_loop3A_126 : i32 to index
      %parallel_loop3A_128 = tpu.vector_load %arg21[%parallel_loop3A_127] {strides = array<i32>} : memref<2240xi32, #tpu.memory_space<vmem>>, vector<16xi32>,
      %parallel_loop3A_129 = arith.constant 16 : i32
      %parallel_loop3A_130 = arith.muli %parallel_loop3A_124, %parallel_loop3A_129 : i32
      %parallel_loop3A_131 = arith.index_cast %parallel_loop3A_130 : i32 to index
      %parallel_loop3A_132 = tpu.vector_load %arg22[%parallel_loop3A_131] {strides = array<i32>} : memref<2240xf32, #tpu.memory_space<vmem>>, vector<16xf32>,
      %parallel_loop3A_133 = vector.bitcast %parallel_loop3A_132 : vector<16xf32> to vector<16xi32>
      tpu.vector_store_idx %arg14[%parallel_loop3A_128], %parallel_loop3A_133 : memref<17920xi32, #tpu.memory_space<vmem>>[vector<16xi32>], vector<16xi32>,
    } {sc.loop_unroll_factor = 4 : i64, sc.parallel_access}
    "tpu.region"() ({
      %run_scoped3A = tpu.sem_alloc : memref<!tpu.dma_semaphore, #tpu.memory_space<semaphore_mem>>
      %dma_start3A_124 = arith.constant 4480 : i32
      %dma_start3A_125 = tpu.memref_slice %arg7[%dma_start3A_124] : memref<17920xf32, #tpu.memory_space<hbm>> -> memref<2240xf32, #tpu.memory_space<hbm>>
      %dma_start3A_126 = arith.constant 4480 : i32
      %dma_start3A_127 = tpu.memref_slice %arg7[%dma_start3A_126] : memref<17920xf32, #tpu.memory_space<hbm>> -> memref<2240xf32, #tpu.memory_space<hbm>>
      tpu.enqueue_dma source(%dma_start3A_127 : memref<2240xf32, #tpu.memory_space<hbm>>) target(%arg22 : memref<2240xf32, #tpu.memory_space<vmem>>) target_semaphore(%run_scoped3A : memref<!tpu.dma_semaphore, #tpu.memory_space<semaphore_mem>>)
      %dma_wait3A_128 = arith.constant 4480 : i32
      %dma_wait3A_129 = tpu.memref_slice %arg7[%dma_wait3A_128] : memref<17920xf32, #tpu.memory_space<hbm>> -> memref<2240xf32, #tpu.memory_space<hbm>>
      %dma_wait3A_130 = arith.constant 4480 : i32
      %dma_wait3A_131 = tpu.memref_slice %arg7[%dma_wait3A_130] : memref<17920xf32, #tpu.memory_space<hbm>> -> memref<2240xf32, #tpu.memory_space<hbm>>
      tpu.wait_dma2 semaphore(%run_scoped3A : memref<!tpu.dma_semaphore, #tpu.memory_space<semaphore_mem>>) src(%dma_wait3A_131 : memref<2240xf32, #tpu.memory_space<hbm>>) dst(%arg22 : memref<2240xf32, #tpu.memory_space<vmem>>)
      tpu.yield
    }) : () -> ()
    %parallel_loop3A_65 = arith.constant 0 : i32
    %parallel_loop3A_66 = arith.constant 140 : i32
    %parallel_loop3A_67 = arith.constant 1 : i32
    scf.for %parallel_loop3A_124 = %parallel_loop3A_65 to %parallel_loop3A_66 step %parallel_loop3A_67  : i32 {
      %parallel_loop3A_125 = arith.constant 16 : i32
      %parallel_loop3A_126 = arith.muli %parallel_loop3A_124, %parallel_loop3A_125 : i32
      %parallel_loop3A_127 = arith.index_cast %parallel_loop3A_126 : i32 to index
      %parallel_loop3A_128 = tpu.vector_load %arg21[%parallel_loop3A_127] {strides = array<i32>} : memref<2240xi32, #tpu.memory_space<vmem>>, vector<16xi32>,
      %parallel_loop3A_129 = arith.constant 16 : i32
      %parallel_loop3A_130 = arith.muli %parallel_loop3A_124, %parallel_loop3A_129 : i32
      %parallel_loop3A_131 = arith.index_cast %parallel_loop3A_130 : i32 to index
      %parallel_loop3A_132 = tpu.vector_load %arg22[%parallel_loop3A_131] {strides = array<i32>} : memref<2240xf32, #tpu.memory_space<vmem>>, vector<16xf32>,
      tpu.vector_store_idx %arg15[%parallel_loop3A_128], %parallel_loop3A_132 : memref<17920xf32, #tpu.memory_space<vmem>>[vector<16xi32>], vector<16xf32>,
    } {sc.loop_unroll_factor = 4 : i64, sc.parallel_access}
    "tpu.region"() ({
      %run_scoped3A = tpu.sem_alloc : memref<!tpu.dma_semaphore, #tpu.memory_space<semaphore_mem>>
      %dma_start3A_124 = arith.constant 6720 : i32
      %dma_start3A_125 = tpu.memref_slice %arg8[%dma_start3A_124] : memref<17920xi32, #tpu.memory_space<hbm>> -> memref<2240xi32, #tpu.memory_space<hbm>>
      %dma_start3A_126 = arith.constant 6720 : i32
      %dma_start3A_127 = tpu.memref_slice %arg8[%dma_start3A_126] : memref<17920xi32, #tpu.memory_space<hbm>> -> memref<2240xi32, #tpu.memory_space<hbm>>
      tpu.enqueue_dma source(%dma_start3A_127 : memref<2240xi32, #tpu.memory_space<hbm>>) target(%arg21 : memref<2240xi32, #tpu.memory_space<vmem>>) target_semaphore(%run_scoped3A : memref<!tpu.dma_semaphore, #tpu.memory_space<semaphore_mem>>)
      %dma_wait3A_128 = arith.constant 6720 : i32
      %dma_wait3A_129 = tpu.memref_slice %arg8[%dma_wait3A_128] : memref<17920xi32, #tpu.memory_space<hbm>> -> memref<2240xi32, #tpu.memory_space<hbm>>
      %dma_wait3A_130 = arith.constant 6720 : i32
      %dma_wait3A_131 = tpu.memref_slice %arg8[%dma_wait3A_130] : memref<17920xi32, #tpu.memory_space<hbm>> -> memref<2240xi32, #tpu.memory_space<hbm>>
      tpu.wait_dma2 semaphore(%run_scoped3A : memref<!tpu.dma_semaphore, #tpu.memory_space<semaphore_mem>>) src(%dma_wait3A_131 : memref<2240xi32, #tpu.memory_space<hbm>>) dst(%arg21 : memref<2240xi32, #tpu.memory_space<vmem>>)
      tpu.yield
    }) : () -> ()
    "tpu.region"() ({
      %run_scoped3A = tpu.sem_alloc : memref<!tpu.dma_semaphore, #tpu.memory_space<semaphore_mem>>
      %dma_start3A_124 = arith.constant 6720 : i32
      %dma_start3A_125 = tpu.memref_slice %arg6[%dma_start3A_124] : memref<17920xf32, #tpu.memory_space<hbm>> -> memref<2240xf32, #tpu.memory_space<hbm>>
      %dma_start3A_126 = arith.constant 6720 : i32
      %dma_start3A_127 = tpu.memref_slice %arg6[%dma_start3A_126] : memref<17920xf32, #tpu.memory_space<hbm>> -> memref<2240xf32, #tpu.memory_space<hbm>>
      tpu.enqueue_dma source(%dma_start3A_127 : memref<2240xf32, #tpu.memory_space<hbm>>) target(%arg22 : memref<2240xf32, #tpu.memory_space<vmem>>) target_semaphore(%run_scoped3A : memref<!tpu.dma_semaphore, #tpu.memory_space<semaphore_mem>>)
      %dma_wait3A_128 = arith.constant 6720 : i32
      %dma_wait3A_129 = tpu.memref_slice %arg6[%dma_wait3A_128] : memref<17920xf32, #tpu.memory_space<hbm>> -> memref<2240xf32, #tpu.memory_space<hbm>>
      %dma_wait3A_130 = arith.constant 6720 : i32
      %dma_wait3A_131 = tpu.memref_slice %arg6[%dma_wait3A_130] : memref<17920xf32, #tpu.memory_space<hbm>> -> memref<2240xf32, #tpu.memory_space<hbm>>
      tpu.wait_dma2 semaphore(%run_scoped3A : memref<!tpu.dma_semaphore, #tpu.memory_space<semaphore_mem>>) src(%dma_wait3A_131 : memref<2240xf32, #tpu.memory_space<hbm>>) dst(%arg22 : memref<2240xf32, #tpu.memory_space<vmem>>)
      tpu.yield
    }) : () -> ()
    %parallel_loop3A_68 = arith.constant 0 : i32
    %parallel_loop3A_69 = arith.constant 140 : i32
    %parallel_loop3A_70 = arith.constant 1 : i32
    scf.for %parallel_loop3A_124 = %parallel_loop3A_68 to %parallel_loop3A_69 step %parallel_loop3A_70  : i32 {
      %parallel_loop3A_125 = arith.constant 16 : i32
      %parallel_loop3A_126 = arith.muli %parallel_loop3A_124, %parallel_loop3A_125 : i32
      %parallel_loop3A_127 = arith.index_cast %parallel_loop3A_126 : i32 to index
      %parallel_loop3A_128 = tpu.vector_load %arg21[%parallel_loop3A_127] {strides = array<i32>} : memref<2240xi32, #tpu.memory_space<vmem>>, vector<16xi32>,
      %parallel_loop3A_129 = arith.constant 16 : i32
      %parallel_loop3A_130 = arith.muli %parallel_loop3A_124, %parallel_loop3A_129 : i32
      %parallel_loop3A_131 = arith.index_cast %parallel_loop3A_130 : i32 to index
      %parallel_loop3A_132 = tpu.vector_load %arg22[%parallel_loop3A_131] {strides = array<i32>} : memref<2240xf32, #tpu.memory_space<vmem>>, vector<16xf32>,
      %parallel_loop3A_133 = vector.bitcast %parallel_loop3A_132 : vector<16xf32> to vector<16xi32>
      tpu.vector_store_idx %arg14[%parallel_loop3A_128], %parallel_loop3A_133 : memref<17920xi32, #tpu.memory_space<vmem>>[vector<16xi32>], vector<16xi32>,
    } {sc.loop_unroll_factor = 4 : i64, sc.parallel_access}
    "tpu.region"() ({
      %run_scoped3A = tpu.sem_alloc : memref<!tpu.dma_semaphore, #tpu.memory_space<semaphore_mem>>
      %dma_start3A_124 = arith.constant 6720 : i32
      %dma_start3A_125 = tpu.memref_slice %arg7[%dma_start3A_124] : memref<17920xf32, #tpu.memory_space<hbm>> -> memref<2240xf32, #tpu.memory_space<hbm>>
      %dma_start3A_126 = arith.constant 6720 : i32
      %dma_start3A_127 = tpu.memref_slice %arg7[%dma_start3A_126] : memref<17920xf32, #tpu.memory_space<hbm>> -> memref<2240xf32, #tpu.memory_space<hbm>>
      tpu.enqueue_dma source(%dma_start3A_127 : memref<2240xf32, #tpu.memory_space<hbm>>) target(%arg22 : memref<2240xf32, #tpu.memory_space<vmem>>) target_semaphore(%run_scoped3A : memref<!tpu.dma_semaphore, #tpu.memory_space<semaphore_mem>>)
      %dma_wait3A_128 = arith.constant 6720 : i32
      %dma_wait3A_129 = tpu.memref_slice %arg7[%dma_wait3A_128] : memref<17920xf32, #tpu.memory_space<hbm>> -> memref<2240xf32, #tpu.memory_space<hbm>>
      %dma_wait3A_130 = arith.constant 6720 : i32
      %dma_wait3A_131 = tpu.memref_slice %arg7[%dma_wait3A_130] : memref<17920xf32, #tpu.memory_space<hbm>> -> memref<2240xf32, #tpu.memory_space<hbm>>
      tpu.wait_dma2 semaphore(%run_scoped3A : memref<!tpu.dma_semaphore, #tpu.memory_space<semaphore_mem>>) src(%dma_wait3A_131 : memref<2240xf32, #tpu.memory_space<hbm>>) dst(%arg22 : memref<2240xf32, #tpu.memory_space<vmem>>)
      tpu.yield
    }) : () -> ()
    %parallel_loop3A_71 = arith.constant 0 : i32
    %parallel_loop3A_72 = arith.constant 140 : i32
    %parallel_loop3A_73 = arith.constant 1 : i32
    scf.for %parallel_loop3A_124 = %parallel_loop3A_71 to %parallel_loop3A_72 step %parallel_loop3A_73  : i32 {
      %parallel_loop3A_125 = arith.constant 16 : i32
      %parallel_loop3A_126 = arith.muli %parallel_loop3A_124, %parallel_loop3A_125 : i32
      %parallel_loop3A_127 = arith.index_cast %parallel_loop3A_126 : i32 to index
      %parallel_loop3A_128 = tpu.vector_load %arg21[%parallel_loop3A_127] {strides = array<i32>} : memref<2240xi32, #tpu.memory_space<vmem>>, vector<16xi32>,
      %parallel_loop3A_129 = arith.constant 16 : i32
      %parallel_loop3A_130 = arith.muli %parallel_loop3A_124, %parallel_loop3A_129 : i32
      %parallel_loop3A_131 = arith.index_cast %parallel_loop3A_130 : i32 to index
      %parallel_loop3A_132 = tpu.vector_load %arg22[%parallel_loop3A_131] {strides = array<i32>} : memref<2240xf32, #tpu.memory_space<vmem>>, vector<16xf32>,
      tpu.vector_store_idx %arg15[%parallel_loop3A_128], %parallel_loop3A_132 : memref<17920xf32, #tpu.memory_space<vmem>>[vector<16xi32>], vector<16xf32>,
    } {sc.loop_unroll_factor = 4 : i64, sc.parallel_access}
    "tpu.region"() ({
      %run_scoped3A = tpu.sem_alloc : memref<!tpu.dma_semaphore, #tpu.memory_space<semaphore_mem>>
      %dma_start3A_124 = arith.constant 8960 : i32
      %dma_start3A_125 = tpu.memref_slice %arg8[%dma_start3A_124] : memref<17920xi32, #tpu.memory_space<hbm>> -> memref<2240xi32, #tpu.memory_space<hbm>>
      %dma_start3A_126 = arith.constant 8960 : i32
      %dma_start3A_127 = tpu.memref_slice %arg8[%dma_start3A_126] : memref<17920xi32, #tpu.memory_space<hbm>> -> memref<2240xi32, #tpu.memory_space<hbm>>
      tpu.enqueue_dma source(%dma_start3A_127 : memref<2240xi32, #tpu.memory_space<hbm>>) target(%arg21 : memref<2240xi32, #tpu.memory_space<vmem>>) target_semaphore(%run_scoped3A : memref<!tpu.dma_semaphore, #tpu.memory_space<semaphore_mem>>)
      %dma_wait3A_128 = arith.constant 8960 : i32
      %dma_wait3A_129 = tpu.memref_slice %arg8[%dma_wait3A_128] : memref<17920xi32, #tpu.memory_space<hbm>> -> memref<2240xi32, #tpu.memory_space<hbm>>
      %dma_wait3A_130 = arith.constant 8960 : i32
      %dma_wait3A_131 = tpu.memref_slice %arg8[%dma_wait3A_130] : memref<17920xi32, #tpu.memory_space<hbm>> -> memref<2240xi32, #tpu.memory_space<hbm>>
      tpu.wait_dma2 semaphore(%run_scoped3A : memref<!tpu.dma_semaphore, #tpu.memory_space<semaphore_mem>>) src(%dma_wait3A_131 : memref<2240xi32, #tpu.memory_space<hbm>>) dst(%arg21 : memref<2240xi32, #tpu.memory_space<vmem>>)
      tpu.yield
    }) : () -> ()
    "tpu.region"() ({
      %run_scoped3A = tpu.sem_alloc : memref<!tpu.dma_semaphore, #tpu.memory_space<semaphore_mem>>
      %dma_start3A_124 = arith.constant 8960 : i32
      %dma_start3A_125 = tpu.memref_slice %arg6[%dma_start3A_124] : memref<17920xf32, #tpu.memory_space<hbm>> -> memref<2240xf32, #tpu.memory_space<hbm>>
      %dma_start3A_126 = arith.constant 8960 : i32
      %dma_start3A_127 = tpu.memref_slice %arg6[%dma_start3A_126] : memref<17920xf32, #tpu.memory_space<hbm>> -> memref<2240xf32, #tpu.memory_space<hbm>>
      tpu.enqueue_dma source(%dma_start3A_127 : memref<2240xf32, #tpu.memory_space<hbm>>) target(%arg22 : memref<2240xf32, #tpu.memory_space<vmem>>) target_semaphore(%run_scoped3A : memref<!tpu.dma_semaphore, #tpu.memory_space<semaphore_mem>>)
      %dma_wait3A_128 = arith.constant 8960 : i32
      %dma_wait3A_129 = tpu.memref_slice %arg6[%dma_wait3A_128] : memref<17920xf32, #tpu.memory_space<hbm>> -> memref<2240xf32, #tpu.memory_space<hbm>>
      %dma_wait3A_130 = arith.constant 8960 : i32
      %dma_wait3A_131 = tpu.memref_slice %arg6[%dma_wait3A_130] : memref<17920xf32, #tpu.memory_space<hbm>> -> memref<2240xf32, #tpu.memory_space<hbm>>
      tpu.wait_dma2 semaphore(%run_scoped3A : memref<!tpu.dma_semaphore, #tpu.memory_space<semaphore_mem>>) src(%dma_wait3A_131 : memref<2240xf32, #tpu.memory_space<hbm>>) dst(%arg22 : memref<2240xf32, #tpu.memory_space<vmem>>)
      tpu.yield
    }) : () -> ()
    %parallel_loop3A_74 = arith.constant 0 : i32
    %parallel_loop3A_75 = arith.constant 140 : i32
    %parallel_loop3A_76 = arith.constant 1 : i32
    scf.for %parallel_loop3A_124 = %parallel_loop3A_74 to %parallel_loop3A_75 step %parallel_loop3A_76  : i32 {
      %parallel_loop3A_125 = arith.constant 16 : i32
      %parallel_loop3A_126 = arith.muli %parallel_loop3A_124, %parallel_loop3A_125 : i32
      %parallel_loop3A_127 = arith.index_cast %parallel_loop3A_126 : i32 to index
      %parallel_loop3A_128 = tpu.vector_load %arg21[%parallel_loop3A_127] {strides = array<i32>} : memref<2240xi32, #tpu.memory_space<vmem>>, vector<16xi32>,
      %parallel_loop3A_129 = arith.constant 16 : i32
      %parallel_loop3A_130 = arith.muli %parallel_loop3A_124, %parallel_loop3A_129 : i32
      %parallel_loop3A_131 = arith.index_cast %parallel_loop3A_130 : i32 to index
      %parallel_loop3A_132 = tpu.vector_load %arg22[%parallel_loop3A_131] {strides = array<i32>} : memref<2240xf32, #tpu.memory_space<vmem>>, vector<16xf32>,
      %parallel_loop3A_133 = vector.bitcast %parallel_loop3A_132 : vector<16xf32> to vector<16xi32>
      tpu.vector_store_idx %arg14[%parallel_loop3A_128], %parallel_loop3A_133 : memref<17920xi32, #tpu.memory_space<vmem>>[vector<16xi32>], vector<16xi32>,
    } {sc.loop_unroll_factor = 4 : i64, sc.parallel_access}
    "tpu.region"() ({
      %run_scoped3A = tpu.sem_alloc : memref<!tpu.dma_semaphore, #tpu.memory_space<semaphore_mem>>
      %dma_start3A_124 = arith.constant 8960 : i32
      %dma_start3A_125 = tpu.memref_slice %arg7[%dma_start3A_124] : memref<17920xf32, #tpu.memory_space<hbm>> -> memref<2240xf32, #tpu.memory_space<hbm>>
      %dma_start3A_126 = arith.constant 8960 : i32
      %dma_start3A_127 = tpu.memref_slice %arg7[%dma_start3A_126] : memref<17920xf32, #tpu.memory_space<hbm>> -> memref<2240xf32, #tpu.memory_space<hbm>>
      tpu.enqueue_dma source(%dma_start3A_127 : memref<2240xf32, #tpu.memory_space<hbm>>) target(%arg22 : memref<2240xf32, #tpu.memory_space<vmem>>) target_semaphore(%run_scoped3A : memref<!tpu.dma_semaphore, #tpu.memory_space<semaphore_mem>>)
      %dma_wait3A_128 = arith.constant 8960 : i32
      %dma_wait3A_129 = tpu.memref_slice %arg7[%dma_wait3A_128] : memref<17920xf32, #tpu.memory_space<hbm>> -> memref<2240xf32, #tpu.memory_space<hbm>>
      %dma_wait3A_130 = arith.constant 8960 : i32
      %dma_wait3A_131 = tpu.memref_slice %arg7[%dma_wait3A_130] : memref<17920xf32, #tpu.memory_space<hbm>> -> memref<2240xf32, #tpu.memory_space<hbm>>
      tpu.wait_dma2 semaphore(%run_scoped3A : memref<!tpu.dma_semaphore, #tpu.memory_space<semaphore_mem>>) src(%dma_wait3A_131 : memref<2240xf32, #tpu.memory_space<hbm>>) dst(%arg22 : memref<2240xf32, #tpu.memory_space<vmem>>)
      tpu.yield
    }) : () -> ()
    %parallel_loop3A_77 = arith.constant 0 : i32
    %parallel_loop3A_78 = arith.constant 140 : i32
    %parallel_loop3A_79 = arith.constant 1 : i32
    scf.for %parallel_loop3A_124 = %parallel_loop3A_77 to %parallel_loop3A_78 step %parallel_loop3A_79  : i32 {
      %parallel_loop3A_125 = arith.constant 16 : i32
      %parallel_loop3A_126 = arith.muli %parallel_loop3A_124, %parallel_loop3A_125 : i32
      %parallel_loop3A_127 = arith.index_cast %parallel_loop3A_126 : i32 to index
      %parallel_loop3A_128 = tpu.vector_load %arg21[%parallel_loop3A_127] {strides = array<i32>} : memref<2240xi32, #tpu.memory_space<vmem>>, vector<16xi32>,
      %parallel_loop3A_129 = arith.constant 16 : i32
      %parallel_loop3A_130 = arith.muli %parallel_loop3A_124, %parallel_loop3A_129 : i32
      %parallel_loop3A_131 = arith.index_cast %parallel_loop3A_130 : i32 to index
      %parallel_loop3A_132 = tpu.vector_load %arg22[%parallel_loop3A_131] {strides = array<i32>} : memref<2240xf32, #tpu.memory_space<vmem>>, vector<16xf32>,
      tpu.vector_store_idx %arg15[%parallel_loop3A_128], %parallel_loop3A_132 : memref<17920xf32, #tpu.memory_space<vmem>>[vector<16xi32>], vector<16xf32>,
    } {sc.loop_unroll_factor = 4 : i64, sc.parallel_access}
    "tpu.region"() ({
      %run_scoped3A = tpu.sem_alloc : memref<!tpu.dma_semaphore, #tpu.memory_space<semaphore_mem>>
      %dma_start3A_124 = arith.constant 11200 : i32
      %dma_start3A_125 = tpu.memref_slice %arg8[%dma_start3A_124] : memref<17920xi32, #tpu.memory_space<hbm>> -> memref<2240xi32, #tpu.memory_space<hbm>>
      %dma_start3A_126 = arith.constant 11200 : i32
      %dma_start3A_127 = tpu.memref_slice %arg8[%dma_start3A_126] : memref<17920xi32, #tpu.memory_space<hbm>> -> memref<2240xi32, #tpu.memory_space<hbm>>
      tpu.enqueue_dma source(%dma_start3A_127 : memref<2240xi32, #tpu.memory_space<hbm>>) target(%arg21 : memref<2240xi32, #tpu.memory_space<vmem>>) target_semaphore(%run_scoped3A : memref<!tpu.dma_semaphore, #tpu.memory_space<semaphore_mem>>)
      %dma_wait3A_128 = arith.constant 11200 : i32
      %dma_wait3A_129 = tpu.memref_slice %arg8[%dma_wait3A_128] : memref<17920xi32, #tpu.memory_space<hbm>> -> memref<2240xi32, #tpu.memory_space<hbm>>
      %dma_wait3A_130 = arith.constant 11200 : i32
      %dma_wait3A_131 = tpu.memref_slice %arg8[%dma_wait3A_130] : memref<17920xi32, #tpu.memory_space<hbm>> -> memref<2240xi32, #tpu.memory_space<hbm>>
      tpu.wait_dma2 semaphore(%run_scoped3A : memref<!tpu.dma_semaphore, #tpu.memory_space<semaphore_mem>>) src(%dma_wait3A_131 : memref<2240xi32, #tpu.memory_space<hbm>>) dst(%arg21 : memref<2240xi32, #tpu.memory_space<vmem>>)
      tpu.yield
    }) : () -> ()
    "tpu.region"() ({
      %run_scoped3A = tpu.sem_alloc : memref<!tpu.dma_semaphore, #tpu.memory_space<semaphore_mem>>
      %dma_start3A_124 = arith.constant 11200 : i32
      %dma_start3A_125 = tpu.memref_slice %arg6[%dma_start3A_124] : memref<17920xf32, #tpu.memory_space<hbm>> -> memref<2240xf32, #tpu.memory_space<hbm>>
      %dma_start3A_126 = arith.constant 11200 : i32
      %dma_start3A_127 = tpu.memref_slice %arg6[%dma_start3A_126] : memref<17920xf32, #tpu.memory_space<hbm>> -> memref<2240xf32, #tpu.memory_space<hbm>>
      tpu.enqueue_dma source(%dma_start3A_127 : memref<2240xf32, #tpu.memory_space<hbm>>) target(%arg22 : memref<2240xf32, #tpu.memory_space<vmem>>) target_semaphore(%run_scoped3A : memref<!tpu.dma_semaphore, #tpu.memory_space<semaphore_mem>>)
      %dma_wait3A_128 = arith.constant 11200 : i32
      %dma_wait3A_129 = tpu.memref_slice %arg6[%dma_wait3A_128] : memref<17920xf32, #tpu.memory_space<hbm>> -> memref<2240xf32, #tpu.memory_space<hbm>>
      %dma_wait3A_130 = arith.constant 11200 : i32
      %dma_wait3A_131 = tpu.memref_slice %arg6[%dma_wait3A_130] : memref<17920xf32, #tpu.memory_space<hbm>> -> memref<2240xf32, #tpu.memory_space<hbm>>
      tpu.wait_dma2 semaphore(%run_scoped3A : memref<!tpu.dma_semaphore, #tpu.memory_space<semaphore_mem>>) src(%dma_wait3A_131 : memref<2240xf32, #tpu.memory_space<hbm>>) dst(%arg22 : memref<2240xf32, #tpu.memory_space<vmem>>)
      tpu.yield
    }) : () -> ()
    %parallel_loop3A_80 = arith.constant 0 : i32
    %parallel_loop3A_81 = arith.constant 140 : i32
    %parallel_loop3A_82 = arith.constant 1 : i32
    scf.for %parallel_loop3A_124 = %parallel_loop3A_80 to %parallel_loop3A_81 step %parallel_loop3A_82  : i32 {
      %parallel_loop3A_125 = arith.constant 16 : i32
      %parallel_loop3A_126 = arith.muli %parallel_loop3A_124, %parallel_loop3A_125 : i32
      %parallel_loop3A_127 = arith.index_cast %parallel_loop3A_126 : i32 to index
      %parallel_loop3A_128 = tpu.vector_load %arg21[%parallel_loop3A_127] {strides = array<i32>} : memref<2240xi32, #tpu.memory_space<vmem>>, vector<16xi32>,
      %parallel_loop3A_129 = arith.constant 16 : i32
      %parallel_loop3A_130 = arith.muli %parallel_loop3A_124, %parallel_loop3A_129 : i32
      %parallel_loop3A_131 = arith.index_cast %parallel_loop3A_130 : i32 to index
      %parallel_loop3A_132 = tpu.vector_load %arg22[%parallel_loop3A_131] {strides = array<i32>} : memref<2240xf32, #tpu.memory_space<vmem>>, vector<16xf32>,
      %parallel_loop3A_133 = vector.bitcast %parallel_loop3A_132 : vector<16xf32> to vector<16xi32>
      tpu.vector_store_idx %arg14[%parallel_loop3A_128], %parallel_loop3A_133 : memref<17920xi32, #tpu.memory_space<vmem>>[vector<16xi32>], vector<16xi32>,
    } {sc.loop_unroll_factor = 4 : i64, sc.parallel_access}
    "tpu.region"() ({
      %run_scoped3A = tpu.sem_alloc : memref<!tpu.dma_semaphore, #tpu.memory_space<semaphore_mem>>
      %dma_start3A_124 = arith.constant 11200 : i32
      %dma_start3A_125 = tpu.memref_slice %arg7[%dma_start3A_124] : memref<17920xf32, #tpu.memory_space<hbm>> -> memref<2240xf32, #tpu.memory_space<hbm>>
      %dma_start3A_126 = arith.constant 11200 : i32
      %dma_start3A_127 = tpu.memref_slice %arg7[%dma_start3A_126] : memref<17920xf32, #tpu.memory_space<hbm>> -> memref<2240xf32, #tpu.memory_space<hbm>>
      tpu.enqueue_dma source(%dma_start3A_127 : memref<2240xf32, #tpu.memory_space<hbm>>) target(%arg22 : memref<2240xf32, #tpu.memory_space<vmem>>) target_semaphore(%run_scoped3A : memref<!tpu.dma_semaphore, #tpu.memory_space<semaphore_mem>>)
      %dma_wait3A_128 = arith.constant 11200 : i32
      %dma_wait3A_129 = tpu.memref_slice %arg7[%dma_wait3A_128] : memref<17920xf32, #tpu.memory_space<hbm>> -> memref<2240xf32, #tpu.memory_space<hbm>>
      %dma_wait3A_130 = arith.constant 11200 : i32
      %dma_wait3A_131 = tpu.memref_slice %arg7[%dma_wait3A_130] : memref<17920xf32, #tpu.memory_space<hbm>> -> memref<2240xf32, #tpu.memory_space<hbm>>
      tpu.wait_dma2 semaphore(%run_scoped3A : memref<!tpu.dma_semaphore, #tpu.memory_space<semaphore_mem>>) src(%dma_wait3A_131 : memref<2240xf32, #tpu.memory_space<hbm>>) dst(%arg22 : memref<2240xf32, #tpu.memory_space<vmem>>)
      tpu.yield
    }) : () -> ()
    %parallel_loop3A_83 = arith.constant 0 : i32
    %parallel_loop3A_84 = arith.constant 140 : i32
    %parallel_loop3A_85 = arith.constant 1 : i32
    scf.for %parallel_loop3A_124 = %parallel_loop3A_83 to %parallel_loop3A_84 step %parallel_loop3A_85  : i32 {
      %parallel_loop3A_125 = arith.constant 16 : i32
      %parallel_loop3A_126 = arith.muli %parallel_loop3A_124, %parallel_loop3A_125 : i32
      %parallel_loop3A_127 = arith.index_cast %parallel_loop3A_126 : i32 to index
      %parallel_loop3A_128 = tpu.vector_load %arg21[%parallel_loop3A_127] {strides = array<i32>} : memref<2240xi32, #tpu.memory_space<vmem>>, vector<16xi32>,
      %parallel_loop3A_129 = arith.constant 16 : i32
      %parallel_loop3A_130 = arith.muli %parallel_loop3A_124, %parallel_loop3A_129 : i32
      %parallel_loop3A_131 = arith.index_cast %parallel_loop3A_130 : i32 to index
      %parallel_loop3A_132 = tpu.vector_load %arg22[%parallel_loop3A_131] {strides = array<i32>} : memref<2240xf32, #tpu.memory_space<vmem>>, vector<16xf32>,
      tpu.vector_store_idx %arg15[%parallel_loop3A_128], %parallel_loop3A_132 : memref<17920xf32, #tpu.memory_space<vmem>>[vector<16xi32>], vector<16xf32>,
    } {sc.loop_unroll_factor = 4 : i64, sc.parallel_access}
    "tpu.region"() ({
      %run_scoped3A = tpu.sem_alloc : memref<!tpu.dma_semaphore, #tpu.memory_space<semaphore_mem>>
      %dma_start3A_124 = arith.constant 13440 : i32
      %dma_start3A_125 = tpu.memref_slice %arg8[%dma_start3A_124] : memref<17920xi32, #tpu.memory_space<hbm>> -> memref<2240xi32, #tpu.memory_space<hbm>>
      %dma_start3A_126 = arith.constant 13440 : i32
      %dma_start3A_127 = tpu.memref_slice %arg8[%dma_start3A_126] : memref<17920xi32, #tpu.memory_space<hbm>> -> memref<2240xi32, #tpu.memory_space<hbm>>
      tpu.enqueue_dma source(%dma_start3A_127 : memref<2240xi32, #tpu.memory_space<hbm>>) target(%arg21 : memref<2240xi32, #tpu.memory_space<vmem>>) target_semaphore(%run_scoped3A : memref<!tpu.dma_semaphore, #tpu.memory_space<semaphore_mem>>)
      %dma_wait3A_128 = arith.constant 13440 : i32
      %dma_wait3A_129 = tpu.memref_slice %arg8[%dma_wait3A_128] : memref<17920xi32, #tpu.memory_space<hbm>> -> memref<2240xi32, #tpu.memory_space<hbm>>
      %dma_wait3A_130 = arith.constant 13440 : i32
      %dma_wait3A_131 = tpu.memref_slice %arg8[%dma_wait3A_130] : memref<17920xi32, #tpu.memory_space<hbm>> -> memref<2240xi32, #tpu.memory_space<hbm>>
      tpu.wait_dma2 semaphore(%run_scoped3A : memref<!tpu.dma_semaphore, #tpu.memory_space<semaphore_mem>>) src(%dma_wait3A_131 : memref<2240xi32, #tpu.memory_space<hbm>>) dst(%arg21 : memref<2240xi32, #tpu.memory_space<vmem>>)
      tpu.yield
    }) : () -> ()
    "tpu.region"() ({
      %run_scoped3A = tpu.sem_alloc : memref<!tpu.dma_semaphore, #tpu.memory_space<semaphore_mem>>
      %dma_start3A_124 = arith.constant 13440 : i32
      %dma_start3A_125 = tpu.memref_slice %arg6[%dma_start3A_124] : memref<17920xf32, #tpu.memory_space<hbm>> -> memref<2240xf32, #tpu.memory_space<hbm>>
      %dma_start3A_126 = arith.constant 13440 : i32
      %dma_start3A_127 = tpu.memref_slice %arg6[%dma_start3A_126] : memref<17920xf32, #tpu.memory_space<hbm>> -> memref<2240xf32, #tpu.memory_space<hbm>>
      tpu.enqueue_dma source(%dma_start3A_127 : memref<2240xf32, #tpu.memory_space<hbm>>) target(%arg22 : memref<2240xf32, #tpu.memory_space<vmem>>) target_semaphore(%run_scoped3A : memref<!tpu.dma_semaphore, #tpu.memory_space<semaphore_mem>>)
      %dma_wait3A_128 = arith.constant 13440 : i32
      %dma_wait3A_129 = tpu.memref_slice %arg6[%dma_wait3A_128] : memref<17920xf32, #tpu.memory_space<hbm>> -> memref<2240xf32, #tpu.memory_space<hbm>>
      %dma_wait3A_130 = arith.constant 13440 : i32
      %dma_wait3A_131 = tpu.memref_slice %arg6[%dma_wait3A_130] : memref<17920xf32, #tpu.memory_space<hbm>> -> memref<2240xf32, #tpu.memory_space<hbm>>
      tpu.wait_dma2 semaphore(%run_scoped3A : memref<!tpu.dma_semaphore, #tpu.memory_space<semaphore_mem>>) src(%dma_wait3A_131 : memref<2240xf32, #tpu.memory_space<hbm>>) dst(%arg22 : memref<2240xf32, #tpu.memory_space<vmem>>)
      tpu.yield
    }) : () -> ()
    %parallel_loop3A_86 = arith.constant 0 : i32
    %parallel_loop3A_87 = arith.constant 140 : i32
    %parallel_loop3A_88 = arith.constant 1 : i32
    scf.for %parallel_loop3A_124 = %parallel_loop3A_86 to %parallel_loop3A_87 step %parallel_loop3A_88  : i32 {
      %parallel_loop3A_125 = arith.constant 16 : i32
      %parallel_loop3A_126 = arith.muli %parallel_loop3A_124, %parallel_loop3A_125 : i32
      %parallel_loop3A_127 = arith.index_cast %parallel_loop3A_126 : i32 to index
      %parallel_loop3A_128 = tpu.vector_load %arg21[%parallel_loop3A_127] {strides = array<i32>} : memref<2240xi32, #tpu.memory_space<vmem>>, vector<16xi32>,
      %parallel_loop3A_129 = arith.constant 16 : i32
      %parallel_loop3A_130 = arith.muli %parallel_loop3A_124, %parallel_loop3A_129 : i32
      %parallel_loop3A_131 = arith.index_cast %parallel_loop3A_130 : i32 to index
      %parallel_loop3A_132 = tpu.vector_load %arg22[%parallel_loop3A_131] {strides = array<i32>} : memref<2240xf32, #tpu.memory_space<vmem>>, vector<16xf32>,
      %parallel_loop3A_133 = vector.bitcast %parallel_loop3A_132 : vector<16xf32> to vector<16xi32>
      tpu.vector_store_idx %arg14[%parallel_loop3A_128], %parallel_loop3A_133 : memref<17920xi32, #tpu.memory_space<vmem>>[vector<16xi32>], vector<16xi32>,
    } {sc.loop_unroll_factor = 4 : i64, sc.parallel_access}
    "tpu.region"() ({
      %run_scoped3A = tpu.sem_alloc : memref<!tpu.dma_semaphore, #tpu.memory_space<semaphore_mem>>
      %dma_start3A_124 = arith.constant 13440 : i32
      %dma_start3A_125 = tpu.memref_slice %arg7[%dma_start3A_124] : memref<17920xf32, #tpu.memory_space<hbm>> -> memref<2240xf32, #tpu.memory_space<hbm>>
      %dma_start3A_126 = arith.constant 13440 : i32
      %dma_start3A_127 = tpu.memref_slice %arg7[%dma_start3A_126] : memref<17920xf32, #tpu.memory_space<hbm>> -> memref<2240xf32, #tpu.memory_space<hbm>>
      tpu.enqueue_dma source(%dma_start3A_127 : memref<2240xf32, #tpu.memory_space<hbm>>) target(%arg22 : memref<2240xf32, #tpu.memory_space<vmem>>) target_semaphore(%run_scoped3A : memref<!tpu.dma_semaphore, #tpu.memory_space<semaphore_mem>>)
      %dma_wait3A_128 = arith.constant 13440 : i32
      %dma_wait3A_129 = tpu.memref_slice %arg7[%dma_wait3A_128] : memref<17920xf32, #tpu.memory_space<hbm>> -> memref<2240xf32, #tpu.memory_space<hbm>>
      %dma_wait3A_130 = arith.constant 13440 : i32
      %dma_wait3A_131 = tpu.memref_slice %arg7[%dma_wait3A_130] : memref<17920xf32, #tpu.memory_space<hbm>> -> memref<2240xf32, #tpu.memory_space<hbm>>
      tpu.wait_dma2 semaphore(%run_scoped3A : memref<!tpu.dma_semaphore, #tpu.memory_space<semaphore_mem>>) src(%dma_wait3A_131 : memref<2240xf32, #tpu.memory_space<hbm>>) dst(%arg22 : memref<2240xf32, #tpu.memory_space<vmem>>)
      tpu.yield
    }) : () -> ()
    %parallel_loop3A_89 = arith.constant 0 : i32
    %parallel_loop3A_90 = arith.constant 140 : i32
    %parallel_loop3A_91 = arith.constant 1 : i32
    scf.for %parallel_loop3A_124 = %parallel_loop3A_89 to %parallel_loop3A_90 step %parallel_loop3A_91  : i32 {
      %parallel_loop3A_125 = arith.constant 16 : i32
      %parallel_loop3A_126 = arith.muli %parallel_loop3A_124, %parallel_loop3A_125 : i32
      %parallel_loop3A_127 = arith.index_cast %parallel_loop3A_126 : i32 to index
      %parallel_loop3A_128 = tpu.vector_load %arg21[%parallel_loop3A_127] {strides = array<i32>} : memref<2240xi32, #tpu.memory_space<vmem>>, vector<16xi32>,
      %parallel_loop3A_129 = arith.constant 16 : i32
      %parallel_loop3A_130 = arith.muli %parallel_loop3A_124, %parallel_loop3A_129 : i32
      %parallel_loop3A_131 = arith.index_cast %parallel_loop3A_130 : i32 to index
      %parallel_loop3A_132 = tpu.vector_load %arg22[%parallel_loop3A_131] {strides = array<i32>} : memref<2240xf32, #tpu.memory_space<vmem>>, vector<16xf32>,
      tpu.vector_store_idx %arg15[%parallel_loop3A_128], %parallel_loop3A_132 : memref<17920xf32, #tpu.memory_space<vmem>>[vector<16xi32>], vector<16xf32>,
    } {sc.loop_unroll_factor = 4 : i64, sc.parallel_access}
    "tpu.region"() ({
      %run_scoped3A = tpu.sem_alloc : memref<!tpu.dma_semaphore, #tpu.memory_space<semaphore_mem>>
      %dma_start3A_124 = arith.constant 15680 : i32
      %dma_start3A_125 = tpu.memref_slice %arg8[%dma_start3A_124] : memref<17920xi32, #tpu.memory_space<hbm>> -> memref<2240xi32, #tpu.memory_space<hbm>>
      %dma_start3A_126 = arith.constant 15680 : i32
      %dma_start3A_127 = tpu.memref_slice %arg8[%dma_start3A_126] : memref<17920xi32, #tpu.memory_space<hbm>> -> memref<2240xi32, #tpu.memory_space<hbm>>
      tpu.enqueue_dma source(%dma_start3A_127 : memref<2240xi32, #tpu.memory_space<hbm>>) target(%arg21 : memref<2240xi32, #tpu.memory_space<vmem>>) target_semaphore(%run_scoped3A : memref<!tpu.dma_semaphore, #tpu.memory_space<semaphore_mem>>)
      %dma_wait3A_128 = arith.constant 15680 : i32
      %dma_wait3A_129 = tpu.memref_slice %arg8[%dma_wait3A_128] : memref<17920xi32, #tpu.memory_space<hbm>> -> memref<2240xi32, #tpu.memory_space<hbm>>
      %dma_wait3A_130 = arith.constant 15680 : i32
      %dma_wait3A_131 = tpu.memref_slice %arg8[%dma_wait3A_130] : memref<17920xi32, #tpu.memory_space<hbm>> -> memref<2240xi32, #tpu.memory_space<hbm>>
      tpu.wait_dma2 semaphore(%run_scoped3A : memref<!tpu.dma_semaphore, #tpu.memory_space<semaphore_mem>>) src(%dma_wait3A_131 : memref<2240xi32, #tpu.memory_space<hbm>>) dst(%arg21 : memref<2240xi32, #tpu.memory_space<vmem>>)
      tpu.yield
    }) : () -> ()
    "tpu.region"() ({
      %run_scoped3A = tpu.sem_alloc : memref<!tpu.dma_semaphore, #tpu.memory_space<semaphore_mem>>
      %dma_start3A_124 = arith.constant 15680 : i32
      %dma_start3A_125 = tpu.memref_slice %arg6[%dma_start3A_124] : memref<17920xf32, #tpu.memory_space<hbm>> -> memref<2240xf32, #tpu.memory_space<hbm>>
      %dma_start3A_126 = arith.constant 15680 : i32
      %dma_start3A_127 = tpu.memref_slice %arg6[%dma_start3A_126] : memref<17920xf32, #tpu.memory_space<hbm>> -> memref<2240xf32, #tpu.memory_space<hbm>>
      tpu.enqueue_dma source(%dma_start3A_127 : memref<2240xf32, #tpu.memory_space<hbm>>) target(%arg22 : memref<2240xf32, #tpu.memory_space<vmem>>) target_semaphore(%run_scoped3A : memref<!tpu.dma_semaphore, #tpu.memory_space<semaphore_mem>>)
      %dma_wait3A_128 = arith.constant 15680 : i32
      %dma_wait3A_129 = tpu.memref_slice %arg6[%dma_wait3A_128] : memref<17920xf32, #tpu.memory_space<hbm>> -> memref<2240xf32, #tpu.memory_space<hbm>>
      %dma_wait3A_130 = arith.constant 15680 : i32
      %dma_wait3A_131 = tpu.memref_slice %arg6[%dma_wait3A_130] : memref<17920xf32, #tpu.memory_space<hbm>> -> memref<2240xf32, #tpu.memory_space<hbm>>
      tpu.wait_dma2 semaphore(%run_scoped3A : memref<!tpu.dma_semaphore, #tpu.memory_space<semaphore_mem>>) src(%dma_wait3A_131 : memref<2240xf32, #tpu.memory_space<hbm>>) dst(%arg22 : memref<2240xf32, #tpu.memory_space<vmem>>)
      tpu.yield
    }) : () -> ()
    %parallel_loop3A_92 = arith.constant 0 : i32
    %parallel_loop3A_93 = arith.constant 140 : i32
    %parallel_loop3A_94 = arith.constant 1 : i32
    scf.for %parallel_loop3A_124 = %parallel_loop3A_92 to %parallel_loop3A_93 step %parallel_loop3A_94  : i32 {
      %parallel_loop3A_125 = arith.constant 16 : i32
      %parallel_loop3A_126 = arith.muli %parallel_loop3A_124, %parallel_loop3A_125 : i32
      %parallel_loop3A_127 = arith.index_cast %parallel_loop3A_126 : i32 to index
      %parallel_loop3A_128 = tpu.vector_load %arg21[%parallel_loop3A_127] {strides = array<i32>} : memref<2240xi32, #tpu.memory_space<vmem>>, vector<16xi32>,
      %parallel_loop3A_129 = arith.constant 16 : i32
      %parallel_loop3A_130 = arith.muli %parallel_loop3A_124, %parallel_loop3A_129 : i32
      %parallel_loop3A_131 = arith.index_cast %parallel_loop3A_130 : i32 to index
      %parallel_loop3A_132 = tpu.vector_load %arg22[%parallel_loop3A_131] {strides = array<i32>} : memref<2240xf32, #tpu.memory_space<vmem>>, vector<16xf32>,
      %parallel_loop3A_133 = vector.bitcast %parallel_loop3A_132 : vector<16xf32> to vector<16xi32>
      tpu.vector_store_idx %arg14[%parallel_loop3A_128], %parallel_loop3A_133 : memref<17920xi32, #tpu.memory_space<vmem>>[vector<16xi32>], vector<16xi32>,
    } {sc.loop_unroll_factor = 4 : i64, sc.parallel_access}
    "tpu.region"() ({
      %run_scoped3A = tpu.sem_alloc : memref<!tpu.dma_semaphore, #tpu.memory_space<semaphore_mem>>
      %dma_start3A_124 = arith.constant 15680 : i32
      %dma_start3A_125 = tpu.memref_slice %arg7[%dma_start3A_124] : memref<17920xf32, #tpu.memory_space<hbm>> -> memref<2240xf32, #tpu.memory_space<hbm>>
      %dma_start3A_126 = arith.constant 15680 : i32
      %dma_start3A_127 = tpu.memref_slice %arg7[%dma_start3A_126] : memref<17920xf32, #tpu.memory_space<hbm>> -> memref<2240xf32, #tpu.memory_space<hbm>>
      tpu.enqueue_dma source(%dma_start3A_127 : memref<2240xf32, #tpu.memory_space<hbm>>) target(%arg22 : memref<2240xf32, #tpu.memory_space<vmem>>) target_semaphore(%run_scoped3A : memref<!tpu.dma_semaphore, #tpu.memory_space<semaphore_mem>>)
      %dma_wait3A_128 = arith.constant 15680 : i32
      %dma_wait3A_129 = tpu.memref_slice %arg7[%dma_wait3A_128] : memref<17920xf32, #tpu.memory_space<hbm>> -> memref<2240xf32, #tpu.memory_space<hbm>>
      %dma_wait3A_130 = arith.constant 15680 : i32
      %dma_wait3A_131 = tpu.memref_slice %arg7[%dma_wait3A_130] : memref<17920xf32, #tpu.memory_space<hbm>> -> memref<2240xf32, #tpu.memory_space<hbm>>
      tpu.wait_dma2 semaphore(%run_scoped3A : memref<!tpu.dma_semaphore, #tpu.memory_space<semaphore_mem>>) src(%dma_wait3A_131 : memref<2240xf32, #tpu.memory_space<hbm>>) dst(%arg22 : memref<2240xf32, #tpu.memory_space<vmem>>)
      tpu.yield
    }) : () -> ()
    %parallel_loop3A_95 = arith.constant 0 : i32
    %parallel_loop3A_96 = arith.constant 140 : i32
    %parallel_loop3A_97 = arith.constant 1 : i32
    scf.for %parallel_loop3A_124 = %parallel_loop3A_95 to %parallel_loop3A_96 step %parallel_loop3A_97  : i32 {
      %parallel_loop3A_125 = arith.constant 16 : i32
      %parallel_loop3A_126 = arith.muli %parallel_loop3A_124, %parallel_loop3A_125 : i32
      %parallel_loop3A_127 = arith.index_cast %parallel_loop3A_126 : i32 to index
      %parallel_loop3A_128 = tpu.vector_load %arg21[%parallel_loop3A_127] {strides = array<i32>} : memref<2240xi32, #tpu.memory_space<vmem>>, vector<16xi32>,
      %parallel_loop3A_129 = arith.constant 16 : i32
      %parallel_loop3A_130 = arith.muli %parallel_loop3A_124, %parallel_loop3A_129 : i32
      %parallel_loop3A_131 = arith.index_cast %parallel_loop3A_130 : i32 to index
      %parallel_loop3A_132 = tpu.vector_load %arg22[%parallel_loop3A_131] {strides = array<i32>} : memref<2240xf32, #tpu.memory_space<vmem>>, vector<16xf32>,
      tpu.vector_store_idx %arg15[%parallel_loop3A_128], %parallel_loop3A_132 : memref<17920xf32, #tpu.memory_space<vmem>>[vector<16xi32>], vector<16xf32>,
    } {sc.loop_unroll_factor = 4 : i64, sc.parallel_access}
    %get3A = arith.constant 0 : index
    %get3A_98 = tpu.vector_load %arg17[%get3A] {strides = array<i32>} : memref<16xf32, #tpu.memory_space<vmem>>, vector<16xf32>,
    %broadcast_in_dim3A = arith.constant 0.000000e+00 : f32
    %broadcast_in_dim3A_99 = vector.broadcast %broadcast_in_dim3A : f32 to vector<16xf32>
    %broadcast_in_dim3A_100 = arith.constant 0 : i32
    %broadcast_in_dim3A_101 = vector.broadcast %broadcast_in_dim3A_100 : i32 to vector<16xi32>
    %broadcast_in_dim3A_102 = arith.constant 1 : i32
    %broadcast_in_dim3A_103 = vector.broadcast %broadcast_in_dim3A_102 : i32 to vector<16xi32>
    %broadcast_in_dim3A_104 = arith.constant 2 : i32
    %broadcast_in_dim3A_105 = vector.broadcast %broadcast_in_dim3A_104 : i32 to vector<16xi32>
    %broadcast_in_dim3A_106 = arith.constant 3 : i32
    %broadcast_in_dim3A_107 = vector.broadcast %broadcast_in_dim3A_106 : i32 to vector<16xi32>
    %add3A_108 = arith.constant 0 : i32
    %add3A_109 = arith.addi %mul3A_2, %add3A_108 : i32
    %dma_start3A = arith.constant 0 : i32
    %dma_start3A_110 = tpu.memref_slice %arg2[%add3A_109, %dma_start3A] : memref<4096x4096xf32, #tpu.memory_space<hbm>> -> memref<4x4096xf32, #tpu.memory_space<hbm>>
    %dma_start3A_111 = arith.constant 0 : i32
    %dma_start3A_112 = tpu.memref_slice %arg2[%add3A_109, %dma_start3A_111] : memref<4096x4096xf32, #tpu.memory_space<hbm>> -> memref<4x4096xf32, #tpu.memory_space<hbm>>
    tpu.enqueue_dma source(%dma_start3A_112 : memref<4x4096xf32, #tpu.memory_space<hbm>>) target(%arg18 : memref<4x4096xf32, #tpu.memory_space<vmem>>) target_semaphore(%arg23 : memref<!tpu.dma_semaphore, #tpu.memory_space<semaphore_mem>>)
    %scan3A = arith.constant 0 : i32
    %scan3A_113 = arith.constant 0 : i32
    %scan3A_114 = arith.constant 16 : i32
    %scan3A_115 = arith.addi %scan3A_113, %scan3A_114 : i32
    %scan3A_116 = arith.constant 1 : i32
    %scan3A_117 = scf.for %scan3A_124 = %scan3A_113 to %scan3A_115 step %scan3A_116 iter_args(%scan3A_125 = %scan3A) -> (i32)  : i32 {
      %mul3A_126 = arith.constant 2 : i32
      %mul3A_127 = arith.muli %scan3A_124, %mul3A_126 : i32
      %add3A_128 = arith.constant 0 : i32
      %add3A_129 = arith.addi %mul3A_127, %add3A_128 : i32
      %mul3A_130 = arith.constant 4 : i32
      %mul3A_131 = arith.muli %add3A_129, %mul3A_130 : i32
      %add3A_132 = arith.addi %mul3A_2, %mul3A_131 : i32
      %dma_wait3A_133 = arith.constant 0 : i32
      %dma_wait3A_134 = tpu.memref_slice %arg2[%add3A_132, %dma_wait3A_133] : memref<4096x4096xf32, #tpu.memory_space<hbm>> -> memref<4x4096xf32, #tpu.memory_space<hbm>>
      %dma_wait3A_135 = arith.constant 0 : i32
      %dma_wait3A_136 = tpu.memref_slice %arg2[%add3A_132, %dma_wait3A_135] : memref<4096x4096xf32, #tpu.memory_space<hbm>> -> memref<4x4096xf32, #tpu.memory_space<hbm>>
      tpu.wait_dma2 semaphore(%arg23 : memref<!tpu.dma_semaphore, #tpu.memory_space<semaphore_mem>>) src(%dma_wait3A_136 : memref<4x4096xf32, #tpu.memory_space<hbm>>) dst(%arg18 : memref<4x4096xf32, #tpu.memory_space<vmem>>)
      %parallel_loop3A_137 = arith.constant 0 : i32
      %parallel_loop3A_138 = arith.constant 256 : i32
      %parallel_loop3A_139 = arith.constant 1 : i32
      scf.for %parallel_loop3A_213 = %parallel_loop3A_137 to %parallel_loop3A_138 step %parallel_loop3A_139  : i32 {
        %parallel_loop3A_214 = arith.constant 16 : i32
        %parallel_loop3A_215 = arith.muli %parallel_loop3A_213, %parallel_loop3A_214 : i32
        %parallel_loop3A_216 = arith.constant 0 : i32
        %parallel_loop3A_217 = arith.index_cast %parallel_loop3A_216 : i32 to index
        %parallel_loop3A_218 = arith.index_cast %parallel_loop3A_215 : i32 to index
        %parallel_loop3A_219 = tpu.vector_load %arg20[%parallel_loop3A_217, %parallel_loop3A_218] {strides = array<i32>} : memref<4x4096xf32, #tpu.memory_space<vmem>>, vector<16xf32>,
        tpu.vector_store %arg20[%parallel_loop3A_217, %parallel_loop3A_218], %broadcast_in_dim3A_99 {strides = array<i32>} : memref<4x4096xf32, #tpu.memory_space<vmem>>, vector<16xf32>,
        %parallel_loop3A_220 = arith.constant 16 : i32
        %parallel_loop3A_221 = arith.muli %parallel_loop3A_213, %parallel_loop3A_220 : i32
        %parallel_loop3A_222 = arith.constant 1 : i32
        %parallel_loop3A_223 = arith.index_cast %parallel_loop3A_222 : i32 to index
        %parallel_loop3A_224 = arith.index_cast %parallel_loop3A_221 : i32 to index
        %parallel_loop3A_225 = tpu.vector_load %arg20[%parallel_loop3A_223, %parallel_loop3A_224] {strides = array<i32>} : memref<4x4096xf32, #tpu.memory_space<vmem>>, vector<16xf32>,
        tpu.vector_store %arg20[%parallel_loop3A_223, %parallel_loop3A_224], %broadcast_in_dim3A_99 {strides = array<i32>} : memref<4x4096xf32, #tpu.memory_space<vmem>>, vector<16xf32>,
        %parallel_loop3A_226 = arith.constant 16 : i32
        %parallel_loop3A_227 = arith.muli %parallel_loop3A_213, %parallel_loop3A_226 : i32
        %parallel_loop3A_228 = arith.constant 2 : i32
        %parallel_loop3A_229 = arith.index_cast %parallel_loop3A_228 : i32 to index
        %parallel_loop3A_230 = arith.index_cast %parallel_loop3A_227 : i32 to index
        %parallel_loop3A_231 = tpu.vector_load %arg20[%parallel_loop3A_229, %parallel_loop3A_230] {strides = array<i32>} : memref<4x4096xf32, #tpu.memory_space<vmem>>, vector<16xf32>,
        tpu.vector_store %arg20[%parallel_loop3A_229, %parallel_loop3A_230], %broadcast_in_dim3A_99 {strides = array<i32>} : memref<4x4096xf32, #tpu.memory_space<vmem>>, vector<16xf32>,
        %parallel_loop3A_232 = arith.constant 16 : i32
        %parallel_loop3A_233 = arith.muli %parallel_loop3A_213, %parallel_loop3A_232 : i32
        %parallel_loop3A_234 = arith.constant 3 : i32
        %parallel_loop3A_235 = arith.index_cast %parallel_loop3A_234 : i32 to index
        %parallel_loop3A_236 = arith.index_cast %parallel_loop3A_233 : i32 to index
        %parallel_loop3A_237 = tpu.vector_load %arg20[%parallel_loop3A_235, %parallel_loop3A_236] {strides = array<i32>} : memref<4x4096xf32, #tpu.memory_space<vmem>>, vector<16xf32>,
        tpu.vector_store %arg20[%parallel_loop3A_235, %parallel_loop3A_236], %broadcast_in_dim3A_99 {strides = array<i32>} : memref<4x4096xf32, #tpu.memory_space<vmem>>, vector<16xf32>,
      } {sc.loop_unroll_factor = 8 : i64, sc.parallel_access}
      %parallel_loop3A_140 = arith.constant 0 : i32
      %parallel_loop3A_141 = arith.constant 1120 : i32
      %parallel_loop3A_142 = arith.constant 1 : i32
      scf.for %parallel_loop3A_213 = %parallel_loop3A_140 to %parallel_loop3A_141 step %parallel_loop3A_142  : i32 {
        %parallel_loop3A_214 = arith.constant 16 : i32
        %parallel_loop3A_215 = arith.muli %parallel_loop3A_213, %parallel_loop3A_214 : i32
        %parallel_loop3A_216 = arith.index_cast %parallel_loop3A_215 : i32 to index
        %parallel_loop3A_217 = tpu.vector_load %arg12[%parallel_loop3A_216] {strides = array<i32>} : memref<17920xi32, #tpu.memory_space<vmem>>, vector<16xi32>,
        %parallel_loop3A_218 = arith.constant 16 : i32
        %parallel_loop3A_219 = arith.muli %parallel_loop3A_213, %parallel_loop3A_218 : i32
        %parallel_loop3A_220 = arith.index_cast %parallel_loop3A_219 : i32 to index
        %parallel_loop3A_221 = tpu.vector_load %arg13[%parallel_loop3A_220] {strides = array<i32>} : memref<17920xf32, #tpu.memory_space<vmem>>, vector<16xf32>,
        %parallel_loop3A_222 = arith.constant 12 : i32
        %parallel_loop3A_223 = vector.broadcast %parallel_loop3A_222 : i32 to vector<16xi32>
        %parallel_loop3A_224 = arith.shrsi %parallel_loop3A_217, %parallel_loop3A_223 : vector<16xi32>
        %parallel_loop3A_225 = arith.constant 4095 : i32
        %parallel_loop3A_226 = vector.broadcast %parallel_loop3A_225 : i32 to vector<16xi32>
        %parallel_loop3A_227 = arith.andi %parallel_loop3A_217, %parallel_loop3A_226 : vector<16xi32>
        %parallel_loop3A_228 = tpu.vector_load_idx %arg18[%broadcast_in_dim3A_101, %parallel_loop3A_224] : memref<4x4096xf32, #tpu.memory_space<vmem>>[vector<16xi32>, vector<16xi32>], vector<16xf32>,
        %parallel_loop3A_229 = arith.mulf %parallel_loop3A_228, %parallel_loop3A_221 : vector<16xf32>
        tpu.vector_store_idx %arg20[%broadcast_in_dim3A_101, %parallel_loop3A_227], %parallel_loop3A_229 {add = true} : memref<4x4096xf32, #tpu.memory_space<vmem>>[vector<16xi32>, vector<16xi32>], vector<16xf32>,
        %parallel_loop3A_230 = tpu.vector_load_idx %arg18[%broadcast_in_dim3A_103, %parallel_loop3A_224] : memref<4x4096xf32, #tpu.memory_space<vmem>>[vector<16xi32>, vector<16xi32>], vector<16xf32>,
        %parallel_loop3A_231 = arith.mulf %parallel_loop3A_230, %parallel_loop3A_221 : vector<16xf32>
        tpu.vector_store_idx %arg20[%broadcast_in_dim3A_103, %parallel_loop3A_227], %parallel_loop3A_231 {add = true} : memref<4x4096xf32, #tpu.memory_space<vmem>>[vector<16xi32>, vector<16xi32>], vector<16xf32>,
        %parallel_loop3A_232 = tpu.vector_load_idx %arg18[%broadcast_in_dim3A_105, %parallel_loop3A_224] : memref<4x4096xf32, #tpu.memory_space<vmem>>[vector<16xi32>, vector<16xi32>], vector<16xf32>,
        %parallel_loop3A_233 = arith.mulf %parallel_loop3A_232, %parallel_loop3A_221 : vector<16xf32>
        tpu.vector_store_idx %arg20[%broadcast_in_dim3A_105, %parallel_loop3A_227], %parallel_loop3A_233 {add = true} : memref<4x4096xf32, #tpu.memory_space<vmem>>[vector<16xi32>, vector<16xi32>], vector<16xf32>,
        %parallel_loop3A_234 = tpu.vector_load_idx %arg18[%broadcast_in_dim3A_107, %parallel_loop3A_224] : memref<4x4096xf32, #tpu.memory_space<vmem>>[vector<16xi32>, vector<16xi32>], vector<16xf32>,
        %parallel_loop3A_235 = arith.mulf %parallel_loop3A_234, %parallel_loop3A_221 : vector<16xf32>
        tpu.vector_store_idx %arg20[%broadcast_in_dim3A_107, %parallel_loop3A_227], %parallel_loop3A_235 {add = true} : memref<4x4096xf32, #tpu.memory_space<vmem>>[vector<16xi32>, vector<16xi32>], vector<16xf32>,
      } {sc.loop_unroll_factor = 4 : i64, sc.parallel_access}
      %gt3A = arith.constant 0 : i32
      %gt3A_143 = arith.cmpi sgt, %add3A_129, %gt3A : i32
      %convert_element_type3A = arith.extui %gt3A_143 : i1 to i32
      %cond3A = arith.constant 0 : i32
      %cond3A_144 = arith.cmpi ne, %convert_element_type3A, %cond3A : i32
      scf.if %cond3A_144 {
        %sub3A = arith.constant 1 : i32
        %sub3A_213 = arith.subi %add3A_129, %sub3A : i32
        %mul3A_214 = arith.constant 4 : i32
        %mul3A_215 = arith.muli %sub3A_213, %mul3A_214 : i32
        %add3A_216 = arith.addi %mul3A_2, %mul3A_215 : i32
        %dma_wait3A_217 = arith.constant 0 : i32
        %dma_wait3A_218 = tpu.memref_slice %arg11[%add3A_216, %dma_wait3A_217] : memref<4096x4096xf32, #tpu.memory_space<hbm>> -> memref<4x4096xf32, #tpu.memory_space<hbm>>
        %dma_wait3A_219 = arith.constant 0 : i32
        %dma_wait3A_220 = tpu.memref_slice %arg11[%add3A_216, %dma_wait3A_219] : memref<4096x4096xf32, #tpu.memory_space<hbm>> -> memref<4x4096xf32, #tpu.memory_space<hbm>>
        tpu.wait_dma2 semaphore(%arg26 : memref<!tpu.dma_semaphore, #tpu.memory_space<semaphore_mem>>) src(%arg19 : memref<4x4096xf32, #tpu.memory_space<vmem>>) dst(%dma_wait3A_220 : memref<4x4096xf32, #tpu.memory_space<hbm>>)
      } else {
      }
      %add3A_145 = arith.constant 1 : i32
      %add3A_146 = arith.addi %add3A_129, %add3A_145 : i32
      %lt3A = arith.constant 32 : i32
      %lt3A_147 = arith.cmpi slt, %add3A_146, %lt3A : i32
      %convert_element_type3A_148 = arith.extui %lt3A_147 : i1 to i32
      %cond3A_149 = arith.constant 0 : i32
      %cond3A_150 = arith.cmpi ne, %convert_element_type3A_148, %cond3A_149 : i32
      scf.if %cond3A_150 {
        %add3A_213 = arith.constant 1 : i32
        %add3A_214 = arith.addi %add3A_129, %add3A_213 : i32
        %mul3A_215 = arith.constant 4 : i32
        %mul3A_216 = arith.muli %add3A_214, %mul3A_215 : i32
        %add3A_217 = arith.addi %mul3A_2, %mul3A_216 : i32
        %dma_start3A_218 = arith.constant 0 : i32
        %dma_start3A_219 = tpu.memref_slice %arg2[%add3A_217, %dma_start3A_218] : memref<4096x4096xf32, #tpu.memory_space<hbm>> -> memref<4x4096xf32, #tpu.memory_space<hbm>>
        %dma_start3A_220 = arith.constant 0 : i32
        %dma_start3A_221 = tpu.memref_slice %arg2[%add3A_217, %dma_start3A_220] : memref<4096x4096xf32, #tpu.memory_space<hbm>> -> memref<4x4096xf32, #tpu.memory_space<hbm>>
        tpu.enqueue_dma source(%dma_start3A_221 : memref<4x4096xf32, #tpu.memory_space<hbm>>) target(%arg19 : memref<4x4096xf32, #tpu.memory_space<vmem>>) target_semaphore(%arg24 : memref<!tpu.dma_semaphore, #tpu.memory_space<semaphore_mem>>)
      } else {
      }
      %parallel_loop3A_151 = arith.constant 0 : i32
      %parallel_loop3A_152 = arith.constant 256 : i32
      %parallel_loop3A_153 = arith.constant 1 : i32
      scf.for %parallel_loop3A_213 = %parallel_loop3A_151 to %parallel_loop3A_152 step %parallel_loop3A_153  : i32 {
        %parallel_loop3A_214 = arith.constant 16 : i32
        %parallel_loop3A_215 = arith.muli %parallel_loop3A_213, %parallel_loop3A_214 : i32
        %parallel_loop3A_216 = arith.constant 0 : i32
        %parallel_loop3A_217 = arith.index_cast %parallel_loop3A_216 : i32 to index
        %parallel_loop3A_218 = arith.index_cast %parallel_loop3A_215 : i32 to index
        %parallel_loop3A_219 = tpu.vector_load %arg18[%parallel_loop3A_217, %parallel_loop3A_218] {strides = array<i32>} : memref<4x4096xf32, #tpu.memory_space<vmem>>, vector<16xf32>,
        tpu.vector_store %arg18[%parallel_loop3A_217, %parallel_loop3A_218], %broadcast_in_dim3A_99 {strides = array<i32>} : memref<4x4096xf32, #tpu.memory_space<vmem>>, vector<16xf32>,
        %parallel_loop3A_220 = arith.constant 16 : i32
        %parallel_loop3A_221 = arith.muli %parallel_loop3A_213, %parallel_loop3A_220 : i32
        %parallel_loop3A_222 = arith.constant 1 : i32
        %parallel_loop3A_223 = arith.index_cast %parallel_loop3A_222 : i32 to index
        %parallel_loop3A_224 = arith.index_cast %parallel_loop3A_221 : i32 to index
        %parallel_loop3A_225 = tpu.vector_load %arg18[%parallel_loop3A_223, %parallel_loop3A_224] {strides = array<i32>} : memref<4x4096xf32, #tpu.memory_space<vmem>>, vector<16xf32>,
        tpu.vector_store %arg18[%parallel_loop3A_223, %parallel_loop3A_224], %broadcast_in_dim3A_99 {strides = array<i32>} : memref<4x4096xf32, #tpu.memory_space<vmem>>, vector<16xf32>,
        %parallel_loop3A_226 = arith.constant 16 : i32
        %parallel_loop3A_227 = arith.muli %parallel_loop3A_213, %parallel_loop3A_226 : i32
        %parallel_loop3A_228 = arith.constant 2 : i32
        %parallel_loop3A_229 = arith.index_cast %parallel_loop3A_228 : i32 to index
        %parallel_loop3A_230 = arith.index_cast %parallel_loop3A_227 : i32 to index
        %parallel_loop3A_231 = tpu.vector_load %arg18[%parallel_loop3A_229, %parallel_loop3A_230] {strides = array<i32>} : memref<4x4096xf32, #tpu.memory_space<vmem>>, vector<16xf32>,
        tpu.vector_store %arg18[%parallel_loop3A_229, %parallel_loop3A_230], %broadcast_in_dim3A_99 {strides = array<i32>} : memref<4x4096xf32, #tpu.memory_space<vmem>>, vector<16xf32>,
        %parallel_loop3A_232 = arith.constant 16 : i32
        %parallel_loop3A_233 = arith.muli %parallel_loop3A_213, %parallel_loop3A_232 : i32
        %parallel_loop3A_234 = arith.constant 3 : i32
        %parallel_loop3A_235 = arith.index_cast %parallel_loop3A_234 : i32 to index
        %parallel_loop3A_236 = arith.index_cast %parallel_loop3A_233 : i32 to index
        %parallel_loop3A_237 = tpu.vector_load %arg18[%parallel_loop3A_235, %parallel_loop3A_236] {strides = array<i32>} : memref<4x4096xf32, #tpu.memory_space<vmem>>, vector<16xf32>,
        tpu.vector_store %arg18[%parallel_loop3A_235, %parallel_loop3A_236], %broadcast_in_dim3A_99 {strides = array<i32>} : memref<4x4096xf32, #tpu.memory_space<vmem>>, vector<16xf32>,
      } {sc.loop_unroll_factor = 8 : i64, sc.parallel_access}
      %parallel_loop3A_154 = arith.constant 0 : i32
      %parallel_loop3A_155 = arith.constant 1120 : i32
      %parallel_loop3A_156 = arith.constant 1 : i32
      scf.for %parallel_loop3A_213 = %parallel_loop3A_154 to %parallel_loop3A_155 step %parallel_loop3A_156  : i32 {
        %parallel_loop3A_214 = arith.constant 16 : i32
        %parallel_loop3A_215 = arith.muli %parallel_loop3A_213, %parallel_loop3A_214 : i32
        %parallel_loop3A_216 = arith.index_cast %parallel_loop3A_215 : i32 to index
        %parallel_loop3A_217 = tpu.vector_load %arg14[%parallel_loop3A_216] {strides = array<i32>} : memref<17920xi32, #tpu.memory_space<vmem>>, vector<16xi32>,
        %parallel_loop3A_218 = arith.constant 16 : i32
        %parallel_loop3A_219 = arith.muli %parallel_loop3A_213, %parallel_loop3A_218 : i32
        %parallel_loop3A_220 = arith.index_cast %parallel_loop3A_219 : i32 to index
        %parallel_loop3A_221 = tpu.vector_load %arg15[%parallel_loop3A_220] {strides = array<i32>} : memref<17920xf32, #tpu.memory_space<vmem>>, vector<16xf32>,
        %parallel_loop3A_222 = arith.constant 12 : i32
        %parallel_loop3A_223 = vector.broadcast %parallel_loop3A_222 : i32 to vector<16xi32>
        %parallel_loop3A_224 = arith.shrsi %parallel_loop3A_217, %parallel_loop3A_223 : vector<16xi32>
        %parallel_loop3A_225 = arith.constant 4095 : i32
        %parallel_loop3A_226 = vector.broadcast %parallel_loop3A_225 : i32 to vector<16xi32>
        %parallel_loop3A_227 = arith.andi %parallel_loop3A_217, %parallel_loop3A_226 : vector<16xi32>
        %parallel_loop3A_228 = tpu.vector_load_idx %arg20[%broadcast_in_dim3A_101, %parallel_loop3A_224] : memref<4x4096xf32, #tpu.memory_space<vmem>>[vector<16xi32>, vector<16xi32>], vector<16xf32>,
        %parallel_loop3A_229 = arith.mulf %parallel_loop3A_228, %parallel_loop3A_221 : vector<16xf32>
        tpu.vector_store_idx %arg18[%broadcast_in_dim3A_101, %parallel_loop3A_227], %parallel_loop3A_229 {add = true} : memref<4x4096xf32, #tpu.memory_space<vmem>>[vector<16xi32>, vector<16xi32>], vector<16xf32>,
        %parallel_loop3A_230 = tpu.vector_load_idx %arg20[%broadcast_in_dim3A_103, %parallel_loop3A_224] : memref<4x4096xf32, #tpu.memory_space<vmem>>[vector<16xi32>, vector<16xi32>], vector<16xf32>,
        %parallel_loop3A_231 = arith.mulf %parallel_loop3A_230, %parallel_loop3A_221 : vector<16xf32>
        tpu.vector_store_idx %arg18[%broadcast_in_dim3A_103, %parallel_loop3A_227], %parallel_loop3A_231 {add = true} : memref<4x4096xf32, #tpu.memory_space<vmem>>[vector<16xi32>, vector<16xi32>], vector<16xf32>,
        %parallel_loop3A_232 = tpu.vector_load_idx %arg20[%broadcast_in_dim3A_105, %parallel_loop3A_224] : memref<4x4096xf32, #tpu.memory_space<vmem>>[vector<16xi32>, vector<16xi32>], vector<16xf32>,
        %parallel_loop3A_233 = arith.mulf %parallel_loop3A_232, %parallel_loop3A_221 : vector<16xf32>
        tpu.vector_store_idx %arg18[%broadcast_in_dim3A_105, %parallel_loop3A_227], %parallel_loop3A_233 {add = true} : memref<4x4096xf32, #tpu.memory_space<vmem>>[vector<16xi32>, vector<16xi32>], vector<16xf32>,
        %parallel_loop3A_234 = tpu.vector_load_idx %arg20[%broadcast_in_dim3A_107, %parallel_loop3A_224] : memref<4x4096xf32, #tpu.memory_space<vmem>>[vector<16xi32>, vector<16xi32>], vector<16xf32>,
        %parallel_loop3A_235 = arith.mulf %parallel_loop3A_234, %parallel_loop3A_221 : vector<16xf32>
        tpu.vector_store_idx %arg18[%broadcast_in_dim3A_107, %parallel_loop3A_227], %parallel_loop3A_235 {add = true} : memref<4x4096xf32, #tpu.memory_space<vmem>>[vector<16xi32>, vector<16xi32>], vector<16xf32>,
      } {sc.loop_unroll_factor = 4 : i64, sc.parallel_access}
      %parallel_loop3A_157 = arith.constant 0 : i32
      %parallel_loop3A_158 = arith.constant 256 : i32
      %parallel_loop3A_159 = arith.constant 1 : i32
      scf.for %parallel_loop3A_213 = %parallel_loop3A_157 to %parallel_loop3A_158 step %parallel_loop3A_159  : i32 {
        %parallel_loop3A_214 = arith.constant 16 : i32
        %parallel_loop3A_215 = arith.muli %parallel_loop3A_213, %parallel_loop3A_214 : i32
        %parallel_loop3A_216 = arith.index_cast %parallel_loop3A_215 : i32 to index
        %parallel_loop3A_217 = tpu.vector_load %arg16[%parallel_loop3A_216] {strides = array<i32>} : memref<4096xf32, #tpu.memory_space<vmem>>, vector<16xf32>,
        %parallel_loop3A_218 = arith.constant 16 : i32
        %parallel_loop3A_219 = arith.muli %parallel_loop3A_213, %parallel_loop3A_218 : i32
        %parallel_loop3A_220 = arith.constant 0 : i32
        %parallel_loop3A_221 = arith.index_cast %parallel_loop3A_220 : i32 to index
        %parallel_loop3A_222 = arith.index_cast %parallel_loop3A_219 : i32 to index
        %parallel_loop3A_223 = tpu.vector_load %arg18[%parallel_loop3A_221, %parallel_loop3A_222] {strides = array<i32>} : memref<4x4096xf32, #tpu.memory_space<vmem>>, vector<16xf32>,
        %parallel_loop3A_224 = arith.mulf %parallel_loop3A_223, %get3A_98 : vector<16xf32>
        %parallel_loop3A_225 = arith.addf %parallel_loop3A_224, %parallel_loop3A_217 : vector<16xf32>
        %parallel_loop3A_226 = arith.constant 0.000000e+00 : f32
        %parallel_loop3A_227 = vector.broadcast %parallel_loop3A_226 : f32 to vector<16xf32>
        %parallel_loop3A_228 = arith.maximumf %parallel_loop3A_225, %parallel_loop3A_227 : vector<16xf32>
        %parallel_loop3A_229 = arith.constant 16 : i32
        %parallel_loop3A_230 = arith.muli %parallel_loop3A_213, %parallel_loop3A_229 : i32
        %parallel_loop3A_231 = arith.constant 0 : i32
        %parallel_loop3A_232 = arith.index_cast %parallel_loop3A_231 : i32 to index
        %parallel_loop3A_233 = arith.index_cast %parallel_loop3A_230 : i32 to index
        %parallel_loop3A_234 = tpu.vector_load %arg18[%parallel_loop3A_232, %parallel_loop3A_233] {strides = array<i32>} : memref<4x4096xf32, #tpu.memory_space<vmem>>, vector<16xf32>,
        tpu.vector_store %arg18[%parallel_loop3A_232, %parallel_loop3A_233], %parallel_loop3A_228 {strides = array<i32>} : memref<4x4096xf32, #tpu.memory_space<vmem>>, vector<16xf32>,
        %parallel_loop3A_235 = arith.constant 16 : i32
        %parallel_loop3A_236 = arith.muli %parallel_loop3A_213, %parallel_loop3A_235 : i32
        %parallel_loop3A_237 = arith.constant 1 : i32
        %parallel_loop3A_238 = arith.index_cast %parallel_loop3A_237 : i32 to index
        %parallel_loop3A_239 = arith.index_cast %parallel_loop3A_236 : i32 to index
        %parallel_loop3A_240 = tpu.vector_load %arg18[%parallel_loop3A_238, %parallel_loop3A_239] {strides = array<i32>} : memref<4x4096xf32, #tpu.memory_space<vmem>>, vector<16xf32>,
        %parallel_loop3A_241 = arith.mulf %parallel_loop3A_240, %get3A_98 : vector<16xf32>
        %parallel_loop3A_242 = arith.addf %parallel_loop3A_241, %parallel_loop3A_217 : vector<16xf32>
        %parallel_loop3A_243 = arith.constant 0.000000e+00 : f32
        %parallel_loop3A_244 = vector.broadcast %parallel_loop3A_243 : f32 to vector<16xf32>
        %parallel_loop3A_245 = arith.maximumf %parallel_loop3A_242, %parallel_loop3A_244 : vector<16xf32>
        %parallel_loop3A_246 = arith.constant 16 : i32
        %parallel_loop3A_247 = arith.muli %parallel_loop3A_213, %parallel_loop3A_246 : i32
        %parallel_loop3A_248 = arith.constant 1 : i32
        %parallel_loop3A_249 = arith.index_cast %parallel_loop3A_248 : i32 to index
        %parallel_loop3A_250 = arith.index_cast %parallel_loop3A_247 : i32 to index
        %parallel_loop3A_251 = tpu.vector_load %arg18[%parallel_loop3A_249, %parallel_loop3A_250] {strides = array<i32>} : memref<4x4096xf32, #tpu.memory_space<vmem>>, vector<16xf32>,
        tpu.vector_store %arg18[%parallel_loop3A_249, %parallel_loop3A_250], %parallel_loop3A_245 {strides = array<i32>} : memref<4x4096xf32, #tpu.memory_space<vmem>>, vector<16xf32>,
        %parallel_loop3A_252 = arith.constant 16 : i32
        %parallel_loop3A_253 = arith.muli %parallel_loop3A_213, %parallel_loop3A_252 : i32
        %parallel_loop3A_254 = arith.constant 2 : i32
        %parallel_loop3A_255 = arith.index_cast %parallel_loop3A_254 : i32 to index
        %parallel_loop3A_256 = arith.index_cast %parallel_loop3A_253 : i32 to index
        %parallel_loop3A_257 = tpu.vector_load %arg18[%parallel_loop3A_255, %parallel_loop3A_256] {strides = array<i32>} : memref<4x4096xf32, #tpu.memory_space<vmem>>, vector<16xf32>,
        %parallel_loop3A_258 = arith.mulf %parallel_loop3A_257, %get3A_98 : vector<16xf32>
        %parallel_loop3A_259 = arith.addf %parallel_loop3A_258, %parallel_loop3A_217 : vector<16xf32>
        %parallel_loop3A_260 = arith.constant 0.000000e+00 : f32
        %parallel_loop3A_261 = vector.broadcast %parallel_loop3A_260 : f32 to vector<16xf32>
        %parallel_loop3A_262 = arith.maximumf %parallel_loop3A_259, %parallel_loop3A_261 : vector<16xf32>
        %parallel_loop3A_263 = arith.constant 16 : i32
        %parallel_loop3A_264 = arith.muli %parallel_loop3A_213, %parallel_loop3A_263 : i32
        %parallel_loop3A_265 = arith.constant 2 : i32
        %parallel_loop3A_266 = arith.index_cast %parallel_loop3A_265 : i32 to index
        %parallel_loop3A_267 = arith.index_cast %parallel_loop3A_264 : i32 to index
        %parallel_loop3A_268 = tpu.vector_load %arg18[%parallel_loop3A_266, %parallel_loop3A_267] {strides = array<i32>} : memref<4x4096xf32, #tpu.memory_space<vmem>>, vector<16xf32>,
        tpu.vector_store %arg18[%parallel_loop3A_266, %parallel_loop3A_267], %parallel_loop3A_262 {strides = array<i32>} : memref<4x4096xf32, #tpu.memory_space<vmem>>, vector<16xf32>,
        %parallel_loop3A_269 = arith.constant 16 : i32
        %parallel_loop3A_270 = arith.muli %parallel_loop3A_213, %parallel_loop3A_269 : i32
        %parallel_loop3A_271 = arith.constant 3 : i32
        %parallel_loop3A_272 = arith.index_cast %parallel_loop3A_271 : i32 to index
        %parallel_loop3A_273 = arith.index_cast %parallel_loop3A_270 : i32 to index
        %parallel_loop3A_274 = tpu.vector_load %arg18[%parallel_loop3A_272, %parallel_loop3A_273] {strides = array<i32>} : memref<4x4096xf32, #tpu.memory_space<vmem>>, vector<16xf32>,
        %parallel_loop3A_275 = arith.mulf %parallel_loop3A_274, %get3A_98 : vector<16xf32>
        %parallel_loop3A_276 = arith.addf %parallel_loop3A_275, %parallel_loop3A_217 : vector<16xf32>
        %parallel_loop3A_277 = arith.constant 0.000000e+00 : f32
        %parallel_loop3A_278 = vector.broadcast %parallel_loop3A_277 : f32 to vector<16xf32>
        %parallel_loop3A_279 = arith.maximumf %parallel_loop3A_276, %parallel_loop3A_278 : vector<16xf32>
        %parallel_loop3A_280 = arith.constant 16 : i32
        %parallel_loop3A_281 = arith.muli %parallel_loop3A_213, %parallel_loop3A_280 : i32
        %parallel_loop3A_282 = arith.constant 3 : i32
        %parallel_loop3A_283 = arith.index_cast %parallel_loop3A_282 : i32 to index
        %parallel_loop3A_284 = arith.index_cast %parallel_loop3A_281 : i32 to index
        %parallel_loop3A_285 = tpu.vector_load %arg18[%parallel_loop3A_283, %parallel_loop3A_284] {strides = array<i32>} : memref<4x4096xf32, #tpu.memory_space<vmem>>, vector<16xf32>,
        tpu.vector_store %arg18[%parallel_loop3A_283, %parallel_loop3A_284], %parallel_loop3A_279 {strides = array<i32>} : memref<4x4096xf32, #tpu.memory_space<vmem>>, vector<16xf32>,
      } {sc.loop_unroll_factor = 8 : i64, sc.parallel_access}
      %mul3A_160 = arith.constant 4 : i32
      %mul3A_161 = arith.muli %add3A_129, %mul3A_160 : i32
      %add3A_162 = arith.addi %mul3A_2, %mul3A_161 : i32
      %dma_start3A_163 = arith.constant 0 : i32
      %dma_start3A_164 = tpu.memref_slice %arg11[%add3A_162, %dma_start3A_163] : memref<4096x4096xf32, #tpu.memory_space<hbm>> -> memref<4x4096xf32, #tpu.memory_space<hbm>>
      %dma_start3A_165 = arith.constant 0 : i32
      %dma_start3A_166 = tpu.memref_slice %arg11[%add3A_162, %dma_start3A_165] : memref<4096x4096xf32, #tpu.memory_space<hbm>> -> memref<4x4096xf32, #tpu.memory_space<hbm>>
      tpu.enqueue_dma source(%arg18 : memref<4x4096xf32, #tpu.memory_space<vmem>>) target(%dma_start3A_166 : memref<4x4096xf32, #tpu.memory_space<hbm>>) target_semaphore(%arg25 : memref<!tpu.dma_semaphore, #tpu.memory_space<semaphore_mem>>)
      %mul3A_167 = arith.constant 2 : i32
      %mul3A_168 = arith.muli %scan3A_124, %mul3A_167 : i32
      %add3A_169 = arith.constant 1 : i32
      %add3A_170 = arith.addi %mul3A_168, %add3A_169 : i32
      %mul3A_171 = arith.constant 4 : i32
      %mul3A_172 = arith.muli %add3A_170, %mul3A_171 : i32
      %add3A_173 = arith.addi %mul3A_2, %mul3A_172 : i32
      %dma_wait3A_174 = arith.constant 0 : i32
      %dma_wait3A_175 = tpu.memref_slice %arg2[%add3A_173, %dma_wait3A_174] : memref<4096x4096xf32, #tpu.memory_space<hbm>> -> memref<4x4096xf32, #tpu.memory_space<hbm>>
      %dma_wait3A_176 = arith.constant 0 : i32
      %dma_wait3A_177 = tpu.memref_slice %arg2[%add3A_173, %dma_wait3A_176] : memref<4096x4096xf32, #tpu.memory_space<hbm>> -> memref<4x4096xf32, #tpu.memory_space<hbm>>
      tpu.wait_dma2 semaphore(%arg24 : memref<!tpu.dma_semaphore, #tpu.memory_space<semaphore_mem>>) src(%dma_wait3A_177 : memref<4x4096xf32, #tpu.memory_space<hbm>>) dst(%arg19 : memref<4x4096xf32, #tpu.memory_space<vmem>>)
      %parallel_loop3A_178 = arith.constant 0 : i32
      %parallel_loop3A_179 = arith.constant 256 : i32
      %parallel_loop3A_180 = arith.constant 1 : i32
      scf.for %parallel_loop3A_213 = %parallel_loop3A_178 to %parallel_loop3A_179 step %parallel_loop3A_180  : i32 {
        %parallel_loop3A_214 = arith.constant 16 : i32
        %parallel_loop3A_215 = arith.muli %parallel_loop3A_213, %parallel_loop3A_214 : i32
        %parallel_loop3A_216 = arith.constant 0 : i32
        %parallel_loop3A_217 = arith.index_cast %parallel_loop3A_216 : i32 to index
        %parallel_loop3A_218 = arith.index_cast %parallel_loop3A_215 : i32 to index
        %parallel_loop3A_219 = tpu.vector_load %arg20[%parallel_loop3A_217, %parallel_loop3A_218] {strides = array<i32>} : memref<4x4096xf32, #tpu.memory_space<vmem>>, vector<16xf32>,
        tpu.vector_store %arg20[%parallel_loop3A_217, %parallel_loop3A_218], %broadcast_in_dim3A_99 {strides = array<i32>} : memref<4x4096xf32, #tpu.memory_space<vmem>>, vector<16xf32>,
        %parallel_loop3A_220 = arith.constant 16 : i32
        %parallel_loop3A_221 = arith.muli %parallel_loop3A_213, %parallel_loop3A_220 : i32
        %parallel_loop3A_222 = arith.constant 1 : i32
        %parallel_loop3A_223 = arith.index_cast %parallel_loop3A_222 : i32 to index
        %parallel_loop3A_224 = arith.index_cast %parallel_loop3A_221 : i32 to index
        %parallel_loop3A_225 = tpu.vector_load %arg20[%parallel_loop3A_223, %parallel_loop3A_224] {strides = array<i32>} : memref<4x4096xf32, #tpu.memory_space<vmem>>, vector<16xf32>,
        tpu.vector_store %arg20[%parallel_loop3A_223, %parallel_loop3A_224], %broadcast_in_dim3A_99 {strides = array<i32>} : memref<4x4096xf32, #tpu.memory_space<vmem>>, vector<16xf32>,
        %parallel_loop3A_226 = arith.constant 16 : i32
        %parallel_loop3A_227 = arith.muli %parallel_loop3A_213, %parallel_loop3A_226 : i32
        %parallel_loop3A_228 = arith.constant 2 : i32
        %parallel_loop3A_229 = arith.index_cast %parallel_loop3A_228 : i32 to index
        %parallel_loop3A_230 = arith.index_cast %parallel_loop3A_227 : i32 to index
        %parallel_loop3A_231 = tpu.vector_load %arg20[%parallel_loop3A_229, %parallel_loop3A_230] {strides = array<i32>} : memref<4x4096xf32, #tpu.memory_space<vmem>>, vector<16xf32>,
        tpu.vector_store %arg20[%parallel_loop3A_229, %parallel_loop3A_230], %broadcast_in_dim3A_99 {strides = array<i32>} : memref<4x4096xf32, #tpu.memory_space<vmem>>, vector<16xf32>,
        %parallel_loop3A_232 = arith.constant 16 : i32
        %parallel_loop3A_233 = arith.muli %parallel_loop3A_213, %parallel_loop3A_232 : i32
        %parallel_loop3A_234 = arith.constant 3 : i32
        %parallel_loop3A_235 = arith.index_cast %parallel_loop3A_234 : i32 to index
        %parallel_loop3A_236 = arith.index_cast %parallel_loop3A_233 : i32 to index
        %parallel_loop3A_237 = tpu.vector_load %arg20[%parallel_loop3A_235, %parallel_loop3A_236] {strides = array<i32>} : memref<4x4096xf32, #tpu.memory_space<vmem>>, vector<16xf32>,
        tpu.vector_store %arg20[%parallel_loop3A_235, %parallel_loop3A_236], %broadcast_in_dim3A_99 {strides = array<i32>} : memref<4x4096xf32, #tpu.memory_space<vmem>>, vector<16xf32>,
      } {sc.loop_unroll_factor = 8 : i64, sc.parallel_access}
      %parallel_loop3A_181 = arith.constant 0 : i32
      %parallel_loop3A_182 = arith.constant 1120 : i32
      %parallel_loop3A_183 = arith.constant 1 : i32
      scf.for %parallel_loop3A_213 = %parallel_loop3A_181 to %parallel_loop3A_182 step %parallel_loop3A_183  : i32 {
        %parallel_loop3A_214 = arith.constant 16 : i32
        %parallel_loop3A_215 = arith.muli %parallel_loop3A_213, %parallel_loop3A_214 : i32
        %parallel_loop3A_216 = arith.index_cast %parallel_loop3A_215 : i32 to index
        %parallel_loop3A_217 = tpu.vector_load %arg12[%parallel_loop3A_216] {strides = array<i32>} : memref<17920xi32, #tpu.memory_space<vmem>>, vector<16xi32>,
        %parallel_loop3A_218 = arith.constant 16 : i32
        %parallel_loop3A_219 = arith.muli %parallel_loop3A_213, %parallel_loop3A_218 : i32
        %parallel_loop3A_220 = arith.index_cast %parallel_loop3A_219 : i32 to index
        %parallel_loop3A_221 = tpu.vector_load %arg13[%parallel_loop3A_220] {strides = array<i32>} : memref<17920xf32, #tpu.memory_space<vmem>>, vector<16xf32>,
        %parallel_loop3A_222 = arith.constant 12 : i32
        %parallel_loop3A_223 = vector.broadcast %parallel_loop3A_222 : i32 to vector<16xi32>
        %parallel_loop3A_224 = arith.shrsi %parallel_loop3A_217, %parallel_loop3A_223 : vector<16xi32>
        %parallel_loop3A_225 = arith.constant 4095 : i32
        %parallel_loop3A_226 = vector.broadcast %parallel_loop3A_225 : i32 to vector<16xi32>
        %parallel_loop3A_227 = arith.andi %parallel_loop3A_217, %parallel_loop3A_226 : vector<16xi32>
        %parallel_loop3A_228 = tpu.vector_load_idx %arg19[%broadcast_in_dim3A_101, %parallel_loop3A_224] : memref<4x4096xf32, #tpu.memory_space<vmem>>[vector<16xi32>, vector<16xi32>], vector<16xf32>,
        %parallel_loop3A_229 = arith.mulf %parallel_loop3A_228, %parallel_loop3A_221 : vector<16xf32>
        tpu.vector_store_idx %arg20[%broadcast_in_dim3A_101, %parallel_loop3A_227], %parallel_loop3A_229 {add = true} : memref<4x4096xf32, #tpu.memory_space<vmem>>[vector<16xi32>, vector<16xi32>], vector<16xf32>,
        %parallel_loop3A_230 = tpu.vector_load_idx %arg19[%broadcast_in_dim3A_103, %parallel_loop3A_224] : memref<4x4096xf32, #tpu.memory_space<vmem>>[vector<16xi32>, vector<16xi32>], vector<16xf32>,
        %parallel_loop3A_231 = arith.mulf %parallel_loop3A_230, %parallel_loop3A_221 : vector<16xf32>
        tpu.vector_store_idx %arg20[%broadcast_in_dim3A_103, %parallel_loop3A_227], %parallel_loop3A_231 {add = true} : memref<4x4096xf32, #tpu.memory_space<vmem>>[vector<16xi32>, vector<16xi32>], vector<16xf32>,
        %parallel_loop3A_232 = tpu.vector_load_idx %arg19[%broadcast_in_dim3A_105, %parallel_loop3A_224] : memref<4x4096xf32, #tpu.memory_space<vmem>>[vector<16xi32>, vector<16xi32>], vector<16xf32>,
        %parallel_loop3A_233 = arith.mulf %parallel_loop3A_232, %parallel_loop3A_221 : vector<16xf32>
        tpu.vector_store_idx %arg20[%broadcast_in_dim3A_105, %parallel_loop3A_227], %parallel_loop3A_233 {add = true} : memref<4x4096xf32, #tpu.memory_space<vmem>>[vector<16xi32>, vector<16xi32>], vector<16xf32>,
        %parallel_loop3A_234 = tpu.vector_load_idx %arg19[%broadcast_in_dim3A_107, %parallel_loop3A_224] : memref<4x4096xf32, #tpu.memory_space<vmem>>[vector<16xi32>, vector<16xi32>], vector<16xf32>,
        %parallel_loop3A_235 = arith.mulf %parallel_loop3A_234, %parallel_loop3A_221 : vector<16xf32>
        tpu.vector_store_idx %arg20[%broadcast_in_dim3A_107, %parallel_loop3A_227], %parallel_loop3A_235 {add = true} : memref<4x4096xf32, #tpu.memory_space<vmem>>[vector<16xi32>, vector<16xi32>], vector<16xf32>,
      } {sc.loop_unroll_factor = 4 : i64, sc.parallel_access}
      %gt3A_184 = arith.constant 0 : i32
      %gt3A_185 = arith.cmpi sgt, %add3A_170, %gt3A_184 : i32
      %convert_element_type3A_186 = arith.extui %gt3A_185 : i1 to i32
      %cond3A_187 = arith.constant 0 : i32
      %cond3A_188 = arith.cmpi ne, %convert_element_type3A_186, %cond3A_187 : i32
      scf.if %cond3A_188 {
        %sub3A = arith.constant 1 : i32
        %sub3A_213 = arith.subi %add3A_170, %sub3A : i32
        %mul3A_214 = arith.constant 4 : i32
        %mul3A_215 = arith.muli %sub3A_213, %mul3A_214 : i32
        %add3A_216 = arith.addi %mul3A_2, %mul3A_215 : i32
        %dma_wait3A_217 = arith.constant 0 : i32
        %dma_wait3A_218 = tpu.memref_slice %arg11[%add3A_216, %dma_wait3A_217] : memref<4096x4096xf32, #tpu.memory_space<hbm>> -> memref<4x4096xf32, #tpu.memory_space<hbm>>
        %dma_wait3A_219 = arith.constant 0 : i32
        %dma_wait3A_220 = tpu.memref_slice %arg11[%add3A_216, %dma_wait3A_219] : memref<4096x4096xf32, #tpu.memory_space<hbm>> -> memref<4x4096xf32, #tpu.memory_space<hbm>>
        tpu.wait_dma2 semaphore(%arg25 : memref<!tpu.dma_semaphore, #tpu.memory_space<semaphore_mem>>) src(%arg18 : memref<4x4096xf32, #tpu.memory_space<vmem>>) dst(%dma_wait3A_220 : memref<4x4096xf32, #tpu.memory_space<hbm>>)
      } else {
      }
      %add3A_189 = arith.constant 1 : i32
      %add3A_190 = arith.addi %add3A_170, %add3A_189 : i32
      %lt3A_191 = arith.constant 32 : i32
      %lt3A_192 = arith.cmpi slt, %add3A_190, %lt3A_191 : i32
      %convert_element_type3A_193 = arith.extui %lt3A_192 : i1 to i32
      %cond3A_194 = arith.constant 0 : i32
      %cond3A_195 = arith.cmpi ne, %convert_element_type3A_193, %cond3A_194 : i32
      scf.if %cond3A_195 {
        %add3A_213 = arith.constant 1 : i32
        %add3A_214 = arith.addi %add3A_170, %add3A_213 : i32
        %mul3A_215 = arith.constant 4 : i32
        %mul3A_216 = arith.muli %add3A_214, %mul3A_215 : i32
        %add3A_217 = arith.addi %mul3A_2, %mul3A_216 : i32
        %dma_start3A_218 = arith.constant 0 : i32
        %dma_start3A_219 = tpu.memref_slice %arg2[%add3A_217, %dma_start3A_218] : memref<4096x4096xf32, #tpu.memory_space<hbm>> -> memref<4x4096xf32, #tpu.memory_space<hbm>>
        %dma_start3A_220 = arith.constant 0 : i32
        %dma_start3A_221 = tpu.memref_slice %arg2[%add3A_217, %dma_start3A_220] : memref<4096x4096xf32, #tpu.memory_space<hbm>> -> memref<4x4096xf32, #tpu.memory_space<hbm>>
        tpu.enqueue_dma source(%dma_start3A_221 : memref<4x4096xf32, #tpu.memory_space<hbm>>) target(%arg18 : memref<4x4096xf32, #tpu.memory_space<vmem>>) target_semaphore(%arg23 : memref<!tpu.dma_semaphore, #tpu.memory_space<semaphore_mem>>)
      } else {
      }
      %parallel_loop3A_196 = arith.constant 0 : i32
      %parallel_loop3A_197 = arith.constant 256 : i32
      %parallel_loop3A_198 = arith.constant 1 : i32
      scf.for %parallel_loop3A_213 = %parallel_loop3A_196 to %parallel_loop3A_197 step %parallel_loop3A_198  : i32 {
        %parallel_loop3A_214 = arith.constant 16 : i32
        %parallel_loop3A_215 = arith.muli %parallel_loop3A_213, %parallel_loop3A_214 : i32
        %parallel_loop3A_216 = arith.constant 0 : i32
        %parallel_loop3A_217 = arith.index_cast %parallel_loop3A_216 : i32 to index
        %parallel_loop3A_218 = arith.index_cast %parallel_loop3A_215 : i32 to index
        %parallel_loop3A_219 = tpu.vector_load %arg19[%parallel_loop3A_217, %parallel_loop3A_218] {strides = array<i32>} : memref<4x4096xf32, #tpu.memory_space<vmem>>, vector<16xf32>,
        tpu.vector_store %arg19[%parallel_loop3A_217, %parallel_loop3A_218], %broadcast_in_dim3A_99 {strides = array<i32>} : memref<4x4096xf32, #tpu.memory_space<vmem>>, vector<16xf32>,
        %parallel_loop3A_220 = arith.constant 16 : i32
        %parallel_loop3A_221 = arith.muli %parallel_loop3A_213, %parallel_loop3A_220 : i32
        %parallel_loop3A_222 = arith.constant 1 : i32
        %parallel_loop3A_223 = arith.index_cast %parallel_loop3A_222 : i32 to index
        %parallel_loop3A_224 = arith.index_cast %parallel_loop3A_221 : i32 to index
        %parallel_loop3A_225 = tpu.vector_load %arg19[%parallel_loop3A_223, %parallel_loop3A_224] {strides = array<i32>} : memref<4x4096xf32, #tpu.memory_space<vmem>>, vector<16xf32>,
        tpu.vector_store %arg19[%parallel_loop3A_223, %parallel_loop3A_224], %broadcast_in_dim3A_99 {strides = array<i32>} : memref<4x4096xf32, #tpu.memory_space<vmem>>, vector<16xf32>,
        %parallel_loop3A_226 = arith.constant 16 : i32
        %parallel_loop3A_227 = arith.muli %parallel_loop3A_213, %parallel_loop3A_226 : i32
        %parallel_loop3A_228 = arith.constant 2 : i32
        %parallel_loop3A_229 = arith.index_cast %parallel_loop3A_228 : i32 to index
        %parallel_loop3A_230 = arith.index_cast %parallel_loop3A_227 : i32 to index
        %parallel_loop3A_231 = tpu.vector_load %arg19[%parallel_loop3A_229, %parallel_loop3A_230] {strides = array<i32>} : memref<4x4096xf32, #tpu.memory_space<vmem>>, vector<16xf32>,
        tpu.vector_store %arg19[%parallel_loop3A_229, %parallel_loop3A_230], %broadcast_in_dim3A_99 {strides = array<i32>} : memref<4x4096xf32, #tpu.memory_space<vmem>>, vector<16xf32>,
        %parallel_loop3A_232 = arith.constant 16 : i32
        %parallel_loop3A_233 = arith.muli %parallel_loop3A_213, %parallel_loop3A_232 : i32
        %parallel_loop3A_234 = arith.constant 3 : i32
        %parallel_loop3A_235 = arith.index_cast %parallel_loop3A_234 : i32 to index
        %parallel_loop3A_236 = arith.index_cast %parallel_loop3A_233 : i32 to index
        %parallel_loop3A_237 = tpu.vector_load %arg19[%parallel_loop3A_235, %parallel_loop3A_236] {strides = array<i32>} : memref<4x4096xf32, #tpu.memory_space<vmem>>, vector<16xf32>,
        tpu.vector_store %arg19[%parallel_loop3A_235, %parallel_loop3A_236], %broadcast_in_dim3A_99 {strides = array<i32>} : memref<4x4096xf32, #tpu.memory_space<vmem>>, vector<16xf32>,
      } {sc.loop_unroll_factor = 8 : i64, sc.parallel_access}
      %parallel_loop3A_199 = arith.constant 0 : i32
      %parallel_loop3A_200 = arith.constant 1120 : i32
      %parallel_loop3A_201 = arith.constant 1 : i32
      scf.for %parallel_loop3A_213 = %parallel_loop3A_199 to %parallel_loop3A_200 step %parallel_loop3A_201  : i32 {
        %parallel_loop3A_214 = arith.constant 16 : i32
        %parallel_loop3A_215 = arith.muli %parallel_loop3A_213, %parallel_loop3A_214 : i32
        %parallel_loop3A_216 = arith.index_cast %parallel_loop3A_215 : i32 to index
        %parallel_loop3A_217 = tpu.vector_load %arg14[%parallel_loop3A_216] {strides = array<i32>} : memref<17920xi32, #tpu.memory_space<vmem>>, vector<16xi32>,
        %parallel_loop3A_218 = arith.constant 16 : i32
        %parallel_loop3A_219 = arith.muli %parallel_loop3A_213, %parallel_loop3A_218 : i32
        %parallel_loop3A_220 = arith.index_cast %parallel_loop3A_219 : i32 to index
        %parallel_loop3A_221 = tpu.vector_load %arg15[%parallel_loop3A_220] {strides = array<i32>} : memref<17920xf32, #tpu.memory_space<vmem>>, vector<16xf32>,
        %parallel_loop3A_222 = arith.constant 12 : i32
        %parallel_loop3A_223 = vector.broadcast %parallel_loop3A_222 : i32 to vector<16xi32>
        %parallel_loop3A_224 = arith.shrsi %parallel_loop3A_217, %parallel_loop3A_223 : vector<16xi32>
        %parallel_loop3A_225 = arith.constant 4095 : i32
        %parallel_loop3A_226 = vector.broadcast %parallel_loop3A_225 : i32 to vector<16xi32>
        %parallel_loop3A_227 = arith.andi %parallel_loop3A_217, %parallel_loop3A_226 : vector<16xi32>
        %parallel_loop3A_228 = tpu.vector_load_idx %arg20[%broadcast_in_dim3A_101, %parallel_loop3A_224] : memref<4x4096xf32, #tpu.memory_space<vmem>>[vector<16xi32>, vector<16xi32>], vector<16xf32>,
        %parallel_loop3A_229 = arith.mulf %parallel_loop3A_228, %parallel_loop3A_221 : vector<16xf32>
        tpu.vector_store_idx %arg19[%broadcast_in_dim3A_101, %parallel_loop3A_227], %parallel_loop3A_229 {add = true} : memref<4x4096xf32, #tpu.memory_space<vmem>>[vector<16xi32>, vector<16xi32>], vector<16xf32>,
        %parallel_loop3A_230 = tpu.vector_load_idx %arg20[%broadcast_in_dim3A_103, %parallel_loop3A_224] : memref<4x4096xf32, #tpu.memory_space<vmem>>[vector<16xi32>, vector<16xi32>], vector<16xf32>,
        %parallel_loop3A_231 = arith.mulf %parallel_loop3A_230, %parallel_loop3A_221 : vector<16xf32>
        tpu.vector_store_idx %arg19[%broadcast_in_dim3A_103, %parallel_loop3A_227], %parallel_loop3A_231 {add = true} : memref<4x4096xf32, #tpu.memory_space<vmem>>[vector<16xi32>, vector<16xi32>], vector<16xf32>,
        %parallel_loop3A_232 = tpu.vector_load_idx %arg20[%broadcast_in_dim3A_105, %parallel_loop3A_224] : memref<4x4096xf32, #tpu.memory_space<vmem>>[vector<16xi32>, vector<16xi32>], vector<16xf32>,
        %parallel_loop3A_233 = arith.mulf %parallel_loop3A_232, %parallel_loop3A_221 : vector<16xf32>
        tpu.vector_store_idx %arg19[%broadcast_in_dim3A_105, %parallel_loop3A_227], %parallel_loop3A_233 {add = true} : memref<4x4096xf32, #tpu.memory_space<vmem>>[vector<16xi32>, vector<16xi32>], vector<16xf32>,
        %parallel_loop3A_234 = tpu.vector_load_idx %arg20[%broadcast_in_dim3A_107, %parallel_loop3A_224] : memref<4x4096xf32, #tpu.memory_space<vmem>>[vector<16xi32>, vector<16xi32>], vector<16xf32>,
        %parallel_loop3A_235 = arith.mulf %parallel_loop3A_234, %parallel_loop3A_221 : vector<16xf32>
        tpu.vector_store_idx %arg19[%broadcast_in_dim3A_107, %parallel_loop3A_227], %parallel_loop3A_235 {add = true} : memref<4x4096xf32, #tpu.memory_space<vmem>>[vector<16xi32>, vector<16xi32>], vector<16xf32>,
      } {sc.loop_unroll_factor = 4 : i64, sc.parallel_access}
      %parallel_loop3A_202 = arith.constant 0 : i32
      %parallel_loop3A_203 = arith.constant 256 : i32
      %parallel_loop3A_204 = arith.constant 1 : i32
      scf.for %parallel_loop3A_213 = %parallel_loop3A_202 to %parallel_loop3A_203 step %parallel_loop3A_204  : i32 {
        %parallel_loop3A_214 = arith.constant 16 : i32
        %parallel_loop3A_215 = arith.muli %parallel_loop3A_213, %parallel_loop3A_214 : i32
        %parallel_loop3A_216 = arith.index_cast %parallel_loop3A_215 : i32 to index
        %parallel_loop3A_217 = tpu.vector_load %arg16[%parallel_loop3A_216] {strides = array<i32>} : memref<4096xf32, #tpu.memory_space<vmem>>, vector<16xf32>,
        %parallel_loop3A_218 = arith.constant 16 : i32
        %parallel_loop3A_219 = arith.muli %parallel_loop3A_213, %parallel_loop3A_218 : i32
        %parallel_loop3A_220 = arith.constant 0 : i32
        %parallel_loop3A_221 = arith.index_cast %parallel_loop3A_220 : i32 to index
        %parallel_loop3A_222 = arith.index_cast %parallel_loop3A_219 : i32 to index
        %parallel_loop3A_223 = tpu.vector_load %arg19[%parallel_loop3A_221, %parallel_loop3A_222] {strides = array<i32>} : memref<4x4096xf32, #tpu.memory_space<vmem>>, vector<16xf32>,
        %parallel_loop3A_224 = arith.mulf %parallel_loop3A_223, %get3A_98 : vector<16xf32>
        %parallel_loop3A_225 = arith.addf %parallel_loop3A_224, %parallel_loop3A_217 : vector<16xf32>
        %parallel_loop3A_226 = arith.constant 0.000000e+00 : f32
        %parallel_loop3A_227 = vector.broadcast %parallel_loop3A_226 : f32 to vector<16xf32>
        %parallel_loop3A_228 = arith.maximumf %parallel_loop3A_225, %parallel_loop3A_227 : vector<16xf32>
        %parallel_loop3A_229 = arith.constant 16 : i32
        %parallel_loop3A_230 = arith.muli %parallel_loop3A_213, %parallel_loop3A_229 : i32
        %parallel_loop3A_231 = arith.constant 0 : i32
        %parallel_loop3A_232 = arith.index_cast %parallel_loop3A_231 : i32 to index
        %parallel_loop3A_233 = arith.index_cast %parallel_loop3A_230 : i32 to index
        %parallel_loop3A_234 = tpu.vector_load %arg19[%parallel_loop3A_232, %parallel_loop3A_233] {strides = array<i32>} : memref<4x4096xf32, #tpu.memory_space<vmem>>, vector<16xf32>,
        tpu.vector_store %arg19[%parallel_loop3A_232, %parallel_loop3A_233], %parallel_loop3A_228 {strides = array<i32>} : memref<4x4096xf32, #tpu.memory_space<vmem>>, vector<16xf32>,
        %parallel_loop3A_235 = arith.constant 16 : i32
        %parallel_loop3A_236 = arith.muli %parallel_loop3A_213, %parallel_loop3A_235 : i32
        %parallel_loop3A_237 = arith.constant 1 : i32
        %parallel_loop3A_238 = arith.index_cast %parallel_loop3A_237 : i32 to index
        %parallel_loop3A_239 = arith.index_cast %parallel_loop3A_236 : i32 to index
        %parallel_loop3A_240 = tpu.vector_load %arg19[%parallel_loop3A_238, %parallel_loop3A_239] {strides = array<i32>} : memref<4x4096xf32, #tpu.memory_space<vmem>>, vector<16xf32>,
        %parallel_loop3A_241 = arith.mulf %parallel_loop3A_240, %get3A_98 : vector<16xf32>
        %parallel_loop3A_242 = arith.addf %parallel_loop3A_241, %parallel_loop3A_217 : vector<16xf32>
        %parallel_loop3A_243 = arith.constant 0.000000e+00 : f32
        %parallel_loop3A_244 = vector.broadcast %parallel_loop3A_243 : f32 to vector<16xf32>
        %parallel_loop3A_245 = arith.maximumf %parallel_loop3A_242, %parallel_loop3A_244 : vector<16xf32>
        %parallel_loop3A_246 = arith.constant 16 : i32
        %parallel_loop3A_247 = arith.muli %parallel_loop3A_213, %parallel_loop3A_246 : i32
        %parallel_loop3A_248 = arith.constant 1 : i32
        %parallel_loop3A_249 = arith.index_cast %parallel_loop3A_248 : i32 to index
        %parallel_loop3A_250 = arith.index_cast %parallel_loop3A_247 : i32 to index
        %parallel_loop3A_251 = tpu.vector_load %arg19[%parallel_loop3A_249, %parallel_loop3A_250] {strides = array<i32>} : memref<4x4096xf32, #tpu.memory_space<vmem>>, vector<16xf32>,
        tpu.vector_store %arg19[%parallel_loop3A_249, %parallel_loop3A_250], %parallel_loop3A_245 {strides = array<i32>} : memref<4x4096xf32, #tpu.memory_space<vmem>>, vector<16xf32>,
        %parallel_loop3A_252 = arith.constant 16 : i32
        %parallel_loop3A_253 = arith.muli %parallel_loop3A_213, %parallel_loop3A_252 : i32
        %parallel_loop3A_254 = arith.constant 2 : i32
        %parallel_loop3A_255 = arith.index_cast %parallel_loop3A_254 : i32 to index
        %parallel_loop3A_256 = arith.index_cast %parallel_loop3A_253 : i32 to index
        %parallel_loop3A_257 = tpu.vector_load %arg19[%parallel_loop3A_255, %parallel_loop3A_256] {strides = array<i32>} : memref<4x4096xf32, #tpu.memory_space<vmem>>, vector<16xf32>,
        %parallel_loop3A_258 = arith.mulf %parallel_loop3A_257, %get3A_98 : vector<16xf32>
        %parallel_loop3A_259 = arith.addf %parallel_loop3A_258, %parallel_loop3A_217 : vector<16xf32>
        %parallel_loop3A_260 = arith.constant 0.000000e+00 : f32
        %parallel_loop3A_261 = vector.broadcast %parallel_loop3A_260 : f32 to vector<16xf32>
        %parallel_loop3A_262 = arith.maximumf %parallel_loop3A_259, %parallel_loop3A_261 : vector<16xf32>
        %parallel_loop3A_263 = arith.constant 16 : i32
        %parallel_loop3A_264 = arith.muli %parallel_loop3A_213, %parallel_loop3A_263 : i32
        %parallel_loop3A_265 = arith.constant 2 : i32
        %parallel_loop3A_266 = arith.index_cast %parallel_loop3A_265 : i32 to index
        %parallel_loop3A_267 = arith.index_cast %parallel_loop3A_264 : i32 to index
        %parallel_loop3A_268 = tpu.vector_load %arg19[%parallel_loop3A_266, %parallel_loop3A_267] {strides = array<i32>} : memref<4x4096xf32, #tpu.memory_space<vmem>>, vector<16xf32>,
        tpu.vector_store %arg19[%parallel_loop3A_266, %parallel_loop3A_267], %parallel_loop3A_262 {strides = array<i32>} : memref<4x4096xf32, #tpu.memory_space<vmem>>, vector<16xf32>,
        %parallel_loop3A_269 = arith.constant 16 : i32
        %parallel_loop3A_270 = arith.muli %parallel_loop3A_213, %parallel_loop3A_269 : i32
        %parallel_loop3A_271 = arith.constant 3 : i32
        %parallel_loop3A_272 = arith.index_cast %parallel_loop3A_271 : i32 to index
        %parallel_loop3A_273 = arith.index_cast %parallel_loop3A_270 : i32 to index
        %parallel_loop3A_274 = tpu.vector_load %arg19[%parallel_loop3A_272, %parallel_loop3A_273] {strides = array<i32>} : memref<4x4096xf32, #tpu.memory_space<vmem>>, vector<16xf32>,
        %parallel_loop3A_275 = arith.mulf %parallel_loop3A_274, %get3A_98 : vector<16xf32>
        %parallel_loop3A_276 = arith.addf %parallel_loop3A_275, %parallel_loop3A_217 : vector<16xf32>
        %parallel_loop3A_277 = arith.constant 0.000000e+00 : f32
        %parallel_loop3A_278 = vector.broadcast %parallel_loop3A_277 : f32 to vector<16xf32>
        %parallel_loop3A_279 = arith.maximumf %parallel_loop3A_276, %parallel_loop3A_278 : vector<16xf32>
        %parallel_loop3A_280 = arith.constant 16 : i32
        %parallel_loop3A_281 = arith.muli %parallel_loop3A_213, %parallel_loop3A_280 : i32
        %parallel_loop3A_282 = arith.constant 3 : i32
        %parallel_loop3A_283 = arith.index_cast %parallel_loop3A_282 : i32 to index
        %parallel_loop3A_284 = arith.index_cast %parallel_loop3A_281 : i32 to index
        %parallel_loop3A_285 = tpu.vector_load %arg19[%parallel_loop3A_283, %parallel_loop3A_284] {strides = array<i32>} : memref<4x4096xf32, #tpu.memory_space<vmem>>, vector<16xf32>,
        tpu.vector_store %arg19[%parallel_loop3A_283, %parallel_loop3A_284], %parallel_loop3A_279 {strides = array<i32>} : memref<4x4096xf32, #tpu.memory_space<vmem>>, vector<16xf32>,
      } {sc.loop_unroll_factor = 8 : i64, sc.parallel_access}
      %mul3A_205 = arith.constant 4 : i32
      %mul3A_206 = arith.muli %add3A_170, %mul3A_205 : i32
      %add3A_207 = arith.addi %mul3A_2, %mul3A_206 : i32
      %dma_start3A_208 = arith.constant 0 : i32
      %dma_start3A_209 = tpu.memref_slice %arg11[%add3A_207, %dma_start3A_208] : memref<4096x4096xf32, #tpu.memory_space<hbm>> -> memref<4x4096xf32, #tpu.memory_space<hbm>>
      %dma_start3A_210 = arith.constant 0 : i32
      %dma_start3A_211 = tpu.memref_slice %arg11[%add3A_207, %dma_start3A_210] : memref<4096x4096xf32, #tpu.memory_space<hbm>> -> memref<4x4096xf32, #tpu.memory_space<hbm>>
      tpu.enqueue_dma source(%arg19 : memref<4x4096xf32, #tpu.memory_space<vmem>>) target(%dma_start3A_211 : memref<4x4096xf32, #tpu.memory_space<hbm>>) target_semaphore(%arg26 : memref<!tpu.dma_semaphore, #tpu.memory_space<semaphore_mem>>)
      %scan3A_212 = arith.constant 0 : i32
      scf.yield %scan3A_212 : i32
    }
    %scan3A_118 = arith.constant 16 : i32
    %add3A_119 = arith.constant 124 : i32
    %add3A_120 = arith.addi %mul3A_2, %add3A_119 : i32
    %dma_wait3A = arith.constant 0 : i32
    %dma_wait3A_121 = tpu.memref_slice %arg11[%add3A_120, %dma_wait3A] : memref<4096x4096xf32, #tpu.memory_space<hbm>> -> memref<4x4096xf32, #tpu.memory_space<hbm>>
    %dma_wait3A_122 = arith.constant 0 : i32
    %dma_wait3A_123 = tpu.memref_slice %arg11[%add3A_120, %dma_wait3A_122] : memref<4096x4096xf32, #tpu.memory_space<hbm>> -> memref<4x4096xf32, #tpu.memory_space<hbm>>
    tpu.wait_dma2 semaphore(%arg26 : memref<!tpu.dma_semaphore, #tpu.memory_space<semaphore_mem>>) src(%arg19 : memref<4x4096xf32, #tpu.memory_space<vmem>>) dst(%dma_wait3A_123 : memref<4x4096xf32, #tpu.memory_space<hbm>>)
    return
  }
}

</mosaic_0001>

<sc_bundles>
// kernel: gather_offload_async_start.1
scs
__scs_entry_jumppad:
0x0: {  	(pc) =	sbr.rel $0x88, $3  }
0x1: {  	(tag) =	ssettag $0x0;
	lr =	simm.s32 $0x1  }
0x2: {  	[smem:$0x3F98] =	sst lr;
	_ =	strace $0xD0000000  }
0x3: {  	_ = 	snop  }
0x4: {  	_ = 	snop  }
0x5: {  	_ = 	snop  }
0x6: {  	_ = 	snop  }
0x7: {  	_ = 	snop  }
__scs_overlays_trampoline_lowered:
0x8: {  	[smem:$0x3FA7] =	sst s0  }
0x9: {  	[smem:$0x3FA8] =	sst s1  }
0xa: {  	[smem:$0x3FA9] =	sst s2  }
0xb: {  	[smem:$0x3FAA] =	sst s3  }
0xc: {  	[smem:$0x3FAB] =	sst s4  }
0xd: {  	[smem:$0x3FAC] =	sst s5  }
0xe: {  	[smem:$0x3FAD] =	sst s6  }
0xf: {  	[smem:$0x3FAE] =	sst s7  }
0x10: {  	[smem:$0x3FAF] =	sst s8  }
0x11: {  	[smem:$0x3FB0] =	sst s9;
	s0 =	simm.s32 @!p0 $0x0  }
0x12: {  	s1 =	sld [smem:$0x3F96];
	s0 =	simm.s32 @p0 $0x1  }
0x13: {  	[smem:$0x3FB1] =	sst s0;
	s0 =	simm.s32 @!p1 $0x0  }
0x14: {  	s2 =	sld [smem:$0x3F95];
	s0 =	simm.s32 @p1 $0x1  }
0x15: {  	[smem:$0x3FB2] =	sst s0;
	s0 =	simm.s32 @!p2 $0x0  }
0x16: {  	s3 =	sld [smem:$0x3FDB];
	s0 =	simm.s32 @p2 $0x1  }
0x17: {  	s4 =	simm.s32 $0x1BF5;
	[smem:$0x3FB4] =	sst s0  }
0x18: {  	s0 =	sld [smem:$0x3F97];
	_ =	swait.ge [sflag:s4], $0x0  }
0x19: {  	s7 =	sld [smem:$0x3F98]  }
0x1a: {  	s8 =	sadd.s32 $0xFFFFE003, lr  }
0x1b: {  	s9 =	sadd.s32 $0xFFFFFEF7, lr;
	s5 =	simm.s32 $0xFFFFFFFF;
	p2 =	slt.u32 s8, $0xFFFFF086  }
0x1c: {  	p1 =	slt.u32 s9, $0xF7A;
	s5 =	simm.s32 @!p2 $0x0  }
0x1d: {  	s5 =	simm.s32 @p1 $0x1;
	p0 =	seq.s32 s7, s2  }
0x1e: {  	s7 =	smul.u32 @!p0 $0xF7A, s2;
	p2 =	seq.s32 @!p0 s5, $0x0  }
0x1f: {  	s9 =	smul.u32 $0xF7A, s1;
	s8 =	simm.s32 @!p0 $0x1BF5;
	p2 =	por !p2, p0  }
0x20: {  	[sflag:s8] =	ssyncset.s32 @!p0 $0xFFFFF086;
	s6 =	sadd.s32 @!p0 s3, s7;
	s7 =	simm.s32 @!p0 $0x108  }
0x21: {  	s3 =	sadd.s32 s3, s9;
	s6 =	sadd.s32 @!p0 $0x88, s6;
	s7 =	simm.s32 @p2 $0x1082  }
0x22: {  	[simem:s7], [sflag:s8] =	dma.local @!p0 [hbm:s6], $0xF7A  }
0x23: {  	s9 =	sor.u32 $0xD0000000, s2;
	s6 =	simm.s32 $0x108;
	_ =	swait.ge @!p0 [sflag:s8], $0x0  }
0x24: {  	s3 =	sadd.s32 $0x88, s3;
	s6 =	simm.s32 @!p1 $0x1082;
	[sflag:s4] =	ssyncset.s32 $0xFFFFF086  }
0x25: {  	[simem:s6], [sflag:s4] =	dma.local [hbm:s3], $0xF7A  }
0x26: {  	[smem:$0x3F98] =	sst s1;
	(tag) =	ssettag s2;
	_ =	strace s9  }
0x27: {  	s1 =	sld [smem:$0x3FA8]  }
0x28: {  	s2 =	sld [smem:$0x3FA9]  }
0x29: {  	s4 =	sld [smem:$0x3FAB]  }
0x2a: {  	p0 =	seq.s32 s5, $0x0;
	s5 =	sld [smem:$0x3FAC]  }
0x2b: {  	s6 =	sld [smem:$0x3FAD]  }
0x2c: {  	s7 =	sld [smem:$0x3FAE]  }
0x2d: {  	s3 =	simm.s32 $0x108;
	s8 =	sld [smem:$0x3FAF]  }
0x2e: {  	s3 =	simm.s32 @!p0 $0x1082;
	s9 =	sld [smem:$0x3FB0]  }
0x2f: {  	lr =	sadd.s32 s0, s3;
	s0 =	sld [smem:$0x3FA7]  }
0x30: {  	s3 =	sld [smem:$0x3FAA]  }
0x31: {  	[smem:$0x3FB3] =	sst s10  }
0x32: {  	s10 =	sld [smem:$0x3FB1];
	_ =	sdelay $0x3  }
0x33: {  	p0 =	seq.s32 s10, $0x1;
	s10 =	sld [smem:$0x3FB3];
	_ =	sdelay $0x3  }
0x34: {  	[smem:$0x3FB3] =	sst s10  }
0x35: {  	s10 =	sld [smem:$0x3FB2];
	_ =	sdelay $0x3  }
0x36: {  	p1 =	seq.s32 s10, $0x1;
	s10 =	sld [smem:$0x3FB3];
	_ =	sdelay $0x3  }
0x37: {  	[smem:$0x3FB3] =	sst s10  }
0x38: {  	s10 =	sld [smem:$0x3FB4]  }
0x39: {  	_ = 	snop;
	(pc) =	sbr.ind lr, $3  }
0x3a: {  	_ = 	snop  }
0x3b: {  	_ = 	snop  }
0x3c: {  	p2 =	seq.s32 s10, $0x1;
	s10 =	sld [smem:$0x3FB3]  }
0x3d: {  	_ =	shalt  }
0x3e: {  	_ =	shalt  }
0x3f: {  	_ =	shalt  }
0x40: {  	_ =	shalt  }
0x41: {  	_ =	shalt  }
0x42: {  	_ =	shalt  }
0x43: {  	_ =	shalt  }
0x44: {  	_ =	shalt  }
0x45: {  	_ =	shalt  }
0x46: {  	_ =	shalt  }
0x47: {  	_ =	shalt  }
0x48: {  	_ =	shalt  }
0x49: {  	_ =	shalt  }
0x4a: {  	_ =	shalt  }
0x4b: {  	_ =	shalt  }
0x4c: {  	_ =	shalt  }
0x4d: {  	_ =	shalt  }
0x4e: {  	_ =	shalt  }
0x4f: {  	_ =	shalt  }
0x50: {  	_ =	shalt  }
0x51: {  	_ =	shalt  }
0x52: {  	_ =	shalt  }
0x53: {  	_ =	shalt  }
0x54: {  	_ =	shalt  }
0x55: {  	_ =	shalt  }
0x56: {  	_ =	shalt  }
0x57: {  	_ =	shalt  }
0x58: {  	_ =	shalt  }
0x59: {  	_ =	shalt  }
0x5a: {  	_ =	shalt  }
0x5b: {  	_ =	shalt  }
0x5c: {  	_ =	shalt  }
0x5d: {  	_ =	shalt  }
0x5e: {  	_ =	shalt  }
0x5f: {  	_ =	shalt  }
0x60: {  	_ =	shalt  }
0x61: {  	_ =	shalt  }
0x62: {  	_ =	shalt  }
0x63: {  	_ =	shalt  }
0x64: {  	_ =	shalt  }
0x65: {  	_ =	shalt  }
0x66: {  	_ =	shalt  }
0x67: {  	_ =	shalt  }
0x68: {  	_ =	shalt  }
0x69: {  	_ =	shalt  }
0x6a: {  	_ =	shalt  }
0x6b: {  	_ =	shalt  }
0x6c: {  	_ =	shalt  }
0x6d: {  	_ =	shalt  }
0x6e: {  	_ =	shalt  }
0x6f: {  	_ =	shalt  }
0x70: {  	_ =	shalt  }
0x71: {  	_ =	shalt  }
0x72: {  	_ =	shalt  }
0x73: {  	_ =	shalt  }
0x74: {  	_ =	shalt  }
0x75: {  	_ =	shalt  }
0x76: {  	_ =	shalt  }
0x77: {  	_ =	shalt  }
0x78: {  	_ =	shalt  }
0x79: {  	_ =	shalt  }
0x7a: {  	_ =	shalt  }
0x7b: {  	_ =	shalt  }
0x7c: {  	_ =	shalt  }
0x7d: {  	_ =	shalt  }
0x7e: {  	_ =	shalt  }
0x7f: {  	_ =	shalt  }
0x80: {  	_ =	shalt  }
0x81: {  	_ =	shalt  }
0x82: {  	_ =	shalt  }
0x83: {  	_ =	shalt  }
0x84: {  	_ =	shalt  }
0x85: {  	_ =	shalt  }
0x86: {  	_ =	shalt  }
0x87: {  	_ =	shalt  }
.Lfunc_end0:
.L_simem_size_0:
called_computation.1_lowered:
.L_overlay_start_0:
0x88: {  	s2 =	sld [smem:$0x3FD9]  }
0x89: {  	s3 =	sld [smem:$0x3FFE];
	_ =	sdelay $0x1  }
0x8a: {  	s1 =	srdreg.scid  }
0x8b: {  	s0 =	sand.u32 $0x1, s1  }
0x8c: {  	s16 =	sshll.u32 s0, $0xA;
	s2 =	sadd.s32 s3, s2  }
0x8d: {  	s2 =	sadd.s32 s2, s16  }
0x8e: {  	[smem:$0x3FBF] =	sst s2  }
0x8f: {  	_ = 	snop  }
0x90: {  	(tm) =	ssettm $0x1  }
0x91: {  	s17 =	sld [smem:$0x3FFB];
	_ =	sdelay $0x3  }
0x92: {  	_ =	strace s17  }
0x93: {  	s2 =	sld [smem:$0x3FFC];
	_ =	sdelay $0x3  }
0x94: {  	_ =	strace s2  }
0x95: {  	s2 =	sld [smem:$0x3FFD];
	_ =	sdelay $0x3  }
0x96: {  	_ =	strace s2  }
0x97: {  	_ =	strace $0x8FFFFFFF  }
0x98: {  	s18 =	sld [smem:$0x3FDB];
	_ =	sdelay $0x1  }
0x99: {  	s19 =	simm.s32 $_scs_section_size  }
0x9a: {  	s4 =	simm.s32 $_size__tile_overlayer_lowered;
	s5 =	simm.s32 $_tile_overlayer_lowered  }
0x9b: {  	s22 =	simm.s32 $0x1BFF;
	s21 =	sshll.u32 s5, $0x1;
	s2 =	sadd.s32 s19, s18  }
0x9c: {  	s6 =	simm.s32 $0x0;
	s20 =	sshll.u32 s4, $0x1;
	s4 =	sadd.s32 s21, s2  }
0x9d: {  	[timem:s6], [sflag:s22] =	dma.local [hbm:s4], s20  }
0x9e: {  	_ =	swait.ge [sflag:s22], s20  }
0x9f: {  	s3 =	ssub.s32 $0x0, s20;
	[sflag:s22] =	ssyncset.done $0x0  }
0xa0: {  	[sflag:s22] =	ssyncadd.s32 s3;
	_ =	sdelay $0x1  }
0xa1: {  	s23 =	simm.s32 $0x1B8B  }
0xa2: {  	_ =	swait.ge [sflag:s23], $0x1  }
0xa3: {  	[sflag:s23] =	ssyncset.done $0x0  }
0xa4: {  	s25 =	simm.s32 $0x1B8E;
	s24 =	sld [smem:$0x3FFE];
	[sflag:s23] =	ssyncadd.s32 $0xFFFFFFFF  }
0xa5: {  	s26 =	simm.s32 $execute0_lowered;
	[smem:$0x3FD2] =	sst s25  }
0xa6: {  	s4 =	sshll.u32 s26, $0x1;
	_ =	strace $0x80000046;
	[dreg:$0x1] =	wrdreg $0xFFFFFFFF  }
0xa7: {  	s28 =	simm.s32 $_size_execute0_lowered;
	s2 =	sadd.s32 s2, s4;
	[dreg:$0x0] =	wrdreg $0x0  }
0xa8: {  	s4 =	sshll.u32 s28, $0x1;
	[dreg:$0x2] =	wrdreg s2  }
0xa9: {  	[dreg:$0x3] =	wrdreg s4  }
0xaa: {  	[dreg:$0x4] =	wrdreg $0xC0  }
0xab: {  	_ =	task [dreg:s6], $0x5FFFF  }
0xac: {  	[dreg:$0x1] =	wrdreg $0xFFFFFFFF  }
0xad: {  	[dreg:$0x0] =	wrdreg $0x60  }
0xae: {  	[dreg:$0x2] =	wrdreg s24  }
0xaf: {  	[dreg:$0x3] =	wrdreg $0x9  }
0xb0: {  	_ =	task.clear_ibuf [dreg:s6], $0x4FFFF;
	_ =	strace $0x90000046  }
0xb1: {  	s29 =	simm.s32 $0x9;
	_ =	strace $0x80000048  }
0xb2: {  	_ =	swait.ge [sflag:s29], $0x1  }
0xb3: {  	[sflag:s29] =	ssyncadd.s32 $0xFFFFFFFF  }
0xb4: {  	_ =	strace $0x90000048  }
0xb5: {  	_ =	sfence  }
0xb6: {  	s30 =	sld [smem:$0x0];
	_ =	sdelay $0x2  }
0xb7: {  	s31 =	sshll.u32 s1, $0xD;
	s1 =	sshrl.u32 s1, $0x2  }
0xb8: {  	s3 =	sand.u32 $0x4000, s31;
	s1 =	sadd.s32 s1, s30  }
0xb9: {  	s0 =	sor.u32 s3, s0;
	s1 =	sshll.u32 s1, $0x11  }
0xba: {  	s0 =	sor.u32 s1, s0  }
0xbb: {  	s0 =	sadd.s32 $0x8F2B, s0  }
0xbc: {  	[sflag:s0] =	ssyncadd.remote.s32 $0x1  }
0xbd: {  	_ =	sfence.sel $0xFFFF  }
0xbe: {  	[dreg:$0x0] =	wrdreg $0xFFFFFFFF;
	(pc) =	sbr.abs _section_cstart, $3  }
0xbf: {  	[dreg:$0x1] =	wrdreg $0xFFFFFFFF  }
0xc0: {  	_ =	task.clear_ibuf [dreg:s6], $0x2FFFF;
	_ =	strace $0x9FFFFFFF  }
0xc1: {  	(tm) =	ssettm $0x7FFFFFFF  }
tec
execute0_lowered:
.L_overlay_start_1:
0x0: {  	(tag) =	ssettag $0x1  }
0x1: {  	s8 =	rddreg [dreg:$0x0]  }
0x2: {  	s0 =	rddreg [dreg:$0x1];
	_ =	strace $0x80000047;
	s1 =	stileid.u32  }
0x3: {  	s3 =	srdreg.scid;
	s4 =	simm.s32 $0x1;
	s7 =	simm.s32 $0x1  }
0x4: {  	s9 =	simm.s32 $0x1;
	s10 =	simm.s32 $0x3;
	s13 =	simm.s32 $0x0  }
0x5: {  	s12 =	simm.s32 $0x0;
	s5 =	sand.u32 $0x1, s3;
	s6 =	sshll.u32 s1, $0x1  }
0x6: {  	s2 =	sadd.s32 $0x1600, s8;
	s3 =	sadd.s32 $0xA200, s8;
	s5 =	sor.u32 s6, s5  }
.Ltmp0:
0x7: {  	[sflag:s4] =	ssyncpa.u1 $0x0;
	p0 =	slt.u32 s5, $0x9;
	(pc) =	sbr.rel .LBB2_1-.Ltmp0, $4  }
0x8: {  	s6 =	simm.s32 $0x2;
	s7 =	simm.s32 @!p0 $0x0;
	p0 =	sne.s32 s5, $0x8  }
0x9: {  	[sflag:s6] =	ssyncpa.u1 $0x0;
	s5 =	smul.u32 $0x1C0, s5;
	s9 =	simm.s32 @!p0 $0x0  }
0xa: {  	s8 =	sadd.s32 $0xB600, s8;
	[sflag:s10] =	ssyncpa.u1 $0x0;
	s7 =	sadd.s32 s9, s7  }
0xb: {  	vm0 =	vmmov $0xffff;
	s10 =	simm.s32 $0x0;
	s11 =	smov.u32 s5;
	s9 =	sadd.s32 $0x1, s7  }
.LBB2_4:
0xc: {  	vm2 =	veq.s32 v2, $0x80000000;
	v4 =	vand.u32 $0xF, v4;
	v5 =	vor.u32 v6, v5  }
0xd: {  	v1 =	vand.u32 $0x7FFF, v1;
	v7 =	vshrl.u32 v2, $0xF;
	v56 =	vand.u32 $0x7FFF, v2  }
0xe: {  	v4 =	vsel vm1, $0xFFFFFFFF, v4;
	v3 =	vor.u32 v3, v5;
	v1 =	vsel vm1, $0xFFFFFFFF, v1  }
0xf: {  	vm1 =	vmmov vm2;
	v7 =	vand.u32 $0xF, v7;
	v54 =	vshrl.u32 v4, $0x3  }
0x10: {  	v4 =	vshll.u32 v4, $0x7;
	v55 =	vshll.u32 v1, $0x3;
	v57 =	vsel vm1, $0xFFFFFFFF, v7  }
0x11: {  	v2 =	vsel vm1, $0xFFFFFFFF, v56;
	v1 =	vand.u32 $0x7F, v1;
	v5 =	vmul.u32 $0x23000, v54  }
0x12: {  	v6 =	vand.u32 $0xFFFFFC00, v55;
	v4 =	vand.u32 $0x380, v4;
	v7 =	vshrl.u32 v57, $0x3  }
0x13: {  	v59 =	vshll.u32 v2, $0x3;
	v58 =	vmul.u32 $0x23000, v7;
	v5 =	vadd.s32 v6, v5  }
0x14: {  	v7 =	vand.u32 $0xFFFFFC00, v59;
	v6 =	vshll.u32 v57, $0x7;
	v4 =	vor.u32 v4, v5  }
0x15: {  	v60 =	vadd.s32 v7, v58;
	v61 =	vand.u32 $0x380, v6;
	v1 =	vor.u32 v1, v4  }
0x16: {  	[tilespmem:s16], [sflag:$0x1] =	stream.indirect_vreg.gather [hbm4b:s2+s10], $0x1, v0, vm0, $0x4038;
	v62 =	vand.u32 $0x7F, v2;
	v63 =	vor.u32 v61, v60;
	[tilespmem:$0x700] =	vst v63  }
0x17: {  	(ifvalue) =	ssetifvalue $0x7FFFFFFF;
	v0 =	vor.u32 v62, v63  }
0x18: {  	[tilespmem:s15], [sflag:$0x1] =	stream.indirect_vreg.gather [hbm4b:s2+s10], $0x1, v3, vm0, $0x4038;
	[tilespmem:$0x700] =	vst v63  }
0x19: {  	s29 =	sadd.s32 $0x10, s15;
	(ifvalue) =	ssetifvalue $0x7FFFFFFF  }
0x1a: {  	[tilespmem:s29], [sflag:$0x1] =	stream.indirect_vreg.gather [hbm4b:s2+s10], $0x1, v1, vm0, $0x4038;
	[tilespmem:$0x700] =	vst v63  }
0x1b: {  	s15 =	sadd.s32 $0x10, s29;
	(ifvalue) =	ssetifvalue $0x7FFFFFFF  }
0x1c: {  	[tilespmem:s15], [sflag:$0x1] =	stream.indirect_vreg.gather [hbm4b:s2+s10], $0x1, v0, vm0, $0x4038;
	[tilespmem:$0x700] =	vst v63  }
0x1d: {  	_ =	swait.ge [sflag:s4], $0x1C0  }
0x1e: {  	s30 =	sshrl.u32 s13, $0x3;
	[sflag:s4] =	ssyncset.done $0x0  }
0x1f: {  	s31 =	sand.u32 $0x7, s13;
	s15 =	sadd.s32 s8, s30;
	[sflag:s4] =	ssyncadd.s32 $0xFFFFFE40  }
0x20: {  	[hbm4b:s15+s31] =	stream.linear.scatter [tilespmem:s14], [sflag:$0x3], $0x1C0, $0x38;
	[tilespmem:$0x700] =	vst v63  }
.LBB2_5:
0x21: {  	s15 =	sadd.s32 $0x3800, s11  }
0x22: {  	p1 =	sgt.s32 s15, $0x45FF  }
0x23: {  	s15 =	smov.u32 @p1 s5;
	p1 =	sne.s32 s12, s9  }
.Ltmp1:
0x24: {  	p0 =	slt.u32 s12, $0x2;
	(pc) =	sbr.rel @!p1 .LBB2_6-.Ltmp1, $4  }
0x25: {  	s14 =	simm.s32 @!p0 $0x3  }
0x26: {  	_ =	swait.ge @!p0 [sflag:s14], $0x1C0  }
0x27: {  	s16 =	sadd.s32 $0x1, s12;
	s13 =	smov.u32 s11;
	[sflag:s14] =	ssyncset.done @!p0 $0x0  }
0x28: {  	s12 =	smov.u32 s16;
	s11 =	smov.u32 s15;
	[sflag:s14] =	ssyncadd.s32 @!p0 $0xFFFFFE40  }
.LBB2_1:
0x29: {  	p0 =	sge.u32 s12, s7  }
0x2a: {  	s14 =	sxor.u32 @!p0 $0x1, s12  }
0x2b: {  	s14 =	smul.u32 @!p0 $0x700, s14  }
0x2c: {  	s31 =	sadd.s32 $0xFFFFFFFF, s12;
	s15 =	sshrl.u32 @!p0 s11, $0x3  }
0x2d: {  	s16 =	sand.u32 @!p0 $0x7, s11;
	s15 =	sadd.s32 @!p0 s3, s15;
	s14 =	sshra.s32 @!p0 s14, $0x2  }
0x2e: {  	[tilespmem:s14], [sflag:$0x2] =	stream.linear.gather @!p0 [hbm4b:s15+s16], $0x1C0, $0x38;
	[tilespmem:$0x700] =	vst v63  }
0x2f: {  	p0 =	sge.u32 s31, s7  }
.Ltmp2:
0x30: {  	_ = 	snop;
	(pc) =	sbr.rel @p0 .LBB2_5-.Ltmp2, $1  }
0x31: {  	_ =	sdelay $0x3  }
0x32: {  	s14 =	sand.u32 $0x1, s12  }
0x33: {  	_ =	swait.ge [sflag:s6], $0x1C0;
	p0 =	seq.s32 s14, $0x1;
	s14 =	simm.s32 $0x1C0  }
0x34: {  	[sflag:s6] =	ssyncset.done $0x0;
	s14 =	simm.s32 @!p0 $0x0  }
0x35: {  	[sflag:s6] =	ssyncadd.s32 $0xFFFFFE40;
	(ifvalue) =	ssetifvalue $0x7FFFFFFF;
	v0 =	vld.msk [tilespmem:s14+$0x0 ss:$0x1], $0xffff;
	_ =	sdelay $0x2  }
0x36: {  	s15 =	sadd.s32 $0x10, s14  }
0x37: {  	v2 =	vld.msk [tilespmem:s15+$0x0 ss:$0x1], $0xffff  }
0x38: {  	vm1 =	veq.s32 v0, $0x80000000;
	v1 =	vshrl.u32 v0, $0xF  }
0x39: {  	vm1 =	vmmov vm1;
	v3 =	vand.u32 $0xF, v1  }
0x3a: {  	v0 =	vand.u32 $0x7FFF, v0;
	v3 =	vsel vm1, $0xFFFFFFFF, v3  }
0x3b: {  	s15 =	sadd.s32 $0x10, s15;
	v0 =	vsel vm1, $0xFFFFFFFF, v0;
	v4 =	vshrl.u32 v3, $0x3  }
0x3c: {  	v1 =	vld.msk [tilespmem:s15+$0x0 ss:$0x1], $0xffff;
	v6 =	vshrl.u32 v2, $0xF;
	v5 =	vshll.u32 v0, $0x3;
	v4 =	vmul.u32 $0x23000, v4  }
0x3d: {  	vm1 =	veq.s32 v2, $0x80000000;
	v3 =	vshll.u32 v3, $0x7;
	v5 =	vand.u32 $0xFFFFFC00, v5  }
0x3e: {  	v0 =	vand.u32 $0x7F, v0;
	v3 =	vand.u32 $0x380, v3;
	v4 =	vadd.s32 v5, v4  }
0x3f: {  	vm1 =	vmmov vm1;
	v5 =	vand.u32 $0xF, v6;
	v3 =	vor.u32 v3, v4  }
0x40: {  	v2 =	vand.u32 $0x7FFF, v2;
	v4 =	vsel vm1, $0xFFFFFFFF, v5;
	v0 =	vor.u32 v0, v3  }
0x41: {  	s15 =	sadd.s32 $0x10, s15;
	vm2 =	veq.s32 v1, $0x80000000;
	v3 =	vsel vm1, $0xFFFFFFFF, v2;
	v2 =	vshrl.u32 v4, $0x3  }
0x42: {  	s14 =	sadd.s32 $0x380, s14;
	v6 =	vshll.u32 v4, $0x7;
	v5 =	vmul.u32 $0x23000, v2;
	v4 =	vshll.u32 v3, $0x3;
	v2 =	vld.msk [tilespmem:s15+$0x0 ss:$0x1], $0xffff  }
0x43: {  	s17 =	simm.s32 $0x30;
	s16 =	smov.u32 s14;
	vm1 =	vmmov vm2;
	v3 =	vand.u32 $0x7F, v3;
	v7 =	vand.u32 $0xFFFFFC00, v4  }
0x44: {  	s18 =	sadd.s32 $0x10, s15;
	v6 =	vand.u32 $0x380, v6;
	(ifvalue) =	ssetifvalue $0x7FFFFFFF;
	s15 =	sadd.s32 $0x10, s14;
	v4 =	vshrl.u32 v1, $0xF;
	v5 =	vadd.s32 v7, v5  }
.LBB2_3:
0x45: {  	[tilespmem:s16], [sflag:$0x1] =	stream.indirect_vreg.gather [hbm4b:s2+s10], $0x1, v0, vm0, $0x4038;
	[tilespmem:$0x700] =	vst v63  }
0x46: {  	s17 =	sadd.s32 $0x10, s17  }
0x47: {  	vm2 =	veq.s32 v2, $0x80000000;
	v4 =	vand.u32 $0xF, v4;
	v5 =	vor.u32 v6, v5;
	v6 =	vmovc v2;
	v2 =	vld.msk [tilespmem:s18+$0x0 ss:$0x1], $0xffff;
	p0 =	slt.u32 s17, $0x1B0  }
.Ltmp3:
0x48: {  	v7 =	vand.u32 $0x7FFF, v1;
	s16 =	smov.u32 s15;
	v4 =	vsel vm1, $0xFFFFFFFF, v4;
	v0 =	vor.u32 v3, v5;
	v1 =	vmovc v6;
	(pc) =	sbr.rel @p0 .LBB2_3-.Ltmp3, $4  }
0x49: {  	v5 =	vsel vm1, $0xFFFFFFFF, v7;
	v6 =	vshrl.u32 v4, $0x3;
	v7 =	vshll.u32 v4, $0x7  }
0x4a: {  	v3 =	vand.u32 $0x7F, v5;
	v4 =	vshll.u32 v5, $0x3;
	v6 =	vmul.u32 $0x23000, v6  }
0x4b: {  	vm1 =	vmmov vm2;
	v5 =	vand.u32 $0xFFFFFC00, v4  }
0x4c: {  	s18 =	sadd.s32 $0x10, s18;
	s15 =	sadd.s32 $0x10, s15;
	v4 =	vshrl.u32 v1, $0xF;
	v5 =	vadd.s32 v5, v6;
	v6 =	vand.u32 $0x380, v7;
	(ifvalue) =	ssetifvalue $0x7FFFFFFF  }
.Ltmp4:
0x4d: {  	_ = 	snop;
	(pc) =	sbr.rel .LBB2_4-.Ltmp4, $1  }
0x4e: {  	_ =	sdelay $0x3  }
.LBB2_6:
0x4f: {  	_ =	sfence.sel $0x180000  }
0x50: {  	s2 =	simm.s32 $0x2;
	[bflag:$0x0] =	sbarrier.arrive $0xFFFF  }
0x51: {  	s30 =	simm.s32 $0x3;
	[sflag:s2] =	ssyncpa.u1 $0x1  }
0x52: {  	s31 =	simm.s32 $0x1;
	[sflag:s30] =	ssyncpa.u1 $0x1  }
0x53: {  	[sflag:s31] =	ssyncpa.u1 $0x1  }
0x54: {  	p0 =	sne.s32 s1, $0x0;
	_ =	strace $0x90000047  }
0x55: {  	s0 =	sadd.s32 @!p0 $0x100000, s0;
	[bflag:$0x2] =	sbarrier.arrive $0xFFFF  }
0x56: {  	[sflag:s0] =	ssyncadd.tile.s32 @!p0 $0x1;
	_ =	shalt  }
.Lfunc_end2:
_tile_overlayer_lowered:
.L_overlay_start_2:
0x57: {  	(tag) =	ssettag $0x2  }
0x58: {  	s0 =	rddreg [dreg:$0x0];
	s2 =	stileid.u32  }
0x59: {  	s1 =	rddreg [dreg:$0x1];
	p0 =	sne.s32 s2, $0x0  }
0x5a: {  	s3 =	rddreg [dreg:$0x2];
	[bflag:$0x3] =	sbarrier.arrive $0xFFFF;
	s2 =	simm.s32 @!p0 $0x1C01  }
0x5b: {  	[timem:s3], [sflag:s2] =	dma.local @!p0 [hbm:s0], s1  }
0x5c: {  	s0 =	simm.s32 @!p0 $0x1  }
0x5d: {  	_ =	swait.ge @!p0 [sflag:s0], s1  }
0x5e: {  	s1 =	ssub.s32 @!p0 $0x0, s1;
	[sflag:s0] =	ssyncset.done @!p0 $0x0  }
0x5f: {  	[sflag:s0] =	ssyncadd.s32 @!p0 s1  }
0x60: {  	[bflag:$0x3] =	sbarrier.arrive $0xFFFF  }
0x61: {  	_ =	shalt  }

// kernel: gather_offload_async_start
scs
__scs_entry_jumppad:
0x0: {  	(pc) =	sbr.rel $0x88, $3  }
0x1: {  	(tag) =	ssettag $0x0;
	lr =	simm.s32 $0x1  }
0x2: {  	[smem:$0x3F98] =	sst lr;
	_ =	strace $0xD0000000  }
0x3: {  	_ = 	snop  }
0x4: {  	_ = 	snop  }
0x5: {  	_ = 	snop  }
0x6: {  	_ = 	snop  }
0x7: {  	_ = 	snop  }
__scs_overlays_trampoline_lowered:
0x8: {  	[smem:$0x3FA7] =	sst s0  }
0x9: {  	[smem:$0x3FA8] =	sst s1  }
0xa: {  	[smem:$0x3FA9] =	sst s2  }
0xb: {  	[smem:$0x3FAA] =	sst s3  }
0xc: {  	[smem:$0x3FAB] =	sst s4  }
0xd: {  	[smem:$0x3FAC] =	sst s5  }
0xe: {  	[smem:$0x3FAD] =	sst s6  }
0xf: {  	[smem:$0x3FAE] =	sst s7  }
0x10: {  	[smem:$0x3FAF] =	sst s8  }
0x11: {  	[smem:$0x3FB0] =	sst s9;
	s0 =	simm.s32 @!p0 $0x0  }
0x12: {  	s1 =	sld [smem:$0x3F96];
	s0 =	simm.s32 @p0 $0x1  }
0x13: {  	[smem:$0x3FB1] =	sst s0;
	s0 =	simm.s32 @!p1 $0x0  }
0x14: {  	s2 =	sld [smem:$0x3F95];
	s0 =	simm.s32 @p1 $0x1  }
0x15: {  	[smem:$0x3FB2] =	sst s0;
	s0 =	simm.s32 @!p2 $0x0  }
0x16: {  	s3 =	sld [smem:$0x3FDB];
	s0 =	simm.s32 @p2 $0x1  }
0x17: {  	s4 =	simm.s32 $0x1BF5;
	[smem:$0x3FB4] =	sst s0  }
0x18: {  	s0 =	sld [smem:$0x3F97];
	_ =	swait.ge [sflag:s4], $0x0  }
0x19: {  	s7 =	sld [smem:$0x3F98]  }
0x1a: {  	s8 =	sadd.s32 $0xFFFFE003, lr  }
0x1b: {  	s9 =	sadd.s32 $0xFFFFFEF7, lr;
	s5 =	simm.s32 $0xFFFFFFFF;
	p2 =	slt.u32 s8, $0xFFFFF086  }
0x1c: {  	p1 =	slt.u32 s9, $0xF7A;
	s5 =	simm.s32 @!p2 $0x0  }
0x1d: {  	s5 =	simm.s32 @p1 $0x1;
	p0 =	seq.s32 s7, s2  }
0x1e: {  	s7 =	smul.u32 @!p0 $0xF7A, s2;
	p2 =	seq.s32 @!p0 s5, $0x0  }
0x1f: {  	s9 =	smul.u32 $0xF7A, s1;
	s8 =	simm.s32 @!p0 $0x1BF5;
	p2 =	por !p2, p0  }
0x20: {  	[sflag:s8] =	ssyncset.s32 @!p0 $0xFFFFF086;
	s6 =	sadd.s32 @!p0 s3, s7;
	s7 =	simm.s32 @!p0 $0x108  }
0x21: {  	s3 =	sadd.s32 s3, s9;
	s6 =	sadd.s32 @!p0 $0x88, s6;
	s7 =	simm.s32 @p2 $0x1082  }
0x22: {  	[simem:s7], [sflag:s8] =	dma.local @!p0 [hbm:s6], $0xF7A  }
0x23: {  	s9 =	sor.u32 $0xD0000000, s2;
	s6 =	simm.s32 $0x108;
	_ =	swait.ge @!p0 [sflag:s8], $0x0  }
0x24: {  	s3 =	sadd.s32 $0x88, s3;
	s6 =	simm.s32 @!p1 $0x1082;
	[sflag:s4] =	ssyncset.s32 $0xFFFFF086  }
0x25: {  	[simem:s6], [sflag:s4] =	dma.local [hbm:s3], $0xF7A  }
0x26: {  	[smem:$0x3F98] =	sst s1;
	(tag) =	ssettag s2;
	_ =	strace s9  }
0x27: {  	s1 =	sld [smem:$0x3FA8]  }
0x28: {  	s2 =	sld [smem:$0x3FA9]  }
0x29: {  	s4 =	sld [smem:$0x3FAB]  }
0x2a: {  	p0 =	seq.s32 s5, $0x0;
	s5 =	sld [smem:$0x3FAC]  }
0x2b: {  	s6 =	sld [smem:$0x3FAD]  }
0x2c: {  	s7 =	sld [smem:$0x3FAE]  }
0x2d: {  	s3 =	simm.s32 $0x108;
	s8 =	sld [smem:$0x3FAF]  }
0x2e: {  	s3 =	simm.s32 @!p0 $0x1082;
	s9 =	sld [smem:$0x3FB0]  }
0x2f: {  	lr =	sadd.s32 s0, s3;
	s0 =	sld [smem:$0x3FA7]  }
0x30: {  	s3 =	sld [smem:$0x3FAA]  }
0x31: {  	[smem:$0x3FB3] =	sst s10  }
0x32: {  	s10 =	sld [smem:$0x3FB1];
	_ =	sdelay $0x3  }
0x33: {  	p0 =	seq.s32 s10, $0x1;
	s10 =	sld [smem:$0x3FB3];
	_ =	sdelay $0x3  }
0x34: {  	[smem:$0x3FB3] =	sst s10  }
0x35: {  	s10 =	sld [smem:$0x3FB2];
	_ =	sdelay $0x3  }
0x36: {  	p1 =	seq.s32 s10, $0x1;
	s10 =	sld [smem:$0x3FB3];
	_ =	sdelay $0x3  }
0x37: {  	[smem:$0x3FB3] =	sst s10  }
0x38: {  	s10 =	sld [smem:$0x3FB4]  }
0x39: {  	_ = 	snop;
	(pc) =	sbr.ind lr, $3  }
0x3a: {  	_ = 	snop  }
0x3b: {  	_ = 	snop  }
0x3c: {  	p2 =	seq.s32 s10, $0x1;
	s10 =	sld [smem:$0x3FB3]  }
0x3d: {  	_ =	shalt  }
0x3e: {  	_ =	shalt  }
0x3f: {  	_ =	shalt  }
0x40: {  	_ =	shalt  }
0x41: {  	_ =	shalt  }
0x42: {  	_ =	shalt  }
0x43: {  	_ =	shalt  }
0x44: {  	_ =	shalt  }
0x45: {  	_ =	shalt  }
0x46: {  	_ =	shalt  }
0x47: {  	_ =	shalt  }
0x48: {  	_ =	shalt  }
0x49: {  	_ =	shalt  }
0x4a: {  	_ =	shalt  }
0x4b: {  	_ =	shalt  }
0x4c: {  	_ =	shalt  }
0x4d: {  	_ =	shalt  }
0x4e: {  	_ =	shalt  }
0x4f: {  	_ =	shalt  }
0x50: {  	_ =	shalt  }
0x51: {  	_ =	shalt  }
0x52: {  	_ =	shalt  }
0x53: {  	_ =	shalt  }
0x54: {  	_ =	shalt  }
0x55: {  	_ =	shalt  }
0x56: {  	_ =	shalt  }
0x57: {  	_ =	shalt  }
0x58: {  	_ =	shalt  }
0x59: {  	_ =	shalt  }
0x5a: {  	_ =	shalt  }
0x5b: {  	_ =	shalt  }
0x5c: {  	_ =	shalt  }
0x5d: {  	_ =	shalt  }
0x5e: {  	_ =	shalt  }
0x5f: {  	_ =	shalt  }
0x60: {  	_ =	shalt  }
0x61: {  	_ =	shalt  }
0x62: {  	_ =	shalt  }
0x63: {  	_ =	shalt  }
0x64: {  	_ =	shalt  }
0x65: {  	_ =	shalt  }
0x66: {  	_ =	shalt  }
0x67: {  	_ =	shalt  }
0x68: {  	_ =	shalt  }
0x69: {  	_ =	shalt  }
0x6a: {  	_ =	shalt  }
0x6b: {  	_ =	shalt  }
0x6c: {  	_ =	shalt  }
0x6d: {  	_ =	shalt  }
0x6e: {  	_ =	shalt  }
0x6f: {  	_ =	shalt  }
0x70: {  	_ =	shalt  }
0x71: {  	_ =	shalt  }
0x72: {  	_ =	shalt  }
0x73: {  	_ =	shalt  }
0x74: {  	_ =	shalt  }
0x75: {  	_ =	shalt  }
0x76: {  	_ =	shalt  }
0x77: {  	_ =	shalt  }
0x78: {  	_ =	shalt  }
0x79: {  	_ =	shalt  }
0x7a: {  	_ =	shalt  }
0x7b: {  	_ =	shalt  }
0x7c: {  	_ =	shalt  }
0x7d: {  	_ =	shalt  }
0x7e: {  	_ =	shalt  }
0x7f: {  	_ =	shalt  }
0x80: {  	_ =	shalt  }
0x81: {  	_ =	shalt  }
0x82: {  	_ =	shalt  }
0x83: {  	_ =	shalt  }
0x84: {  	_ =	shalt  }
0x85: {  	_ =	shalt  }
0x86: {  	_ =	shalt  }
0x87: {  	_ =	shalt  }
.Lfunc_end0:
.L_simem_size_0:
called_computation_lowered:
.L_overlay_start_0:
0x88: {  	s2 =	sld [smem:$0x3FD9]  }
0x89: {  	s3 =	sld [smem:$0x3FFE];
	_ =	sdelay $0x1  }
0x8a: {  	s1 =	srdreg.scid  }
0x8b: {  	s0 =	sand.u32 $0x1, s1  }
0x8c: {  	s17 =	sshll.u32 s0, $0xA;
	s2 =	sadd.s32 s3, s2  }
0x8d: {  	s2 =	sadd.s32 s2, s17  }
0x8e: {  	[smem:$0x3FBF] =	sst s2  }
0x8f: {  	_ = 	snop  }
0x90: {  	s2 =	sld [smem:$0x3FD0];
	(tm) =	ssettm $0x1  }
0x91: {  	s18 =	sld [smem:$0x3FFB];
	_ =	sdelay $0x3  }
0x92: {  	_ =	strace s18  }
0x93: {  	s3 =	sld [smem:$0x3FFC];
	_ =	sdelay $0x3  }
0x94: {  	_ =	strace s3  }
0x95: {  	s3 =	sld [smem:$0x3FFD];
	_ =	sdelay $0x3  }
0x96: {  	_ =	strace s3  }
0x97: {  	_ =	strace $0x8FFFFFFF  }
0x98: {  	s19 =	sld [smem:$0x3FDB];
	_ =	sdelay $0x1  }
0x99: {  	s4 =	simm.s32 $_scs_section_size  }
0x9a: {  	s5 =	simm.s32 $_size__tile_overlayer_lowered;
	s6 =	simm.s32 $_tile_overlayer_lowered  }
0x9b: {  	s22 =	simm.s32 $0x1BFF;
	s21 =	sshll.u32 s6, $0x1;
	s3 =	sadd.s32 s4, s19  }
0x9c: {  	s7 =	simm.s32 $0x0;
	s20 =	sshll.u32 s5, $0x1;
	s5 =	sadd.s32 s21, s3  }
0x9d: {  	[timem:s7], [sflag:s22] =	dma.local [hbm:s5], s20  }
0x9e: {  	_ =	swait.ge [sflag:s22], s20  }
0x9f: {  	s4 =	ssub.s32 $0x0, s20;
	[sflag:s22] =	ssyncset.done $0x0  }
0xa0: {  	[sflag:s22] =	ssyncadd.s32 s4;
	_ =	sdelay $0x1  }
0xa1: {  	s23 =	simm.s32 $0x1B8B  }
0xa2: {  	_ =	swait.ge [sflag:s23], $0x1  }
0xa3: {  	[sflag:s23] =	ssyncset.done $0x0  }
0xa4: {  	s25 =	simm.s32 $0x1B8E;
	s24 =	sld [smem:$0x3FFE];
	[sflag:s23] =	ssyncadd.s32 $0xFFFFFFFF  }
0xa5: {  	s26 =	simm.s32 $execute0_lowered;
	[smem:$0x3FD2] =	sst s25  }
0xa6: {  	s5 =	sshll.u32 s26, $0x1;
	_ =	strace $0x80000049;
	[dreg:$0x1] =	wrdreg $0xFFFFFFFF  }
0xa7: {  	s28 =	simm.s32 $_size_execute0_lowered;
	s3 =	sadd.s32 s3, s5;
	[dreg:$0x0] =	wrdreg $0x0  }
0xa8: {  	s5 =	sshll.u32 s28, $0x1;
	[dreg:$0x2] =	wrdreg s3  }
0xa9: {  	[dreg:$0x3] =	wrdreg s5  }
0xaa: {  	[dreg:$0x4] =	wrdreg $0xC0  }
0xab: {  	_ =	task [dreg:s7], $0x5FFFF  }
0xac: {  	[dreg:$0x1] =	wrdreg $0xFFFFFFFF  }
0xad: {  	[dreg:$0x0] =	wrdreg $0x60  }
0xae: {  	[dreg:$0x2] =	wrdreg s2  }
0xaf: {  	[dreg:$0x3] =	wrdreg s24  }
0xb0: {  	[dreg:$0x4] =	wrdreg $0x9  }
0xb1: {  	_ =	task.clear_ibuf [dreg:s7], $0x5FFFF;
	_ =	strace $0x90000049  }
0xb2: {  	s29 =	simm.s32 $0x9;
	_ =	strace $0x8000004B  }
0xb3: {  	_ =	swait.ge [sflag:s29], $0x1  }
0xb4: {  	[sflag:s29] =	ssyncadd.s32 $0xFFFFFFFF  }
0xb5: {  	_ =	strace $0x9000004B  }
0xb6: {  	_ =	sfence  }
0xb7: {  	s30 =	sld [smem:$0x0];
	_ =	sdelay $0x2  }
0xb8: {  	s31 =	sshll.u32 s1, $0xD;
	s1 =	sshrl.u32 s1, $0x2  }
0xb9: {  	s3 =	sand.u32 $0x4000, s31;
	s1 =	sadd.s32 s1, s30  }
0xba: {  	s0 =	sor.u32 s3, s0;
	s1 =	sshll.u32 s1, $0x11  }
0xbb: {  	s0 =	sor.u32 s1, s0  }
0xbc: {  	s0 =	sadd.s32 $0x8F2B, s0  }
0xbd: {  	[sflag:s0] =	ssyncadd.remote.s32 $0x1  }
0xbe: {  	_ =	sfence.sel $0xFFFF  }
0xbf: {  	[dreg:$0x0] =	wrdreg $0xFFFFFFFF;
	(pc) =	sbr.abs _section_cstart, $3  }
0xc0: {  	[dreg:$0x1] =	wrdreg $0xFFFFFFFF  }
0xc1: {  	_ =	task.clear_ibuf [dreg:s7], $0x2FFFF;
	_ =	strace $0x9FFFFFFF  }
0xc2: {  	(tm) =	ssettm $0x7FFFFFFF  }
0xc3: {  	_ =	shalt  }
tec
execute0_lowered:
.L_overlay_start_1:
0x0: {  	(tag) =	ssettag $0x1  }
0x1: {  	s2 =	rddreg [dreg:$0x0]  }
0x2: {  	s8 =	rddreg [dreg:$0x1]  }
0x3: {  	s0 =	rddreg [dreg:$0x2];
	s1 =	stileid.u32  }
0x4: {  	s3 =	srdreg.scid;
	_ =	strace $0x8000004A;
	s4 =	simm.s32 $0x1  }
0x5: {  	s7 =	simm.s32 $0x1;
	s9 =	simm.s32 $0x1;
	s10 =	simm.s32 $0x3  }
0x6: {  	s13 =	simm.s32 $0x0;
	s5 =	sand.u32 $0x1, s3;
	s6 =	sshll.u32 s1, $0x1  }
0x7: {  	s12 =	simm.s32 $0x0;
	s3 =	sadd.s32 $0xAC00, s8;
	s5 =	sor.u32 s6, s5  }
.Ltmp0:
0x8: {  	[sflag:s4] =	ssyncpa.u1 $0x0;
	p0 =	slt.u32 s5, $0x9;
	(pc) =	sbr.rel .LBB2_1-.Ltmp0, $4  }
0x9: {  	s6 =	simm.s32 $0x2;
	s7 =	simm.s32 @!p0 $0x0;
	p0 =	sne.s32 s5, $0x8  }
0xa: {  	[sflag:s6] =	ssyncpa.u1 $0x0;
	s5 =	smul.u32 $0x1C0, s5;
	s9 =	simm.s32 @!p0 $0x0  }
0xb: {  	s8 =	sadd.s32 $0xB600, s8;
	[sflag:s10] =	ssyncpa.u1 $0x0;
	s7 =	sadd.s32 s9, s7  }
0xc: {  	vm0 =	vmmov $0xffff;
	s10 =	simm.s32 $0x0;
	s11 =	smov.u32 s5;
	s9 =	sadd.s32 $0x1, s7  }
.LBB2_4:
0xd: {  	vm2 =	veq.s32 v2, $0x80000000;
	v4 =	vand.u32 $0xF, v4;
	v5 =	vor.u32 v6, v5  }
0xe: {  	v1 =	vand.u32 $0x7FFF, v1;
	v7 =	vshrl.u32 v2, $0xF;
	v56 =	vand.u32 $0x7FFF, v2  }
0xf: {  	v4 =	vsel vm1, $0xFFFFFFFF, v4;
	v3 =	vor.u32 v3, v5;
	v1 =	vsel vm1, $0xFFFFFFFF, v1  }
0x10: {  	vm1 =	vmmov vm2;
	v7 =	vand.u32 $0xF, v7;
	v54 =	vshrl.u32 v4, $0x3  }
0x11: {  	v4 =	vshll.u32 v4, $0x7;
	v55 =	vshll.u32 v1, $0x3;
	v57 =	vsel vm1, $0xFFFFFFFF, v7  }
0x12: {  	v2 =	vsel vm1, $0xFFFFFFFF, v56;
	v1 =	vand.u32 $0x7F, v1;
	v5 =	vmul.u32 $0x23000, v54  }
0x13: {  	v6 =	vand.u32 $0xFFFFFC00, v55;
	v4 =	vand.u32 $0x380, v4;
	v7 =	vshrl.u32 v57, $0x3  }
0x14: {  	v59 =	vshll.u32 v2, $0x3;
	v58 =	vmul.u32 $0x23000, v7;
	v5 =	vadd.s32 v6, v5  }
0x15: {  	v7 =	vand.u32 $0xFFFFFC00, v59;
	v6 =	vshll.u32 v57, $0x7;
	v4 =	vor.u32 v4, v5  }
0x16: {  	v60 =	vadd.s32 v7, v58;
	v61 =	vand.u32 $0x380, v6;
	v1 =	vor.u32 v1, v4  }
0x17: {  	[tilespmem:s16], [sflag:$0x1] =	stream.indirect_vreg.gather [hbm4b:s2+s10], $0x1, v0, vm0, $0x4038;
	v62 =	vand.u32 $0x7F, v2;
	v63 =	vor.u32 v61, v60;
	[tilespmem:$0x700] =	vst v63  }
0x18: {  	(ifvalue) =	ssetifvalue $0x7FFFFFFF;
	v0 =	vor.u32 v62, v63  }
0x19: {  	[tilespmem:s15], [sflag:$0x1] =	stream.indirect_vreg.gather [hbm4b:s2+s10], $0x1, v3, vm0, $0x4038;
	[tilespmem:$0x700] =	vst v63  }
0x1a: {  	s29 =	sadd.s32 $0x10, s15;
	(ifvalue) =	ssetifvalue $0x7FFFFFFF  }
0x1b: {  	[tilespmem:s29], [sflag:$0x1] =	stream.indirect_vreg.gather [hbm4b:s2+s10], $0x1, v1, vm0, $0x4038;
	[tilespmem:$0x700] =	vst v63  }
0x1c: {  	s15 =	sadd.s32 $0x10, s29;
	(ifvalue) =	ssetifvalue $0x7FFFFFFF  }
0x1d: {  	[tilespmem:s15], [sflag:$0x1] =	stream.indirect_vreg.gather [hbm4b:s2+s10], $0x1, v0, vm0, $0x4038;
	[tilespmem:$0x700] =	vst v63  }
0x1e: {  	_ =	swait.ge [sflag:s4], $0x1C0  }
0x1f: {  	s30 =	sshrl.u32 s13, $0x3;
	[sflag:s4] =	ssyncset.done $0x0  }
0x20: {  	s31 =	sand.u32 $0x7, s13;
	s15 =	sadd.s32 s8, s30;
	[sflag:s4] =	ssyncadd.s32 $0xFFFFFE40  }
0x21: {  	[hbm4b:s15+s31] =	stream.linear.scatter [tilespmem:s14], [sflag:$0x3], $0x1C0, $0x38;
	[tilespmem:$0x700] =	vst v63  }
.LBB2_5:
0x22: {  	s15 =	sadd.s32 $0x3800, s11  }
0x23: {  	p1 =	sgt.s32 s15, $0x45FF  }
0x24: {  	s15 =	smov.u32 @p1 s5;
	p1 =	sne.s32 s12, s9  }
.Ltmp1:
0x25: {  	p0 =	slt.u32 s12, $0x2;
	(pc) =	sbr.rel @!p1 .LBB2_6-.Ltmp1, $4  }
0x26: {  	s14 =	simm.s32 @!p0 $0x3  }
0x27: {  	_ =	swait.ge @!p0 [sflag:s14], $0x1C0  }
0x28: {  	s16 =	sadd.s32 $0x1, s12;
	s13 =	smov.u32 s11;
	[sflag:s14] =	ssyncset.done @!p0 $0x0  }
0x29: {  	s12 =	smov.u32 s16;
	s11 =	smov.u32 s15;
	[sflag:s14] =	ssyncadd.s32 @!p0 $0xFFFFFE40  }
.LBB2_1:
0x2a: {  	p0 =	sge.u32 s12, s7  }
0x2b: {  	s14 =	sxor.u32 @!p0 $0x1, s12  }
0x2c: {  	s14 =	smul.u32 @!p0 $0x700, s14  }
0x2d: {  	s31 =	sadd.s32 $0xFFFFFFFF, s12;
	s15 =	sshrl.u32 @!p0 s11, $0x3  }
0x2e: {  	s16 =	sand.u32 @!p0 $0x7, s11;
	s15 =	sadd.s32 @!p0 s3, s15;
	s14 =	sshra.s32 @!p0 s14, $0x2  }
0x2f: {  	[tilespmem:s14], [sflag:$0x2] =	stream.linear.gather @!p0 [hbm4b:s15+s16], $0x1C0, $0x38;
	[tilespmem:$0x700] =	vst v63  }
0x30: {  	p0 =	sge.u32 s31, s7  }
.Ltmp2:
0x31: {  	_ = 	snop;
	(pc) =	sbr.rel @p0 .LBB2_5-.Ltmp2, $1  }
0x32: {  	_ =	sdelay $0x3  }
0x33: {  	s14 =	sand.u32 $0x1, s12  }
0x34: {  	_ =	swait.ge [sflag:s6], $0x1C0;
	p0 =	seq.s32 s14, $0x1;
	s14 =	simm.s32 $0x1C0  }
0x35: {  	[sflag:s6] =	ssyncset.done $0x0;
	s14 =	simm.s32 @!p0 $0x0  }
0x36: {  	[sflag:s6] =	ssyncadd.s32 $0xFFFFFE40;
	(ifvalue) =	ssetifvalue $0x7FFFFFFF;
	v0 =	vld.msk [tilespmem:s14+$0x0 ss:$0x1], $0xffff;
	_ =	sdelay $0x2  }
0x37: {  	s15 =	sadd.s32 $0x10, s14  }
0x38: {  	v2 =	vld.msk [tilespmem:s15+$0x0 ss:$0x1], $0xffff  }
0x39: {  	vm1 =	veq.s32 v0, $0x80000000;
	v1 =	vshrl.u32 v0, $0xF  }
0x3a: {  	vm1 =	vmmov vm1;
	v3 =	vand.u32 $0xF, v1  }
0x3b: {  	v0 =	vand.u32 $0x7FFF, v0;
	v3 =	vsel vm1, $0xFFFFFFFF, v3  }
0x3c: {  	s15 =	sadd.s32 $0x10, s15;
	v0 =	vsel vm1, $0xFFFFFFFF, v0;
	v4 =	vshrl.u32 v3, $0x3  }
0x3d: {  	v1 =	vld.msk [tilespmem:s15+$0x0 ss:$0x1], $0xffff;
	v6 =	vshrl.u32 v2, $0xF;
	v5 =	vshll.u32 v0, $0x3;
	v4 =	vmul.u32 $0x23000, v4  }
0x3e: {  	vm1 =	veq.s32 v2, $0x80000000;
	v3 =	vshll.u32 v3, $0x7;
	v5 =	vand.u32 $0xFFFFFC00, v5  }
0x3f: {  	v0 =	vand.u32 $0x7F, v0;
	v3 =	vand.u32 $0x380, v3;
	v4 =	vadd.s32 v5, v4  }
0x40: {  	vm1 =	vmmov vm1;
	v5 =	vand.u32 $0xF, v6;
	v3 =	vor.u32 v3, v4  }
0x41: {  	v2 =	vand.u32 $0x7FFF, v2;
	v4 =	vsel vm1, $0xFFFFFFFF, v5;
	v0 =	vor.u32 v0, v3  }
0x42: {  	s15 =	sadd.s32 $0x10, s15;
	vm2 =	veq.s32 v1, $0x80000000;
	v3 =	vsel vm1, $0xFFFFFFFF, v2;
	v2 =	vshrl.u32 v4, $0x3  }
0x43: {  	s14 =	sadd.s32 $0x380, s14;
	v6 =	vshll.u32 v4, $0x7;
	v5 =	vmul.u32 $0x23000, v2;
	v4 =	vshll.u32 v3, $0x3;
	v2 =	vld.msk [tilespmem:s15+$0x0 ss:$0x1], $0xffff  }
0x44: {  	s17 =	simm.s32 $0x30;
	s16 =	smov.u32 s14;
	vm1 =	vmmov vm2;
	v3 =	vand.u32 $0x7F, v3;
	v7 =	vand.u32 $0xFFFFFC00, v4  }
0x45: {  	s18 =	sadd.s32 $0x10, s15;
	v6 =	vand.u32 $0x380, v6;
	(ifvalue) =	ssetifvalue $0x7FFFFFFF;
	s15 =	sadd.s32 $0x10, s14;
	v4 =	vshrl.u32 v1, $0xF;
	v5 =	vadd.s32 v7, v5  }
.LBB2_3:
0x46: {  	[tilespmem:s16], [sflag:$0x1] =	stream.indirect_vreg.gather [hbm4b:s2+s10], $0x1, v0, vm0, $0x4038;
	[tilespmem:$0x700] =	vst v63  }
0x47: {  	s17 =	sadd.s32 $0x10, s17  }
0x48: {  	vm2 =	veq.s32 v2, $0x80000000;
	v4 =	vand.u32 $0xF, v4;
	v5 =	vor.u32 v6, v5;
	v6 =	vmovc v2;
	v2 =	vld.msk [tilespmem:s18+$0x0 ss:$0x1], $0xffff;
	p0 =	slt.u32 s17, $0x1B0  }
.Ltmp3:
0x49: {  	v7 =	vand.u32 $0x7FFF, v1;
	s16 =	smov.u32 s15;
	v4 =	vsel vm1, $0xFFFFFFFF, v4;
	v0 =	vor.u32 v3, v5;
	v1 =	vmovc v6;
	(pc) =	sbr.rel @p0 .LBB2_3-.Ltmp3, $4  }
0x4a: {  	v5 =	vsel vm1, $0xFFFFFFFF, v7;
	v6 =	vshrl.u32 v4, $0x3;
	v7 =	vshll.u32 v4, $0x7  }
0x4b: {  	v3 =	vand.u32 $0x7F, v5;
	v4 =	vshll.u32 v5, $0x3;
	v6 =	vmul.u32 $0x23000, v6  }
0x4c: {  	vm1 =	vmmov vm2;
	v5 =	vand.u32 $0xFFFFFC00, v4  }
0x4d: {  	s18 =	sadd.s32 $0x10, s18;
	s15 =	sadd.s32 $0x10, s15;
	v4 =	vshrl.u32 v1, $0xF;
	v5 =	vadd.s32 v5, v6;
	v6 =	vand.u32 $0x380, v7;
	(ifvalue) =	ssetifvalue $0x7FFFFFFF  }
.Ltmp4:
0x4e: {  	_ = 	snop;
	(pc) =	sbr.rel .LBB2_4-.Ltmp4, $1  }
0x4f: {  	_ =	sdelay $0x3  }
.LBB2_6:
0x50: {  	_ =	sfence.sel $0x180000  }
0x51: {  	s2 =	simm.s32 $0x2;
	[bflag:$0x0] =	sbarrier.arrive $0xFFFF  }
0x52: {  	s30 =	simm.s32 $0x3;
	[sflag:s2] =	ssyncpa.u1 $0x1  }
0x53: {  	s31 =	simm.s32 $0x1;
	[sflag:s30] =	ssyncpa.u1 $0x1  }
0x54: {  	[sflag:s31] =	ssyncpa.u1 $0x1  }
0x55: {  	p0 =	sne.s32 s1, $0x0;
	_ =	strace $0x9000004A  }
0x56: {  	s0 =	sadd.s32 @!p0 $0x100000, s0;
	[bflag:$0x2] =	sbarrier.arrive $0xFFFF  }
0x57: {  	[sflag:s0] =	ssyncadd.tile.s32 @!p0 $0x1;
	_ =	shalt  }
.Lfunc_end2:
_tile_overlayer_lowered:
.L_overlay_start_2:
0x58: {  	(tag) =	ssettag $0x2  }
0x59: {  	s0 =	rddreg [dreg:$0x0];
	s2 =	stileid.u32  }
0x5a: {  	s1 =	rddreg [dreg:$0x1];
	p0 =	sne.s32 s2, $0x0  }
0x5b: {  	s3 =	rddreg [dreg:$0x2];
	[bflag:$0x3] =	sbarrier.arrive $0xFFFF;
	s2 =	simm.s32 @!p0 $0x1C01  }
0x5c: {  	[timem:s3], [sflag:s2] =	dma.local @!p0 [hbm:s0], s1  }
0x5d: {  	s0 =	simm.s32 @!p0 $0x1  }
0x5e: {  	_ =	swait.ge @!p0 [sflag:s0], s1  }
0x5f: {  	s1 =	ssub.s32 @!p0 $0x0, s1;
	[sflag:s0] =	ssyncset.done @!p0 $0x0  }
0x60: {  	[sflag:s0] =	ssyncadd.s32 @!p0 s1  }
0x61: {  	[bflag:$0x3] =	sbarrier.arrive $0xFFFF  }
0x62: {  	_ =	shalt  }

// kernel: kernel.3.cloned.1.call-start
scs
__scs_entry_jumppad:
0x0: {  	(pc) =	sbr.rel $0x88, $3  }
0x1: {  	(tag) =	ssettag $0x0;
	lr =	simm.s32 $0x1  }
0x2: {  	[smem:$0x3F98] =	sst lr;
	_ =	strace $0xD0000000  }
0x3: {  	_ = 	snop  }
0x4: {  	_ = 	snop  }
0x5: {  	_ = 	snop  }
0x6: {  	_ = 	snop  }
0x7: {  	_ = 	snop  }
__scs_overlays_trampoline_lowered:
0x8: {  	[smem:$0x3FA7] =	sst s0  }
0x9: {  	[smem:$0x3FA8] =	sst s1  }
0xa: {  	[smem:$0x3FA9] =	sst s2  }
0xb: {  	[smem:$0x3FAA] =	sst s3  }
0xc: {  	[smem:$0x3FAB] =	sst s4  }
0xd: {  	[smem:$0x3FAC] =	sst s5  }
0xe: {  	[smem:$0x3FAD] =	sst s6  }
0xf: {  	[smem:$0x3FAE] =	sst s7  }
0x10: {  	[smem:$0x3FAF] =	sst s8  }
0x11: {  	[smem:$0x3FB0] =	sst s9;
	s0 =	simm.s32 @!p0 $0x0  }
0x12: {  	s1 =	sld [smem:$0x3F96];
	s0 =	simm.s32 @p0 $0x1  }
0x13: {  	[smem:$0x3FB1] =	sst s0;
	s0 =	simm.s32 @!p1 $0x0  }
0x14: {  	s2 =	sld [smem:$0x3F95];
	s0 =	simm.s32 @p1 $0x1  }
0x15: {  	[smem:$0x3FB2] =	sst s0;
	s0 =	simm.s32 @!p2 $0x0  }
0x16: {  	s3 =	sld [smem:$0x3FDB];
	s0 =	simm.s32 @p2 $0x1  }
0x17: {  	s4 =	simm.s32 $0x1BF5;
	[smem:$0x3FB4] =	sst s0  }
0x18: {  	s0 =	sld [smem:$0x3F97];
	_ =	swait.ge [sflag:s4], $0x0  }
0x19: {  	s7 =	sld [smem:$0x3F98]  }
0x1a: {  	s8 =	sadd.s32 $0xFFFFE003, lr  }
0x1b: {  	s9 =	sadd.s32 $0xFFFFFEF7, lr;
	s5 =	simm.s32 $0xFFFFFFFF;
	p2 =	slt.u32 s8, $0xFFFFF086  }
0x1c: {  	p1 =	slt.u32 s9, $0xF7A;
	s5 =	simm.s32 @!p2 $0x0  }
0x1d: {  	s5 =	simm.s32 @p1 $0x1;
	p0 =	seq.s32 s7, s2  }
0x1e: {  	s7 =	smul.u32 @!p0 $0xF7A, s2;
	p2 =	seq.s32 @!p0 s5, $0x0  }
0x1f: {  	s9 =	smul.u32 $0xF7A, s1;
	s8 =	simm.s32 @!p0 $0x1BF5;
	p2 =	por !p2, p0  }
0x20: {  	[sflag:s8] =	ssyncset.s32 @!p0 $0xFFFFF086;
	s6 =	sadd.s32 @!p0 s3, s7;
	s7 =	simm.s32 @!p0 $0x108  }
0x21: {  	s3 =	sadd.s32 s3, s9;
	s6 =	sadd.s32 @!p0 $0x88, s6;
	s7 =	simm.s32 @p2 $0x1082  }
0x22: {  	[simem:s7], [sflag:s8] =	dma.local @!p0 [hbm:s6], $0xF7A  }
0x23: {  	s9 =	sor.u32 $0xD0000000, s2;
	s6 =	simm.s32 $0x108;
	_ =	swait.ge @!p0 [sflag:s8], $0x0  }
0x24: {  	s3 =	sadd.s32 $0x88, s3;
	s6 =	simm.s32 @!p1 $0x1082;
	[sflag:s4] =	ssyncset.s32 $0xFFFFF086  }
0x25: {  	[simem:s6], [sflag:s4] =	dma.local [hbm:s3], $0xF7A  }
0x26: {  	[smem:$0x3F98] =	sst s1;
	(tag) =	ssettag s2;
	_ =	strace s9  }
0x27: {  	s1 =	sld [smem:$0x3FA8]  }
0x28: {  	s2 =	sld [smem:$0x3FA9]  }
0x29: {  	s4 =	sld [smem:$0x3FAB]  }
0x2a: {  	p0 =	seq.s32 s5, $0x0;
	s5 =	sld [smem:$0x3FAC]  }
0x2b: {  	s6 =	sld [smem:$0x3FAD]  }
0x2c: {  	s7 =	sld [smem:$0x3FAE]  }
0x2d: {  	s3 =	simm.s32 $0x108;
	s8 =	sld [smem:$0x3FAF]  }
0x2e: {  	s3 =	simm.s32 @!p0 $0x1082;
	s9 =	sld [smem:$0x3FB0]  }
0x2f: {  	lr =	sadd.s32 s0, s3;
	s0 =	sld [smem:$0x3FA7]  }
0x30: {  	s3 =	sld [smem:$0x3FAA]  }
0x31: {  	[smem:$0x3FB3] =	sst s10  }
0x32: {  	s10 =	sld [smem:$0x3FB1];
	_ =	sdelay $0x3  }
0x33: {  	p0 =	seq.s32 s10, $0x1;
	s10 =	sld [smem:$0x3FB3];
	_ =	sdelay $0x3  }
0x34: {  	[smem:$0x3FB3] =	sst s10  }
0x35: {  	s10 =	sld [smem:$0x3FB2];
	_ =	sdelay $0x3  }
0x36: {  	p1 =	seq.s32 s10, $0x1;
	s10 =	sld [smem:$0x3FB3];
	_ =	sdelay $0x3  }
0x37: {  	[smem:$0x3FB3] =	sst s10  }
0x38: {  	s10 =	sld [smem:$0x3FB4]  }
0x39: {  	_ = 	snop;
	(pc) =	sbr.ind lr, $3  }
0x3a: {  	_ = 	snop  }
0x3b: {  	_ = 	snop  }
0x3c: {  	p2 =	seq.s32 s10, $0x1;
	s10 =	sld [smem:$0x3FB3]  }
0x3d: {  	_ =	shalt  }
0x3e: {  	_ =	shalt  }
0x3f: {  	_ =	shalt  }
0x40: {  	_ =	shalt  }
0x41: {  	_ =	shalt  }
0x42: {  	_ =	shalt  }
0x43: {  	_ =	shalt  }
0x44: {  	_ =	shalt  }
0x45: {  	_ =	shalt  }
0x46: {  	_ =	shalt  }
0x47: {  	_ =	shalt  }
0x48: {  	_ =	shalt  }
0x49: {  	_ =	shalt  }
0x4a: {  	_ =	shalt  }
0x4b: {  	_ =	shalt  }
0x4c: {  	_ =	shalt  }
0x4d: {  	_ =	shalt  }
0x4e: {  	_ =	shalt  }
0x4f: {  	_ =	shalt  }
0x50: {  	_ =	shalt  }
0x51: {  	_ =	shalt  }
0x52: {  	_ =	shalt  }
0x53: {  	_ =	shalt  }
0x54: {  	_ =	shalt  }
0x55: {  	_ =	shalt  }
0x56: {  	_ =	shalt  }
0x57: {  	_ =	shalt  }
0x58: {  	_ =	shalt  }
0x59: {  	_ =	shalt  }
0x5a: {  	_ =	shalt  }
0x5b: {  	_ =	shalt  }
0x5c: {  	_ =	shalt  }
0x5d: {  	_ =	shalt  }
0x5e: {  	_ =	shalt  }
0x5f: {  	_ =	shalt  }
0x60: {  	_ =	shalt  }
0x61: {  	_ =	shalt  }
0x62: {  	_ =	shalt  }
0x63: {  	_ =	shalt  }
0x64: {  	_ =	shalt  }
0x65: {  	_ =	shalt  }
0x66: {  	_ =	shalt  }
0x67: {  	_ =	shalt  }
0x68: {  	_ =	shalt  }
0x69: {  	_ =	shalt  }
0x6a: {  	_ =	shalt  }
0x6b: {  	_ =	shalt  }
0x6c: {  	_ =	shalt  }
0x6d: {  	_ =	shalt  }
0x6e: {  	_ =	shalt  }
0x6f: {  	_ =	shalt  }
0x70: {  	_ =	shalt  }
0x71: {  	_ =	shalt  }
0x72: {  	_ =	shalt  }
0x73: {  	_ =	shalt  }
0x74: {  	_ =	shalt  }
0x75: {  	_ =	shalt  }
0x76: {  	_ =	shalt  }
0x77: {  	_ =	shalt  }
0x78: {  	_ =	shalt  }
0x79: {  	_ =	shalt  }
0x7a: {  	_ =	shalt  }
0x7b: {  	_ =	shalt  }
0x7c: {  	_ =	shalt  }
0x7d: {  	_ =	shalt  }
0x7e: {  	_ =	shalt  }
0x7f: {  	_ =	shalt  }
0x80: {  	_ =	shalt  }
0x81: {  	_ =	shalt  }
0x82: {  	_ =	shalt  }
0x83: {  	_ =	shalt  }
0x84: {  	_ =	shalt  }
0x85: {  	_ =	shalt  }
0x86: {  	_ =	shalt  }
0x87: {  	_ =	shalt  }
.Lfunc_end0:
.L_simem_size_0:
called_computation.2_lowered:
.L_overlay_start_0:
0x88: {  	s2 =	sld [smem:$0x3FD9]  }
0x89: {  	s3 =	sld [smem:$0x3FFE];
	_ =	sdelay $0x1  }
0x8a: {  	s1 =	srdreg.scid  }
0x8b: {  	s0 =	sand.u32 $0x1, s1  }
0x8c: {  	s17 =	sshll.u32 s0, $0xA;
	s2 =	sadd.s32 s3, s2  }
0x8d: {  	s2 =	sadd.s32 s2, s17  }
0x8e: {  	[smem:$0x3FBF] =	sst s2  }
0x8f: {  	_ = 	snop  }
0x90: {  	s2 =	sld [smem:$0x3FC9]  }
0x91: {  	s18 =	sld [smem:$0x3FC5]  }
0x92: {  	s4 =	sld [smem:$0x3FD0];
	(tm) =	ssettm $0x1  }
0x93: {  	s5 =	sld [smem:$0x3FFB];
	_ =	sdelay $0x3  }
0x94: {  	_ =	strace s5  }
0x95: {  	s5 =	sld [smem:$0x3FFC];
	_ =	sdelay $0x3  }
0x96: {  	_ =	strace s5  }
0x97: {  	s5 =	sld [smem:$0x3FFD];
	_ =	sdelay $0x3  }
0x98: {  	_ =	strace s5  }
0x99: {  	_ =	strace $0x8FFFFFFF  }
0x9a: {  	s19 =	sld [smem:$0x3FDB];
	_ =	sdelay $0x1  }
0x9b: {  	s6 =	simm.s32 $_scs_section_size  }
0x9c: {  	s7 =	simm.s32 $_size__tile_overlayer_lowered;
	s8 =	simm.s32 $_tile_overlayer_lowered  }
0x9d: {  	s22 =	simm.s32 $0x1BFF;
	s21 =	sshll.u32 s8, $0x1;
	s5 =	sadd.s32 s6, s19  }
0x9e: {  	s9 =	simm.s32 $0x0;
	s20 =	sshll.u32 s7, $0x1;
	s7 =	sadd.s32 s21, s5  }
0x9f: {  	[timem:s9], [sflag:s22] =	dma.local [hbm:s7], s20  }
0xa0: {  	_ =	swait.ge [sflag:s22], s20  }
0xa1: {  	s6 =	ssub.s32 $0x0, s20;
	[sflag:s22] =	ssyncset.done $0x0  }
0xa2: {  	[sflag:s22] =	ssyncadd.s32 s6;
	_ =	sdelay $0x1  }
0xa3: {  	s23 =	simm.s32 $0x1B8B  }
0xa4: {  	_ =	swait.ge [sflag:s23], $0x1  }
0xa5: {  	[sflag:s23] =	ssyncset.done $0x0  }
0xa6: {  	s25 =	simm.s32 $0x1B8E;
	s24 =	sld [smem:$0x3FFE];
	[sflag:s23] =	ssyncadd.s32 $0xFFFFFFFF  }
0xa7: {  	s26 =	simm.s32 $execute0_lowered;
	[smem:$0x3FD2] =	sst s25  }
0xa8: {  	s7 =	sshll.u32 s26, $0x1;
	_ =	strace $0x8000004C;
	[dreg:$0x1] =	wrdreg $0xFFFFFFFF  }
0xa9: {  	s28 =	simm.s32 $_size_execute0_lowered;
	s5 =	sadd.s32 s5, s7;
	[dreg:$0x0] =	wrdreg $0x0  }
0xaa: {  	s7 =	sshll.u32 s28, $0x1;
	[dreg:$0x2] =	wrdreg s5  }
0xab: {  	[dreg:$0x3] =	wrdreg s7  }
0xac: {  	[dreg:$0x4] =	wrdreg $0xC0  }
0xad: {  	_ =	task [dreg:s9], $0x5FFFF  }
0xae: {  	[dreg:$0x1] =	wrdreg $0xFFFFFFFF  }
0xaf: {  	[dreg:$0x0] =	wrdreg $0x60  }
0xb0: {  	[dreg:$0x2] =	wrdreg s2  }
0xb1: {  	[dreg:$0x3] =	wrdreg s24  }
0xb2: {  	[dreg:$0x4] =	wrdreg s18  }
0xb3: {  	[dreg:$0x5] =	wrdreg s4  }
0xb4: {  	[dreg:$0x6] =	wrdreg $0x9  }
0xb5: {  	_ =	task.clear_ibuf [dreg:s9], $0x7FFFF;
	_ =	strace $0x9000004C  }
0xb6: {  	s29 =	simm.s32 $0x9;
	_ =	strace $0x8000004E  }
0xb7: {  	_ =	swait.ge [sflag:s29], $0x1  }
0xb8: {  	[sflag:s29] =	ssyncadd.s32 $0xFFFFFFFF  }
0xb9: {  	_ =	strace $0x9000004E  }
0xba: {  	_ =	sfence  }
0xbb: {  	s30 =	sld [smem:$0x0];
	_ =	sdelay $0x2  }
0xbc: {  	s31 =	sshll.u32 s1, $0xD;
	s1 =	sshrl.u32 s1, $0x2  }
0xbd: {  	s3 =	sand.u32 $0x4000, s31;
	s1 =	sadd.s32 s1, s30  }
0xbe: {  	s0 =	sor.u32 s3, s0;
	s1 =	sshll.u32 s1, $0x11  }
0xbf: {  	s0 =	sor.u32 s1, s0  }
0xc0: {  	s0 =	sadd.s32 $0x8F2B, s0  }
0xc1: {  	[sflag:s0] =	ssyncadd.remote.s32 $0x1  }
0xc2: {  	_ =	sfence.sel $0xFFFF  }
0xc3: {  	[dreg:$0x0] =	wrdreg $0xFFFFFFFF;
	(pc) =	sbr.abs _section_cstart, $3  }
0xc4: {  	[dreg:$0x1] =	wrdreg $0xFFFFFFFF  }
0xc5: {  	_ =	task.clear_ibuf [dreg:s9], $0x2FFFF;
	_ =	strace $0x9FFFFFFF  }
0xc6: {  	(tm) =	ssettm $0x7FFFFFFF  }
0xc7: {  	_ =	shalt  }
tec
execute0_lowered:
.L_overlay_start_1:
0x0: {  	(tag) =	ssettag $0x1  }
0x1: {  	s1 =	rddreg [dreg:$0x0]  }
0x2: {  	s0 =	rddreg [dreg:$0x1]  }
0x3: {  	s3 =	rddreg [dreg:$0x3];
	s4 =	simm.s32 $0x0  }
0x4: {  	[smem:$0x7FF] =	sst s4;
	s2 =	sadd.s32 $0xCA00, s0  }
0x5: {  	s21 =	sadd.s32 $0x200, s0;
	_ =	strace $0x8000004D;
	[dreg:$0x5] =	wrdreg s2  }
0x6: {  	s22 =	sadd.s32 $0x2000, s0;
	[dreg:$0x6] =	wrdreg s21  }
0x7: {  	s5 =	sadd.s32 $0xC000, s0;
	[dreg:$0x7] =	wrdreg s22  }
0x8: {  	s24 =	sadd.s32 $0xC00, s0;
	[dreg:$0x8] =	wrdreg s5  }
0x9: {  	s25 =	sadd.s32 $0x1600, s0;
	[dreg:$0x9] =	wrdreg s24  }
0xa: {  	s8 =	sadd.s32 $0x2A00, s0;
	[dreg:$0xa] =	wrdreg s25  }
0xb: {  	s30 =	sadd.s32 $0x2118, s0;
	[dreg:$0xb] =	wrdreg s8  }
0xc: {  	s9 =	sadd.s32 $0x2230, s0;
	[dreg:$0xc] =	wrdreg s30  }
0xd: {  	s10 =	sadd.s32 $0xCC30, s0;
	[dreg:$0xf] =	wrdreg s9  }
0xe: {  	s11 =	sadd.s32 $0x430, s0;
	[dreg:$0x10] =	wrdreg s10  }
0xf: {  	s12 =	sadd.s32 $0x2348, s0;
	[dreg:$0x11] =	wrdreg s11  }
0x10: {  	s13 =	sadd.s32 $0xCD48, s0;
	[dreg:$0x12] =	wrdreg s12  }
0x11: {  	s14 =	sadd.s32 $0x548, s0;
	[dreg:$0x13] =	wrdreg s13  }
0x12: {  	s15 =	sadd.s32 $0x2460, s0;
	[dreg:$0x14] =	wrdreg s14  }
0x13: {  	s16 =	sadd.s32 $0xCE60, s0;
	[dreg:$0x15] =	wrdreg s15  }
0x14: {  	s17 =	sadd.s32 $0x660, s0;
	[dreg:$0x16] =	wrdreg s16  }
0x15: {  	s18 =	sadd.s32 $0x2578, s0;
	[dreg:$0x17] =	wrdreg s17  }
0x16: {  	s19 =	sadd.s32 $0xCF78, s0;
	[dreg:$0x18] =	wrdreg s18  }
0x17: {  	s20 =	sadd.s32 $0x778, s0;
	[dreg:$0x19] =	wrdreg s19  }
0x18: {  	s8 =	sadd.s32 $0x318, s0;
	[dreg:$0x1a] =	wrdreg s20  }
0x19: {  	s21 =	sadd.s32 $0x2690, s0;
	[dreg:$0xe] =	wrdreg s8  }
0x1a: {  	s23 =	srdreg.scid;
	s22 =	sadd.s32 $0xD090, s0;
	[dreg:$0x1b] =	wrdreg s21  }
0x1b: {  	s2 =	sand.u32 $0x1, s23;
	s23 =	sadd.s32 $0x890, s0;
	[dreg:$0x1c] =	wrdreg s22  }
0x1c: {  	s24 =	sadd.s32 $0x27A8, s0;
	[dreg:$0x1d] =	wrdreg s23  }
0x1d: {  	s25 =	sadd.s32 $0xD1A8, s0;
	[dreg:$0x1e] =	wrdreg s24  }
0x1e: {  	s30 =	sadd.s32 $0x1718, s0;
	[dreg:$0x1f] =	wrdreg s25  }
0x1f: {  	s9 =	sadd.s32 $0x1830, s0;
	[smem:$0x7E8] =	sst s30  }
0x20: {  	s10 =	sadd.s32 $0xC230, s0;
	[smem:$0x7EB] =	sst s9  }
0x21: {  	s11 =	sadd.s32 $0xE30, s0;
	[smem:$0x7EC] =	sst s10  }
0x22: {  	s12 =	sadd.s32 $0x1948, s0;
	[smem:$0x7ED] =	sst s11  }
0x23: {  	s13 =	sadd.s32 $0xC348, s0;
	[smem:$0x7EE] =	sst s12  }
0x24: {  	s14 =	sadd.s32 $0xF48, s0;
	[smem:$0x7EF] =	sst s13  }
0x25: {  	s15 =	sadd.s32 $0x1A60, s0;
	[smem:$0x7F0] =	sst s14  }
0x26: {  	s16 =	sadd.s32 $0xC460, s0;
	[smem:$0x7F1] =	sst s15  }
0x27: {  	s17 =	sadd.s32 $0x1060, s0;
	[smem:$0x7F2] =	sst s16  }
0x28: {  	s7 =	stileid.u32;
	s18 =	sadd.s32 $0x1B78, s0;
	[smem:$0x7F3] =	sst s17  }
0x29: {  	s7 =	sshll.u32 s7, $0x8;
	s19 =	sadd.s32 $0xC578, s0;
	[smem:$0x7F4] =	sst s18  }
0x2a: {  	s20 =	sadd.s32 $0x1178, s0;
	s26 =	ssub.s32 $0x2, s2;
	[smem:$0x7F5] =	sst s19  }
0x2b: {  	s2 =	sshll.u32 s2, $0x7;
	s8 =	sadd.s32 $0xD18, s0;
	[smem:$0x7F6] =	sst s20  }
0x2c: {  	s21 =	sadd.s32 $0x1C90, s0;
	s22 =	sadd.s32 $0xC690, s0;
	s23 =	sadd.s32 $0x1290, s0  }
0x2d: {  	s24 =	sadd.s32 $0x1DA8, s0;
	s25 =	sadd.s32 $0xC7A8, s0;
	s9 =	simm.s32 $0xD200  }
0x2e: {  	s10 =	simm.s32 $0x200;
	s11 =	simm.s32 $0x400;
	s12 =	simm.s32 $0x12880  }
0x2f: {  	s13 =	simm.s32 $0x1;
	s14 =	simm.s32 $0x1A880;
	[smem:$0x7EA] =	sst s8  }
0x30: {  	s15 =	simm.s32 $0x16880;
	s16 =	simm.s32 $0x2;
	[smem:$0x7F7] =	sst s21  }
0x31: {  	s17 =	simm.s32 $0x3;
	s18 =	simm.s32 $0x4;
	[smem:$0x7F8] =	sst s22  }
0x32: {  	s19 =	simm.s32 $0x0;
	s6 =	sshrl.u32 s26, $0x1;
	[smem:$0x7F9] =	sst s23  }
0x33: {  	s2 =	sor.u32 s2, s7;
	s7 =	sadd.s32 $0xCB18, s0;
	[smem:$0x7FA] =	sst s24  }
0x34: {  	[smem:$0x7FB] =	sst s25;
	s8 =	simm.s32 $0x5;
	s5 =	ssub.s32 s26, s6  }
0x35: {  	[dreg:$0xd] =	wrdreg s7;
	s26 =	sadd.s32 $0x9A8, s0;
	s7 =	sadd.s32 $0xC118, s0  }
0x36: {  	s0 =	sadd.s32 $0x13A8, s0;
	s28 =	sshrl.u32 s2, $0x3;
	[smem:$0x7E7] =	sst s26  }
0x37: {  	s6 =	simm.s32 $0x4600;
	[smem:$0x7E9] =	sst s7;
	s26 =	sshll.u32 s2, $0x9  }
0x38: {  	[smem:$0x7FC] =	sst s0;
	s30 =	smax.u32 s5, $0x1;
	s2 =	simm.s32 $0x1E880  }
0x39: {  	s5 =	simm.s32 $0x1F180;
	s7 =	simm.s32 $0x8C00;
	s29 =	sadd.s32 s1, s26  }
0x3a: {  	v0 =	vimm.f32 $0.0e+00;
	[smem:$0x7FD] =	sst s30;
	s31 =	sor.u32 $0x40, s26;
	s0 =	sadd.s32 $0x1000, s29  }
.LBB2_1:
0x3b: {  	s20 =	rddreg [dreg:$0x2];
	s21 =	simm.s32 $0x11800  }
0x3c: {  	[tilespmem:s21], [sflag:$0x5] =	stream.linear.gather [hbm4b:s20+s4], $0x1000, $0x38;
	[tilespmem:$0x1FA80] =	vst v63  }
0x3d: {  	_ =	swait.ge [sflag:s8], $0x1000  }
0x3e: {  	[sflag:s8] =	ssyncset.done $0x0  }
0x3f: {  	s24 =	simm.s32 $0x12800;
	s23 =	rddreg [dreg:$0xb];
	[sflag:s8] =	ssyncadd.s32 $0xFFFFF000  }
0x40: {  	[tilespmem:s24], [sflag:$0x5] =	stream.linear.gather [hbm4b:s23+s4], $0x80, $0x38;
	[tilespmem:$0x1FA80] =	vst v63  }
0x41: {  	_ =	swait.ge [sflag:s8], $0x80  }
0x42: {  	[sflag:s8] =	ssyncset.done $0x0  }
0x43: {  	s25 =	rddreg [dreg:$0x7];
	[sflag:s8] =	ssyncadd.s32 $0xFFFFFF80  }
0x44: {  	[tilespmem:s2], [sflag:$0x5] =	stream.linear.gather [hbm4b:s25+s4], $0x8C0, $0x38;
	[tilespmem:$0x1FA80] =	vst v63  }
0x45: {  	_ =	swait.ge [sflag:s8], $0x8C0  }
0x46: {  	[sflag:s8] =	ssyncset.done $0x0  }
0x47: {  	s26 =	rddreg [dreg:$0x5];
	[sflag:s8] =	ssyncadd.s32 $0xFFFFF740  }
0x48: {  	[tilespmem:s5], [sflag:$0x5] =	stream.linear.gather [hbm4b:s26+s4], $0x8C0, $0x38;
	[tilespmem:$0x1FA80] =	vst v63  }
0x49: {  	_ =	swait.ge [sflag:s8], $0x8C0  }
0x4a: {  	[sflag:s8] =	ssyncset.done $0x0  }
0x4b: {  	s30 =	simm.s32 $0x1E8A0;
	[sflag:s8] =	ssyncadd.s32 $0xFFFFF740  }
0x4c: {  	v1 =	vld [tilespmem:s30+$0x10]  }
0x4d: {  	v5 =	vld [tilespmem:s30+$0xFFFFFFF0]  }
0x4e: {  	s20 =	simm.s32 $0x1F1A0;
	v3 =	vld [tilespmem:s30+$0x0]  }
0x4f: {  	v7 =	vld [tilespmem:s20+$0x10]  }
0x50: {  	v2 =	vld [tilespmem:s30+$0xFFFFFFE0]  }
0x51: {  	v4 =	vld [tilespmem:s20+$0xFFFFFFE0]  }
0x52: {  	v8 =	vld [tilespmem:s20+$0xFFFFFFF0]  }
0x53: {  	s22 =	simm.s32 $0x1E8E0;
	s21 =	simm.s32 $0x0;
	v6 =	vld [tilespmem:s20+$0x0]  }
.LBB2_2:
0x54: {  	s21 =	sadd.s32 $0x4, s21;
	[tilespmem:v1+s4+$0x0] =	vst.idx.msk $0xffff, v7;
	v1 =	vld [tilespmem:s22+$0x10]  }
0x55: {  	v9 =	vld [tilespmem:s22+$0xFFFFFFF0];
	p0 =	slt.u32 s21, $0x88  }
0x56: {  	s20 =	sadd.s32 $0x40, s20;
	v10 =	vld [tilespmem:s22+$0x0]  }
.Ltmp0:
0x57: {  	v7 =	vld [tilespmem:s20+$0x10];
	[tilespmem:v5+s4+$0x0] =	vst.idx.msk $0xffff, v8;
	(pc) =	sbr.rel @p0 .LBB2_2-.Ltmp0, $4  }
0x58: {  	[tilespmem:v2+s4+$0x0] =	vst.idx.msk $0xffff, v4;
	v2 =	vld [tilespmem:s22+$0xFFFFFFE0]  }
0x59: {  	v4 =	vld [tilespmem:s20+$0xFFFFFFE0];
	[tilespmem:v3+s4+$0x0] =	vst.idx.msk $0xffff, v6  }
0x5a: {  	v8 =	vld [tilespmem:s20+$0xFFFFFFF0];
	v5 =	vmov v9  }
0x5b: {  	s22 =	sadd.s32 $0x40, s22;
	v6 =	vld [tilespmem:s20+$0x0];
	v3 =	vmov v10  }
0x5c: {  	_ =	sdelay $0x3  }
0x5d: {  	[tilespmem:v1+s4+$0x0] =	vst.idx.msk $0xffff, v7  }
0x5e: {  	[tilespmem:v2+s4+$0x0] =	vst.idx.msk $0xffff, v4  }
0x5f: {  	[tilespmem:v5+s4+$0x0] =	vst.idx.msk $0xffff, v8  }
0x60: {  	[tilespmem:v3+s4+$0x0] =	vst.idx.msk $0xffff, v6  }
0x61: {  	s20 =	rddreg [dreg:$0x6]  }
0x62: {  	[tilespmem:s5], [sflag:$0x5] =	stream.linear.gather [hbm4b:s20+s4], $0x8C0, $0x38;
	[tilespmem:$0x1FA80] =	vst v63  }
0x63: {  	_ =	swait.ge [sflag:s8], $0x8C0  }
0x64: {  	[sflag:s8] =	ssyncset.done $0x0  }
0x65: {  	s21 =	simm.s32 $0x1E8A0;
	[sflag:s8] =	ssyncadd.s32 $0xFFFFF740  }
0x66: {  	v1 =	vld [tilespmem:s21+$0x10]  }
0x67: {  	v5 =	vld [tilespmem:s21+$0xFFFFFFF0]  }
0x68: {  	s20 =	simm.s32 $0x1F1A0;
	v3 =	vld [tilespmem:s21+$0x0]  }
0x69: {  	v7 =	vld [tilespmem:s20+$0x10]  }
0x6a: {  	v2 =	vld [tilespmem:s21+$0xFFFFFFE0]  }
0x6b: {  	v4 =	vld [tilespmem:s20+$0xFFFFFFE0]  }
0x6c: {  	v8 =	vld [tilespmem:s20+$0xFFFFFFF0]  }
0x6d: {  	s22 =	simm.s32 $0x1E8E0;
	s21 =	simm.s32 $0x0;
	v6 =	vld [tilespmem:s20+$0x0]  }
.LBB2_4:
0x6e: {  	s21 =	sadd.s32 $0x4, s21;
	[tilespmem:v1+s6+$0x0] =	vst.idx.msk $0xffff, v7;
	v1 =	vld [tilespmem:s22+$0x10]  }
0x6f: {  	v9 =	vld [tilespmem:s22+$0xFFFFFFF0];
	p0 =	slt.u32 s21, $0x88  }
0x70: {  	s20 =	sadd.s32 $0x40, s20;
	v10 =	vld [tilespmem:s22+$0x0]  }
.Ltmp1:
0x71: {  	v7 =	vld [tilespmem:s20+$0x10];
	[tilespmem:v5+s6+$0x0] =	vst.idx.msk $0xffff, v8;
	(pc) =	sbr.rel @p0 .LBB2_4-.Ltmp1, $4  }
0x72: {  	[tilespmem:v2+s6+$0x0] =	vst.idx.msk $0xffff, v4;
	v2 =	vld [tilespmem:s22+$0xFFFFFFE0]  }
0x73: {  	v4 =	vld [tilespmem:s20+$0xFFFFFFE0];
	[tilespmem:v3+s6+$0x0] =	vst.idx.msk $0xffff, v6  }
0x74: {  	v8 =	vld [tilespmem:s20+$0xFFFFFFF0];
	v5 =	vmov v9  }
0x75: {  	s22 =	sadd.s32 $0x40, s22;
	v6 =	vld [tilespmem:s20+$0x0];
	v3 =	vmov v10  }
0x76: {  	_ =	sdelay $0x3  }
0x77: {  	[tilespmem:v1+s6+$0x0] =	vst.idx.msk $0xffff, v7  }
0x78: {  	[tilespmem:v2+s6+$0x0] =	vst.idx.msk $0xffff, v4  }
0x79: {  	[tilespmem:v5+s6+$0x0] =	vst.idx.msk $0xffff, v8  }
0x7a: {  	[tilespmem:v3+s6+$0x0] =	vst.idx.msk $0xffff, v6  }
0x7b: {  	s20 =	rddreg [dreg:$0xc]  }
0x7c: {  	[tilespmem:s2], [sflag:$0x5] =	stream.linear.gather [hbm4b:s20+s4], $0x8C0, $0x38;
	[tilespmem:$0x1FA80] =	vst v63  }
0x7d: {  	_ =	swait.ge [sflag:s8], $0x8C0  }
0x7e: {  	[sflag:s8] =	ssyncset.done $0x0  }
0x7f: {  	s30 =	rddreg [dreg:$0xd];
	[sflag:s8] =	ssyncadd.s32 $0xFFFFF740  }
0x80: {  	[tilespmem:s5], [sflag:$0x5] =	stream.linear.gather [hbm4b:s30+s4], $0x8C0, $0x38;
	[tilespmem:$0x1FA80] =	vst v63  }
0x81: {  	_ =	swait.ge [sflag:s8], $0x8C0  }
0x82: {  	[sflag:s8] =	ssyncset.done $0x0  }
0x83: {  	s21 =	simm.s32 $0x1E8A0;
	[sflag:s8] =	ssyncadd.s32 $0xFFFFF740  }
0x84: {  	v1 =	vld [tilespmem:s21+$0x10]  }
0x85: {  	v5 =	vld [tilespmem:s21+$0xFFFFFFF0]  }
0x86: {  	s20 =	simm.s32 $0x1F1A0;
	v3 =	vld [tilespmem:s21+$0x0]  }
0x87: {  	v7 =	vld [tilespmem:s20+$0x10]  }
0x88: {  	v2 =	vld [tilespmem:s21+$0xFFFFFFE0]  }
0x89: {  	v4 =	vld [tilespmem:s20+$0xFFFFFFE0]  }
0x8a: {  	v8 =	vld [tilespmem:s20+$0xFFFFFFF0]  }
0x8b: {  	s22 =	simm.s32 $0x1E8E0;
	s21 =	simm.s32 $0x0;
	v6 =	vld [tilespmem:s20+$0x0]  }
.LBB2_6:
0x8c: {  	s21 =	sadd.s32 $0x4, s21;
	[tilespmem:v1+s4+$0x0] =	vst.idx.msk $0xffff, v7;
	v1 =	vld [tilespmem:s22+$0x10]  }
0x8d: {  	v9 =	vld [tilespmem:s22+$0xFFFFFFF0];
	p0 =	slt.u32 s21, $0x88  }
0x8e: {  	s20 =	sadd.s32 $0x40, s20;
	v10 =	vld [tilespmem:s22+$0x0]  }
.Ltmp2:
0x8f: {  	v7 =	vld [tilespmem:s20+$0x10];
	[tilespmem:v5+s4+$0x0] =	vst.idx.msk $0xffff, v8;
	(pc) =	sbr.rel @p0 .LBB2_6-.Ltmp2, $4  }
0x90: {  	[tilespmem:v2+s4+$0x0] =	vst.idx.msk $0xffff, v4;
	v2 =	vld [tilespmem:s22+$0xFFFFFFE0]  }
0x91: {  	v4 =	vld [tilespmem:s20+$0xFFFFFFE0];
	[tilespmem:v3+s4+$0x0] =	vst.idx.msk $0xffff, v6  }
0x92: {  	v8 =	vld [tilespmem:s20+$0xFFFFFFF0];
	v5 =	vmov v9  }
0x93: {  	s22 =	sadd.s32 $0x40, s22;
	v6 =	vld [tilespmem:s20+$0x0];
	v3 =	vmov v10  }
0x94: {  	_ =	sdelay $0x3  }
0x95: {  	[tilespmem:v1+s4+$0x0] =	vst.idx.msk $0xffff, v7  }
0x96: {  	[tilespmem:v2+s4+$0x0] =	vst.idx.msk $0xffff, v4  }
0x97: {  	[tilespmem:v5+s4+$0x0] =	vst.idx.msk $0xffff, v8  }
0x98: {  	[tilespmem:v3+s4+$0x0] =	vst.idx.msk $0xffff, v6  }
0x99: {  	s20 =	rddreg [dreg:$0xe]  }
0x9a: {  	[tilespmem:s5], [sflag:$0x5] =	stream.linear.gather [hbm4b:s20+s4], $0x8C0, $0x38;
	[tilespmem:$0x1FA80] =	vst v63  }
0x9b: {  	_ =	swait.ge [sflag:s8], $0x8C0  }
0x9c: {  	[sflag:s8] =	ssyncset.done $0x0  }
0x9d: {  	s21 =	simm.s32 $0x1E8A0;
	[sflag:s8] =	ssyncadd.s32 $0xFFFFF740  }
0x9e: {  	v1 =	vld [tilespmem:s21+$0x10]  }
0x9f: {  	v5 =	vld [tilespmem:s21+$0xFFFFFFF0]  }
0xa0: {  	s20 =	simm.s32 $0x1F1A0;
	v3 =	vld [tilespmem:s21+$0x0]  }
0xa1: {  	v7 =	vld [tilespmem:s20+$0x10]  }
0xa2: {  	v2 =	vld [tilespmem:s21+$0xFFFFFFE0]  }
0xa3: {  	v4 =	vld [tilespmem:s20+$0xFFFFFFE0]  }
0xa4: {  	v8 =	vld [tilespmem:s20+$0xFFFFFFF0]  }
0xa5: {  	s22 =	simm.s32 $0x1E8E0;
	s21 =	simm.s32 $0x0;
	v6 =	vld [tilespmem:s20+$0x0]  }
.LBB2_8:
0xa6: {  	s21 =	sadd.s32 $0x4, s21;
	[tilespmem:v1+s6+$0x0] =	vst.idx.msk $0xffff, v7;
	v1 =	vld [tilespmem:s22+$0x10]  }
0xa7: {  	v9 =	vld [tilespmem:s22+$0xFFFFFFF0];
	p0 =	slt.u32 s21, $0x88  }
0xa8: {  	s20 =	sadd.s32 $0x40, s20;
	v10 =	vld [tilespmem:s22+$0x0]  }
.Ltmp3:
0xa9: {  	v7 =	vld [tilespmem:s20+$0x10];
	[tilespmem:v5+s6+$0x0] =	vst.idx.msk $0xffff, v8;
	(pc) =	sbr.rel @p0 .LBB2_8-.Ltmp3, $4  }
0xaa: {  	[tilespmem:v2+s6+$0x0] =	vst.idx.msk $0xffff, v4;
	v2 =	vld [tilespmem:s22+$0xFFFFFFE0]  }
0xab: {  	v4 =	vld [tilespmem:s20+$0xFFFFFFE0];
	[tilespmem:v3+s6+$0x0] =	vst.idx.msk $0xffff, v6  }
0xac: {  	v8 =	vld [tilespmem:s20+$0xFFFFFFF0];
	v5 =	vmov v9  }
0xad: {  	s22 =	sadd.s32 $0x40, s22;
	v6 =	vld [tilespmem:s20+$0x0];
	v3 =	vmov v10  }
0xae: {  	_ =	sdelay $0x3  }
0xaf: {  	[tilespmem:v1+s6+$0x0] =	vst.idx.msk $0xffff, v7  }
0xb0: {  	[tilespmem:v2+s6+$0x0] =	vst.idx.msk $0xffff, v4  }
0xb1: {  	[tilespmem:v5+s6+$0x0] =	vst.idx.msk $0xffff, v8  }
0xb2: {  	[tilespmem:v3+s6+$0x0] =	vst.idx.msk $0xffff, v6  }
0xb3: {  	s20 =	rddreg [dreg:$0xf]  }
0xb4: {  	[tilespmem:s2], [sflag:$0x5] =	stream.linear.gather [hbm4b:s20+s4], $0x8C0, $0x38;
	[tilespmem:$0x1FA80] =	vst v63  }
0xb5: {  	_ =	swait.ge [sflag:s8], $0x8C0  }
0xb6: {  	[sflag:s8] =	ssyncset.done $0x0  }
0xb7: {  	s30 =	rddreg [dreg:$0x10];
	[sflag:s8] =	ssyncadd.s32 $0xFFFFF740  }
0xb8: {  	[tilespmem:s5], [sflag:$0x5] =	stream.linear.gather [hbm4b:s30+s4], $0x8C0, $0x38;
	[tilespmem:$0x1FA80] =	vst v63  }
0xb9: {  	_ =	swait.ge [sflag:s8], $0x8C0  }
0xba: {  	[sflag:s8] =	ssyncset.done $0x0  }
0xbb: {  	s21 =	simm.s32 $0x1E8A0;
	[sflag:s8] =	ssyncadd.s32 $0xFFFFF740  }
0xbc: {  	v1 =	vld [tilespmem:s21+$0x10]  }
0xbd: {  	v5 =	vld [tilespmem:s21+$0xFFFFFFF0]  }
0xbe: {  	s20 =	simm.s32 $0x1F1A0;
	v3 =	vld [tilespmem:s21+$0x0]  }
0xbf: {  	v7 =	vld [tilespmem:s20+$0x10]  }
0xc0: {  	v2 =	vld [tilespmem:s21+$0xFFFFFFE0]  }
0xc1: {  	v4 =	vld [tilespmem:s20+$0xFFFFFFE0]  }
0xc2: {  	v8 =	vld [tilespmem:s20+$0xFFFFFFF0]  }
0xc3: {  	s22 =	simm.s32 $0x1E8E0;
	s21 =	simm.s32 $0x0;
	v6 =	vld [tilespmem:s20+$0x0]  }
.LBB2_10:
0xc4: {  	s21 =	sadd.s32 $0x4, s21;
	[tilespmem:v1+s4+$0x0] =	vst.idx.msk $0xffff, v7;
	v1 =	vld [tilespmem:s22+$0x10]  }
0xc5: {  	v9 =	vld [tilespmem:s22+$0xFFFFFFF0];
	p0 =	slt.u32 s21, $0x88  }
0xc6: {  	s20 =	sadd.s32 $0x40, s20;
	v10 =	vld [tilespmem:s22+$0x0]  }
.Ltmp4:
0xc7: {  	v7 =	vld [tilespmem:s20+$0x10];
	[tilespmem:v5+s4+$0x0] =	vst.idx.msk $0xffff, v8;
	(pc) =	sbr.rel @p0 .LBB2_10-.Ltmp4, $4  }
0xc8: {  	[tilespmem:v2+s4+$0x0] =	vst.idx.msk $0xffff, v4;
	v2 =	vld [tilespmem:s22+$0xFFFFFFE0]  }
0xc9: {  	v4 =	vld [tilespmem:s20+$0xFFFFFFE0];
	[tilespmem:v3+s4+$0x0] =	vst.idx.msk $0xffff, v6  }
0xca: {  	v8 =	vld [tilespmem:s20+$0xFFFFFFF0];
	v5 =	vmov v9  }
0xcb: {  	s22 =	sadd.s32 $0x40, s22;
	v6 =	vld [tilespmem:s20+$0x0];
	v3 =	vmov v10  }
0xcc: {  	_ =	sdelay $0x3  }
0xcd: {  	[tilespmem:v1+s4+$0x0] =	vst.idx.msk $0xffff, v7  }
0xce: {  	[tilespmem:v2+s4+$0x0] =	vst.idx.msk $0xffff, v4  }
0xcf: {  	[tilespmem:v5+s4+$0x0] =	vst.idx.msk $0xffff, v8  }
0xd0: {  	[tilespmem:v3+s4+$0x0] =	vst.idx.msk $0xffff, v6  }
0xd1: {  	s20 =	rddreg [dreg:$0x11]  }
0xd2: {  	[tilespmem:s5], [sflag:$0x5] =	stream.linear.gather [hbm4b:s20+s4], $0x8C0, $0x38;
	[tilespmem:$0x1FA80] =	vst v63  }
0xd3: {  	_ =	swait.ge [sflag:s8], $0x8C0  }
0xd4: {  	[sflag:s8] =	ssyncset.done $0x0  }
0xd5: {  	s21 =	simm.s32 $0x1E8A0;
	[sflag:s8] =	ssyncadd.s32 $0xFFFFF740  }
0xd6: {  	v1 =	vld [tilespmem:s21+$0x10]  }
0xd7: {  	v5 =	vld [tilespmem:s21+$0xFFFFFFF0]  }
0xd8: {  	s20 =	simm.s32 $0x1F1A0;
	v3 =	vld [tilespmem:s21+$0x0]  }
0xd9: {  	v7 =	vld [tilespmem:s20+$0x10]  }
0xda: {  	v2 =	vld [tilespmem:s21+$0xFFFFFFE0]  }
0xdb: {  	v4 =	vld [tilespmem:s20+$0xFFFFFFE0]  }
0xdc: {  	v8 =	vld [tilespmem:s20+$0xFFFFFFF0]  }
0xdd: {  	s22 =	simm.s32 $0x1E8E0;
	s21 =	simm.s32 $0x0;
	v6 =	vld [tilespmem:s20+$0x0]  }
.LBB2_12:
0xde: {  	s21 =	sadd.s32 $0x4, s21;
	[tilespmem:v1+s6+$0x0] =	vst.idx.msk $0xffff, v7;
	v1 =	vld [tilespmem:s22+$0x10]  }
0xdf: {  	v9 =	vld [tilespmem:s22+$0xFFFFFFF0];
	p0 =	slt.u32 s21, $0x88  }
0xe0: {  	s20 =	sadd.s32 $0x40, s20;
	v10 =	vld [tilespmem:s22+$0x0]  }
.Ltmp5:
0xe1: {  	v7 =	vld [tilespmem:s20+$0x10];
	[tilespmem:v5+s6+$0x0] =	vst.idx.msk $0xffff, v8;
	(pc) =	sbr.rel @p0 .LBB2_12-.Ltmp5, $4  }
0xe2: {  	[tilespmem:v2+s6+$0x0] =	vst.idx.msk $0xffff, v4;
	v2 =	vld [tilespmem:s22+$0xFFFFFFE0]  }
0xe3: {  	v4 =	vld [tilespmem:s20+$0xFFFFFFE0];
	[tilespmem:v3+s6+$0x0] =	vst.idx.msk $0xffff, v6  }
0xe4: {  	v8 =	vld [tilespmem:s20+$0xFFFFFFF0];
	v5 =	vmov v9  }
0xe5: {  	s22 =	sadd.s32 $0x40, s22;
	v6 =	vld [tilespmem:s20+$0x0];
	v3 =	vmov v10  }
0xe6: {  	_ =	sdelay $0x3  }
0xe7: {  	[tilespmem:v1+s6+$0x0] =	vst.idx.msk $0xffff, v7  }
0xe8: {  	[tilespmem:v2+s6+$0x0] =	vst.idx.msk $0xffff, v4  }
0xe9: {  	[tilespmem:v5+s6+$0x0] =	vst.idx.msk $0xffff, v8  }
0xea: {  	[tilespmem:v3+s6+$0x0] =	vst.idx.msk $0xffff, v6  }
0xeb: {  	s20 =	rddreg [dreg:$0x12]  }
0xec: {  	[tilespmem:s2], [sflag:$0x5] =	stream.linear.gather [hbm4b:s20+s4], $0x8C0, $0x38;
	[tilespmem:$0x1FA80] =	vst v63  }
0xed: {  	_ =	swait.ge [sflag:s8], $0x8C0  }
0xee: {  	[sflag:s8] =	ssyncset.done $0x0  }
0xef: {  	s30 =	rddreg [dreg:$0x13];
	[sflag:s8] =	ssyncadd.s32 $0xFFFFF740  }
0xf0: {  	[tilespmem:s5], [sflag:$0x5] =	stream.linear.gather [hbm4b:s30+s4], $0x8C0, $0x38;
	[tilespmem:$0x1FA80] =	vst v63  }
0xf1: {  	_ =	swait.ge [sflag:s8], $0x8C0  }
0xf2: {  	[sflag:s8] =	ssyncset.done $0x0  }
0xf3: {  	s21 =	simm.s32 $0x1E8A0;
	[sflag:s8] =	ssyncadd.s32 $0xFFFFF740  }
0xf4: {  	v1 =	vld [tilespmem:s21+$0x10]  }
0xf5: {  	v5 =	vld [tilespmem:s21+$0xFFFFFFF0]  }
0xf6: {  	s20 =	simm.s32 $0x1F1A0;
	v3 =	vld [tilespmem:s21+$0x0]  }
0xf7: {  	v7 =	vld [tilespmem:s20+$0x10]  }
0xf8: {  	v2 =	vld [tilespmem:s21+$0xFFFFFFE0]  }
0xf9: {  	v4 =	vld [tilespmem:s20+$0xFFFFFFE0]  }
0xfa: {  	v8 =	vld [tilespmem:s20+$0xFFFFFFF0]  }
0xfb: {  	s22 =	simm.s32 $0x1E8E0;
	s21 =	simm.s32 $0x0;
	v6 =	vld [tilespmem:s20+$0x0]  }
.LBB2_14:
0xfc: {  	s21 =	sadd.s32 $0x4, s21;
	[tilespmem:v1+s4+$0x0] =	vst.idx.msk $0xffff, v7;
	v1 =	vld [tilespmem:s22+$0x10]  }
0xfd: {  	v9 =	vld [tilespmem:s22+$0xFFFFFFF0];
	p0 =	slt.u32 s21, $0x88  }
0xfe: {  	s20 =	sadd.s32 $0x40, s20;
	v10 =	vld [tilespmem:s22+$0x0]  }
.Ltmp6:
0xff: {  	v7 =	vld [tilespmem:s20+$0x10];
	[tilespmem:v5+s4+$0x0] =	vst.idx.msk $0xffff, v8;
	(pc) =	sbr.rel @p0 .LBB2_14-.Ltmp6, $4  }
0x100: {  	[tilespmem:v2+s4+$0x0] =	vst.idx.msk $0xffff, v4;
	v2 =	vld [tilespmem:s22+$0xFFFFFFE0]  }
0x101: {  	v4 =	vld [tilespmem:s20+$0xFFFFFFE0];
	[tilespmem:v3+s4+$0x0] =	vst.idx.msk $0xffff, v6  }
0x102: {  	v8 =	vld [tilespmem:s20+$0xFFFFFFF0];
	v5 =	vmov v9  }
0x103: {  	s22 =	sadd.s32 $0x40, s22;
	v6 =	vld [tilespmem:s20+$0x0];
	v3 =	vmov v10  }
0x104: {  	_ =	sdelay $0x3  }
0x105: {  	[tilespmem:v1+s4+$0x0] =	vst.idx.msk $0xffff, v7  }
0x106: {  	[tilespmem:v2+s4+$0x0] =	vst.idx.msk $0xffff, v4  }
0x107: {  	[tilespmem:v5+s4+$0x0] =	vst.idx.msk $0xffff, v8  }
0x108: {  	[tilespmem:v3+s4+$0x0] =	vst.idx.msk $0xffff, v6  }
0x109: {  	s20 =	rddreg [dreg:$0x14]  }
0x10a: {  	[tilespmem:s5], [sflag:$0x5] =	stream.linear.gather [hbm4b:s20+s4], $0x8C0, $0x38;
	[tilespmem:$0x1FA80] =	vst v63  }
0x10b: {  	_ =	swait.ge [sflag:s8], $0x8C0  }
0x10c: {  	[sflag:s8] =	ssyncset.done $0x0  }
0x10d: {  	s21 =	simm.s32 $0x1E8A0;
	[sflag:s8] =	ssyncadd.s32 $0xFFFFF740  }
0x10e: {  	v1 =	vld [tilespmem:s21+$0x10]  }
0x10f: {  	v5 =	vld [tilespmem:s21+$0xFFFFFFF0]  }
0x110: {  	s20 =	simm.s32 $0x1F1A0;
	v3 =	vld [tilespmem:s21+$0x0]  }
0x111: {  	v7 =	vld [tilespmem:s20+$0x10]  }
0x112: {  	v2 =	vld [tilespmem:s21+$0xFFFFFFE0]  }
0x113: {  	v4 =	vld [tilespmem:s20+$0xFFFFFFE0]  }
0x114: {  	v8 =	vld [tilespmem:s20+$0xFFFFFFF0]  }
0x115: {  	s22 =	simm.s32 $0x1E8E0;
	s21 =	simm.s32 $0x0;
	v6 =	vld [tilespmem:s20+$0x0]  }
.LBB2_16:
0x116: {  	s21 =	sadd.s32 $0x4, s21;
	[tilespmem:v1+s6+$0x0] =	vst.idx.msk $0xffff, v7;
	v1 =	vld [tilespmem:s22+$0x10]  }
0x117: {  	v9 =	vld [tilespmem:s22+$0xFFFFFFF0];
	p0 =	slt.u32 s21, $0x88  }
0x118: {  	s20 =	sadd.s32 $0x40, s20;
	v10 =	vld [tilespmem:s22+$0x0]  }
.Ltmp7:
0x119: {  	v7 =	vld [tilespmem:s20+$0x10];
	[tilespmem:v5+s6+$0x0] =	vst.idx.msk $0xffff, v8;
	(pc) =	sbr.rel @p0 .LBB2_16-.Ltmp7, $4  }
0x11a: {  	[tilespmem:v2+s6+$0x0] =	vst.idx.msk $0xffff, v4;
	v2 =	vld [tilespmem:s22+$0xFFFFFFE0]  }
0x11b: {  	v4 =	vld [tilespmem:s20+$0xFFFFFFE0];
	[tilespmem:v3+s6+$0x0] =	vst.idx.msk $0xffff, v6  }
0x11c: {  	v8 =	vld [tilespmem:s20+$0xFFFFFFF0];
	v5 =	vmov v9  }
0x11d: {  	s22 =	sadd.s32 $0x40, s22;
	v6 =	vld [tilespmem:s20+$0x0];
	v3 =	vmov v10  }
0x11e: {  	_ =	sdelay $0x3  }
0x11f: {  	[tilespmem:v1+s6+$0x0] =	vst.idx.msk $0xffff, v7  }
0x120: {  	[tilespmem:v2+s6+$0x0] =	vst.idx.msk $0xffff, v4  }
0x121: {  	[tilespmem:v5+s6+$0x0] =	vst.idx.msk $0xffff, v8  }
0x122: {  	[tilespmem:v3+s6+$0x0] =	vst.idx.msk $0xffff, v6  }
0x123: {  	s20 =	rddreg [dreg:$0x15]  }
0x124: {  	[tilespmem:s2], [sflag:$0x5] =	stream.linear.gather [hbm4b:s20+s4], $0x8C0, $0x38;
	[tilespmem:$0x1FA80] =	vst v63  }
0x125: {  	_ =	swait.ge [sflag:s8], $0x8C0  }
0x126: {  	[sflag:s8] =	ssyncset.done $0x0  }
0x127: {  	s30 =	rddreg [dreg:$0x16];
	[sflag:s8] =	ssyncadd.s32 $0xFFFFF740  }
0x128: {  	[tilespmem:s5], [sflag:$0x5] =	stream.linear.gather [hbm4b:s30+s4], $0x8C0, $0x38;
	[tilespmem:$0x1FA80] =	vst v63  }
0x129: {  	_ =	swait.ge [sflag:s8], $0x8C0  }
0x12a: {  	[sflag:s8] =	ssyncset.done $0x0  }
0x12b: {  	s21 =	simm.s32 $0x1E8A0;
	[sflag:s8] =	ssyncadd.s32 $0xFFFFF740  }
0x12c: {  	v1 =	vld [tilespmem:s21+$0x10]  }
0x12d: {  	v5 =	vld [tilespmem:s21+$0xFFFFFFF0]  }
0x12e: {  	s20 =	simm.s32 $0x1F1A0;
	v3 =	vld [tilespmem:s21+$0x0]  }
0x12f: {  	v7 =	vld [tilespmem:s20+$0x10]  }
0x130: {  	v2 =	vld [tilespmem:s21+$0xFFFFFFE0]  }
0x131: {  	v4 =	vld [tilespmem:s20+$0xFFFFFFE0]  }
0x132: {  	v8 =	vld [tilespmem:s20+$0xFFFFFFF0]  }
0x133: {  	s22 =	simm.s32 $0x1E8E0;
	s21 =	simm.s32 $0x0;
	v6 =	vld [tilespmem:s20+$0x0]  }
.LBB2_18:
0x134: {  	s21 =	sadd.s32 $0x4, s21;
	[tilespmem:v1+s4+$0x0] =	vst.idx.msk $0xffff, v7;
	v1 =	vld [tilespmem:s22+$0x10]  }
0x135: {  	v9 =	vld [tilespmem:s22+$0xFFFFFFF0];
	p0 =	slt.u32 s21, $0x88  }
0x136: {  	s20 =	sadd.s32 $0x40, s20;
	v10 =	vld [tilespmem:s22+$0x0]  }
.Ltmp8:
0x137: {  	v7 =	vld [tilespmem:s20+$0x10];
	[tilespmem:v5+s4+$0x0] =	vst.idx.msk $0xffff, v8;
	(pc) =	sbr.rel @p0 .LBB2_18-.Ltmp8, $4  }
0x138: {  	[tilespmem:v2+s4+$0x0] =	vst.idx.msk $0xffff, v4;
	v2 =	vld [tilespmem:s22+$0xFFFFFFE0]  }
0x139: {  	v4 =	vld [tilespmem:s20+$0xFFFFFFE0];
	[tilespmem:v3+s4+$0x0] =	vst.idx.msk $0xffff, v6  }
0x13a: {  	v8 =	vld [tilespmem:s20+$0xFFFFFFF0];
	v5 =	vmov v9  }
0x13b: {  	s22 =	sadd.s32 $0x40, s22;
	v6 =	vld [tilespmem:s20+$0x0];
	v3 =	vmov v10  }
0x13c: {  	_ =	sdelay $0x3  }
0x13d: {  	[tilespmem:v1+s4+$0x0] =	vst.idx.msk $0xffff, v7  }
0x13e: {  	[tilespmem:v2+s4+$0x0] =	vst.idx.msk $0xffff, v4  }
0x13f: {  	[tilespmem:v5+s4+$0x0] =	vst.idx.msk $0xffff, v8  }
0x140: {  	[tilespmem:v3+s4+$0x0] =	vst.idx.msk $0xffff, v6  }
0x141: {  	s20 =	rddreg [dreg:$0x17]  }
0x142: {  	[tilespmem:s5], [sflag:$0x5] =	stream.linear.gather [hbm4b:s20+s4], $0x8C0, $0x38;
	[tilespmem:$0x1FA80] =	vst v63  }
0x143: {  	_ =	swait.ge [sflag:s8], $0x8C0  }
0x144: {  	[sflag:s8] =	ssyncset.done $0x0  }
0x145: {  	s21 =	simm.s32 $0x1E8A0;
	[sflag:s8] =	ssyncadd.s32 $0xFFFFF740  }
0x146: {  	v1 =	vld [tilespmem:s21+$0x10]  }
0x147: {  	v5 =	vld [tilespmem:s21+$0xFFFFFFF0]  }
0x148: {  	s20 =	simm.s32 $0x1F1A0;
	v3 =	vld [tilespmem:s21+$0x0]  }
0x149: {  	v7 =	vld [tilespmem:s20+$0x10]  }
0x14a: {  	v2 =	vld [tilespmem:s21+$0xFFFFFFE0]  }
0x14b: {  	v4 =	vld [tilespmem:s20+$0xFFFFFFE0]  }
0x14c: {  	v8 =	vld [tilespmem:s20+$0xFFFFFFF0]  }
0x14d: {  	s22 =	simm.s32 $0x1E8E0;
	s21 =	simm.s32 $0x0;
	v6 =	vld [tilespmem:s20+$0x0]  }
.LBB2_20:
0x14e: {  	s21 =	sadd.s32 $0x4, s21;
	[tilespmem:v1+s6+$0x0] =	vst.idx.msk $0xffff, v7;
	v1 =	vld [tilespmem:s22+$0x10]  }
0x14f: {  	v9 =	vld [tilespmem:s22+$0xFFFFFFF0];
	p0 =	slt.u32 s21, $0x88  }
0x150: {  	s20 =	sadd.s32 $0x40, s20;
	v10 =	vld [tilespmem:s22+$0x0]  }
.Ltmp9:
0x151: {  	v7 =	vld [tilespmem:s20+$0x10];
	[tilespmem:v5+s6+$0x0] =	vst.idx.msk $0xffff, v8;
	(pc) =	sbr.rel @p0 .LBB2_20-.Ltmp9, $4  }
0x152: {  	[tilespmem:v2+s6+$0x0] =	vst.idx.msk $0xffff, v4;
	v2 =	vld [tilespmem:s22+$0xFFFFFFE0]  }
0x153: {  	v4 =	vld [tilespmem:s20+$0xFFFFFFE0];
	[tilespmem:v3+s6+$0x0] =	vst.idx.msk $0xffff, v6  }
0x154: {  	v8 =	vld [tilespmem:s20+$0xFFFFFFF0];
	v5 =	vmov v9  }
0x155: {  	s22 =	sadd.s32 $0x40, s22;
	v6 =	vld [tilespmem:s20+$0x0];
	v3 =	vmov v10  }
0x156: {  	_ =	sdelay $0x3  }
0x157: {  	[tilespmem:v1+s6+$0x0] =	vst.idx.msk $0xffff, v7  }
0x158: {  	[tilespmem:v2+s6+$0x0] =	vst.idx.msk $0xffff, v4  }
0x159: {  	[tilespmem:v5+s6+$0x0] =	vst.idx.msk $0xffff, v8  }
0x15a: {  	[tilespmem:v3+s6+$0x0] =	vst.idx.msk $0xffff, v6  }
0x15b: {  	s20 =	rddreg [dreg:$0x18]  }
0x15c: {  	[tilespmem:s2], [sflag:$0x5] =	stream.linear.gather [hbm4b:s20+s4], $0x8C0, $0x38;
	[tilespmem:$0x1FA80] =	vst v63  }
0x15d: {  	_ =	swait.ge [sflag:s8], $0x8C0  }
0x15e: {  	[sflag:s8] =	ssyncset.done $0x0  }
0x15f: {  	s30 =	rddreg [dreg:$0x19];
	[sflag:s8] =	ssyncadd.s32 $0xFFFFF740  }
0x160: {  	[tilespmem:s5], [sflag:$0x5] =	stream.linear.gather [hbm4b:s30+s4], $0x8C0, $0x38;
	[tilespmem:$0x1FA80] =	vst v63  }
0x161: {  	_ =	swait.ge [sflag:s8], $0x8C0  }
0x162: {  	[sflag:s8] =	ssyncset.done $0x0  }
0x163: {  	s21 =	simm.s32 $0x1E8A0;
	[sflag:s8] =	ssyncadd.s32 $0xFFFFF740  }
0x164: {  	v1 =	vld [tilespmem:s21+$0x10]  }
0x165: {  	v5 =	vld [tilespmem:s21+$0xFFFFFFF0]  }
0x166: {  	s20 =	simm.s32 $0x1F1A0;
	v3 =	vld [tilespmem:s21+$0x0]  }
0x167: {  	v7 =	vld [tilespmem:s20+$0x10]  }
0x168: {  	v2 =	vld [tilespmem:s21+$0xFFFFFFE0]  }
0x169: {  	v4 =	vld [tilespmem:s20+$0xFFFFFFE0]  }
0x16a: {  	v8 =	vld [tilespmem:s20+$0xFFFFFFF0]  }
0x16b: {  	s22 =	simm.s32 $0x1E8E0;
	s21 =	simm.s32 $0x0;
	v6 =	vld [tilespmem:s20+$0x0]  }
.LBB2_22:
0x16c: {  	s21 =	sadd.s32 $0x4, s21;
	[tilespmem:v1+s4+$0x0] =	vst.idx.msk $0xffff, v7;
	v1 =	vld [tilespmem:s22+$0x10]  }
0x16d: {  	v9 =	vld [tilespmem:s22+$0xFFFFFFF0];
	p0 =	slt.u32 s21, $0x88  }
0x16e: {  	s20 =	sadd.s32 $0x40, s20;
	v10 =	vld [tilespmem:s22+$0x0]  }
.Ltmp10:
0x16f: {  	v7 =	vld [tilespmem:s20+$0x10];
	[tilespmem:v5+s4+$0x0] =	vst.idx.msk $0xffff, v8;
	(pc) =	sbr.rel @p0 .LBB2_22-.Ltmp10, $4  }
0x170: {  	[tilespmem:v2+s4+$0x0] =	vst.idx.msk $0xffff, v4;
	v2 =	vld [tilespmem:s22+$0xFFFFFFE0]  }
0x171: {  	v4 =	vld [tilespmem:s20+$0xFFFFFFE0];
	[tilespmem:v3+s4+$0x0] =	vst.idx.msk $0xffff, v6  }
0x172: {  	v8 =	vld [tilespmem:s20+$0xFFFFFFF0];
	v5 =	vmov v9  }
0x173: {  	s22 =	sadd.s32 $0x40, s22;
	v6 =	vld [tilespmem:s20+$0x0];
	v3 =	vmov v10  }
0x174: {  	_ =	sdelay $0x3  }
0x175: {  	[tilespmem:v1+s4+$0x0] =	vst.idx.msk $0xffff, v7  }
0x176: {  	[tilespmem:v2+s4+$0x0] =	vst.idx.msk $0xffff, v4  }
0x177: {  	[tilespmem:v5+s4+$0x0] =	vst.idx.msk $0xffff, v8  }
0x178: {  	[tilespmem:v3+s4+$0x0] =	vst.idx.msk $0xffff, v6  }
0x179: {  	s20 =	rddreg [dreg:$0x1a]  }
0x17a: {  	[tilespmem:s5], [sflag:$0x5] =	stream.linear.gather [hbm4b:s20+s4], $0x8C0, $0x38;
	[tilespmem:$0x1FA80] =	vst v63  }
0x17b: {  	_ =	swait.ge [sflag:s8], $0x8C0  }
0x17c: {  	[sflag:s8] =	ssyncset.done $0x0  }
0x17d: {  	s21 =	simm.s32 $0x1E8A0;
	[sflag:s8] =	ssyncadd.s32 $0xFFFFF740  }
0x17e: {  	v1 =	vld [tilespmem:s21+$0x10]  }
0x17f: {  	v5 =	vld [tilespmem:s21+$0xFFFFFFF0]  }
0x180: {  	s20 =	simm.s32 $0x1F1A0;
	v3 =	vld [tilespmem:s21+$0x0]  }
0x181: {  	v7 =	vld [tilespmem:s20+$0x10]  }
0x182: {  	v2 =	vld [tilespmem:s21+$0xFFFFFFE0]  }
0x183: {  	v4 =	vld [tilespmem:s20+$0xFFFFFFE0]  }
0x184: {  	v8 =	vld [tilespmem:s20+$0xFFFFFFF0]  }
0x185: {  	s22 =	simm.s32 $0x1E8E0;
	s21 =	simm.s32 $0x0;
	v6 =	vld [tilespmem:s20+$0x0]  }
.LBB2_24:
0x186: {  	s21 =	sadd.s32 $0x4, s21;
	[tilespmem:v1+s6+$0x0] =	vst.idx.msk $0xffff, v7;
	v1 =	vld [tilespmem:s22+$0x10]  }
0x187: {  	v9 =	vld [tilespmem:s22+$0xFFFFFFF0];
	p0 =	slt.u32 s21, $0x88  }
0x188: {  	s20 =	sadd.s32 $0x40, s20;
	v10 =	vld [tilespmem:s22+$0x0]  }
.Ltmp11:
0x189: {  	v7 =	vld [tilespmem:s20+$0x10];
	[tilespmem:v5+s6+$0x0] =	vst.idx.msk $0xffff, v8;
	(pc) =	sbr.rel @p0 .LBB2_24-.Ltmp11, $4  }
0x18a: {  	[tilespmem:v2+s6+$0x0] =	vst.idx.msk $0xffff, v4;
	v2 =	vld [tilespmem:s22+$0xFFFFFFE0]  }
0x18b: {  	v4 =	vld [tilespmem:s20+$0xFFFFFFE0];
	[tilespmem:v3+s6+$0x0] =	vst.idx.msk $0xffff, v6  }
0x18c: {  	v8 =	vld [tilespmem:s20+$0xFFFFFFF0];
	v5 =	vmov v9  }
0x18d: {  	s22 =	sadd.s32 $0x40, s22;
	v6 =	vld [tilespmem:s20+$0x0];
	v3 =	vmov v10  }
0x18e: {  	_ =	sdelay $0x3  }
0x18f: {  	[tilespmem:v1+s6+$0x0] =	vst.idx.msk $0xffff, v7  }
0x190: {  	[tilespmem:v2+s6+$0x0] =	vst.idx.msk $0xffff, v4  }
0x191: {  	[tilespmem:v5+s6+$0x0] =	vst.idx.msk $0xffff, v8  }
0x192: {  	[tilespmem:v3+s6+$0x0] =	vst.idx.msk $0xffff, v6  }
0x193: {  	s20 =	rddreg [dreg:$0x1b]  }
0x194: {  	[tilespmem:s2], [sflag:$0x5] =	stream.linear.gather [hbm4b:s20+s4], $0x8C0, $0x38;
	[tilespmem:$0x1FA80] =	vst v63  }
0x195: {  	_ =	swait.ge [sflag:s8], $0x8C0  }
0x196: {  	[sflag:s8] =	ssyncset.done $0x0  }
0x197: {  	s30 =	rddreg [dreg:$0x1c];
	[sflag:s8] =	ssyncadd.s32 $0xFFFFF740  }
0x198: {  	[tilespmem:s5], [sflag:$0x5] =	stream.linear.gather [hbm4b:s30+s4], $0x8C0, $0x38;
	[tilespmem:$0x1FA80] =	vst v63  }
0x199: {  	_ =	swait.ge [sflag:s8], $0x8C0  }
0x19a: {  	[sflag:s8] =	ssyncset.done $0x0  }
0x19b: {  	s21 =	simm.s32 $0x1E8A0;
	[sflag:s8] =	ssyncadd.s32 $0xFFFFF740  }
0x19c: {  	v1 =	vld [tilespmem:s21+$0x10]  }
0x19d: {  	v5 =	vld [tilespmem:s21+$0xFFFFFFF0]  }
0x19e: {  	s20 =	simm.s32 $0x1F1A0;
	v3 =	vld [tilespmem:s21+$0x0]  }
0x19f: {  	v7 =	vld [tilespmem:s20+$0x10]  }
0x1a0: {  	v2 =	vld [tilespmem:s21+$0xFFFFFFE0]  }
0x1a1: {  	v4 =	vld [tilespmem:s20+$0xFFFFFFE0]  }
0x1a2: {  	v8 =	vld [tilespmem:s20+$0xFFFFFFF0]  }
0x1a3: {  	s22 =	simm.s32 $0x1E8E0;
	s21 =	simm.s32 $0x0;
	v6 =	vld [tilespmem:s20+$0x0]  }
.LBB2_26:
0x1a4: {  	s21 =	sadd.s32 $0x4, s21;
	[tilespmem:v1+s4+$0x0] =	vst.idx.msk $0xffff, v7;
	v1 =	vld [tilespmem:s22+$0x10]  }
0x1a5: {  	v9 =	vld [tilespmem:s22+$0xFFFFFFF0];
	p0 =	slt.u32 s21, $0x88  }
0x1a6: {  	s20 =	sadd.s32 $0x40, s20;
	v10 =	vld [tilespmem:s22+$0x0]  }
.Ltmp12:
0x1a7: {  	v7 =	vld [tilespmem:s20+$0x10];
	[tilespmem:v5+s4+$0x0] =	vst.idx.msk $0xffff, v8;
	(pc) =	sbr.rel @p0 .LBB2_26-.Ltmp12, $4  }
0x1a8: {  	[tilespmem:v2+s4+$0x0] =	vst.idx.msk $0xffff, v4;
	v2 =	vld [tilespmem:s22+$0xFFFFFFE0]  }
0x1a9: {  	v4 =	vld [tilespmem:s20+$0xFFFFFFE0];
	[tilespmem:v3+s4+$0x0] =	vst.idx.msk $0xffff, v6  }
0x1aa: {  	v8 =	vld [tilespmem:s20+$0xFFFFFFF0];
	v5 =	vmov v9  }
0x1ab: {  	s22 =	sadd.s32 $0x40, s22;
	v6 =	vld [tilespmem:s20+$0x0];
	v3 =	vmov v10  }
0x1ac: {  	_ =	sdelay $0x3  }
0x1ad: {  	[tilespmem:v1+s4+$0x0] =	vst.idx.msk $0xffff, v7  }
0x1ae: {  	[tilespmem:v2+s4+$0x0] =	vst.idx.msk $0xffff, v4  }
0x1af: {  	[tilespmem:v5+s4+$0x0] =	vst.idx.msk $0xffff, v8  }
0x1b0: {  	[tilespmem:v3+s4+$0x0] =	vst.idx.msk $0xffff, v6  }
0x1b1: {  	s20 =	rddreg [dreg:$0x1d]  }
0x1b2: {  	[tilespmem:s5], [sflag:$0x5] =	stream.linear.gather [hbm4b:s20+s4], $0x8C0, $0x38;
	[tilespmem:$0x1FA80] =	vst v63  }
0x1b3: {  	_ =	swait.ge [sflag:s8], $0x8C0  }
0x1b4: {  	[sflag:s8] =	ssyncset.done $0x0  }
0x1b5: {  	s21 =	simm.s32 $0x1E8A0;
	[sflag:s8] =	ssyncadd.s32 $0xFFFFF740  }
0x1b6: {  	v1 =	vld [tilespmem:s21+$0x10]  }
0x1b7: {  	v5 =	vld [tilespmem:s21+$0xFFFFFFF0]  }
0x1b8: {  	s20 =	simm.s32 $0x1F1A0;
	v3 =	vld [tilespmem:s21+$0x0]  }
0x1b9: {  	v7 =	vld [tilespmem:s20+$0x10]  }
0x1ba: {  	v2 =	vld [tilespmem:s21+$0xFFFFFFE0]  }
0x1bb: {  	v4 =	vld [tilespmem:s20+$0xFFFFFFE0]  }
0x1bc: {  	v8 =	vld [tilespmem:s20+$0xFFFFFFF0]  }
0x1bd: {  	s22 =	simm.s32 $0x1E8E0;
	s21 =	simm.s32 $0x0;
	v6 =	vld [tilespmem:s20+$0x0]  }
.LBB2_28:
0x1be: {  	s21 =	sadd.s32 $0x4, s21;
	[tilespmem:v1+s6+$0x0] =	vst.idx.msk $0xffff, v7;
	v1 =	vld [tilespmem:s22+$0x10]  }
0x1bf: {  	v9 =	vld [tilespmem:s22+$0xFFFFFFF0];
	p0 =	slt.u32 s21, $0x88  }
0x1c0: {  	s20 =	sadd.s32 $0x40, s20;
	v10 =	vld [tilespmem:s22+$0x0]  }
.Ltmp13:
0x1c1: {  	v7 =	vld [tilespmem:s20+$0x10];
	[tilespmem:v5+s6+$0x0] =	vst.idx.msk $0xffff, v8;
	(pc) =	sbr.rel @p0 .LBB2_28-.Ltmp13, $4  }
0x1c2: {  	[tilespmem:v2+s6+$0x0] =	vst.idx.msk $0xffff, v4;
	v2 =	vld [tilespmem:s22+$0xFFFFFFE0]  }
0x1c3: {  	v4 =	vld [tilespmem:s20+$0xFFFFFFE0];
	[tilespmem:v3+s6+$0x0] =	vst.idx.msk $0xffff, v6  }
0x1c4: {  	v8 =	vld [tilespmem:s20+$0xFFFFFFF0];
	v5 =	vmov v9  }
0x1c5: {  	s22 =	sadd.s32 $0x40, s22;
	v6 =	vld [tilespmem:s20+$0x0];
	v3 =	vmov v10  }
0x1c6: {  	_ =	sdelay $0x3  }
0x1c7: {  	[tilespmem:v1+s6+$0x0] =	vst.idx.msk $0xffff, v7  }
0x1c8: {  	[tilespmem:v2+s6+$0x0] =	vst.idx.msk $0xffff, v4  }
0x1c9: {  	[tilespmem:v5+s6+$0x0] =	vst.idx.msk $0xffff, v8  }
0x1ca: {  	[tilespmem:v3+s6+$0x0] =	vst.idx.msk $0xffff, v6  }
0x1cb: {  	s20 =	rddreg [dreg:$0x1e]  }
0x1cc: {  	[tilespmem:s2], [sflag:$0x5] =	stream.linear.gather [hbm4b:s20+s4], $0x8C0, $0x38;
	[tilespmem:$0x1FA80] =	vst v63  }
0x1cd: {  	_ =	swait.ge [sflag:s8], $0x8C0  }
0x1ce: {  	[sflag:s8] =	ssyncset.done $0x0  }
0x1cf: {  	s30 =	rddreg [dreg:$0x1f];
	[sflag:s8] =	ssyncadd.s32 $0xFFFFF740  }
0x1d0: {  	[tilespmem:s5], [sflag:$0x5] =	stream.linear.gather [hbm4b:s30+s4], $0x8C0, $0x38;
	[tilespmem:$0x1FA80] =	vst v63  }
0x1d1: {  	_ =	swait.ge [sflag:s8], $0x8C0  }
0x1d2: {  	[sflag:s8] =	ssyncset.done $0x0  }
0x1d3: {  	s21 =	simm.s32 $0x1E8A0;
	[sflag:s8] =	ssyncadd.s32 $0xFFFFF740  }
0x1d4: {  	v1 =	vld [tilespmem:s21+$0x10]  }
0x1d5: {  	v5 =	vld [tilespmem:s21+$0xFFFFFFF0]  }
0x1d6: {  	s20 =	simm.s32 $0x1F1A0;
	v3 =	vld [tilespmem:s21+$0x0]  }
0x1d7: {  	v7 =	vld [tilespmem:s20+$0x10]  }
0x1d8: {  	v2 =	vld [tilespmem:s21+$0xFFFFFFE0]  }
0x1d9: {  	v4 =	vld [tilespmem:s20+$0xFFFFFFE0]  }
0x1da: {  	v8 =	vld [tilespmem:s20+$0xFFFFFFF0]  }
0x1db: {  	s22 =	simm.s32 $0x1E8E0;
	s21 =	simm.s32 $0x0;
	v6 =	vld [tilespmem:s20+$0x0]  }
.LBB2_30:
0x1dc: {  	s21 =	sadd.s32 $0x4, s21;
	[tilespmem:v1+s4+$0x0] =	vst.idx.msk $0xffff, v7;
	v1 =	vld [tilespmem:s22+$0x10]  }
0x1dd: {  	v9 =	vld [tilespmem:s22+$0xFFFFFFF0];
	p0 =	slt.u32 s21, $0x88  }
0x1de: {  	s20 =	sadd.s32 $0x40, s20;
	v10 =	vld [tilespmem:s22+$0x0]  }
.Ltmp14:
0x1df: {  	v7 =	vld [tilespmem:s20+$0x10];
	[tilespmem:v5+s4+$0x0] =	vst.idx.msk $0xffff, v8;
	(pc) =	sbr.rel @p0 .LBB2_30-.Ltmp14, $4  }
0x1e0: {  	[tilespmem:v2+s4+$0x0] =	vst.idx.msk $0xffff, v4;
	v2 =	vld [tilespmem:s22+$0xFFFFFFE0]  }
0x1e1: {  	v4 =	vld [tilespmem:s20+$0xFFFFFFE0];
	[tilespmem:v3+s4+$0x0] =	vst.idx.msk $0xffff, v6  }
0x1e2: {  	v8 =	vld [tilespmem:s20+$0xFFFFFFF0];
	v5 =	vmov v9  }
0x1e3: {  	s22 =	sadd.s32 $0x40, s22;
	v6 =	vld [tilespmem:s20+$0x0];
	v3 =	vmov v10  }
0x1e4: {  	_ =	sdelay $0x3  }
0x1e5: {  	[tilespmem:v1+s4+$0x0] =	vst.idx.msk $0xffff, v7  }
0x1e6: {  	[tilespmem:v2+s4+$0x0] =	vst.idx.msk $0xffff, v4  }
0x1e7: {  	[tilespmem:v5+s4+$0x0] =	vst.idx.msk $0xffff, v8  }
0x1e8: {  	[tilespmem:v3+s4+$0x0] =	vst.idx.msk $0xffff, v6  }
0x1e9: {  	s20 =	sld [smem:$0x7E7];
	_ =	sdelay $0x2  }
0x1ea: {  	[tilespmem:s5], [sflag:$0x5] =	stream.linear.gather [hbm4b:s20+s4], $0x8C0, $0x38;
	[tilespmem:$0x1FA80] =	vst v63  }
0x1eb: {  	_ =	swait.ge [sflag:s8], $0x8C0  }
0x1ec: {  	[sflag:s8] =	ssyncset.done $0x0  }
0x1ed: {  	s21 =	simm.s32 $0x1E8A0;
	[sflag:s8] =	ssyncadd.s32 $0xFFFFF740  }
0x1ee: {  	v1 =	vld [tilespmem:s21+$0x10]  }
0x1ef: {  	v5 =	vld [tilespmem:s21+$0xFFFFFFF0]  }
0x1f0: {  	s20 =	simm.s32 $0x1F1A0;
	v3 =	vld [tilespmem:s21+$0x0]  }
0x1f1: {  	v7 =	vld [tilespmem:s20+$0x10]  }
0x1f2: {  	v2 =	vld [tilespmem:s21+$0xFFFFFFE0]  }
0x1f3: {  	v4 =	vld [tilespmem:s20+$0xFFFFFFE0]  }
0x1f4: {  	v8 =	vld [tilespmem:s20+$0xFFFFFFF0]  }
0x1f5: {  	s22 =	simm.s32 $0x1E8E0;
	s21 =	simm.s32 $0x0;
	v6 =	vld [tilespmem:s20+$0x0]  }
.LBB2_32:
0x1f6: {  	s21 =	sadd.s32 $0x4, s21;
	[tilespmem:v1+s6+$0x0] =	vst.idx.msk $0xffff, v7;
	v1 =	vld [tilespmem:s22+$0x10]  }
0x1f7: {  	v9 =	vld [tilespmem:s22+$0xFFFFFFF0];
	p0 =	slt.u32 s21, $0x88  }
0x1f8: {  	s20 =	sadd.s32 $0x40, s20;
	v10 =	vld [tilespmem:s22+$0x0]  }
.Ltmp15:
0x1f9: {  	v7 =	vld [tilespmem:s20+$0x10];
	[tilespmem:v5+s6+$0x0] =	vst.idx.msk $0xffff, v8;
	(pc) =	sbr.rel @p0 .LBB2_32-.Ltmp15, $4  }
0x1fa: {  	[tilespmem:v2+s6+$0x0] =	vst.idx.msk $0xffff, v4;
	v2 =	vld [tilespmem:s22+$0xFFFFFFE0]  }
0x1fb: {  	v4 =	vld [tilespmem:s20+$0xFFFFFFE0];
	[tilespmem:v3+s6+$0x0] =	vst.idx.msk $0xffff, v6  }
0x1fc: {  	v8 =	vld [tilespmem:s20+$0xFFFFFFF0];
	v5 =	vmov v9  }
0x1fd: {  	s22 =	sadd.s32 $0x40, s22;
	v6 =	vld [tilespmem:s20+$0x0];
	v3 =	vmov v10  }
0x1fe: {  	_ =	sdelay $0x3  }
0x1ff: {  	[tilespmem:v1+s6+$0x0] =	vst.idx.msk $0xffff, v7  }
0x200: {  	[tilespmem:v2+s6+$0x0] =	vst.idx.msk $0xffff, v4  }
0x201: {  	[tilespmem:v5+s6+$0x0] =	vst.idx.msk $0xffff, v8  }
0x202: {  	[tilespmem:v3+s6+$0x0] =	vst.idx.msk $0xffff, v6  }
0x203: {  	s20 =	rddreg [dreg:$0xa]  }
0x204: {  	[tilespmem:s2], [sflag:$0x5] =	stream.linear.gather [hbm4b:s20+s4], $0x8C0, $0x38;
	[tilespmem:$0x1FA80] =	vst v63  }
0x205: {  	_ =	swait.ge [sflag:s8], $0x8C0  }
0x206: {  	[sflag:s8] =	ssyncset.done $0x0  }
0x207: {  	s30 =	rddreg [dreg:$0x8];
	[sflag:s8] =	ssyncadd.s32 $0xFFFFF740  }
0x208: {  	[tilespmem:s5], [sflag:$0x5] =	stream.linear.gather [hbm4b:s30+s4], $0x8C0, $0x38;
	[tilespmem:$0x1FA80] =	vst v63  }
0x209: {  	_ =	swait.ge [sflag:s8], $0x8C0  }
0x20a: {  	[sflag:s8] =	ssyncset.done $0x0  }
0x20b: {  	s21 =	simm.s32 $0x1E8A0;
	[sflag:s8] =	ssyncadd.s32 $0xFFFFF740  }
0x20c: {  	v1 =	vld [tilespmem:s21+$0x10]  }
0x20d: {  	v5 =	vld [tilespmem:s21+$0xFFFFFFF0]  }
0x20e: {  	s20 =	simm.s32 $0x1F1A0;
	v3 =	vld [tilespmem:s21+$0x0]  }
0x20f: {  	v7 =	vld [tilespmem:s20+$0x10]  }
0x210: {  	v2 =	vld [tilespmem:s21+$0xFFFFFFE0]  }
0x211: {  	v4 =	vld [tilespmem:s20+$0xFFFFFFE0]  }
0x212: {  	v8 =	vld [tilespmem:s20+$0xFFFFFFF0]  }
0x213: {  	s22 =	simm.s32 $0x1E8E0;
	s21 =	simm.s32 $0x0;
	v6 =	vld [tilespmem:s20+$0x0]  }
.LBB2_34:
0x214: {  	s21 =	sadd.s32 $0x4, s21;
	[tilespmem:v1+s7+$0x0] =	vst.idx.msk $0xffff, v7;
	v1 =	vld [tilespmem:s22+$0x10]  }
0x215: {  	v9 =	vld [tilespmem:s22+$0xFFFFFFF0];
	p0 =	slt.u32 s21, $0x88  }
0x216: {  	s20 =	sadd.s32 $0x40, s20;
	v10 =	vld [tilespmem:s22+$0x0]  }
.Ltmp16:
0x217: {  	v7 =	vld [tilespmem:s20+$0x10];
	[tilespmem:v5+s7+$0x0] =	vst.idx.msk $0xffff, v8;
	(pc) =	sbr.rel @p0 .LBB2_34-.Ltmp16, $4  }
0x218: {  	[tilespmem:v2+s7+$0x0] =	vst.idx.msk $0xffff, v4;
	v2 =	vld [tilespmem:s22+$0xFFFFFFE0]  }
0x219: {  	v4 =	vld [tilespmem:s20+$0xFFFFFFE0];
	[tilespmem:v3+s7+$0x0] =	vst.idx.msk $0xffff, v6  }
0x21a: {  	v8 =	vld [tilespmem:s20+$0xFFFFFFF0];
	v5 =	vmov v9  }
0x21b: {  	s22 =	sadd.s32 $0x40, s22;
	v6 =	vld [tilespmem:s20+$0x0];
	v3 =	vmov v10  }
0x21c: {  	_ =	sdelay $0x3  }
0x21d: {  	[tilespmem:v1+s7+$0x0] =	vst.idx.msk $0xffff, v7  }
0x21e: {  	[tilespmem:v2+s7+$0x0] =	vst.idx.msk $0xffff, v4  }
0x21f: {  	[tilespmem:v5+s7+$0x0] =	vst.idx.msk $0xffff, v8  }
0x220: {  	[tilespmem:v3+s7+$0x0] =	vst.idx.msk $0xffff, v6  }
0x221: {  	s20 =	rddreg [dreg:$0x9]  }
0x222: {  	[tilespmem:s5], [sflag:$0x5] =	stream.linear.gather [hbm4b:s20+s4], $0x8C0, $0x38;
	[tilespmem:$0x1FA80] =	vst v63  }
0x223: {  	_ =	swait.ge [sflag:s8], $0x8C0  }
0x224: {  	[sflag:s8] =	ssyncset.done $0x0  }
0x225: {  	s21 =	simm.s32 $0x1E8A0;
	[sflag:s8] =	ssyncadd.s32 $0xFFFFF740  }
0x226: {  	v1 =	vld [tilespmem:s21+$0x10]  }
0x227: {  	v5 =	vld [tilespmem:s21+$0xFFFFFFF0]  }
0x228: {  	s20 =	simm.s32 $0x1F1A0;
	v3 =	vld [tilespmem:s21+$0x0]  }
0x229: {  	v7 =	vld [tilespmem:s20+$0x10]  }
0x22a: {  	v2 =	vld [tilespmem:s21+$0xFFFFFFE0]  }
0x22b: {  	v4 =	vld [tilespmem:s20+$0xFFFFFFE0]  }
0x22c: {  	v8 =	vld [tilespmem:s20+$0xFFFFFFF0]  }
0x22d: {  	s22 =	simm.s32 $0x1E8E0;
	s21 =	simm.s32 $0x0;
	v6 =	vld [tilespmem:s20+$0x0]  }
.LBB2_36:
0x22e: {  	s21 =	sadd.s32 $0x4, s21;
	[tilespmem:v1+s9+$0x0] =	vst.idx.msk $0xffff, v7;
	v1 =	vld [tilespmem:s22+$0x10]  }
0x22f: {  	v9 =	vld [tilespmem:s22+$0xFFFFFFF0];
	p0 =	slt.u32 s21, $0x88  }
0x230: {  	s20 =	sadd.s32 $0x40, s20;
	v10 =	vld [tilespmem:s22+$0x0]  }
.Ltmp17:
0x231: {  	v7 =	vld [tilespmem:s20+$0x10];
	[tilespmem:v5+s9+$0x0] =	vst.idx.msk $0xffff, v8;
	(pc) =	sbr.rel @p0 .LBB2_36-.Ltmp17, $4  }
0x232: {  	[tilespmem:v2+s9+$0x0] =	vst.idx.msk $0xffff, v4;
	v2 =	vld [tilespmem:s22+$0xFFFFFFE0]  }
0x233: {  	v4 =	vld [tilespmem:s20+$0xFFFFFFE0];
	[tilespmem:v3+s9+$0x0] =	vst.idx.msk $0xffff, v6  }
0x234: {  	v8 =	vld [tilespmem:s20+$0xFFFFFFF0];
	v5 =	vmov v9  }
0x235: {  	s22 =	sadd.s32 $0x40, s22;
	v6 =	vld [tilespmem:s20+$0x0];
	v3 =	vmov v10  }
0x236: {  	_ =	sdelay $0x3  }
0x237: {  	[tilespmem:v1+s9+$0x0] =	vst.idx.msk $0xffff, v7  }
0x238: {  	[tilespmem:v2+s9+$0x0] =	vst.idx.msk $0xffff, v4  }
0x239: {  	[tilespmem:v5+s9+$0x0] =	vst.idx.msk $0xffff, v8  }
0x23a: {  	[tilespmem:v3+s9+$0x0] =	vst.idx.msk $0xffff, v6  }
0x23b: {  	s20 =	sld [smem:$0x7E8];
	_ =	sdelay $0x2  }
0x23c: {  	[tilespmem:s2], [sflag:$0x5] =	stream.linear.gather [hbm4b:s20+s4], $0x8C0, $0x38;
	[tilespmem:$0x1FA80] =	vst v63  }
0x23d: {  	_ =	swait.ge [sflag:s8], $0x8C0  }
0x23e: {  	s30 =	sld [smem:$0x7E9]  }
0x23f: {  	[sflag:s8] =	ssyncset.done $0x0  }
0x240: {  	[sflag:s8] =	ssyncadd.s32 $0xFFFFF740  }
0x241: {  	[tilespmem:s5], [sflag:$0x5] =	stream.linear.gather [hbm4b:s30+s4], $0x8C0, $0x38;
	[tilespmem:$0x1FA80] =	vst v63  }
0x242: {  	_ =	swait.ge [sflag:s8], $0x8C0  }
0x243: {  	[sflag:s8] =	ssyncset.done $0x0  }
0x244: {  	s21 =	simm.s32 $0x1E8A0;
	[sflag:s8] =	ssyncadd.s32 $0xFFFFF740  }
0x245: {  	v1 =	vld [tilespmem:s21+$0x10]  }
0x246: {  	v5 =	vld [tilespmem:s21+$0xFFFFFFF0]  }
0x247: {  	s20 =	simm.s32 $0x1F1A0;
	v3 =	vld [tilespmem:s21+$0x0]  }
0x248: {  	v7 =	vld [tilespmem:s20+$0x10]  }
0x249: {  	v2 =	vld [tilespmem:s21+$0xFFFFFFE0]  }
0x24a: {  	v4 =	vld [tilespmem:s20+$0xFFFFFFE0]  }
0x24b: {  	v8 =	vld [tilespmem:s20+$0xFFFFFFF0]  }
0x24c: {  	s22 =	simm.s32 $0x1E8E0;
	s21 =	simm.s32 $0x0;
	v6 =	vld [tilespmem:s20+$0x0]  }
.LBB2_38:
0x24d: {  	s21 =	sadd.s32 $0x4, s21;
	[tilespmem:v1+s7+$0x0] =	vst.idx.msk $0xffff, v7;
	v1 =	vld [tilespmem:s22+$0x10]  }
0x24e: {  	v9 =	vld [tilespmem:s22+$0xFFFFFFF0];
	p0 =	slt.u32 s21, $0x88  }
0x24f: {  	s20 =	sadd.s32 $0x40, s20;
	v10 =	vld [tilespmem:s22+$0x0]  }
.Ltmp18:
0x250: {  	v7 =	vld [tilespmem:s20+$0x10];
	[tilespmem:v5+s7+$0x0] =	vst.idx.msk $0xffff, v8;
	(pc) =	sbr.rel @p0 .LBB2_38-.Ltmp18, $4  }
0x251: {  	[tilespmem:v2+s7+$0x0] =	vst.idx.msk $0xffff, v4;
	v2 =	vld [tilespmem:s22+$0xFFFFFFE0]  }
0x252: {  	v4 =	vld [tilespmem:s20+$0xFFFFFFE0];
	[tilespmem:v3+s7+$0x0] =	vst.idx.msk $0xffff, v6  }
0x253: {  	v8 =	vld [tilespmem:s20+$0xFFFFFFF0];
	v5 =	vmov v9  }
0x254: {  	s22 =	sadd.s32 $0x40, s22;
	v6 =	vld [tilespmem:s20+$0x0];
	v3 =	vmov v10  }
0x255: {  	_ =	sdelay $0x3  }
0x256: {  	[tilespmem:v1+s7+$0x0] =	vst.idx.msk $0xffff, v7  }
0x257: {  	[tilespmem:v2+s7+$0x0] =	vst.idx.msk $0xffff, v4  }
0x258: {  	[tilespmem:v5+s7+$0x0] =	vst.idx.msk $0xffff, v8  }
0x259: {  	[tilespmem:v3+s7+$0x0] =	vst.idx.msk $0xffff, v6  }
0x25a: {  	s20 =	sld [smem:$0x7EA];
	_ =	sdelay $0x2  }
0x25b: {  	[tilespmem:s5], [sflag:$0x5] =	stream.linear.gather [hbm4b:s20+s4], $0x8C0, $0x38;
	[tilespmem:$0x1FA80] =	vst v63  }
0x25c: {  	_ =	swait.ge [sflag:s8], $0x8C0  }
0x25d: {  	[sflag:s8] =	ssyncset.done $0x0  }
0x25e: {  	s21 =	simm.s32 $0x1E8A0;
	[sflag:s8] =	ssyncadd.s32 $0xFFFFF740  }
0x25f: {  	v1 =	vld [tilespmem:s21+$0x10]  }
0x260: {  	v5 =	vld [tilespmem:s21+$0xFFFFFFF0]  }
0x261: {  	s20 =	simm.s32 $0x1F1A0;
	v3 =	vld [tilespmem:s21+$0x0]  }
0x262: {  	v7 =	vld [tilespmem:s20+$0x10]  }
0x263: {  	v2 =	vld [tilespmem:s21+$0xFFFFFFE0]  }
0x264: {  	v4 =	vld [tilespmem:s20+$0xFFFFFFE0]  }
0x265: {  	v8 =	vld [tilespmem:s20+$0xFFFFFFF0]  }
0x266: {  	s22 =	simm.s32 $0x1E8E0;
	s21 =	simm.s32 $0x0;
	v6 =	vld [tilespmem:s20+$0x0]  }
.LBB2_40:
0x267: {  	s21 =	sadd.s32 $0x4, s21;
	[tilespmem:v1+s9+$0x0] =	vst.idx.msk $0xffff, v7;
	v1 =	vld [tilespmem:s22+$0x10]  }
0x268: {  	v9 =	vld [tilespmem:s22+$0xFFFFFFF0];
	p0 =	slt.u32 s21, $0x88  }
0x269: {  	s20 =	sadd.s32 $0x40, s20;
	v10 =	vld [tilespmem:s22+$0x0]  }
.Ltmp19:
0x26a: {  	v7 =	vld [tilespmem:s20+$0x10];
	[tilespmem:v5+s9+$0x0] =	vst.idx.msk $0xffff, v8;
	(pc) =	sbr.rel @p0 .LBB2_40-.Ltmp19, $4  }
0x26b: {  	[tilespmem:v2+s9+$0x0] =	vst.idx.msk $0xffff, v4;
	v2 =	vld [tilespmem:s22+$0xFFFFFFE0]  }
0x26c: {  	v4 =	vld [tilespmem:s20+$0xFFFFFFE0];
	[tilespmem:v3+s9+$0x0] =	vst.idx.msk $0xffff, v6  }
0x26d: {  	v8 =	vld [tilespmem:s20+$0xFFFFFFF0];
	v5 =	vmov v9  }
0x26e: {  	s22 =	sadd.s32 $0x40, s22;
	v6 =	vld [tilespmem:s20+$0x0];
	v3 =	vmov v10  }
0x26f: {  	_ =	sdelay $0x3  }
0x270: {  	[tilespmem:v1+s9+$0x0] =	vst.idx.msk $0xffff, v7  }
0x271: {  	[tilespmem:v2+s9+$0x0] =	vst.idx.msk $0xffff, v4  }
0x272: {  	[tilespmem:v5+s9+$0x0] =	vst.idx.msk $0xffff, v8  }
0x273: {  	[tilespmem:v3+s9+$0x0] =	vst.idx.msk $0xffff, v6  }
0x274: {  	s20 =	sld [smem:$0x7EB];
	_ =	sdelay $0x2  }
0x275: {  	[tilespmem:s2], [sflag:$0x5] =	stream.linear.gather [hbm4b:s20+s4], $0x8C0, $0x38;
	[tilespmem:$0x1FA80] =	vst v63  }
0x276: {  	_ =	swait.ge [sflag:s8], $0x8C0  }
0x277: {  	s30 =	sld [smem:$0x7EC]  }
0x278: {  	[sflag:s8] =	ssyncset.done $0x0  }
0x279: {  	[sflag:s8] =	ssyncadd.s32 $0xFFFFF740  }
0x27a: {  	[tilespmem:s5], [sflag:$0x5] =	stream.linear.gather [hbm4b:s30+s4], $0x8C0, $0x38;
	[tilespmem:$0x1FA80] =	vst v63  }
0x27b: {  	_ =	swait.ge [sflag:s8], $0x8C0  }
0x27c: {  	[sflag:s8] =	ssyncset.done $0x0  }
0x27d: {  	s21 =	simm.s32 $0x1E8A0;
	[sflag:s8] =	ssyncadd.s32 $0xFFFFF740  }
0x27e: {  	v1 =	vld [tilespmem:s21+$0x10]  }
0x27f: {  	v5 =	vld [tilespmem:s21+$0xFFFFFFF0]  }
0x280: {  	s20 =	simm.s32 $0x1F1A0;
	v3 =	vld [tilespmem:s21+$0x0]  }
0x281: {  	v7 =	vld [tilespmem:s20+$0x10]  }
0x282: {  	v2 =	vld [tilespmem:s21+$0xFFFFFFE0]  }
0x283: {  	v4 =	vld [tilespmem:s20+$0xFFFFFFE0]  }
0x284: {  	v8 =	vld [tilespmem:s20+$0xFFFFFFF0]  }
0x285: {  	s22 =	simm.s32 $0x1E8E0;
	s21 =	simm.s32 $0x0;
	v6 =	vld [tilespmem:s20+$0x0]  }
.LBB2_42:
0x286: {  	s21 =	sadd.s32 $0x4, s21;
	[tilespmem:v1+s7+$0x0] =	vst.idx.msk $0xffff, v7;
	v1 =	vld [tilespmem:s22+$0x10]  }
0x287: {  	v9 =	vld [tilespmem:s22+$0xFFFFFFF0];
	p0 =	slt.u32 s21, $0x88  }
0x288: {  	s20 =	sadd.s32 $0x40, s20;
	v10 =	vld [tilespmem:s22+$0x0]  }
.Ltmp20:
0x289: {  	v7 =	vld [tilespmem:s20+$0x10];
	[tilespmem:v5+s7+$0x0] =	vst.idx.msk $0xffff, v8;
	(pc) =	sbr.rel @p0 .LBB2_42-.Ltmp20, $4  }
0x28a: {  	[tilespmem:v2+s7+$0x0] =	vst.idx.msk $0xffff, v4;
	v2 =	vld [tilespmem:s22+$0xFFFFFFE0]  }
0x28b: {  	v4 =	vld [tilespmem:s20+$0xFFFFFFE0];
	[tilespmem:v3+s7+$0x0] =	vst.idx.msk $0xffff, v6  }
0x28c: {  	v8 =	vld [tilespmem:s20+$0xFFFFFFF0];
	v5 =	vmov v9  }
0x28d: {  	s22 =	sadd.s32 $0x40, s22;
	v6 =	vld [tilespmem:s20+$0x0];
	v3 =	vmov v10  }
0x28e: {  	_ =	sdelay $0x3  }
0x28f: {  	[tilespmem:v1+s7+$0x0] =	vst.idx.msk $0xffff, v7  }
0x290: {  	[tilespmem:v2+s7+$0x0] =	vst.idx.msk $0xffff, v4  }
0x291: {  	[tilespmem:v5+s7+$0x0] =	vst.idx.msk $0xffff, v8  }
0x292: {  	[tilespmem:v3+s7+$0x0] =	vst.idx.msk $0xffff, v6  }
0x293: {  	s20 =	sld [smem:$0x7ED];
	_ =	sdelay $0x2  }
0x294: {  	[tilespmem:s5], [sflag:$0x5] =	stream.linear.gather [hbm4b:s20+s4], $0x8C0, $0x38;
	[tilespmem:$0x1FA80] =	vst v63  }
0x295: {  	_ =	swait.ge [sflag:s8], $0x8C0  }
0x296: {  	[sflag:s8] =	ssyncset.done $0x0  }
0x297: {  	s21 =	simm.s32 $0x1E8A0;
	[sflag:s8] =	ssyncadd.s32 $0xFFFFF740  }
0x298: {  	v1 =	vld [tilespmem:s21+$0x10]  }
0x299: {  	v5 =	vld [tilespmem:s21+$0xFFFFFFF0]  }
0x29a: {  	s20 =	simm.s32 $0x1F1A0;
	v3 =	vld [tilespmem:s21+$0x0]  }
0x29b: {  	v7 =	vld [tilespmem:s20+$0x10]  }
0x29c: {  	v2 =	vld [tilespmem:s21+$0xFFFFFFE0]  }
0x29d: {  	v4 =	vld [tilespmem:s20+$0xFFFFFFE0]  }
0x29e: {  	v8 =	vld [tilespmem:s20+$0xFFFFFFF0]  }
0x29f: {  	s22 =	simm.s32 $0x1E8E0;
	s21 =	simm.s32 $0x0;
	v6 =	vld [tilespmem:s20+$0x0]  }
.LBB2_44:
0x2a0: {  	s21 =	sadd.s32 $0x4, s21;
	[tilespmem:v1+s9+$0x0] =	vst.idx.msk $0xffff, v7;
	v1 =	vld [tilespmem:s22+$0x10]  }
0x2a1: {  	v9 =	vld [tilespmem:s22+$0xFFFFFFF0];
	p0 =	slt.u32 s21, $0x88  }
0x2a2: {  	s20 =	sadd.s32 $0x40, s20;
	v10 =	vld [tilespmem:s22+$0x0]  }
.Ltmp21:
0x2a3: {  	v7 =	vld [tilespmem:s20+$0x10];
	[tilespmem:v5+s9+$0x0] =	vst.idx.msk $0xffff, v8;
	(pc) =	sbr.rel @p0 .LBB2_44-.Ltmp21, $4  }
0x2a4: {  	[tilespmem:v2+s9+$0x0] =	vst.idx.msk $0xffff, v4;
	v2 =	vld [tilespmem:s22+$0xFFFFFFE0]  }
0x2a5: {  	v4 =	vld [tilespmem:s20+$0xFFFFFFE0];
	[tilespmem:v3+s9+$0x0] =	vst.idx.msk $0xffff, v6  }
0x2a6: {  	v8 =	vld [tilespmem:s20+$0xFFFFFFF0];
	v5 =	vmov v9  }
0x2a7: {  	s22 =	sadd.s32 $0x40, s22;
	v6 =	vld [tilespmem:s20+$0x0];
	v3 =	vmov v10  }
0x2a8: {  	_ =	sdelay $0x3  }
0x2a9: {  	[tilespmem:v1+s9+$0x0] =	vst.idx.msk $0xffff, v7  }
0x2aa: {  	[tilespmem:v2+s9+$0x0] =	vst.idx.msk $0xffff, v4  }
0x2ab: {  	[tilespmem:v5+s9+$0x0] =	vst.idx.msk $0xffff, v8  }
0x2ac: {  	[tilespmem:v3+s9+$0x0] =	vst.idx.msk $0xffff, v6  }
0x2ad: {  	s20 =	sld [smem:$0x7EE];
	_ =	sdelay $0x2  }
0x2ae: {  	[tilespmem:s2], [sflag:$0x5] =	stream.linear.gather [hbm4b:s20+s4], $0x8C0, $0x38;
	[tilespmem:$0x1FA80] =	vst v63  }
0x2af: {  	_ =	swait.ge [sflag:s8], $0x8C0  }
0x2b0: {  	s30 =	sld [smem:$0x7EF]  }
0x2b1: {  	[sflag:s8] =	ssyncset.done $0x0  }
0x2b2: {  	[sflag:s8] =	ssyncadd.s32 $0xFFFFF740  }
0x2b3: {  	[tilespmem:s5], [sflag:$0x5] =	stream.linear.gather [hbm4b:s30+s4], $0x8C0, $0x38;
	[tilespmem:$0x1FA80] =	vst v63  }
0x2b4: {  	_ =	swait.ge [sflag:s8], $0x8C0  }
0x2b5: {  	[sflag:s8] =	ssyncset.done $0x0  }
0x2b6: {  	s21 =	simm.s32 $0x1E8A0;
	[sflag:s8] =	ssyncadd.s32 $0xFFFFF740  }
0x2b7: {  	v1 =	vld [tilespmem:s21+$0x10]  }
0x2b8: {  	v5 =	vld [tilespmem:s21+$0xFFFFFFF0]  }
0x2b9: {  	s20 =	simm.s32 $0x1F1A0;
	v3 =	vld [tilespmem:s21+$0x0]  }
0x2ba: {  	v7 =	vld [tilespmem:s20+$0x10]  }
0x2bb: {  	v2 =	vld [tilespmem:s21+$0xFFFFFFE0]  }
0x2bc: {  	v4 =	vld [tilespmem:s20+$0xFFFFFFE0]  }
0x2bd: {  	v8 =	vld [tilespmem:s20+$0xFFFFFFF0]  }
0x2be: {  	s22 =	simm.s32 $0x1E8E0;
	s21 =	simm.s32 $0x0;
	v6 =	vld [tilespmem:s20+$0x0]  }
.LBB2_46:
0x2bf: {  	s21 =	sadd.s32 $0x4, s21;
	[tilespmem:v1+s7+$0x0] =	vst.idx.msk $0xffff, v7;
	v1 =	vld [tilespmem:s22+$0x10]  }
0x2c0: {  	v9 =	vld [tilespmem:s22+$0xFFFFFFF0];
	p0 =	slt.u32 s21, $0x88  }
0x2c1: {  	s20 =	sadd.s32 $0x40, s20;
	v10 =	vld [tilespmem:s22+$0x0]  }
.Ltmp22:
0x2c2: {  	v7 =	vld [tilespmem:s20+$0x10];
	[tilespmem:v5+s7+$0x0] =	vst.idx.msk $0xffff, v8;
	(pc) =	sbr.rel @p0 .LBB2_46-.Ltmp22, $4  }
0x2c3: {  	[tilespmem:v2+s7+$0x0] =	vst.idx.msk $0xffff, v4;
	v2 =	vld [tilespmem:s22+$0xFFFFFFE0]  }
0x2c4: {  	v4 =	vld [tilespmem:s20+$0xFFFFFFE0];
	[tilespmem:v3+s7+$0x0] =	vst.idx.msk $0xffff, v6  }
0x2c5: {  	v8 =	vld [tilespmem:s20+$0xFFFFFFF0];
	v5 =	vmov v9  }
0x2c6: {  	s22 =	sadd.s32 $0x40, s22;
	v6 =	vld [tilespmem:s20+$0x0];
	v3 =	vmov v10  }
0x2c7: {  	_ =	sdelay $0x3  }
0x2c8: {  	[tilespmem:v1+s7+$0x0] =	vst.idx.msk $0xffff, v7  }
0x2c9: {  	[tilespmem:v2+s7+$0x0] =	vst.idx.msk $0xffff, v4  }
0x2ca: {  	[tilespmem:v5+s7+$0x0] =	vst.idx.msk $0xffff, v8  }
0x2cb: {  	[tilespmem:v3+s7+$0x0] =	vst.idx.msk $0xffff, v6  }
0x2cc: {  	s20 =	sld [smem:$0x7F0];
	_ =	sdelay $0x2  }
0x2cd: {  	[tilespmem:s5], [sflag:$0x5] =	stream.linear.gather [hbm4b:s20+s4], $0x8C0, $0x38;
	[tilespmem:$0x1FA80] =	vst v63  }
0x2ce: {  	_ =	swait.ge [sflag:s8], $0x8C0  }
0x2cf: {  	[sflag:s8] =	ssyncset.done $0x0  }
0x2d0: {  	s21 =	simm.s32 $0x1E8A0;
	[sflag:s8] =	ssyncadd.s32 $0xFFFFF740  }
0x2d1: {  	v1 =	vld [tilespmem:s21+$0x10]  }
0x2d2: {  	v5 =	vld [tilespmem:s21+$0xFFFFFFF0]  }
0x2d3: {  	s20 =	simm.s32 $0x1F1A0;
	v3 =	vld [tilespmem:s21+$0x0]  }
0x2d4: {  	v7 =	vld [tilespmem:s20+$0x10]  }
0x2d5: {  	v2 =	vld [tilespmem:s21+$0xFFFFFFE0]  }
0x2d6: {  	v4 =	vld [tilespmem:s20+$0xFFFFFFE0]  }
0x2d7: {  	v8 =	vld [tilespmem:s20+$0xFFFFFFF0]  }
0x2d8: {  	s22 =	simm.s32 $0x1E8E0;
	s21 =	simm.s32 $0x0;
	v6 =	vld [tilespmem:s20+$0x0]  }
.LBB2_48:
0x2d9: {  	s21 =	sadd.s32 $0x4, s21;
	[tilespmem:v1+s9+$0x0] =	vst.idx.msk $0xffff, v7;
	v1 =	vld [tilespmem:s22+$0x10]  }
0x2da: {  	v9 =	vld [tilespmem:s22+$0xFFFFFFF0];
	p0 =	slt.u32 s21, $0x88  }
0x2db: {  	s20 =	sadd.s32 $0x40, s20;
	v10 =	vld [tilespmem:s22+$0x0]  }
.Ltmp23:
0x2dc: {  	v7 =	vld [tilespmem:s20+$0x10];
	[tilespmem:v5+s9+$0x0] =	vst.idx.msk $0xffff, v8;
	(pc) =	sbr.rel @p0 .LBB2_48-.Ltmp23, $4  }
0x2dd: {  	[tilespmem:v2+s9+$0x0] =	vst.idx.msk $0xffff, v4;
	v2 =	vld [tilespmem:s22+$0xFFFFFFE0]  }
0x2de: {  	v4 =	vld [tilespmem:s20+$0xFFFFFFE0];
	[tilespmem:v3+s9+$0x0] =	vst.idx.msk $0xffff, v6  }
0x2df: {  	v8 =	vld [tilespmem:s20+$0xFFFFFFF0];
	v5 =	vmov v9  }
0x2e0: {  	s22 =	sadd.s32 $0x40, s22;
	v6 =	vld [tilespmem:s20+$0x0];
	v3 =	vmov v10  }
0x2e1: {  	_ =	sdelay $0x3  }
0x2e2: {  	[tilespmem:v1+s9+$0x0] =	vst.idx.msk $0xffff, v7  }
0x2e3: {  	[tilespmem:v2+s9+$0x0] =	vst.idx.msk $0xffff, v4  }
0x2e4: {  	[tilespmem:v5+s9+$0x0] =	vst.idx.msk $0xffff, v8  }
0x2e5: {  	[tilespmem:v3+s9+$0x0] =	vst.idx.msk $0xffff, v6  }
0x2e6: {  	s20 =	sld [smem:$0x7F1];
	_ =	sdelay $0x2  }
0x2e7: {  	[tilespmem:s2], [sflag:$0x5] =	stream.linear.gather [hbm4b:s20+s4], $0x8C0, $0x38;
	[tilespmem:$0x1FA80] =	vst v63  }
0x2e8: {  	_ =	swait.ge [sflag:s8], $0x8C0  }
0x2e9: {  	s30 =	sld [smem:$0x7F2]  }
0x2ea: {  	[sflag:s8] =	ssyncset.done $0x0  }
0x2eb: {  	[sflag:s8] =	ssyncadd.s32 $0xFFFFF740  }
0x2ec: {  	[tilespmem:s5], [sflag:$0x5] =	stream.linear.gather [hbm4b:s30+s4], $0x8C0, $0x38;
	[tilespmem:$0x1FA80] =	vst v63  }
0x2ed: {  	_ =	swait.ge [sflag:s8], $0x8C0  }
0x2ee: {  	[sflag:s8] =	ssyncset.done $0x0  }
0x2ef: {  	s21 =	simm.s32 $0x1E8A0;
	[sflag:s8] =	ssyncadd.s32 $0xFFFFF740  }
0x2f0: {  	v1 =	vld [tilespmem:s21+$0x10]  }
0x2f1: {  	v5 =	vld [tilespmem:s21+$0xFFFFFFF0]  }
0x2f2: {  	s20 =	simm.s32 $0x1F1A0;
	v3 =	vld [tilespmem:s21+$0x0]  }
0x2f3: {  	v7 =	vld [tilespmem:s20+$0x10]  }
0x2f4: {  	v2 =	vld [tilespmem:s21+$0xFFFFFFE0]  }
0x2f5: {  	v4 =	vld [tilespmem:s20+$0xFFFFFFE0]  }
0x2f6: {  	v8 =	vld [tilespmem:s20+$0xFFFFFFF0]  }
0x2f7: {  	s22 =	simm.s32 $0x1E8E0;
	s21 =	simm.s32 $0x0;
	v6 =	vld [tilespmem:s20+$0x0]  }
.LBB2_50:
0x2f8: {  	s21 =	sadd.s32 $0x4, s21;
	[tilespmem:v1+s7+$0x0] =	vst.idx.msk $0xffff, v7;
	v1 =	vld [tilespmem:s22+$0x10]  }
0x2f9: {  	v9 =	vld [tilespmem:s22+$0xFFFFFFF0];
	p0 =	slt.u32 s21, $0x88  }
0x2fa: {  	s20 =	sadd.s32 $0x40, s20;
	v10 =	vld [tilespmem:s22+$0x0]  }
.Ltmp24:
0x2fb: {  	v7 =	vld [tilespmem:s20+$0x10];
	[tilespmem:v5+s7+$0x0] =	vst.idx.msk $0xffff, v8;
	(pc) =	sbr.rel @p0 .LBB2_50-.Ltmp24, $4  }
0x2fc: {  	[tilespmem:v2+s7+$0x0] =	vst.idx.msk $0xffff, v4;
	v2 =	vld [tilespmem:s22+$0xFFFFFFE0]  }
0x2fd: {  	v4 =	vld [tilespmem:s20+$0xFFFFFFE0];
	[tilespmem:v3+s7+$0x0] =	vst.idx.msk $0xffff, v6  }
0x2fe: {  	v8 =	vld [tilespmem:s20+$0xFFFFFFF0];
	v5 =	vmov v9  }
0x2ff: {  	s22 =	sadd.s32 $0x40, s22;
	v6 =	vld [tilespmem:s20+$0x0];
	v3 =	vmov v10  }
0x300: {  	_ =	sdelay $0x3  }
0x301: {  	[tilespmem:v1+s7+$0x0] =	vst.idx.msk $0xffff, v7  }
0x302: {  	[tilespmem:v2+s7+$0x0] =	vst.idx.msk $0xffff, v4  }
0x303: {  	[tilespmem:v5+s7+$0x0] =	vst.idx.msk $0xffff, v8  }
0x304: {  	[tilespmem:v3+s7+$0x0] =	vst.idx.msk $0xffff, v6  }
0x305: {  	s20 =	sld [smem:$0x7F3];
	_ =	sdelay $0x2  }
0x306: {  	[tilespmem:s5], [sflag:$0x5] =	stream.linear.gather [hbm4b:s20+s4], $0x8C0, $0x38;
	[tilespmem:$0x1FA80] =	vst v63  }
0x307: {  	_ =	swait.ge [sflag:s8], $0x8C0  }
0x308: {  	[sflag:s8] =	ssyncset.done $0x0  }
0x309: {  	s21 =	simm.s32 $0x1E8A0;
	[sflag:s8] =	ssyncadd.s32 $0xFFFFF740  }
0x30a: {  	v1 =	vld [tilespmem:s21+$0x10]  }
0x30b: {  	v5 =	vld [tilespmem:s21+$0xFFFFFFF0]  }
0x30c: {  	s20 =	simm.s32 $0x1F1A0;
	v3 =	vld [tilespmem:s21+$0x0]  }
0x30d: {  	v7 =	vld [tilespmem:s20+$0x10]  }
0x30e: {  	v2 =	vld [tilespmem:s21+$0xFFFFFFE0]  }
0x30f: {  	v4 =	vld [tilespmem:s20+$0xFFFFFFE0]  }
0x310: {  	v8 =	vld [tilespmem:s20+$0xFFFFFFF0]  }
0x311: {  	s22 =	simm.s32 $0x1E8E0;
	s21 =	simm.s32 $0x0;
	v6 =	vld [tilespmem:s20+$0x0]  }
.LBB2_52:
0x312: {  	s21 =	sadd.s32 $0x4, s21;
	[tilespmem:v1+s9+$0x0] =	vst.idx.msk $0xffff, v7;
	v1 =	vld [tilespmem:s22+$0x10]  }
0x313: {  	v9 =	vld [tilespmem:s22+$0xFFFFFFF0];
	p0 =	slt.u32 s21, $0x88  }
0x314: {  	s20 =	sadd.s32 $0x40, s20;
	v10 =	vld [tilespmem:s22+$0x0]  }
.Ltmp25:
0x315: {  	v7 =	vld [tilespmem:s20+$0x10];
	[tilespmem:v5+s9+$0x0] =	vst.idx.msk $0xffff, v8;
	(pc) =	sbr.rel @p0 .LBB2_52-.Ltmp25, $4  }
0x316: {  	[tilespmem:v2+s9+$0x0] =	vst.idx.msk $0xffff, v4;
	v2 =	vld [tilespmem:s22+$0xFFFFFFE0]  }
0x317: {  	v4 =	vld [tilespmem:s20+$0xFFFFFFE0];
	[tilespmem:v3+s9+$0x0] =	vst.idx.msk $0xffff, v6  }
0x318: {  	v8 =	vld [tilespmem:s20+$0xFFFFFFF0];
	v5 =	vmov v9  }
0x319: {  	s22 =	sadd.s32 $0x40, s22;
	v6 =	vld [tilespmem:s20+$0x0];
	v3 =	vmov v10  }
0x31a: {  	_ =	sdelay $0x3  }
0x31b: {  	[tilespmem:v1+s9+$0x0] =	vst.idx.msk $0xffff, v7  }
0x31c: {  	[tilespmem:v2+s9+$0x0] =	vst.idx.msk $0xffff, v4  }
0x31d: {  	[tilespmem:v5+s9+$0x0] =	vst.idx.msk $0xffff, v8  }
0x31e: {  	[tilespmem:v3+s9+$0x0] =	vst.idx.msk $0xffff, v6  }
0x31f: {  	s20 =	sld [smem:$0x7F4];
	_ =	sdelay $0x2  }
0x320: {  	[tilespmem:s2], [sflag:$0x5] =	stream.linear.gather [hbm4b:s20+s4], $0x8C0, $0x38;
	[tilespmem:$0x1FA80] =	vst v63  }
0x321: {  	_ =	swait.ge [sflag:s8], $0x8C0  }
0x322: {  	s30 =	sld [smem:$0x7F5]  }
0x323: {  	[sflag:s8] =	ssyncset.done $0x0  }
0x324: {  	[sflag:s8] =	ssyncadd.s32 $0xFFFFF740  }
0x325: {  	[tilespmem:s5], [sflag:$0x5] =	stream.linear.gather [hbm4b:s30+s4], $0x8C0, $0x38;
	[tilespmem:$0x1FA80] =	vst v63  }
0x326: {  	_ =	swait.ge [sflag:s8], $0x8C0  }
0x327: {  	[sflag:s8] =	ssyncset.done $0x0  }
0x328: {  	s21 =	simm.s32 $0x1E8A0;
	[sflag:s8] =	ssyncadd.s32 $0xFFFFF740  }
0x329: {  	v1 =	vld [tilespmem:s21+$0x10]  }
0x32a: {  	v5 =	vld [tilespmem:s21+$0xFFFFFFF0]  }
0x32b: {  	s20 =	simm.s32 $0x1F1A0;
	v3 =	vld [tilespmem:s21+$0x0]  }
0x32c: {  	v7 =	vld [tilespmem:s20+$0x10]  }
0x32d: {  	v2 =	vld [tilespmem:s21+$0xFFFFFFE0]  }
0x32e: {  	v4 =	vld [tilespmem:s20+$0xFFFFFFE0]  }
0x32f: {  	v8 =	vld [tilespmem:s20+$0xFFFFFFF0]  }
0x330: {  	s22 =	simm.s32 $0x1E8E0;
	s21 =	simm.s32 $0x0;
	v6 =	vld [tilespmem:s20+$0x0]  }
.LBB2_54:
0x331: {  	s21 =	sadd.s32 $0x4, s21;
	[tilespmem:v1+s7+$0x0] =	vst.idx.msk $0xffff, v7;
	v1 =	vld [tilespmem:s22+$0x10]  }
0x332: {  	v9 =	vld [tilespmem:s22+$0xFFFFFFF0];
	p0 =	slt.u32 s21, $0x88  }
0x333: {  	s20 =	sadd.s32 $0x40, s20;
	v10 =	vld [tilespmem:s22+$0x0]  }
.Ltmp26:
0x334: {  	v7 =	vld [tilespmem:s20+$0x10];
	[tilespmem:v5+s7+$0x0] =	vst.idx.msk $0xffff, v8;
	(pc) =	sbr.rel @p0 .LBB2_54-.Ltmp26, $4  }
0x335: {  	[tilespmem:v2+s7+$0x0] =	vst.idx.msk $0xffff, v4;
	v2 =	vld [tilespmem:s22+$0xFFFFFFE0]  }
0x336: {  	v4 =	vld [tilespmem:s20+$0xFFFFFFE0];
	[tilespmem:v3+s7+$0x0] =	vst.idx.msk $0xffff, v6  }
0x337: {  	v8 =	vld [tilespmem:s20+$0xFFFFFFF0];
	v5 =	vmov v9  }
0x338: {  	s22 =	sadd.s32 $0x40, s22;
	v6 =	vld [tilespmem:s20+$0x0];
	v3 =	vmov v10  }
0x339: {  	_ =	sdelay $0x3  }
0x33a: {  	[tilespmem:v1+s7+$0x0] =	vst.idx.msk $0xffff, v7  }
0x33b: {  	[tilespmem:v2+s7+$0x0] =	vst.idx.msk $0xffff, v4  }
0x33c: {  	[tilespmem:v5+s7+$0x0] =	vst.idx.msk $0xffff, v8  }
0x33d: {  	[tilespmem:v3+s7+$0x0] =	vst.idx.msk $0xffff, v6  }
0x33e: {  	s20 =	sld [smem:$0x7F6];
	_ =	sdelay $0x2  }
0x33f: {  	[tilespmem:s5], [sflag:$0x5] =	stream.linear.gather [hbm4b:s20+s4], $0x8C0, $0x38;
	[tilespmem:$0x1FA80] =	vst v63  }
0x340: {  	_ =	swait.ge [sflag:s8], $0x8C0  }
0x341: {  	[sflag:s8] =	ssyncset.done $0x0  }
0x342: {  	s21 =	simm.s32 $0x1E8A0;
	[sflag:s8] =	ssyncadd.s32 $0xFFFFF740  }
0x343: {  	v1 =	vld [tilespmem:s21+$0x10]  }
0x344: {  	v5 =	vld [tilespmem:s21+$0xFFFFFFF0]  }
0x345: {  	s20 =	simm.s32 $0x1F1A0;
	v3 =	vld [tilespmem:s21+$0x0]  }
0x346: {  	v7 =	vld [tilespmem:s20+$0x10]  }
0x347: {  	v2 =	vld [tilespmem:s21+$0xFFFFFFE0]  }
0x348: {  	v4 =	vld [tilespmem:s20+$0xFFFFFFE0]  }
0x349: {  	v8 =	vld [tilespmem:s20+$0xFFFFFFF0]  }
0x34a: {  	s22 =	simm.s32 $0x1E8E0;
	s21 =	simm.s32 $0x0;
	v6 =	vld [tilespmem:s20+$0x0]  }
.LBB2_56:
0x34b: {  	s21 =	sadd.s32 $0x4, s21;
	[tilespmem:v1+s9+$0x0] =	vst.idx.msk $0xffff, v7;
	v1 =	vld [tilespmem:s22+$0x10]  }
0x34c: {  	v9 =	vld [tilespmem:s22+$0xFFFFFFF0];
	p0 =	slt.u32 s21, $0x88  }
0x34d: {  	s20 =	sadd.s32 $0x40, s20;
	v10 =	vld [tilespmem:s22+$0x0]  }
.Ltmp27:
0x34e: {  	v7 =	vld [tilespmem:s20+$0x10];
	[tilespmem:v5+s9+$0x0] =	vst.idx.msk $0xffff, v8;
	(pc) =	sbr.rel @p0 .LBB2_56-.Ltmp27, $4  }
0x34f: {  	[tilespmem:v2+s9+$0x0] =	vst.idx.msk $0xffff, v4;
	v2 =	vld [tilespmem:s22+$0xFFFFFFE0]  }
0x350: {  	v4 =	vld [tilespmem:s20+$0xFFFFFFE0];
	[tilespmem:v3+s9+$0x0] =	vst.idx.msk $0xffff, v6  }
0x351: {  	v8 =	vld [tilespmem:s20+$0xFFFFFFF0];
	v5 =	vmov v9  }
0x352: {  	s22 =	sadd.s32 $0x40, s22;
	v6 =	vld [tilespmem:s20+$0x0];
	v3 =	vmov v10  }
0x353: {  	_ =	sdelay $0x3  }
0x354: {  	[tilespmem:v1+s9+$0x0] =	vst.idx.msk $0xffff, v7  }
0x355: {  	[tilespmem:v2+s9+$0x0] =	vst.idx.msk $0xffff, v4  }
0x356: {  	[tilespmem:v5+s9+$0x0] =	vst.idx.msk $0xffff, v8  }
0x357: {  	[tilespmem:v3+s9+$0x0] =	vst.idx.msk $0xffff, v6  }
0x358: {  	s20 =	sld [smem:$0x7F7];
	_ =	sdelay $0x2  }
0x359: {  	[tilespmem:s2], [sflag:$0x5] =	stream.linear.gather [hbm4b:s20+s4], $0x8C0, $0x38;
	[tilespmem:$0x1FA80] =	vst v63  }
0x35a: {  	_ =	swait.ge [sflag:s8], $0x8C0  }
0x35b: {  	s30 =	sld [smem:$0x7F8]  }
0x35c: {  	[sflag:s8] =	ssyncset.done $0x0  }
0x35d: {  	[sflag:s8] =	ssyncadd.s32 $0xFFFFF740  }
0x35e: {  	[tilespmem:s5], [sflag:$0x5] =	stream.linear.gather [hbm4b:s30+s4], $0x8C0, $0x38;
	[tilespmem:$0x1FA80] =	vst v63  }
0x35f: {  	_ =	swait.ge [sflag:s8], $0x8C0  }
0x360: {  	[sflag:s8] =	ssyncset.done $0x0  }
0x361: {  	s21 =	simm.s32 $0x1E8A0;
	[sflag:s8] =	ssyncadd.s32 $0xFFFFF740  }
0x362: {  	v1 =	vld [tilespmem:s21+$0x10]  }
0x363: {  	v5 =	vld [tilespmem:s21+$0xFFFFFFF0]  }
0x364: {  	s20 =	simm.s32 $0x1F1A0;
	v3 =	vld [tilespmem:s21+$0x0]  }
0x365: {  	v7 =	vld [tilespmem:s20+$0x10]  }
0x366: {  	v2 =	vld [tilespmem:s21+$0xFFFFFFE0]  }
0x367: {  	v4 =	vld [tilespmem:s20+$0xFFFFFFE0]  }
0x368: {  	v8 =	vld [tilespmem:s20+$0xFFFFFFF0]  }
0x369: {  	s22 =	simm.s32 $0x1E8E0;
	s21 =	simm.s32 $0x0;
	v6 =	vld [tilespmem:s20+$0x0]  }
.LBB2_58:
0x36a: {  	s21 =	sadd.s32 $0x4, s21;
	[tilespmem:v1+s7+$0x0] =	vst.idx.msk $0xffff, v7;
	v1 =	vld [tilespmem:s22+$0x10]  }
0x36b: {  	v9 =	vld [tilespmem:s22+$0xFFFFFFF0];
	p0 =	slt.u32 s21, $0x88  }
0x36c: {  	s20 =	sadd.s32 $0x40, s20;
	v10 =	vld [tilespmem:s22+$0x0]  }
.Ltmp28:
0x36d: {  	v7 =	vld [tilespmem:s20+$0x10];
	[tilespmem:v5+s7+$0x0] =	vst.idx.msk $0xffff, v8;
	(pc) =	sbr.rel @p0 .LBB2_58-.Ltmp28, $4  }
0x36e: {  	[tilespmem:v2+s7+$0x0] =	vst.idx.msk $0xffff, v4;
	v2 =	vld [tilespmem:s22+$0xFFFFFFE0]  }
0x36f: {  	v4 =	vld [tilespmem:s20+$0xFFFFFFE0];
	[tilespmem:v3+s7+$0x0] =	vst.idx.msk $0xffff, v6  }
0x370: {  	v8 =	vld [tilespmem:s20+$0xFFFFFFF0];
	v5 =	vmov v9  }
0x371: {  	s22 =	sadd.s32 $0x40, s22;
	v6 =	vld [tilespmem:s20+$0x0];
	v3 =	vmov v10  }
0x372: {  	_ =	sdelay $0x3  }
0x373: {  	[tilespmem:v1+s7+$0x0] =	vst.idx.msk $0xffff, v7  }
0x374: {  	[tilespmem:v2+s7+$0x0] =	vst.idx.msk $0xffff, v4  }
0x375: {  	[tilespmem:v5+s7+$0x0] =	vst.idx.msk $0xffff, v8  }
0x376: {  	[tilespmem:v3+s7+$0x0] =	vst.idx.msk $0xffff, v6  }
0x377: {  	s20 =	sld [smem:$0x7F9];
	_ =	sdelay $0x2  }
0x378: {  	[tilespmem:s5], [sflag:$0x5] =	stream.linear.gather [hbm4b:s20+s4], $0x8C0, $0x38;
	[tilespmem:$0x1FA80] =	vst v63  }
0x379: {  	_ =	swait.ge [sflag:s8], $0x8C0  }
0x37a: {  	[sflag:s8] =	ssyncset.done $0x0  }
0x37b: {  	s21 =	simm.s32 $0x1E8A0;
	[sflag:s8] =	ssyncadd.s32 $0xFFFFF740  }
0x37c: {  	v1 =	vld [tilespmem:s21+$0x10]  }
0x37d: {  	v5 =	vld [tilespmem:s21+$0xFFFFFFF0]  }
0x37e: {  	s20 =	simm.s32 $0x1F1A0;
	v3 =	vld [tilespmem:s21+$0x0]  }
0x37f: {  	v7 =	vld [tilespmem:s20+$0x10]  }
0x380: {  	v2 =	vld [tilespmem:s21+$0xFFFFFFE0]  }
0x381: {  	v4 =	vld [tilespmem:s20+$0xFFFFFFE0]  }
0x382: {  	v8 =	vld [tilespmem:s20+$0xFFFFFFF0]  }
0x383: {  	s22 =	simm.s32 $0x1E8E0;
	s21 =	simm.s32 $0x0;
	v6 =	vld [tilespmem:s20+$0x0]  }
.LBB2_60:
0x384: {  	s21 =	sadd.s32 $0x4, s21;
	[tilespmem:v1+s9+$0x0] =	vst.idx.msk $0xffff, v7;
	v1 =	vld [tilespmem:s22+$0x10]  }
0x385: {  	v9 =	vld [tilespmem:s22+$0xFFFFFFF0];
	p0 =	slt.u32 s21, $0x88  }
0x386: {  	s20 =	sadd.s32 $0x40, s20;
	v10 =	vld [tilespmem:s22+$0x0]  }
.Ltmp29:
0x387: {  	v7 =	vld [tilespmem:s20+$0x10];
	[tilespmem:v5+s9+$0x0] =	vst.idx.msk $0xffff, v8;
	(pc) =	sbr.rel @p0 .LBB2_60-.Ltmp29, $4  }
0x388: {  	[tilespmem:v2+s9+$0x0] =	vst.idx.msk $0xffff, v4;
	v2 =	vld [tilespmem:s22+$0xFFFFFFE0]  }
0x389: {  	v4 =	vld [tilespmem:s20+$0xFFFFFFE0];
	[tilespmem:v3+s9+$0x0] =	vst.idx.msk $0xffff, v6  }
0x38a: {  	v8 =	vld [tilespmem:s20+$0xFFFFFFF0];
	v5 =	vmov v9  }
0x38b: {  	s22 =	sadd.s32 $0x40, s22;
	v6 =	vld [tilespmem:s20+$0x0];
	v3 =	vmov v10  }
0x38c: {  	_ =	sdelay $0x3  }
0x38d: {  	[tilespmem:v1+s9+$0x0] =	vst.idx.msk $0xffff, v7  }
0x38e: {  	[tilespmem:v2+s9+$0x0] =	vst.idx.msk $0xffff, v4  }
0x38f: {  	[tilespmem:v5+s9+$0x0] =	vst.idx.msk $0xffff, v8  }
0x390: {  	[tilespmem:v3+s9+$0x0] =	vst.idx.msk $0xffff, v6  }
0x391: {  	s20 =	sld [smem:$0x7FA];
	_ =	sdelay $0x2  }
0x392: {  	[tilespmem:s2], [sflag:$0x5] =	stream.linear.gather [hbm4b:s20+s4], $0x8C0, $0x38;
	[tilespmem:$0x1FA80] =	vst v63  }
0x393: {  	_ =	swait.ge [sflag:s8], $0x8C0  }
0x394: {  	s30 =	sld [smem:$0x7FB]  }
0x395: {  	[sflag:s8] =	ssyncset.done $0x0  }
0x396: {  	[sflag:s8] =	ssyncadd.s32 $0xFFFFF740  }
0x397: {  	[tilespmem:s5], [sflag:$0x5] =	stream.linear.gather [hbm4b:s30+s4], $0x8C0, $0x38;
	[tilespmem:$0x1FA80] =	vst v63  }
0x398: {  	_ =	swait.ge [sflag:s8], $0x8C0  }
0x399: {  	[sflag:s8] =	ssyncset.done $0x0  }
0x39a: {  	s21 =	simm.s32 $0x1E8A0;
	[sflag:s8] =	ssyncadd.s32 $0xFFFFF740  }
0x39b: {  	v1 =	vld [tilespmem:s21+$0x10]  }
0x39c: {  	v5 =	vld [tilespmem:s21+$0xFFFFFFF0]  }
0x39d: {  	s20 =	simm.s32 $0x1F1A0;
	v3 =	vld [tilespmem:s21+$0x0]  }
0x39e: {  	v7 =	vld [tilespmem:s20+$0x10]  }
0x39f: {  	v2 =	vld [tilespmem:s21+$0xFFFFFFE0]  }
0x3a0: {  	v4 =	vld [tilespmem:s20+$0xFFFFFFE0]  }
0x3a1: {  	v8 =	vld [tilespmem:s20+$0xFFFFFFF0]  }
0x3a2: {  	s22 =	simm.s32 $0x1E8E0;
	s21 =	simm.s32 $0x0;
	v6 =	vld [tilespmem:s20+$0x0]  }
.LBB2_62:
0x3a3: {  	s21 =	sadd.s32 $0x4, s21;
	[tilespmem:v1+s7+$0x0] =	vst.idx.msk $0xffff, v7;
	v1 =	vld [tilespmem:s22+$0x10]  }
0x3a4: {  	v9 =	vld [tilespmem:s22+$0xFFFFFFF0];
	p0 =	slt.u32 s21, $0x88  }
0x3a5: {  	s20 =	sadd.s32 $0x40, s20;
	v10 =	vld [tilespmem:s22+$0x0]  }
.Ltmp30:
0x3a6: {  	v7 =	vld [tilespmem:s20+$0x10];
	[tilespmem:v5+s7+$0x0] =	vst.idx.msk $0xffff, v8;
	(pc) =	sbr.rel @p0 .LBB2_62-.Ltmp30, $4  }
0x3a7: {  	[tilespmem:v2+s7+$0x0] =	vst.idx.msk $0xffff, v4;
	v2 =	vld [tilespmem:s22+$0xFFFFFFE0]  }
0x3a8: {  	v4 =	vld [tilespmem:s20+$0xFFFFFFE0];
	[tilespmem:v3+s7+$0x0] =	vst.idx.msk $0xffff, v6  }
0x3a9: {  	v8 =	vld [tilespmem:s20+$0xFFFFFFF0];
	v5 =	vmov v9  }
0x3aa: {  	s22 =	sadd.s32 $0x40, s22;
	v6 =	vld [tilespmem:s20+$0x0];
	v3 =	vmov v10  }
0x3ab: {  	_ =	sdelay $0x3  }
0x3ac: {  	[tilespmem:v1+s7+$0x0] =	vst.idx.msk $0xffff, v7  }
0x3ad: {  	[tilespmem:v2+s7+$0x0] =	vst.idx.msk $0xffff, v4  }
0x3ae: {  	[tilespmem:v5+s7+$0x0] =	vst.idx.msk $0xffff, v8  }
0x3af: {  	[tilespmem:v3+s7+$0x0] =	vst.idx.msk $0xffff, v6  }
0x3b0: {  	s20 =	sld [smem:$0x7FC];
	_ =	sdelay $0x2  }
0x3b1: {  	[tilespmem:s5], [sflag:$0x5] =	stream.linear.gather [hbm4b:s20+s4], $0x8C0, $0x38;
	[tilespmem:$0x1FA80] =	vst v63  }
0x3b2: {  	_ =	swait.ge [sflag:s8], $0x8C0  }
0x3b3: {  	[sflag:s8] =	ssyncset.done $0x0  }
0x3b4: {  	s21 =	simm.s32 $0x1E8A0;
	[sflag:s8] =	ssyncadd.s32 $0xFFFFF740  }
0x3b5: {  	v1 =	vld [tilespmem:s21+$0x10]  }
0x3b6: {  	v5 =	vld [tilespmem:s21+$0xFFFFFFF0]  }
0x3b7: {  	s20 =	simm.s32 $0x1F1A0;
	v3 =	vld [tilespmem:s21+$0x0]  }
0x3b8: {  	v7 =	vld [tilespmem:s20+$0x10]  }
0x3b9: {  	v2 =	vld [tilespmem:s21+$0xFFFFFFE0]  }
0x3ba: {  	v4 =	vld [tilespmem:s20+$0xFFFFFFE0]  }
0x3bb: {  	v8 =	vld [tilespmem:s20+$0xFFFFFFF0]  }
0x3bc: {  	s22 =	simm.s32 $0x1E8E0;
	s21 =	simm.s32 $0x0;
	v6 =	vld [tilespmem:s20+$0x0]  }
.LBB2_64:
0x3bd: {  	s21 =	sadd.s32 $0x4, s21;
	[tilespmem:v1+s9+$0x0] =	vst.idx.msk $0xffff, v7;
	v1 =	vld [tilespmem:s22+$0x10]  }
0x3be: {  	v9 =	vld [tilespmem:s22+$0xFFFFFFF0];
	p0 =	slt.u32 s21, $0x88  }
0x3bf: {  	s20 =	sadd.s32 $0x40, s20;
	v10 =	vld [tilespmem:s22+$0x0]  }
.Ltmp31:
0x3c0: {  	v7 =	vld [tilespmem:s20+$0x10];
	[tilespmem:v5+s9+$0x0] =	vst.idx.msk $0xffff, v8;
	(pc) =	sbr.rel @p0 .LBB2_64-.Ltmp31, $4  }
0x3c1: {  	[tilespmem:v2+s9+$0x0] =	vst.idx.msk $0xffff, v4;
	v2 =	vld [tilespmem:s22+$0xFFFFFFE0]  }
0x3c2: {  	v4 =	vld [tilespmem:s20+$0xFFFFFFE0];
	[tilespmem:v3+s9+$0x0] =	vst.idx.msk $0xffff, v6  }
0x3c3: {  	v8 =	vld [tilespmem:s20+$0xFFFFFFF0];
	v5 =	vmov v9  }
0x3c4: {  	s22 =	sadd.s32 $0x40, s22;
	v6 =	vld [tilespmem:s20+$0x0];
	v3 =	vmov v10  }
0x3c5: {  	_ =	sdelay $0x3  }
0x3c6: {  	[tilespmem:v1+s9+$0x0] =	vst.idx.msk $0xffff, v7  }
0x3c7: {  	[tilespmem:v2+s9+$0x0] =	vst.idx.msk $0xffff, v4  }
0x3c8: {  	[tilespmem:v5+s9+$0x0] =	vst.idx.msk $0xffff, v8  }
0x3c9: {  	s20 =	simm.s32 $0x0;
	[tilespmem:v3+s9+$0x0] =	vst.idx.msk $0xffff, v6  }
0x3ca: {  	v1 =	vld [tilespmem:$0x12800];
	[tilespmem:s12], [sflag:$0x1] =	stream.strided.gather [hbm4b:s29+s10], $0x4000, s11, s10, $0x38  }
.LBB2_66:
0x3cb: {  	_ =	swait.ge [sflag:s13], $0x4000  }
0x3cc: {  	[sflag:s13] =	ssyncset.done $0x0  }
0x3cd: {  	s22 =	simm.s32 $0x1A980;
	[sflag:s13] =	ssyncadd.s32 $0xFFFFC000  }
0x3ce: {  	[tilespmem:s22+$0xFFFFFF00] =	vst v0  }
0x3cf: {  	[tilespmem:s22+$0xF0] =	vst v0  }
0x3d0: {  	[tilespmem:s22+$0x70] =	vst v0  }
0x3d1: {  	[tilespmem:s22+$0xFFFFFFF0] =	vst v0  }
0x3d2: {  	[tilespmem:s22+$0xFFFFFF70] =	vst v0  }
0x3d3: {  	[tilespmem:s22+$0xE0] =	vst v0  }
0x3d4: {  	[tilespmem:s22+$0x60] =	vst v0  }
0x3d5: {  	[tilespmem:s22+$0xFFFFFFE0] =	vst v0  }
0x3d6: {  	[tilespmem:s22+$0xFFFFFF60] =	vst v0  }
0x3d7: {  	[tilespmem:s22+$0xD0] =	vst v0  }
0x3d8: {  	[tilespmem:s22+$0x50] =	vst v0  }
0x3d9: {  	[tilespmem:s22+$0xFFFFFFD0] =	vst v0  }
0x3da: {  	[tilespmem:s22+$0xFFFFFF50] =	vst v0  }
0x3db: {  	[tilespmem:s22+$0xC0] =	vst v0  }
0x3dc: {  	[tilespmem:s22+$0x40] =	vst v0  }
0x3dd: {  	[tilespmem:s22+$0xFFFFFFC0] =	vst v0  }
0x3de: {  	[tilespmem:s22+$0xFFFFFF40] =	vst v0  }
0x3df: {  	[tilespmem:s22+$0xB0] =	vst v0  }
0x3e0: {  	[tilespmem:s22+$0x30] =	vst v0  }
0x3e1: {  	[tilespmem:s22+$0xFFFFFFB0] =	vst v0  }
0x3e2: {  	[tilespmem:s22+$0xFFFFFF30] =	vst v0  }
0x3e3: {  	[tilespmem:s22+$0xA0] =	vst v0  }
0x3e4: {  	[tilespmem:s22+$0x20] =	vst v0  }
0x3e5: {  	[tilespmem:s22+$0xFFFFFFA0] =	vst v0  }
0x3e6: {  	[tilespmem:s22+$0xFFFFFF20] =	vst v0  }
0x3e7: {  	[tilespmem:s22+$0x90] =	vst v0  }
0x3e8: {  	[tilespmem:s22+$0x10] =	vst v0  }
0x3e9: {  	[tilespmem:s22+$0xFFFFFF90] =	vst v0  }
0x3ea: {  	[tilespmem:s22+$0xFFFFFF10] =	vst v0  }
0x3eb: {  	[tilespmem:s22+$0x80] =	vst v0  }
0x3ec: {  	s24 =	simm.s32 $0x0;
	s21 =	simm.s32 $0x4620;
	s23 =	simm.s32 $0x20;
	[tilespmem:s22+$0x0] =	vst v0  }
.LBB2_67:
0x3ed: {  	s24 =	sadd.s32 $0x8, s24;
	[tilespmem:s22+$0xFFFFFF80] =	vst v0;
	s22 =	sadd.s32 $0x200, s22  }
0x3ee: {  	[tilespmem:s22+$0xFFFFFF00] =	vst v0;
	p0 =	slt.u32 s24, $0xF8  }
0x3ef: {  	[tilespmem:s22+$0xF0] =	vst v0  }
0x3f0: {  	[tilespmem:s22+$0x70] =	vst v0  }
0x3f1: {  	[tilespmem:s22+$0xFFFFFFF0] =	vst v0  }
0x3f2: {  	[tilespmem:s22+$0xFFFFFF70] =	vst v0  }
0x3f3: {  	[tilespmem:s22+$0xE0] =	vst v0  }
0x3f4: {  	[tilespmem:s22+$0x60] =	vst v0  }
0x3f5: {  	[tilespmem:s22+$0xFFFFFFE0] =	vst v0  }
0x3f6: {  	[tilespmem:s22+$0xFFFFFF60] =	vst v0  }
0x3f7: {  	[tilespmem:s22+$0xD0] =	vst v0  }
0x3f8: {  	[tilespmem:s22+$0x50] =	vst v0  }
0x3f9: {  	[tilespmem:s22+$0xFFFFFFD0] =	vst v0  }
0x3fa: {  	[tilespmem:s22+$0xFFFFFF50] =	vst v0  }
0x3fb: {  	[tilespmem:s22+$0xC0] =	vst v0  }
0x3fc: {  	[tilespmem:s22+$0x40] =	vst v0  }
0x3fd: {  	[tilespmem:s22+$0xFFFFFFC0] =	vst v0  }
0x3fe: {  	[tilespmem:s22+$0xFFFFFF40] =	vst v0  }
0x3ff: {  	[tilespmem:s22+$0xB0] =	vst v0  }
0x400: {  	[tilespmem:s22+$0x30] =	vst v0  }
0x401: {  	[tilespmem:s22+$0xFFFFFFB0] =	vst v0  }
0x402: {  	[tilespmem:s22+$0xFFFFFF30] =	vst v0  }
0x403: {  	[tilespmem:s22+$0xA0] =	vst v0  }
0x404: {  	[tilespmem:s22+$0x20] =	vst v0  }
0x405: {  	[tilespmem:s22+$0xFFFFFFA0] =	vst v0  }
0x406: {  	[tilespmem:s22+$0xFFFFFF20] =	vst v0  }
0x407: {  	[tilespmem:s22+$0x90] =	vst v0  }
.Ltmp32:
0x408: {  	[tilespmem:s22+$0x10] =	vst v0;
	(pc) =	sbr.rel @p0 .LBB2_67-.Ltmp32, $4  }
0x409: {  	[tilespmem:s22+$0xFFFFFF90] =	vst v0  }
0x40a: {  	[tilespmem:s22+$0xFFFFFF10] =	vst v0  }
0x40b: {  	[tilespmem:s22+$0x80] =	vst v0  }
0x40c: {  	[tilespmem:s22+$0x0] =	vst v0  }
0x40d: {  	[tilespmem:s22+$0xFFFFFF80] =	vst v0  }
0x40e: {  	v2 =	vld [tilespmem:s23+$0x10];
	_ =	sdelay $0x2  }
0x40f: {  	v3 =	vld [tilespmem:s23+$0xFFFFFFE0]  }
0x410: {  	v5 =	vld [tilespmem:s23+$0xFFFFFFF0]  }
0x411: {  	v4 =	vshra.s32 v2, $0xC  }
0x412: {  	v6 =	vshll.u32 v4, $0x2  }
0x413: {  	v4 =	vand.u32 $0x7F, v4;
	v6 =	vand.u32 $0xFFFFFE00, v6  }
0x414: {  	v9 =	vor.u32 v4, v6;
	v4 =	vshra.s32 v3, $0xC  }
0x415: {  	v7 =	vld [tilespmem:s23+$0x0];
	v6 =	vshra.s32 v5, $0xC;
	v8 =	vshll.u32 v4, $0x2  }
0x416: {  	v10 =	vshll.u32 v6, $0x2;
	v4 =	vand.u32 $0x7F, v4;
	v8 =	vand.u32 $0xFFFFFE00, v8  }
0x417: {  	v10 =	vand.u32 $0xFFFFFE00, v10;
	v14 =	vor.u32 v4, v8;
	v4 =	vand.u32 $0x7F, v6  }
0x418: {  	v13 =	vor.u32 v4, v10;
	v10 =	vld [tilespmem:s21+$0x10]  }
0x419: {  	v4 =	vshll.u32 v2, $0x2;
	v6 =	vld.idx.msk [tilespmem:v9+s12+$0x0], $0xffff  }
0x41a: {  	v8 =	vshra.s32 v7, $0xC;
	v2 =	vand.u32 $0x7F, v2;
	v4 =	vand.u32 $0x3E00, v4  }
0x41b: {  	v11 =	vshll.u32 v8, $0x2;
	v2 =	vor.u32 v2, v4  }
0x41c: {  	v12 =	vor.u32 $0x80, v9;
	v8 =	vand.u32 $0x7F, v8;
	v11 =	vand.u32 $0xFFFFFE00, v11;
	v4 =	vld [tilespmem:s21+$0xFFFFFFE0]  }
0x41d: {  	v8 =	vor.u32 v8, v11;
	v15 =	vld.idx.msk [tilespmem:v14+s12+$0x0], $0xffff  }
0x41e: {  	v11 =	vshll.u32 v3, $0x2;
	v16 =	vld.idx.msk [tilespmem:v13+s12+$0x0], $0xffff;
	v17 =	vmul.f32 v6, v10  }
0x41f: {  	v3 =	vand.u32 $0x7F, v3;
	v11 =	vand.u32 $0x3E00, v11;
	v6 =	vld [tilespmem:s21+$0xFFFFFFF0]  }
0x420: {  	v18 =	vshll.u32 v5, $0x2;
	v11 =	vor.u32 v3, v11;
	[tilespmem:v2+s14+$0x0] =	vst.idx.add.f32.msk $0xffff, v17  }
0x421: {  	v5 =	vand.u32 $0x7F, v5;
	v3 =	vand.u32 $0x3E00, v18;
	v17 =	vor.u32 $0x80, v14;
	v18 =	vld.idx.msk [tilespmem:v12+s12+$0x0], $0xffff  }
0x422: {  	v12 =	vor.u32 v5, v3;
	v3 =	vld.idx.msk [tilespmem:v8+s12+$0x0], $0xffff  }
0x423: {  	s25 =	simm.s32 $0x60;
	v19 =	vshll.u32 v7, $0x2;
	v20 =	vor.u32 $0x80, v2;
	v5 =	vld [tilespmem:s21+$0x0];
	v15 =	vmul.f32 v15, v4  }
0x424: {  	v22 =	vld [tilespmem:s25+$0xFFFFFFE0];
	v19 =	vand.u32 $0x3E00, v19;
	v21 =	vor.u32 $0x100, v9;
	v7 =	vand.u32 $0x7F, v7  }
0x425: {  	v7 =	vor.u32 v7, v19;
	[tilespmem:v11+s14+$0x0] =	vst.idx.add.f32.msk $0xffff, v15;
	v15 =	vmul.f32 v16, v6  }
0x426: {  	v16 =	vor.u32 $0x80, v13;
	v17 =	vld.idx.msk [tilespmem:v17+s12+$0x0], $0xffff;
	v18 =	vmul.f32 v18, v10  }
0x427: {  	v19 =	vor.u32 $0x80, v8;
	[tilespmem:v12+s14+$0x0] =	vst.idx.add.f32.msk $0xffff, v15  }
0x428: {  	v15 =	vor.u32 $0x80, v11;
	v3 =	vmul.f32 v3, v5;
	[tilespmem:v20+s14+$0x0] =	vst.idx.add.f32.msk $0xffff, v18  }
0x429: {  	v18 =	vor.u32 $0x100, v14;
	v20 =	vld.idx.msk [tilespmem:v21+s12+$0x0], $0xffff  }
0x42a: {  	[tilespmem:v7+s14+$0x0] =	vst.idx.add.f32.msk $0xffff, v3  }
0x42b: {  	v3 =	vld.idx.msk [tilespmem:v16+s12+$0x0], $0xffff;
	v16 =	vmul.f32 v17, v4;
	v17 =	vor.u32 $0x100, v2  }
0x42c: {  	v19 =	vld.idx.msk [tilespmem:v19+s12+$0x0], $0xffff  }
0x42d: {  	v9 =	vor.u32 $0x180, v9;
	[tilespmem:v15+s14+$0x0] =	vst.idx.add.f32.msk $0xffff, v16  }
0x42e: {  	v15 =	vld.idx.msk [tilespmem:v18+s12+$0x0], $0xffff;
	v16 =	vmul.f32 v20, v10  }
0x42f: {  	v18 =	vld [tilespmem:s25+$0x10]  }
0x430: {  	[tilespmem:v17+s14+$0x0] =	vst.idx.add.f32.msk $0xffff, v16;
	v16 =	vor.u32 $0x80, v12  }
0x431: {  	v20 =	vld [tilespmem:s25+$0xFFFFFFF0];
	v17 =	vor.u32 $0x80, v7  }
0x432: {  	v23 =	vor.u32 $0x100, v8;
	v21 =	vor.u32 $0x100, v13;
	v9 =	vld.idx.msk [tilespmem:v9+s12+$0x0], $0xffff  }
0x433: {  	v25 =	vld [tilespmem:s25+$0x0];
	v24 =	vor.u32 $0x100, v11;
	v11 =	vor.u32 $0x180, v11;
	v3 =	vmul.f32 v3, v6  }
0x434: {  	v14 =	vor.u32 $0x180, v14;
	v19 =	vmul.f32 v19, v5;
	v26 =	vshra.s32 v18, $0xC  }
0x435: {  	v2 =	vor.u32 $0x180, v2;
	[tilespmem:v16+s14+$0x0] =	vst.idx.add.f32.msk $0xffff, v3;
	v3 =	vmul.f32 v15, v4;
	v15 =	vshll.u32 v26, $0x2  }
0x436: {  	[tilespmem:v17+s14+$0x0] =	vst.idx.add.f32.msk $0xffff, v19;
	v16 =	vshra.s32 v20, $0xC;
	v17 =	vand.u32 $0x7F, v26;
	v15 =	vand.u32 $0xFFFFFE00, v15  }
0x437: {  	v19 =	vld.idx.msk [tilespmem:v21+s12+$0x0], $0xffff;
	v9 =	vmul.f32 v9, v10;
	v10 =	vshra.s32 v22, $0xC;
	v21 =	vor.u32 v17, v15  }
0x438: {  	v15 =	vshra.s32 v25, $0xC;
	v17 =	vshll.u32 v16, $0x2;
	v26 =	vshll.u32 v10, $0x2;
	[tilespmem:v24+s14+$0x0] =	vst.idx.add.f32.msk $0xffff, v3  }
0x439: {  	v10 =	vand.u32 $0x7F, v10;
	v3 =	vand.u32 $0xFFFFFE00, v17;
	v17 =	vand.u32 $0xFFFFFE00, v26;
	v24 =	vld.idx.msk [tilespmem:v14+s12+$0x0], $0xffff  }
0x43a: {  	v14 =	vshll.u32 v15, $0x2;
	[tilespmem:v2+s14+$0x0] =	vst.idx.add.f32.msk $0xffff, v9;
	v9 =	vand.u32 $0x7F, v15;
	v15 =	vshll.u32 v22, $0x2  }
0x43b: {  	s26 =	simm.s32 $0x4660;
	v23 =	vld.idx.msk [tilespmem:v23+s12+$0x0], $0xffff;
	v22 =	vand.u32 $0x7F, v22;
	v26 =	vor.u32 v10, v17;
	v10 =	vand.u32 $0x7F, v16  }
0x43c: {  	v2 =	vand.u32 $0xFFFFFE00, v14;
	v16 =	vld [tilespmem:s26+$0x10];
	v10 =	vor.u32 v10, v3;
	v3 =	vshll.u32 v18, $0x2  }
0x43d: {  	v17 =	vld [tilespmem:s26+$0xFFFFFFE0];
	v14 =	vand.u32 $0x7F, v18;
	v9 =	vor.u32 v9, v2;
	v3 =	vand.u32 $0x3E00, v3  }
0x43e: {  	v2 =	vld.idx.msk [tilespmem:v21+s12+$0x0], $0xffff;
	v27 =	vor.u32 v14, v3;
	v3 =	vand.u32 $0x3E00, v15;
	v14 =	vshll.u32 v20, $0x2  }
0x43f: {  	v32 =	vand.u32 $0x3E00, v14;
	v14 =	vor.u32 v22, v3;
	v3 =	vld [tilespmem:s26+$0xFFFFFFF0]  }
0x440: {  	v18 =	vld.idx.msk [tilespmem:v26+s12+$0x0], $0xffff  }
0x441: {  	v30 =	vor.u32 $0x80, v21;
	v4 =	vmul.f32 v24, v4;
	v29 =	vld.idx.msk [tilespmem:v10+s12+$0x0], $0xffff  }
0x442: {  	v28 =	vor.u32 $0x100, v12;
	v31 =	vld.idx.msk [tilespmem:v9+s12+$0x0], $0xffff  }
0x443: {  	v15 =	vshll.u32 v25, $0x2;
	[tilespmem:v11+s14+$0x0] =	vst.idx.add.f32.msk $0xffff, v4;
	v22 =	vmul.f32 v2, v16  }
0x444: {  	v33 =	vand.u32 $0x3E00, v15;
	v15 =	vand.u32 $0x7F, v20;
	v20 =	vor.u32 $0x80, v26;
	v2 =	vld [tilespmem:s26+$0x0]  }
0x445: {  	v13 =	vor.u32 $0x180, v13;
	v25 =	vand.u32 $0x7F, v25;
	[tilespmem:v27+s14+$0x0] =	vst.idx.add.f32.msk $0xffff, v22;
	v22 =	vmul.f32 v19, v6  }
0x446: {  	v15 =	vor.u32 v15, v32;
	v19 =	vor.u32 v25, v33;
	v18 =	vmul.f32 v18, v17;
	v25 =	vld.idx.msk [tilespmem:v30+s12+$0x0], $0xffff  }
0x447: {  	[tilespmem:v28+s14+$0x0] =	vst.idx.add.f32.msk $0xffff, v22  }
0x448: {  	v30 =	vor.u32 $0x80, v10;
	[tilespmem:v14+s14+$0x0] =	vst.idx.add.f32.msk $0xffff, v18  }
0x449: {  	v22 =	vor.u32 $0x80, v9;
	v18 =	vmul.f32 v29, v3;
	v20 =	vld.idx.msk [tilespmem:v20+s12+$0x0], $0xffff  }
0x44a: {  	v29 =	vor.u32 $0x80, v27;
	v28 =	vmul.f32 v31, v2;
	v13 =	vld.idx.msk [tilespmem:v13+s12+$0x0], $0xffff  }
0x44b: {  	v31 =	vor.u32 $0x100, v7;
	[tilespmem:v15+s14+$0x0] =	vst.idx.add.f32.msk $0xffff, v18  }
0x44c: {  	v18 =	vor.u32 $0x100, v21;
	[tilespmem:v19+s14+$0x0] =	vst.idx.add.f32.msk $0xffff, v28  }
0x44d: {  	v28 =	vor.u32 $0x80, v14;
	v30 =	vld.idx.msk [tilespmem:v30+s12+$0x0], $0xffff;
	v25 =	vmul.f32 v25, v16  }
0x44e: {  	v58 =	vor.u32 $0x100, v26;
	v23 =	vmul.f32 v23, v5;
	v22 =	vld.idx.msk [tilespmem:v22+s12+$0x0], $0xffff  }
0x44f: {  	[tilespmem:v29+s14+$0x0] =	vst.idx.add.f32.msk $0xffff, v25;
	v25 =	vor.u32 $0x80, v15  }
0x450: {  	v20 =	vmul.f32 v20, v17;
	v29 =	vor.u32 $0x80, v19;
	[tilespmem:v31+s14+$0x0] =	vst.idx.add.f32.msk $0xffff, v23  }
0x451: {  	v18 =	vld.idx.msk [tilespmem:v18+s12+$0x0], $0xffff  }
0x452: {  	[tilespmem:v28+s14+$0x0] =	vst.idx.add.f32.msk $0xffff, v20;
	v23 =	vmul.f32 v30, v3  }
0x453: {  	v28 =	vor.u32 $0x100, v27;
	v20 =	vld.idx.msk [tilespmem:v58+s12+$0x0], $0xffff;
	v22 =	vmul.f32 v22, v2  }
0x454: {  	[tilespmem:v25+s14+$0x0] =	vst.idx.add.f32.msk $0xffff, v23  }
0x455: {  	s30 =	simm.s32 $0xA0;
	v21 =	vor.u32 $0x180, v21;
	[tilespmem:v29+s14+$0x0] =	vst.idx.add.f32.msk $0xffff, v22  }
0x456: {  	v8 =	vor.u32 $0x180, v8;
	v18 =	vmul.f32 v18, v16;
	v22 =	vld [tilespmem:s30+$0x10]  }
0x457: {  	v29 =	vld [tilespmem:s30+$0xFFFFFFE0]  }
0x458: {  	v25 =	vor.u32 $0x100, v14;
	[tilespmem:v28+s14+$0x0] =	vst.idx.add.f32.msk $0xffff, v18  }
0x459: {  	v18 =	vor.u32 $0x100, v9;
	v28 =	vld [tilespmem:s30+$0xFFFFFFF0]  }
0x45a: {  	v12 =	vor.u32 $0x180, v12;
	v21 =	vld.idx.msk [tilespmem:v21+s12+$0x0], $0xffff  }
0x45b: {  	v60 =	vld.idx.msk [tilespmem:v8+s12+$0x0], $0xffff;
	v20 =	vmul.f32 v20, v17  }
0x45c: {  	v26 =	vor.u32 $0x180, v26;
	v61 =	vor.u32 $0x100, v19;
	v27 =	vor.u32 $0x180, v27;
	v30 =	vld [tilespmem:s30+$0x0]  }
0x45d: {  	v6 =	vmul.f32 v13, v6;
	v23 =	vor.u32 $0x100, v10;
	[tilespmem:v25+s14+$0x0] =	vst.idx.add.f32.msk $0xffff, v20;
	v31 =	vshra.s32 v22, $0xC  }
0x45e: {  	v24 =	vshra.s32 v29, $0xC;
	v20 =	vand.u32 $0x7F, v31;
	v13 =	vld.idx.msk [tilespmem:v18+s12+$0x0], $0xffff;
	v18 =	vshll.u32 v31, $0x2  }
0x45f: {  	s21 =	simm.s32 $0x46A0;
	[tilespmem:v12+s14+$0x0] =	vst.idx.add.f32.msk $0xffff, v6;
	v16 =	vmul.f32 v21, v16;
	v18 =	vand.u32 $0xFFFFFE00, v18;
	v21 =	vshra.s32 v28, $0xC  }
0x460: {  	v12 =	vld [tilespmem:s21+$0x10];
	v8 =	vand.u32 $0x7F, v24;
	v59 =	vor.u32 v20, v18;
	v20 =	vshll.u32 v21, $0x2  }
0x461: {  	v4 =	vand.u32 $0x7F, v21;
	[tilespmem:v27+s14+$0x0] =	vst.idx.add.f32.msk $0xffff, v16;
	v16 =	vshll.u32 v24, $0x2;
	v20 =	vand.u32 $0xFFFFFE00, v20  }
0x462: {  	v23 =	vld.idx.msk [tilespmem:v23+s12+$0x0], $0xffff;
	v18 =	vshra.s32 v30, $0xC;
	v16 =	vand.u32 $0xFFFFFE00, v16;
	v20 =	vor.u32 v4, v20  }
0x463: {  	v31 =	vld.idx.msk [tilespmem:v26+s12+$0x0], $0xffff;
	v24 =	vshll.u32 v18, $0x2;
	v27 =	vor.u32 v8, v16  }
0x464: {  	v11 =	vand.u32 $0x7F, v18;
	v4 =	vld [tilespmem:s21+$0xFFFFFFE0];
	v8 =	vand.u32 $0xFFFFFE00, v24;
	v13 =	vmul.f32 v13, v2  }
0x465: {  	v21 =	vor.u32 v11, v8;
	v8 =	vshll.u32 v22, $0x2;
	v6 =	vld.idx.msk [tilespmem:v59+s12+$0x0], $0xffff  }
0x466: {  	v11 =	vand.u32 $0x7F, v22;
	v8 =	vand.u32 $0x3E00, v8;
	[tilespmem:v61+s14+$0x0] =	vst.idx.add.f32.msk $0xffff, v13  }
0x467: {  	v18 =	vshll.u32 v29, $0x2;
	v16 =	vor.u32 v11, v8;
	v24 =	vld.idx.msk [tilespmem:v20+s12+$0x0], $0xffff  }
0x468: {  	v25 =	vor.u32 $0x80, v59;
	v11 =	vand.u32 $0x3E00, v18;
	v18 =	vshll.u32 v28, $0x2;
	v22 =	vld.idx.msk [tilespmem:v27+s12+$0x0], $0xffff  }
0x469: {  	v29 =	vand.u32 $0x7F, v29;
	v8 =	vor.u32 $0x100, v15;
	v35 =	vand.u32 $0x3E00, v18;
	v18 =	vld [tilespmem:s21+$0xFFFFFFF0]  }
0x46a: {  	v26 =	vshll.u32 v30, $0x2;
	v29 =	vor.u32 v29, v11;
	v34 =	vld.idx.msk [tilespmem:v21+s12+$0x0], $0xffff;
	v11 =	vmul.f32 v6, v12  }
0x46b: {  	v26 =	vand.u32 $0x3E00, v26;
	v36 =	vor.u32 $0x80, v27;
	v28 =	vand.u32 $0x7F, v28;
	v6 =	vld [tilespmem:s21+$0x0]  }
0x46c: {  	v30 =	vand.u32 $0x7F, v30;
	v35 =	vor.u32 v28, v35;
	[tilespmem:v16+s14+$0x0] =	vst.idx.add.f32.msk $0xffff, v11;
	v11 =	vmul.f32 v23, v3  }
0x46d: {  	v30 =	vor.u32 v30, v26;
	v22 =	vmul.f32 v22, v4;
	v23 =	vld.idx.msk [tilespmem:v25+s12+$0x0], $0xffff  }
0x46e: {  	v25 =	vor.u32 $0x80, v20;
	[tilespmem:v8+s14+$0x0] =	vst.idx.add.f32.msk $0xffff, v11  }
0x46f: {  	v8 =	vor.u32 $0x80, v21;
	v11 =	vmul.f32 v24, v18;
	[tilespmem:v29+s14+$0x0] =	vst.idx.add.f32.msk $0xffff, v22  }
0x470: {  	v26 =	vor.u32 $0x80, v16;
	v24 =	vmul.f32 v34, v6;
	v22 =	vld.idx.msk [tilespmem:v36+s12+$0x0], $0xffff  }
0x471: {  	v28 =	vor.u32 $0x100, v59;
	[tilespmem:v35+s14+$0x0] =	vst.idx.add.f32.msk $0xffff, v11  }
0x472: {  	v37 =	vor.u32 $0x80, v29;
	[tilespmem:v30+s14+$0x0] =	vst.idx.add.f32.msk $0xffff, v24  }
0x473: {  	v62 =	vor.u32 $0x180, v10;
	v38 =	vld.idx.msk [tilespmem:v25+s12+$0x0], $0xffff;
	v23 =	vmul.f32 v23, v12  }
0x474: {  	v10 =	vor.u32 $0x180, v15;
	v42 =	vor.u32 $0x80, v30;
	v39 =	vor.u32 $0x100, v27;
	v40 =	vld.idx.msk [tilespmem:v8+s12+$0x0], $0xffff  }
0x475: {  	v13 =	vor.u32 $0x100, v30;
	v41 =	vor.u32 $0x80, v35;
	[tilespmem:v26+s14+$0x0] =	vst.idx.add.f32.msk $0xffff, v23;
	v15 =	vmul.f32 v22, v4  }
0x476: {  	v24 =	vor.u32 $0x100, v21;
	v25 =	vor.u32 $0x100, v29;
	v8 =	vor.u32 $0x180, v19;
	v43 =	vld.idx.msk [tilespmem:v28+s12+$0x0], $0xffff  }
0x477: {  	v26 =	vor.u32 $0x100, v20;
	v23 =	vor.u32 $0x180, v27;
	[tilespmem:v37+s14+$0x0] =	vst.idx.add.f32.msk $0xffff, v15;
	v15 =	vor.u32 $0x180, v20  }
0x478: {  	v20 =	vor.u32 $0x180, v21;
	v63 =	vmul.f32 v38, v18;
	v21 =	vmul.f32 v31, v17  }
0x479: {  	v27 =	vld.idx.msk [tilespmem:v62+s12+$0x0], $0xffff;
	v17 =	vmul.f32 v60, v5;
	v5 =	vor.u32 $0x180, v30;
	v30 =	vor.u32 $0x100, v16  }
0x47a: {  	v19 =	vor.u32 $0x180, v29;
	v29 =	vor.u32 $0x180, v59;
	v28 =	vld.idx.msk [tilespmem:v39+s12+$0x0], $0xffff;
	v31 =	vmul.f32 v40, v6  }
0x47b: {  	v7 =	vor.u32 $0x180, v7;
	v11 =	vor.u32 $0x180, v9;
	v9 =	vor.u32 $0x180, v14;
	[tilespmem:v41+s14+$0x0] =	vst.idx.add.f32.msk $0xffff, v63  }
0x47c: {  	s22 =	simm.s32 $0x8;
	s23 =	simm.s32 $0xE0;
	v14 =	vor.u32 $0x100, v35;
	v22 =	vor.u32 $0x180, v35;
	[tilespmem:v42+s14+$0x0] =	vst.idx.add.f32.msk $0xffff, v31;
	v31 =	vmul.f32 v43, v12  }
.LBB2_69:
0x47d: {  	v32 =	vld [tilespmem:s23+$0x10]  }
0x47e: {  	[tilespmem:v30+s14+$0x0] =	vst.idx.add.f32.msk $0xffff, v31  }
0x47f: {  	s22 =	sadd.s32 $0x4, s22;
	v28 =	vmul.f32 v28, v4;
	v29 =	vld.idx.msk [tilespmem:v29+s12+$0x0], $0xffff  }
0x480: {  	p0 =	slt.u32 s22, $0x45C;
	v27 =	vmul.f32 v27, v3;
	v3 =	vmov v18;
	v30 =	vld [tilespmem:s23+$0xFFFFFFF0]  }
0x481: {  	v18 =	vld [tilespmem:s23+$0x0]  }
0x482: {  	v16 =	vor.u32 $0x180, v16;
	v31 =	vld [tilespmem:s23+$0xFFFFFFE0]  }
0x483: {  	v33 =	vld.idx.msk [tilespmem:v26+s12+$0x0], $0xffff  }
0x484: {  	v26 =	vshra.s32 v32, $0xC;
	v34 =	vld.idx.msk [tilespmem:v24+s12+$0x0], $0xffff  }
0x485: {  	v35 =	vshll.u32 v26, $0x2;
	v12 =	vmul.f32 v29, v12;
	v24 =	vshra.s32 v30, $0xC;
	[tilespmem:v25+s14+$0x0] =	vst.idx.add.f32.msk $0xffff, v28  }
0x486: {  	v26 =	vand.u32 $0x7F, v26;
	v28 =	vand.u32 $0xFFFFFE00, v35;
	v25 =	vshra.s32 v18, $0xC;
	v29 =	vld.idx.msk [tilespmem:v23+s12+$0x0], $0xffff  }
0x487: {  	v35 =	vshll.u32 v24, $0x2;
	v36 =	vor.u32 v26, v28;
	v23 =	vshra.s32 v31, $0xC;
	[tilespmem:v16+s14+$0x0] =	vst.idx.add.f32.msk $0xffff, v12  }
0x488: {  	v16 =	vand.u32 $0xFFFFFE00, v35;
	v26 =	vshll.u32 v25, $0x2;
	v12 =	vshll.u32 v23, $0x2;
	v28 =	vld.idx.msk [tilespmem:v11+s12+$0x0], $0xffff;
	v11 =	vmovc v20  }
0x489: {  	v20 =	vand.u32 $0x7F, v23;
	v23 =	vand.u32 $0xFFFFFE00, v26;
	v12 =	vand.u32 $0xFFFFFE00, v12;
	[tilespmem:v9+s14+$0x0] =	vst.idx.add.f32.msk $0xffff, v21;
	v9 =	vmovc v19  }
0x48a: {  	v19 =	vor.u32 v20, v12;
	v12 =	vand.u32 $0x7F, v24;
	v20 =	vand.u32 $0x7F, v25;
	[tilespmem:v10+s14+$0x0] =	vst.idx.add.f32.msk $0xffff, v27;
	v10 =	vmovc v22  }
0x48b: {  	v21 =	vshll.u32 v31, $0x2;
	v22 =	vor.u32 v12, v16;
	v20 =	vor.u32 v20, v23;
	[tilespmem:v7+s14+$0x0] =	vst.idx.add.f32.msk $0xffff, v17  }
0x48c: {  	s21 =	sadd.s32 $0x40, s21;
	v17 =	vand.u32 $0x3E00, v21;
	v12 =	vshll.u32 v30, $0x2;
	v16 =	vshll.u32 v18, $0x2;
	v7 =	vmovc v8;
	v8 =	vmovc v5;
	v21 =	vld.idx.msk [tilespmem:v36+s12+$0x0], $0xffff  }
0x48d: {  	v5 =	vand.u32 $0x3E00, v12;
	v23 =	vand.u32 $0x3E00, v16;
	v16 =	vshll.u32 v32, $0x2;
	v12 =	vld [tilespmem:s21+$0x10]  }
0x48e: {  	v24 =	vand.u32 $0x7F, v31;
	v25 =	vand.u32 $0x7F, v32;
	v16 =	vand.u32 $0x3E00, v16;
	v27 =	vld [tilespmem:s21+$0xFFFFFFE0]  }
0x48f: {  	v26 =	vand.u32 $0x7F, v30;
	v18 =	vand.u32 $0x7F, v18;
	v16 =	vor.u32 v25, v16;
	v31 =	vld.idx.msk [tilespmem:v19+s12+$0x0], $0xffff  }
0x490: {  	v17 =	vor.u32 v24, v17;
	v32 =	vor.u32 $0x80, v36;
	v5 =	vor.u32 v26, v5;
	v30 =	vld.idx.msk [tilespmem:v22+s12+$0x0], $0xffff  }
0x491: {  	v35 =	vor.u32 $0x80, v19;
	v37 =	vor.u32 $0x80, v22;
	v39 =	vor.u32 v18, v23;
	v38 =	vld.idx.msk [tilespmem:v20+s12+$0x0], $0xffff  }
0x492: {  	v41 =	vor.u32 $0x80, v20;
	v40 =	vor.u32 $0x80, v17;
	v18 =	vld [tilespmem:s21+$0xFFFFFFF0];
	v21 =	vmul.f32 v21, v12  }
0x493: {  	v42 =	vor.u32 $0x100, v19;
	v43 =	vor.u32 $0x80, v5;
	v45 =	vor.u32 $0x80, v39;
	v44 =	vld [tilespmem:s21+$0x0]  }
0x494: {  	v24 =	vor.u32 $0x100, v20;
	v26 =	vor.u32 $0x100, v22;
	[tilespmem:v16+s14+$0x0] =	vst.idx.add.f32.msk $0xffff, v21;
	v21 =	vmul.f32 v33, v3  }
0x495: {  	v25 =	vor.u32 $0x100, v17;
	v31 =	vmul.f32 v31, v27;
	v33 =	vmul.f32 v34, v6;
	v32 =	vld.idx.msk [tilespmem:v32+s12+$0x0], $0xffff  }
0x496: {  	v23 =	vor.u32 $0x180, v19;
	v34 =	vor.u32 $0x100, v39;
	[tilespmem:v14+s14+$0x0] =	vst.idx.add.f32.msk $0xffff, v21;
	v14 =	vor.u32 $0x100, v5  }
0x497: {  	v20 =	vor.u32 $0x180, v20;
	[tilespmem:v17+s14+$0x0] =	vst.idx.add.f32.msk $0xffff, v31;
	v30 =	vmul.f32 v30, v18;
	v31 =	vor.u32 $0x180, v22  }
0x498: {  	v46 =	vor.u32 $0x80, v16;
	v21 =	vmul.f32 v29, v4;
	v4 =	vmovc v27;
	v35 =	vld.idx.msk [tilespmem:v35+s12+$0x0], $0xffff;
	v38 =	vmul.f32 v38, v44  }
0x499: {  	v19 =	vor.u32 $0x180, v17;
	v27 =	vor.u32 $0x100, v36;
	v17 =	vmul.f32 v28, v2;
	v2 =	vmovc v6;
	[tilespmem:v5+s14+$0x0] =	vst.idx.add.f32.msk $0xffff, v30  }
0x49a: {  	v22 =	vor.u32 $0x180, v5;
	v6 =	vmov v44;
	v5 =	vor.u32 $0x180, v39;
	[tilespmem:v39+s14+$0x0] =	vst.idx.add.f32.msk $0xffff, v38  }
0x49b: {  	v28 =	vmul.f32 v32, v12;
	v29 =	vld.idx.msk [tilespmem:v37+s12+$0x0], $0xffff  }
0x49c: {  	v32 =	vld.idx.msk [tilespmem:v41+s12+$0x0], $0xffff  }
0x49d: {  	[tilespmem:v46+s14+$0x0] =	vst.idx.add.f32.msk $0xffff, v28  }
0x49e: {  	v28 =	vmul.f32 v35, v4;
	v35 =	vld.idx.msk [tilespmem:v27+s12+$0x0], $0xffff  }
0x49f: {  	[tilespmem:v13+s14+$0x0] =	vst.idx.add.f32.msk $0xffff, v33;
	v13 =	vmov v34  }
.Ltmp33:
0x4a0: {  	[tilespmem:v40+s14+$0x0] =	vst.idx.add.f32.msk $0xffff, v28;
	(pc) =	sbr.rel @p0 .LBB2_69-.Ltmp33, $4  }
0x4a1: {  	v30 =	vor.u32 $0x100, v16;
	v33 =	vmul.f32 v29, v18;
	v28 =	vld.idx.msk [tilespmem:v42+s12+$0x0], $0xffff  }
0x4a2: {  	v29 =	vor.u32 $0x180, v36;
	v32 =	vmul.f32 v32, v6;
	v27 =	vld.idx.msk [tilespmem:v15+s12+$0x0], $0xffff;
	v15 =	vmov v31  }
0x4a3: {  	[tilespmem:v43+s14+$0x0] =	vst.idx.add.f32.msk $0xffff, v33  }
0x4a4: {  	s23 =	sadd.s32 $0x40, s23;
	v31 =	vmul.f32 v35, v12;
	[tilespmem:v45+s14+$0x0] =	vst.idx.add.f32.msk $0xffff, v32  }
0x4a5: {  	_ =	sdelay $0x3  }
0x4a6: {  	v26 =	vld.idx.msk [tilespmem:v26+s12+$0x0], $0xffff  }
0x4a7: {  	v24 =	vld.idx.msk [tilespmem:v24+s12+$0x0], $0xffff  }
0x4a8: {  	[tilespmem:v30+s14+$0x0] =	vst.idx.add.f32.msk $0xffff, v31  }
0x4a9: {  	v28 =	vmul.f32 v28, v4;
	v29 =	vld.idx.msk [tilespmem:v29+s12+$0x0], $0xffff  }
0x4aa: {  	v11 =	vld.idx.msk [tilespmem:v11+s12+$0x0], $0xffff  }
0x4ab: {  	v16 =	vor.u32 $0x180, v16;
	[tilespmem:v25+s14+$0x0] =	vst.idx.add.f32.msk $0xffff, v28;
	v61 =	vmul.f32 v26, v18  }
0x4ac: {  	v23 =	vld.idx.msk [tilespmem:v23+s12+$0x0], $0xffff;
	v62 =	vmul.f32 v24, v6  }
0x4ad: {  	[tilespmem:v14+s14+$0x0] =	vst.idx.add.f32.msk $0xffff, v61  }
0x4ae: {  	v12 =	vmul.f32 v29, v12;
	[tilespmem:v13+s14+$0x0] =	vst.idx.add.f32.msk $0xffff, v62  }
0x4af: {  	v13 =	vld.idx.msk [tilespmem:v20+s12+$0x0], $0xffff  }
0x4b0: {  	[tilespmem:v16+s14+$0x0] =	vst.idx.add.f32.msk $0xffff, v12  }
0x4b1: {  	v3 =	vmul.f32 v27, v3;
	v12 =	vld.idx.msk [tilespmem:v15+s12+$0x0], $0xffff  }
0x4b2: {  	[tilespmem:v9+s14+$0x0] =	vst.idx.add.f32.msk $0xffff, v21  }
0x4b3: {  	[tilespmem:v10+s14+$0x0] =	vst.idx.add.f32.msk $0xffff, v3;
	v3 =	vmul.f32 v23, v4  }
0x4b4: {  	[tilespmem:v7+s14+$0x0] =	vst.idx.add.f32.msk $0xffff, v17;
	v2 =	vmul.f32 v11, v2  }
0x4b5: {  	[tilespmem:v19+s14+$0x0] =	vst.idx.add.f32.msk $0xffff, v3;
	v3 =	vmul.f32 v13, v6  }
0x4b6: {  	[tilespmem:v8+s14+$0x0] =	vst.idx.add.f32.msk $0xffff, v2;
	v63 =	vmul.f32 v12, v18  }
0x4b7: {  	p0 =	seq.s32 s20, $0x0;
	[tilespmem:v5+s14+$0x0] =	vst.idx.add.f32.msk $0xffff, v3  }
0x4b8: {  	s23 =	simm.s32 @!p0 $0x4;
	[tilespmem:v22+s14+$0x0] =	vst.idx.add.f32.msk $0xffff, v63  }
0x4b9: {  	s22 =	sshll.u32 s20, $0xC;
	_ =	swait.ge @!p0 [sflag:s23], $0x4000  }
0x4ba: {  	s21 =	sor.u32 s31, s22;
	[sflag:s23] =	ssyncset.done @!p0 $0x0  }
0x4bb: {  	s25 =	simm.s32 $0x12980;
	s26 =	sadd.s32 s1, s21;
	[sflag:s23] =	ssyncadd.s32 @!p0 $0xFFFFC000  }
0x4bc: {  	[tilespmem:s15], [sflag:$0x2] =	stream.strided.gather [hbm4b:s26+s10], $0x4000, s11, s10, $0x38;
	[tilespmem:$0x1FA80] =	vst v63  }
0x4bd: {  	[tilespmem:s25+$0xFFFFFF00] =	vst v0  }
0x4be: {  	[tilespmem:s25+$0xF0] =	vst v0  }
0x4bf: {  	[tilespmem:s25+$0x70] =	vst v0  }
0x4c0: {  	[tilespmem:s25+$0xFFFFFFF0] =	vst v0  }
0x4c1: {  	[tilespmem:s25+$0xFFFFFF70] =	vst v0  }
0x4c2: {  	[tilespmem:s25+$0xE0] =	vst v0  }
0x4c3: {  	[tilespmem:s25+$0x60] =	vst v0  }
0x4c4: {  	[tilespmem:s25+$0xFFFFFFE0] =	vst v0  }
0x4c5: {  	[tilespmem:s25+$0xFFFFFF60] =	vst v0  }
0x4c6: {  	[tilespmem:s25+$0xD0] =	vst v0  }
0x4c7: {  	[tilespmem:s25+$0x50] =	vst v0  }
0x4c8: {  	[tilespmem:s25+$0xFFFFFFD0] =	vst v0  }
0x4c9: {  	[tilespmem:s25+$0xFFFFFF50] =	vst v0  }
0x4ca: {  	[tilespmem:s25+$0xC0] =	vst v0  }
0x4cb: {  	[tilespmem:s25+$0x40] =	vst v0  }
0x4cc: {  	[tilespmem:s25+$0xFFFFFFC0] =	vst v0  }
0x4cd: {  	[tilespmem:s25+$0xFFFFFF40] =	vst v0  }
0x4ce: {  	[tilespmem:s25+$0xB0] =	vst v0  }
0x4cf: {  	[tilespmem:s25+$0x30] =	vst v0  }
0x4d0: {  	[tilespmem:s25+$0xFFFFFFB0] =	vst v0  }
0x4d1: {  	[tilespmem:s25+$0xFFFFFF30] =	vst v0  }
0x4d2: {  	[tilespmem:s25+$0xA0] =	vst v0  }
0x4d3: {  	[tilespmem:s25+$0x20] =	vst v0  }
0x4d4: {  	[tilespmem:s25+$0xFFFFFFA0] =	vst v0  }
0x4d5: {  	[tilespmem:s25+$0xFFFFFF20] =	vst v0  }
0x4d6: {  	[tilespmem:s25+$0x90] =	vst v0  }
0x4d7: {  	[tilespmem:s25+$0x10] =	vst v0  }
0x4d8: {  	[tilespmem:s25+$0xFFFFFF90] =	vst v0  }
0x4d9: {  	[tilespmem:s25+$0xFFFFFF10] =	vst v0  }
0x4da: {  	s30 =	simm.s32 $0x0;
	[tilespmem:s25+$0x80] =	vst v0  }
0x4db: {  	s24 =	simm.s32 $0xD220;
	s23 =	sadd.s32 s28, s20;
	s26 =	simm.s32 $0x8C20;
	[tilespmem:s25+$0x0] =	vst v0  }
.LBB2_71:
0x4dc: {  	s30 =	sadd.s32 $0x8, s30;
	[tilespmem:s25+$0xFFFFFF80] =	vst v0;
	s25 =	sadd.s32 $0x200, s25  }
0x4dd: {  	[tilespmem:s25+$0xFFFFFF00] =	vst v0;
	p0 =	slt.u32 s30, $0xF8  }
0x4de: {  	[tilespmem:s25+$0xF0] =	vst v0  }
0x4df: {  	[tilespmem:s25+$0x70] =	vst v0  }
0x4e0: {  	[tilespmem:s25+$0xFFFFFFF0] =	vst v0  }
0x4e1: {  	[tilespmem:s25+$0xFFFFFF70] =	vst v0  }
0x4e2: {  	[tilespmem:s25+$0xE0] =	vst v0  }
0x4e3: {  	[tilespmem:s25+$0x60] =	vst v0  }
0x4e4: {  	[tilespmem:s25+$0xFFFFFFE0] =	vst v0  }
0x4e5: {  	[tilespmem:s25+$0xFFFFFF60] =	vst v0  }
0x4e6: {  	[tilespmem:s25+$0xD0] =	vst v0  }
0x4e7: {  	[tilespmem:s25+$0x50] =	vst v0  }
0x4e8: {  	[tilespmem:s25+$0xFFFFFFD0] =	vst v0  }
0x4e9: {  	[tilespmem:s25+$0xFFFFFF50] =	vst v0  }
0x4ea: {  	[tilespmem:s25+$0xC0] =	vst v0  }
0x4eb: {  	[tilespmem:s25+$0x40] =	vst v0  }
0x4ec: {  	[tilespmem:s25+$0xFFFFFFC0] =	vst v0  }
0x4ed: {  	[tilespmem:s25+$0xFFFFFF40] =	vst v0  }
0x4ee: {  	[tilespmem:s25+$0xB0] =	vst v0  }
0x4ef: {  	[tilespmem:s25+$0x30] =	vst v0  }
0x4f0: {  	[tilespmem:s25+$0xFFFFFFB0] =	vst v0  }
0x4f1: {  	[tilespmem:s25+$0xFFFFFF30] =	vst v0  }
0x4f2: {  	[tilespmem:s25+$0xA0] =	vst v0  }
0x4f3: {  	[tilespmem:s25+$0x20] =	vst v0  }
0x4f4: {  	[tilespmem:s25+$0xFFFFFFA0] =	vst v0  }
0x4f5: {  	[tilespmem:s25+$0xFFFFFF20] =	vst v0  }
0x4f6: {  	[tilespmem:s25+$0x90] =	vst v0  }
.Ltmp34:
0x4f7: {  	[tilespmem:s25+$0x10] =	vst v0;
	(pc) =	sbr.rel @p0 .LBB2_71-.Ltmp34, $4  }
0x4f8: {  	[tilespmem:s25+$0xFFFFFF90] =	vst v0  }
0x4f9: {  	[tilespmem:s25+$0xFFFFFF10] =	vst v0  }
0x4fa: {  	[tilespmem:s25+$0x80] =	vst v0  }
0x4fb: {  	[tilespmem:s25+$0x0] =	vst v0  }
0x4fc: {  	[tilespmem:s25+$0xFFFFFF80] =	vst v0  }
0x4fd: {  	v2 =	vld [tilespmem:s26+$0x10];
	_ =	sdelay $0x2  }
0x4fe: {  	v3 =	vld [tilespmem:s26+$0xFFFFFFE0]  }
0x4ff: {  	v5 =	vld [tilespmem:s26+$0xFFFFFFF0]  }
0x500: {  	v4 =	vshra.s32 v2, $0xC  }
0x501: {  	v6 =	vshll.u32 v4, $0x2  }
0x502: {  	v4 =	vand.u32 $0x7F, v4;
	v6 =	vand.u32 $0xFFFFFE00, v6  }
0x503: {  	v9 =	vor.u32 v4, v6;
	v4 =	vshra.s32 v3, $0xC  }
0x504: {  	v7 =	vld [tilespmem:s26+$0x0];
	v6 =	vshra.s32 v5, $0xC;
	v8 =	vshll.u32 v4, $0x2  }
0x505: {  	v10 =	vshll.u32 v6, $0x2;
	v4 =	vand.u32 $0x7F, v4;
	v8 =	vand.u32 $0xFFFFFE00, v8  }
0x506: {  	v10 =	vand.u32 $0xFFFFFE00, v10;
	v14 =	vor.u32 v4, v8;
	v4 =	vand.u32 $0x7F, v6  }
0x507: {  	v13 =	vor.u32 v4, v10;
	v10 =	vld [tilespmem:s24+$0x10]  }
0x508: {  	v4 =	vshll.u32 v2, $0x2;
	v6 =	vld.idx.msk [tilespmem:v9+s14+$0x0], $0xffff  }
0x509: {  	v8 =	vshra.s32 v7, $0xC;
	v2 =	vand.u32 $0x7F, v2;
	v4 =	vand.u32 $0x3E00, v4  }
0x50a: {  	v11 =	vshll.u32 v8, $0x2;
	v2 =	vor.u32 v2, v4  }
0x50b: {  	v12 =	vor.u32 $0x80, v9;
	v8 =	vand.u32 $0x7F, v8;
	v11 =	vand.u32 $0xFFFFFE00, v11;
	v4 =	vld [tilespmem:s24+$0xFFFFFFE0]  }
0x50c: {  	v8 =	vor.u32 v8, v11;
	v15 =	vld.idx.msk [tilespmem:v14+s14+$0x0], $0xffff  }
0x50d: {  	v11 =	vshll.u32 v3, $0x2;
	v16 =	vld.idx.msk [tilespmem:v13+s14+$0x0], $0xffff;
	v17 =	vmul.f32 v6, v10  }
0x50e: {  	v3 =	vand.u32 $0x7F, v3;
	v11 =	vand.u32 $0x3E00, v11;
	v6 =	vld [tilespmem:s24+$0xFFFFFFF0]  }
0x50f: {  	v18 =	vshll.u32 v5, $0x2;
	v11 =	vor.u32 v3, v11;
	[tilespmem:v2+s12+$0x0] =	vst.idx.add.f32.msk $0xffff, v17  }
0x510: {  	v5 =	vand.u32 $0x7F, v5;
	v3 =	vand.u32 $0x3E00, v18;
	v17 =	vor.u32 $0x80, v14;
	v18 =	vld.idx.msk [tilespmem:v12+s14+$0x0], $0xffff  }
0x511: {  	v12 =	vor.u32 v5, v3;
	v3 =	vld.idx.msk [tilespmem:v8+s14+$0x0], $0xffff  }
0x512: {  	s25 =	simm.s32 $0x8C60;
	v19 =	vshll.u32 v7, $0x2;
	v20 =	vor.u32 $0x80, v2;
	v5 =	vld [tilespmem:s24+$0x0];
	v15 =	vmul.f32 v15, v4  }
0x513: {  	v22 =	vld [tilespmem:s25+$0xFFFFFFE0];
	v19 =	vand.u32 $0x3E00, v19;
	v21 =	vor.u32 $0x100, v9;
	v7 =	vand.u32 $0x7F, v7  }
0x514: {  	v7 =	vor.u32 v7, v19;
	[tilespmem:v11+s12+$0x0] =	vst.idx.add.f32.msk $0xffff, v15;
	v15 =	vmul.f32 v16, v6  }
0x515: {  	v16 =	vor.u32 $0x80, v13;
	v17 =	vld.idx.msk [tilespmem:v17+s14+$0x0], $0xffff;
	v18 =	vmul.f32 v18, v10  }
0x516: {  	v19 =	vor.u32 $0x80, v8;
	[tilespmem:v12+s12+$0x0] =	vst.idx.add.f32.msk $0xffff, v15  }
0x517: {  	v15 =	vor.u32 $0x80, v11;
	v3 =	vmul.f32 v3, v5;
	[tilespmem:v20+s12+$0x0] =	vst.idx.add.f32.msk $0xffff, v18  }
0x518: {  	v18 =	vor.u32 $0x100, v14;
	v20 =	vld.idx.msk [tilespmem:v21+s14+$0x0], $0xffff  }
0x519: {  	[tilespmem:v7+s12+$0x0] =	vst.idx.add.f32.msk $0xffff, v3  }
0x51a: {  	v3 =	vld.idx.msk [tilespmem:v16+s14+$0x0], $0xffff;
	v16 =	vmul.f32 v17, v4;
	v17 =	vor.u32 $0x100, v2  }
0x51b: {  	v19 =	vld.idx.msk [tilespmem:v19+s14+$0x0], $0xffff  }
0x51c: {  	v9 =	vor.u32 $0x180, v9;
	[tilespmem:v15+s12+$0x0] =	vst.idx.add.f32.msk $0xffff, v16  }
0x51d: {  	v15 =	vld.idx.msk [tilespmem:v18+s14+$0x0], $0xffff;
	v16 =	vmul.f32 v20, v10  }
0x51e: {  	v18 =	vld [tilespmem:s25+$0x10]  }
0x51f: {  	[tilespmem:v17+s12+$0x0] =	vst.idx.add.f32.msk $0xffff, v16;
	v16 =	vor.u32 $0x80, v12  }
0x520: {  	v20 =	vld [tilespmem:s25+$0xFFFFFFF0];
	v17 =	vor.u32 $0x80, v7  }
0x521: {  	v23 =	vor.u32 $0x100, v8;
	v21 =	vor.u32 $0x100, v13;
	v9 =	vld.idx.msk [tilespmem:v9+s14+$0x0], $0xffff  }
0x522: {  	v25 =	vld [tilespmem:s25+$0x0];
	v24 =	vor.u32 $0x100, v11;
	v11 =	vor.u32 $0x180, v11;
	v3 =	vmul.f32 v3, v6  }
0x523: {  	v14 =	vor.u32 $0x180, v14;
	v19 =	vmul.f32 v19, v5;
	v26 =	vshra.s32 v18, $0xC  }
0x524: {  	v2 =	vor.u32 $0x180, v2;
	[tilespmem:v16+s12+$0x0] =	vst.idx.add.f32.msk $0xffff, v3;
	v3 =	vmul.f32 v15, v4;
	v15 =	vshll.u32 v26, $0x2  }
0x525: {  	[tilespmem:v17+s12+$0x0] =	vst.idx.add.f32.msk $0xffff, v19;
	v16 =	vshra.s32 v20, $0xC;
	v17 =	vand.u32 $0x7F, v26;
	v15 =	vand.u32 $0xFFFFFE00, v15  }
0x526: {  	v19 =	vld.idx.msk [tilespmem:v21+s14+$0x0], $0xffff;
	v9 =	vmul.f32 v9, v10;
	v10 =	vshra.s32 v22, $0xC;
	v21 =	vor.u32 v17, v15  }
0x527: {  	v15 =	vshra.s32 v25, $0xC;
	v17 =	vshll.u32 v16, $0x2;
	v26 =	vshll.u32 v10, $0x2;
	[tilespmem:v24+s12+$0x0] =	vst.idx.add.f32.msk $0xffff, v3  }
0x528: {  	v10 =	vand.u32 $0x7F, v10;
	v3 =	vand.u32 $0xFFFFFE00, v17;
	v17 =	vand.u32 $0xFFFFFE00, v26;
	v24 =	vld.idx.msk [tilespmem:v14+s14+$0x0], $0xffff  }
0x529: {  	v14 =	vshll.u32 v15, $0x2;
	[tilespmem:v2+s12+$0x0] =	vst.idx.add.f32.msk $0xffff, v9;
	v9 =	vand.u32 $0x7F, v15;
	v15 =	vshll.u32 v22, $0x2  }
0x52a: {  	s26 =	simm.s32 $0xD260;
	v23 =	vld.idx.msk [tilespmem:v23+s14+$0x0], $0xffff;
	v22 =	vand.u32 $0x7F, v22;
	v26 =	vor.u32 v10, v17;
	v10 =	vand.u32 $0x7F, v16  }
0x52b: {  	v2 =	vand.u32 $0xFFFFFE00, v14;
	v16 =	vld [tilespmem:s26+$0x10];
	v10 =	vor.u32 v10, v3;
	v3 =	vshll.u32 v18, $0x2  }
0x52c: {  	v17 =	vld [tilespmem:s26+$0xFFFFFFE0];
	v14 =	vand.u32 $0x7F, v18;
	v9 =	vor.u32 v9, v2;
	v3 =	vand.u32 $0x3E00, v3  }
0x52d: {  	v2 =	vld.idx.msk [tilespmem:v21+s14+$0x0], $0xffff;
	v27 =	vor.u32 v14, v3;
	v3 =	vand.u32 $0x3E00, v15;
	v14 =	vshll.u32 v20, $0x2  }
0x52e: {  	v32 =	vand.u32 $0x3E00, v14;
	v14 =	vor.u32 v22, v3;
	v3 =	vld [tilespmem:s26+$0xFFFFFFF0]  }
0x52f: {  	v18 =	vld.idx.msk [tilespmem:v26+s14+$0x0], $0xffff  }
0x530: {  	v30 =	vor.u32 $0x80, v21;
	v4 =	vmul.f32 v24, v4;
	v29 =	vld.idx.msk [tilespmem:v10+s14+$0x0], $0xffff  }
0x531: {  	v28 =	vor.u32 $0x100, v12;
	v31 =	vld.idx.msk [tilespmem:v9+s14+$0x0], $0xffff  }
0x532: {  	v15 =	vshll.u32 v25, $0x2;
	[tilespmem:v11+s12+$0x0] =	vst.idx.add.f32.msk $0xffff, v4;
	v22 =	vmul.f32 v2, v16  }
0x533: {  	v33 =	vand.u32 $0x3E00, v15;
	v15 =	vand.u32 $0x7F, v20;
	v20 =	vor.u32 $0x80, v26;
	v2 =	vld [tilespmem:s26+$0x0]  }
0x534: {  	v13 =	vor.u32 $0x180, v13;
	v25 =	vand.u32 $0x7F, v25;
	[tilespmem:v27+s12+$0x0] =	vst.idx.add.f32.msk $0xffff, v22;
	v22 =	vmul.f32 v19, v6  }
0x535: {  	v15 =	vor.u32 v15, v32;
	v19 =	vor.u32 v25, v33;
	v18 =	vmul.f32 v18, v17;
	v25 =	vld.idx.msk [tilespmem:v30+s14+$0x0], $0xffff  }
0x536: {  	[tilespmem:v28+s12+$0x0] =	vst.idx.add.f32.msk $0xffff, v22  }
0x537: {  	v30 =	vor.u32 $0x80, v10;
	[tilespmem:v14+s12+$0x0] =	vst.idx.add.f32.msk $0xffff, v18  }
0x538: {  	v22 =	vor.u32 $0x80, v9;
	v18 =	vmul.f32 v29, v3;
	v20 =	vld.idx.msk [tilespmem:v20+s14+$0x0], $0xffff  }
0x539: {  	v29 =	vor.u32 $0x80, v27;
	v28 =	vmul.f32 v31, v2;
	v13 =	vld.idx.msk [tilespmem:v13+s14+$0x0], $0xffff  }
0x53a: {  	v31 =	vor.u32 $0x100, v7;
	[tilespmem:v15+s12+$0x0] =	vst.idx.add.f32.msk $0xffff, v18  }
0x53b: {  	v18 =	vor.u32 $0x100, v21;
	[tilespmem:v19+s12+$0x0] =	vst.idx.add.f32.msk $0xffff, v28  }
0x53c: {  	v28 =	vor.u32 $0x80, v14;
	v30 =	vld.idx.msk [tilespmem:v30+s14+$0x0], $0xffff;
	v25 =	vmul.f32 v25, v16  }
0x53d: {  	v58 =	vor.u32 $0x100, v26;
	v23 =	vmul.f32 v23, v5;
	v22 =	vld.idx.msk [tilespmem:v22+s14+$0x0], $0xffff  }
0x53e: {  	[tilespmem:v29+s12+$0x0] =	vst.idx.add.f32.msk $0xffff, v25;
	v25 =	vor.u32 $0x80, v15  }
0x53f: {  	v20 =	vmul.f32 v20, v17;
	v29 =	vor.u32 $0x80, v19;
	[tilespmem:v31+s12+$0x0] =	vst.idx.add.f32.msk $0xffff, v23  }
0x540: {  	v18 =	vld.idx.msk [tilespmem:v18+s14+$0x0], $0xffff  }
0x541: {  	[tilespmem:v28+s12+$0x0] =	vst.idx.add.f32.msk $0xffff, v20;
	v23 =	vmul.f32 v30, v3  }
0x542: {  	v28 =	vor.u32 $0x100, v27;
	v20 =	vld.idx.msk [tilespmem:v58+s14+$0x0], $0xffff;
	v22 =	vmul.f32 v22, v2  }
0x543: {  	[tilespmem:v25+s12+$0x0] =	vst.idx.add.f32.msk $0xffff, v23  }
0x544: {  	s30 =	simm.s32 $0x8CA0;
	v21 =	vor.u32 $0x180, v21;
	[tilespmem:v29+s12+$0x0] =	vst.idx.add.f32.msk $0xffff, v22  }
0x545: {  	v8 =	vor.u32 $0x180, v8;
	v18 =	vmul.f32 v18, v16;
	v22 =	vld [tilespmem:s30+$0x10]  }
0x546: {  	v29 =	vld [tilespmem:s30+$0xFFFFFFE0]  }
0x547: {  	v25 =	vor.u32 $0x100, v14;
	[tilespmem:v28+s12+$0x0] =	vst.idx.add.f32.msk $0xffff, v18  }
0x548: {  	v18 =	vor.u32 $0x100, v9;
	v28 =	vld [tilespmem:s30+$0xFFFFFFF0]  }
0x549: {  	v12 =	vor.u32 $0x180, v12;
	v21 =	vld.idx.msk [tilespmem:v21+s14+$0x0], $0xffff  }
0x54a: {  	v60 =	vld.idx.msk [tilespmem:v8+s14+$0x0], $0xffff;
	v20 =	vmul.f32 v20, v17  }
0x54b: {  	v26 =	vor.u32 $0x180, v26;
	v61 =	vor.u32 $0x100, v19;
	v27 =	vor.u32 $0x180, v27;
	v30 =	vld [tilespmem:s30+$0x0]  }
0x54c: {  	v6 =	vmul.f32 v13, v6;
	v23 =	vor.u32 $0x100, v10;
	[tilespmem:v25+s12+$0x0] =	vst.idx.add.f32.msk $0xffff, v20;
	v31 =	vshra.s32 v22, $0xC  }
0x54d: {  	v24 =	vshra.s32 v29, $0xC;
	v20 =	vand.u32 $0x7F, v31;
	v13 =	vld.idx.msk [tilespmem:v18+s14+$0x0], $0xffff;
	v18 =	vshll.u32 v31, $0x2  }
0x54e: {  	s24 =	simm.s32 $0xD2A0;
	[tilespmem:v12+s12+$0x0] =	vst.idx.add.f32.msk $0xffff, v6;
	v16 =	vmul.f32 v21, v16;
	v18 =	vand.u32 $0xFFFFFE00, v18;
	v21 =	vshra.s32 v28, $0xC  }
0x54f: {  	v12 =	vld [tilespmem:s24+$0x10];
	v8 =	vand.u32 $0x7F, v24;
	v59 =	vor.u32 v20, v18;
	v20 =	vshll.u32 v21, $0x2  }
0x550: {  	v4 =	vand.u32 $0x7F, v21;
	[tilespmem:v27+s12+$0x0] =	vst.idx.add.f32.msk $0xffff, v16;
	v16 =	vshll.u32 v24, $0x2;
	v20 =	vand.u32 $0xFFFFFE00, v20  }
0x551: {  	v23 =	vld.idx.msk [tilespmem:v23+s14+$0x0], $0xffff;
	v18 =	vshra.s32 v30, $0xC;
	v16 =	vand.u32 $0xFFFFFE00, v16;
	v20 =	vor.u32 v4, v20  }
0x552: {  	v31 =	vld.idx.msk [tilespmem:v26+s14+$0x0], $0xffff;
	v24 =	vshll.u32 v18, $0x2;
	v27 =	vor.u32 v8, v16  }
0x553: {  	v11 =	vand.u32 $0x7F, v18;
	v4 =	vld [tilespmem:s24+$0xFFFFFFE0];
	v8 =	vand.u32 $0xFFFFFE00, v24;
	v13 =	vmul.f32 v13, v2  }
0x554: {  	v21 =	vor.u32 v11, v8;
	v8 =	vshll.u32 v22, $0x2;
	v6 =	vld.idx.msk [tilespmem:v59+s14+$0x0], $0xffff  }
0x555: {  	v11 =	vand.u32 $0x7F, v22;
	v8 =	vand.u32 $0x3E00, v8;
	[tilespmem:v61+s12+$0x0] =	vst.idx.add.f32.msk $0xffff, v13  }
0x556: {  	v18 =	vshll.u32 v29, $0x2;
	v16 =	vor.u32 v11, v8;
	v24 =	vld.idx.msk [tilespmem:v20+s14+$0x0], $0xffff  }
0x557: {  	v25 =	vor.u32 $0x80, v59;
	v11 =	vand.u32 $0x3E00, v18;
	v18 =	vshll.u32 v28, $0x2;
	v22 =	vld.idx.msk [tilespmem:v27+s14+$0x0], $0xffff  }
0x558: {  	v29 =	vand.u32 $0x7F, v29;
	v8 =	vor.u32 $0x100, v15;
	v35 =	vand.u32 $0x3E00, v18;
	v18 =	vld [tilespmem:s24+$0xFFFFFFF0]  }
0x559: {  	v26 =	vshll.u32 v30, $0x2;
	v29 =	vor.u32 v29, v11;
	v34 =	vld.idx.msk [tilespmem:v21+s14+$0x0], $0xffff;
	v11 =	vmul.f32 v6, v12  }
0x55a: {  	v26 =	vand.u32 $0x3E00, v26;
	v36 =	vor.u32 $0x80, v27;
	v28 =	vand.u32 $0x7F, v28;
	v6 =	vld [tilespmem:s24+$0x0]  }
0x55b: {  	v30 =	vand.u32 $0x7F, v30;
	v35 =	vor.u32 v28, v35;
	[tilespmem:v16+s12+$0x0] =	vst.idx.add.f32.msk $0xffff, v11;
	v11 =	vmul.f32 v23, v3  }
0x55c: {  	v30 =	vor.u32 v30, v26;
	v22 =	vmul.f32 v22, v4;
	v23 =	vld.idx.msk [tilespmem:v25+s14+$0x0], $0xffff  }
0x55d: {  	v25 =	vor.u32 $0x80, v20;
	[tilespmem:v8+s12+$0x0] =	vst.idx.add.f32.msk $0xffff, v11  }
0x55e: {  	v8 =	vor.u32 $0x80, v21;
	v11 =	vmul.f32 v24, v18;
	[tilespmem:v29+s12+$0x0] =	vst.idx.add.f32.msk $0xffff, v22  }
0x55f: {  	v26 =	vor.u32 $0x80, v16;
	v24 =	vmul.f32 v34, v6;
	v22 =	vld.idx.msk [tilespmem:v36+s14+$0x0], $0xffff  }
0x560: {  	v28 =	vor.u32 $0x100, v59;
	[tilespmem:v35+s12+$0x0] =	vst.idx.add.f32.msk $0xffff, v11  }
0x561: {  	v37 =	vor.u32 $0x80, v29;
	[tilespmem:v30+s12+$0x0] =	vst.idx.add.f32.msk $0xffff, v24  }
0x562: {  	v62 =	vor.u32 $0x180, v10;
	v38 =	vld.idx.msk [tilespmem:v25+s14+$0x0], $0xffff;
	v23 =	vmul.f32 v23, v12  }
0x563: {  	v10 =	vor.u32 $0x180, v15;
	v42 =	vor.u32 $0x80, v30;
	v39 =	vor.u32 $0x100, v27;
	v40 =	vld.idx.msk [tilespmem:v8+s14+$0x0], $0xffff  }
0x564: {  	v13 =	vor.u32 $0x100, v30;
	v41 =	vor.u32 $0x80, v35;
	[tilespmem:v26+s12+$0x0] =	vst.idx.add.f32.msk $0xffff, v23;
	v15 =	vmul.f32 v22, v4  }
0x565: {  	v24 =	vor.u32 $0x100, v21;
	v25 =	vor.u32 $0x100, v29;
	v8 =	vor.u32 $0x180, v19;
	v43 =	vld.idx.msk [tilespmem:v28+s14+$0x0], $0xffff  }
0x566: {  	v26 =	vor.u32 $0x100, v20;
	v23 =	vor.u32 $0x180, v27;
	[tilespmem:v37+s12+$0x0] =	vst.idx.add.f32.msk $0xffff, v15;
	v15 =	vor.u32 $0x180, v20  }
0x567: {  	v20 =	vor.u32 $0x180, v21;
	v63 =	vmul.f32 v38, v18;
	v21 =	vmul.f32 v31, v17  }
0x568: {  	v27 =	vld.idx.msk [tilespmem:v62+s14+$0x0], $0xffff;
	v17 =	vmul.f32 v60, v5;
	v5 =	vor.u32 $0x180, v30;
	v30 =	vor.u32 $0x100, v16  }
0x569: {  	v19 =	vor.u32 $0x180, v29;
	v29 =	vor.u32 $0x180, v59;
	v28 =	vld.idx.msk [tilespmem:v39+s14+$0x0], $0xffff;
	v31 =	vmul.f32 v40, v6  }
0x56a: {  	v7 =	vor.u32 $0x180, v7;
	v11 =	vor.u32 $0x180, v9;
	v9 =	vor.u32 $0x180, v14;
	[tilespmem:v41+s12+$0x0] =	vst.idx.add.f32.msk $0xffff, v63  }
0x56b: {  	s25 =	simm.s32 $0x8;
	s26 =	simm.s32 $0x8CE0;
	v14 =	vor.u32 $0x100, v35;
	v22 =	vor.u32 $0x180, v35;
	[tilespmem:v42+s12+$0x0] =	vst.idx.add.f32.msk $0xffff, v31;
	v31 =	vmul.f32 v43, v12  }
.LBB2_73:
0x56c: {  	v32 =	vld [tilespmem:s26+$0x10]  }
0x56d: {  	[tilespmem:v30+s12+$0x0] =	vst.idx.add.f32.msk $0xffff, v31  }
0x56e: {  	s25 =	sadd.s32 $0x4, s25;
	v28 =	vmul.f32 v28, v4;
	v29 =	vld.idx.msk [tilespmem:v29+s14+$0x0], $0xffff  }
0x56f: {  	p0 =	slt.u32 s25, $0x45C;
	v27 =	vmul.f32 v27, v3;
	v3 =	vmov v18;
	v30 =	vld [tilespmem:s26+$0xFFFFFFF0]  }
0x570: {  	v18 =	vld [tilespmem:s26+$0x0]  }
0x571: {  	v16 =	vor.u32 $0x180, v16;
	v31 =	vld [tilespmem:s26+$0xFFFFFFE0]  }
0x572: {  	v33 =	vld.idx.msk [tilespmem:v26+s14+$0x0], $0xffff  }
0x573: {  	v26 =	vshra.s32 v32, $0xC;
	v34 =	vld.idx.msk [tilespmem:v24+s14+$0x0], $0xffff  }
0x574: {  	v35 =	vshll.u32 v26, $0x2;
	v12 =	vmul.f32 v29, v12;
	v24 =	vshra.s32 v30, $0xC;
	[tilespmem:v25+s12+$0x0] =	vst.idx.add.f32.msk $0xffff, v28  }
0x575: {  	v26 =	vand.u32 $0x7F, v26;
	v28 =	vand.u32 $0xFFFFFE00, v35;
	v25 =	vshra.s32 v18, $0xC;
	v29 =	vld.idx.msk [tilespmem:v23+s14+$0x0], $0xffff  }
0x576: {  	v35 =	vshll.u32 v24, $0x2;
	v36 =	vor.u32 v26, v28;
	v23 =	vshra.s32 v31, $0xC;
	[tilespmem:v16+s12+$0x0] =	vst.idx.add.f32.msk $0xffff, v12  }
0x577: {  	v16 =	vand.u32 $0xFFFFFE00, v35;
	v26 =	vshll.u32 v25, $0x2;
	v12 =	vshll.u32 v23, $0x2;
	v28 =	vld.idx.msk [tilespmem:v11+s14+$0x0], $0xffff;
	v11 =	vmovc v20  }
0x578: {  	v20 =	vand.u32 $0x7F, v23;
	v23 =	vand.u32 $0xFFFFFE00, v26;
	v12 =	vand.u32 $0xFFFFFE00, v12;
	[tilespmem:v9+s12+$0x0] =	vst.idx.add.f32.msk $0xffff, v21;
	v9 =	vmovc v19  }
0x579: {  	v19 =	vor.u32 v20, v12;
	v12 =	vand.u32 $0x7F, v24;
	v20 =	vand.u32 $0x7F, v25;
	[tilespmem:v10+s12+$0x0] =	vst.idx.add.f32.msk $0xffff, v27;
	v10 =	vmovc v22  }
0x57a: {  	v21 =	vshll.u32 v31, $0x2;
	v22 =	vor.u32 v12, v16;
	v20 =	vor.u32 v20, v23;
	[tilespmem:v7+s12+$0x0] =	vst.idx.add.f32.msk $0xffff, v17  }
0x57b: {  	s24 =	sadd.s32 $0x40, s24;
	v17 =	vand.u32 $0x3E00, v21;
	v12 =	vshll.u32 v30, $0x2;
	v16 =	vshll.u32 v18, $0x2;
	v7 =	vmovc v8;
	v8 =	vmovc v5;
	v21 =	vld.idx.msk [tilespmem:v36+s14+$0x0], $0xffff  }
0x57c: {  	v5 =	vand.u32 $0x3E00, v12;
	v23 =	vand.u32 $0x3E00, v16;
	v16 =	vshll.u32 v32, $0x2;
	v12 =	vld [tilespmem:s24+$0x10]  }
0x57d: {  	v24 =	vand.u32 $0x7F, v31;
	v25 =	vand.u32 $0x7F, v32;
	v16 =	vand.u32 $0x3E00, v16;
	v27 =	vld [tilespmem:s24+$0xFFFFFFE0]  }
0x57e: {  	v26 =	vand.u32 $0x7F, v30;
	v18 =	vand.u32 $0x7F, v18;
	v16 =	vor.u32 v25, v16;
	v31 =	vld.idx.msk [tilespmem:v19+s14+$0x0], $0xffff  }
0x57f: {  	v17 =	vor.u32 v24, v17;
	v32 =	vor.u32 $0x80, v36;
	v5 =	vor.u32 v26, v5;
	v30 =	vld.idx.msk [tilespmem:v22+s14+$0x0], $0xffff  }
0x580: {  	v35 =	vor.u32 $0x80, v19;
	v37 =	vor.u32 $0x80, v22;
	v39 =	vor.u32 v18, v23;
	v38 =	vld.idx.msk [tilespmem:v20+s14+$0x0], $0xffff  }
0x581: {  	v41 =	vor.u32 $0x80, v20;
	v40 =	vor.u32 $0x80, v17;
	v18 =	vld [tilespmem:s24+$0xFFFFFFF0];
	v21 =	vmul.f32 v21, v12  }
0x582: {  	v42 =	vor.u32 $0x100, v19;
	v43 =	vor.u32 $0x80, v5;
	v45 =	vor.u32 $0x80, v39;
	v44 =	vld [tilespmem:s24+$0x0]  }
0x583: {  	v24 =	vor.u32 $0x100, v20;
	v26 =	vor.u32 $0x100, v22;
	[tilespmem:v16+s12+$0x0] =	vst.idx.add.f32.msk $0xffff, v21;
	v21 =	vmul.f32 v33, v3  }
0x584: {  	v25 =	vor.u32 $0x100, v17;
	v31 =	vmul.f32 v31, v27;
	v33 =	vmul.f32 v34, v6;
	v32 =	vld.idx.msk [tilespmem:v32+s14+$0x0], $0xffff  }
0x585: {  	v23 =	vor.u32 $0x180, v19;
	v34 =	vor.u32 $0x100, v39;
	[tilespmem:v14+s12+$0x0] =	vst.idx.add.f32.msk $0xffff, v21;
	v14 =	vor.u32 $0x100, v5  }
0x586: {  	v20 =	vor.u32 $0x180, v20;
	[tilespmem:v17+s12+$0x0] =	vst.idx.add.f32.msk $0xffff, v31;
	v30 =	vmul.f32 v30, v18;
	v31 =	vor.u32 $0x180, v22  }
0x587: {  	v46 =	vor.u32 $0x80, v16;
	v21 =	vmul.f32 v29, v4;
	v4 =	vmovc v27;
	v35 =	vld.idx.msk [tilespmem:v35+s14+$0x0], $0xffff;
	v38 =	vmul.f32 v38, v44  }
0x588: {  	v19 =	vor.u32 $0x180, v17;
	v27 =	vor.u32 $0x100, v36;
	v17 =	vmul.f32 v28, v2;
	v2 =	vmovc v6;
	[tilespmem:v5+s12+$0x0] =	vst.idx.add.f32.msk $0xffff, v30  }
0x589: {  	v22 =	vor.u32 $0x180, v5;
	v6 =	vmov v44;
	v5 =	vor.u32 $0x180, v39;
	[tilespmem:v39+s12+$0x0] =	vst.idx.add.f32.msk $0xffff, v38  }
0x58a: {  	v28 =	vmul.f32 v32, v12;
	v29 =	vld.idx.msk [tilespmem:v37+s14+$0x0], $0xffff  }
0x58b: {  	v32 =	vld.idx.msk [tilespmem:v41+s14+$0x0], $0xffff  }
0x58c: {  	[tilespmem:v46+s12+$0x0] =	vst.idx.add.f32.msk $0xffff, v28  }
0x58d: {  	v28 =	vmul.f32 v35, v4;
	v35 =	vld.idx.msk [tilespmem:v27+s14+$0x0], $0xffff  }
0x58e: {  	[tilespmem:v13+s12+$0x0] =	vst.idx.add.f32.msk $0xffff, v33;
	v13 =	vmov v34  }
.Ltmp35:
0x58f: {  	[tilespmem:v40+s12+$0x0] =	vst.idx.add.f32.msk $0xffff, v28;
	(pc) =	sbr.rel @p0 .LBB2_73-.Ltmp35, $4  }
0x590: {  	v30 =	vor.u32 $0x100, v16;
	v33 =	vmul.f32 v29, v18;
	v28 =	vld.idx.msk [tilespmem:v42+s14+$0x0], $0xffff  }
0x591: {  	v29 =	vor.u32 $0x180, v36;
	v32 =	vmul.f32 v32, v6;
	v27 =	vld.idx.msk [tilespmem:v15+s14+$0x0], $0xffff;
	v15 =	vmov v31  }
0x592: {  	[tilespmem:v43+s12+$0x0] =	vst.idx.add.f32.msk $0xffff, v33  }
0x593: {  	s26 =	sadd.s32 $0x40, s26;
	v31 =	vmul.f32 v35, v12;
	[tilespmem:v45+s12+$0x0] =	vst.idx.add.f32.msk $0xffff, v32  }
0x594: {  	_ =	sdelay $0x3  }
0x595: {  	[tilespmem:v30+s12+$0x0] =	vst.idx.add.f32.msk $0xffff, v31  }
0x596: {  	v29 =	vld.idx.msk [tilespmem:v29+s14+$0x0], $0xffff;
	_ =	sdelay $0x1  }
0x597: {  	v16 =	vor.u32 $0x180, v16;
	v26 =	vld.idx.msk [tilespmem:v26+s14+$0x0], $0xffff  }
0x598: {  	v24 =	vld.idx.msk [tilespmem:v24+s14+$0x0], $0xffff  }
0x599: {  	v28 =	vmul.f32 v28, v4  }
0x59a: {  	v11 =	vld.idx.msk [tilespmem:v11+s14+$0x0], $0xffff;
	v12 =	vmul.f32 v29, v12  }
0x59b: {  	[tilespmem:v25+s12+$0x0] =	vst.idx.add.f32.msk $0xffff, v28  }
0x59c: {  	[tilespmem:v16+s12+$0x0] =	vst.idx.add.f32.msk $0xffff, v12;
	v12 =	vmul.f32 v26, v18  }
0x59d: {  	v23 =	vld.idx.msk [tilespmem:v23+s14+$0x0], $0xffff;
	v16 =	vmul.f32 v24, v6  }
0x59e: {  	[tilespmem:v14+s12+$0x0] =	vst.idx.add.f32.msk $0xffff, v12  }
0x59f: {  	[tilespmem:v13+s12+$0x0] =	vst.idx.add.f32.msk $0xffff, v16  }
0x5a0: {  	v12 =	vld.idx.msk [tilespmem:v15+s14+$0x0], $0xffff  }
0x5a1: {  	v13 =	vld.idx.msk [tilespmem:v20+s14+$0x0], $0xffff  }
0x5a2: {  	[tilespmem:v9+s12+$0x0] =	vst.idx.add.f32.msk $0xffff, v21;
	v3 =	vmul.f32 v27, v3  }
0x5a3: {  	[tilespmem:v7+s12+$0x0] =	vst.idx.add.f32.msk $0xffff, v17;
	v2 =	vmul.f32 v11, v2  }
0x5a4: {  	[tilespmem:v10+s12+$0x0] =	vst.idx.add.f32.msk $0xffff, v3;
	v3 =	vmul.f32 v23, v4  }
0x5a5: {  	[tilespmem:v8+s12+$0x0] =	vst.idx.add.f32.msk $0xffff, v2;
	v4 =	vmul.f32 v12, v18  }
0x5a6: {  	[tilespmem:v19+s12+$0x0] =	vst.idx.add.f32.msk $0xffff, v3;
	v3 =	vmul.f32 v13, v6  }
0x5a7: {  	[tilespmem:v22+s12+$0x0] =	vst.idx.add.f32.msk $0xffff, v4  }
0x5a8: {  	s24 =	simm.s32 $0x12980;
	[tilespmem:v5+s12+$0x0] =	vst.idx.add.f32.msk $0xffff, v3  }
0x5a9: {  	v3 =	vld [tilespmem:s24+$0xF0]  }
0x5aa: {  	s25 =	simm.s32 $0x11840;
	v4 =	vld [tilespmem:s24+$0xFFFFFF00]  }
0x5ab: {  	v2 =	vld [tilespmem:s25+$0x30]  }
0x5ac: {  	v5 =	vld [tilespmem:s24+$0xFFFFFF80]  }
0x5ad: {  	v6 =	vld [tilespmem:s24+$0x0]  }
0x5ae: {  	v7 =	vld [tilespmem:s24+$0x80]  }
0x5af: {  	v8 =	vld [tilespmem:s24+$0xFFFFFF10]  }
0x5b0: {  	v9 =	vld [tilespmem:s24+$0xFFFFFF90]  }
0x5b1: {  	v10 =	vld [tilespmem:s24+$0x10]  }
0x5b2: {  	v11 =	vld [tilespmem:s24+$0x90]  }
0x5b3: {  	v12 =	vld [tilespmem:s24+$0xFFFFFF20]  }
0x5b4: {  	v13 =	vld [tilespmem:s24+$0xFFFFFFA0]  }
0x5b5: {  	v14 =	vld [tilespmem:s24+$0x20]  }
0x5b6: {  	v15 =	vld [tilespmem:s24+$0xA0]  }
0x5b7: {  	v17 =	vld [tilespmem:s24+$0xFFFFFF30]  }
0x5b8: {  	v18 =	vld [tilespmem:s24+$0xFFFFFFB0]  }
0x5b9: {  	v19 =	vld [tilespmem:s24+$0x30]  }
0x5ba: {  	v20 =	vld [tilespmem:s24+$0xB0]  }
0x5bb: {  	v23 =	vld [tilespmem:s24+$0xFFFFFF40]  }
0x5bc: {  	v26 =	vld [tilespmem:s24+$0xFFFFFFC0]  }
0x5bd: {  	v29 =	vld [tilespmem:s24+$0x40]  }
0x5be: {  	v30 =	vld [tilespmem:s24+$0xC0]  }
0x5bf: {  	v31 =	vld [tilespmem:s24+$0xFFFFFF50]  }
0x5c0: {  	v32 =	vld [tilespmem:s24+$0xFFFFFFD0];
	v16 =	vmul.f32 v3, v1  }
0x5c1: {  	v35 =	vld [tilespmem:s24+$0xFFFFFF60];
	v3 =	vmul.f32 v4, v1;
	v5 =	vmul.f32 v5, v1  }
0x5c2: {  	v38 =	vld [tilespmem:s24+$0x60];
	v4 =	vmul.f32 v6, v1;
	v6 =	vmul.f32 v7, v1  }
0x5c3: {  	v40 =	vld [tilespmem:s24+$0xE0];
	v33 =	vmul.f32 v8, v1;
	v34 =	vmul.f32 v9, v1  }
0x5c4: {  	v41 =	vld [tilespmem:s25+$0xFFFFFFD0];
	v37 =	vmul.f32 v10, v1;
	v39 =	vmul.f32 v11, v1  }
0x5c5: {  	v36 =	vld [tilespmem:s25+$0xFFFFFFE0];
	v28 =	vmul.f32 v12, v1;
	v21 =	vmul.f32 v15, v1  }
0x5c6: {  	v7 =	vld [tilespmem:s24+$0x50];
	v22 =	vmul.f32 v17, v1;
	v24 =	vmul.f32 v18, v1  }
0x5c7: {  	v25 =	vmul.f32 v19, v1;
	v27 =	vmul.f32 v20, v1;
	v15 =	vld [tilespmem:s24+$0xFFFFFF70]  }
0x5c8: {  	v8 =	vld [tilespmem:s24+$0xD0];
	v17 =	vmul.f32 v26, v1;
	v18 =	vmul.f32 v29, v1;
	v9 =	vadd.f32 v16, v2  }
0x5c9: {  	v12 =	vld [tilespmem:s24+$0xFFFFFFE0];
	v20 =	vmul.f32 v31, v1;
	v11 =	vmul.f32 v32, v1  }
0x5ca: {  	v26 =	vld [tilespmem:s24+$0x70];
	v19 =	vmul.f32 v40, v1;
	v16 =	vmul.f32 v13, v1;
	v9 =	vmax.f32 v9, $0.0e+00  }
0x5cb: {  	p0 =	por $0x1, $0x1;
	v13 =	vmul.f32 v14, v1;
	[tilespmem:s24+$0xF0] =	vst v9;
	v9 =	vmul.f32 v23, v1;
	v23 =	vld [tilespmem:s24+$0xFFFFFFF0]  }
.Ltmp36:
0x5cc: {  	v31 =	vld [tilespmem:s25+$0x0];
	v14 =	vmul.f32 v30, v1;
	v34 =	vadd.f32 v34, v41;
	v29 =	vmul.f32 v15, v1;
	(pc) =	sbr.rel @!p0 .LBB2_76-.Ltmp36, $4  }
0x5cd: {  	v32 =	vld [tilespmem:s25+$0xFFFFFFC0];
	v37 =	vadd.f32 v37, v41;
	v7 =	vmul.f32 v7, v1;
	v10 =	vmul.f32 v8, v1  }
0x5ce: {  	v8 =	vmul.f32 v35, v1;
	v35 =	vld [tilespmem:s25+$0xFFFFFFF0];
	v15 =	vmul.f32 v12, v1;
	v63 =	vadd.f32 v29, v2  }
0x5cf: {  	v30 =	vld [tilespmem:s25+$0x10];
	v12 =	vmul.f32 v38, v1;
	v26 =	vmul.f32 v26, v1;
	v38 =	vadd.f32 v33, v41  }
0x5d0: {  	s26 =	simm.s32 $0x0;
	s30 =	simm.s32 $0x12B80;
	v33 =	vadd.f32 v39, v41;
	v29 =	vld [tilespmem:s25+$0x20];
	v39 =	vmax.f32 v63, $0.0e+00;
	v23 =	vmul.f32 v23, v1  }
.LBB2_75:
0x5d1: {  	v40 =	vld [tilespmem:s30+$0xF0];
	s26 =	sadd.s32 $0x8, s26;
	v38 =	vmax.f32 v38, $0.0e+00;
	v28 =	vadd.f32 v28, v36;
	v16 =	vadd.f32 v16, v36;
	[tilespmem:s24+$0xFFFFFF70] =	vst v39  }
0x5d2: {  	v34 =	vmax.f32 v34, $0.0e+00;
	v13 =	vadd.f32 v13, v36;
	v21 =	vadd.f32 v21, v36;
	s25 =	sadd.s32 $0x80, s25;
	v39 =	vld [tilespmem:s30+$0xFFFFFF00];
	p0 =	slt.u32 s26, $0xF8;
	[tilespmem:s24+$0xFFFFFF10] =	vst v38  }
0x5d3: {  	v22 =	vadd.f32 v22, v35;
	v24 =	vadd.f32 v24, v35;
	v36 =	vld [tilespmem:s25+$0x30];
	[tilespmem:s24+$0xFFFFFF90] =	vst v34;
	v34 =	vmax.f32 v37, $0.0e+00  }
0x5d4: {  	v25 =	vadd.f32 v25, v35;
	v27 =	vadd.f32 v27, v35;
	v33 =	vmax.f32 v33, $0.0e+00;
	v37 =	vld [tilespmem:s30+$0xFFFFFF80];
	[tilespmem:s24+$0x10] =	vst v34  }
0x5d5: {  	v34 =	vld [tilespmem:s30+$0x0];
	v35 =	vadd.f32 v3, v32;
	v38 =	vadd.f32 v5, v32;
	[tilespmem:s24+$0x90] =	vst v33;
	v3 =	vmax.f32 v28, $0.0e+00  }
0x5d6: {  	v41 =	vadd.f32 v6, v32;
	v28 =	vld [tilespmem:s30+$0x80];
	v5 =	vmul.f32 v40, v1;
	v40 =	vadd.f32 v4, v32;
	[tilespmem:s24+$0xFFFFFF20] =	vst v3  }
0x5d7: {  	v9 =	vadd.f32 v9, v31;
	v17 =	vadd.f32 v17, v31;
	v3 =	vmul.f32 v39, v1;
	v32 =	vld [tilespmem:s30+$0xFFFFFF10]  }
0x5d8: {  	v18 =	vadd.f32 v18, v31;
	v4 =	vmax.f32 v35, $0.0e+00;
	v33 =	vld [tilespmem:s30+$0xFFFFFF90];
	v6 =	vadd.f32 v5, v36  }
0x5d9: {  	v14 =	vadd.f32 v14, v31;
	v20 =	vadd.f32 v20, v30;
	v5 =	vmul.f32 v37, v1;
	v35 =	vld [tilespmem:s30+$0x10];
	[tilespmem:s24+$0xFFFFFF00] =	vst v4  }
0x5da: {  	v11 =	vadd.f32 v11, v30;
	v4 =	vmul.f32 v34, v1;
	v31 =	vld [tilespmem:s30+$0x90];
	v34 =	vmax.f32 v6, $0.0e+00  }
0x5db: {  	v7 =	vadd.f32 v7, v30;
	v10 =	vadd.f32 v10, v30;
	v6 =	vmul.f32 v28, v1;
	v28 =	vld [tilespmem:s30+$0xFFFFFF20];
	[tilespmem:s30+$0xF0] =	vst v34  }
0x5dc: {  	v8 =	vadd.f32 v8, v29;
	v15 =	vadd.f32 v15, v29;
	v32 =	vmul.f32 v32, v1;
	v30 =	vld [tilespmem:s30+$0xFFFFFFA0]  }
0x5dd: {  	v12 =	vadd.f32 v12, v29;
	v19 =	vadd.f32 v19, v29;
	v34 =	vmul.f32 v33, v1;
	v37 =	vld [tilespmem:s30+$0x20]  }
0x5de: {  	v23 =	vadd.f32 v23, v2;
	v26 =	vadd.f32 v26, v2;
	v2 =	vmovc v36;
	v33 =	vmul.f32 v35, v1;
	v29 =	vld [tilespmem:s30+$0xA0]  }
0x5df: {  	v36 =	vmax.f32 v40, $0.0e+00;
	v35 =	vmax.f32 v38, $0.0e+00;
	v39 =	vmul.f32 v31, v1;
	v31 =	vld [tilespmem:s30+$0xFFFFFF30]  }
0x5e0: {  	v40 =	vmax.f32 v16, $0.0e+00;
	v28 =	vmul.f32 v28, v1;
	v38 =	vld [tilespmem:s30+$0xFFFFFFB0];
	[tilespmem:s24+$0xFFFFFF80] =	vst v35;
	v35 =	vmax.f32 v41, $0.0e+00  }
0x5e1: {  	v41 =	vmax.f32 v21, $0.0e+00;
	v16 =	vmul.f32 v30, v1;
	v30 =	vld [tilespmem:s30+$0x30];
	[tilespmem:s24+$0x0] =	vst v36;
	v36 =	vmax.f32 v13, $0.0e+00  }
0x5e2: {  	v42 =	vmax.f32 v24, $0.0e+00;
	v13 =	vmul.f32 v37, v1;
	v37 =	vld [tilespmem:s30+$0xB0];
	[tilespmem:s24+$0x80] =	vst v35;
	v35 =	vmax.f32 v22, $0.0e+00  }
0x5e3: {  	v43 =	vmax.f32 v27, $0.0e+00;
	v21 =	vmul.f32 v29, v1;
	v29 =	vld [tilespmem:s30+$0xFFFFFF40];
	[tilespmem:s24+$0xFFFFFFA0] =	vst v40;
	v40 =	vmax.f32 v25, $0.0e+00  }
0x5e4: {  	v44 =	vmax.f32 v17, $0.0e+00;
	v22 =	vmul.f32 v31, v1;
	v31 =	vld [tilespmem:s30+$0xFFFFFFC0];
	[tilespmem:s24+$0x20] =	vst v36;
	v36 =	vmax.f32 v9, $0.0e+00  }
0x5e5: {  	v45 =	vmax.f32 v14, $0.0e+00;
	v24 =	vmul.f32 v38, v1;
	v38 =	vld [tilespmem:s30+$0x40];
	[tilespmem:s24+$0xA0] =	vst v41;
	v41 =	vmax.f32 v18, $0.0e+00  }
0x5e6: {  	v25 =	vmul.f32 v30, v1;
	v14 =	vld [tilespmem:s30+$0xC0];
	[tilespmem:s24+$0xFFFFFF30] =	vst v35;
	v30 =	vmax.f32 v20, $0.0e+00;
	v35 =	vmax.f32 v11, $0.0e+00  }
0x5e7: {  	v27 =	vmul.f32 v37, v1;
	v11 =	vld [tilespmem:s30+$0xFFFFFF50];
	[tilespmem:s24+$0xFFFFFFB0] =	vst v42;
	v37 =	vmax.f32 v7, $0.0e+00;
	v42 =	vmax.f32 v10, $0.0e+00  }
0x5e8: {  	v9 =	vmul.f32 v29, v1;
	v7 =	vld [tilespmem:s30+$0xFFFFFFD0];
	[tilespmem:s24+$0x30] =	vst v40;
	v29 =	vmax.f32 v8, $0.0e+00;
	v40 =	vmax.f32 v15, $0.0e+00  }
0x5e9: {  	v17 =	vmul.f32 v31, v1;
	v8 =	vld [tilespmem:s30+$0x50];
	[tilespmem:s24+$0xB0] =	vst v43;
	v31 =	vmax.f32 v12, $0.0e+00;
	v43 =	vmax.f32 v19, $0.0e+00  }
0x5ea: {  	v46 =	vmax.f32 v26, $0.0e+00;
	v18 =	vmul.f32 v38, v1;
	v10 =	vld [tilespmem:s30+$0xD0];
	[tilespmem:s24+$0xFFFFFF40] =	vst v36;
	v38 =	vmax.f32 v23, $0.0e+00  }
0x5eb: {  	v14 =	vmul.f32 v14, v1;
	v12 =	vld [tilespmem:s30+$0xFFFFFF60];
	[tilespmem:s24+$0xFFFFFFC0] =	vst v44  }
0x5ec: {  	v20 =	vmul.f32 v11, v1;
	v15 =	vld [tilespmem:s30+$0xFFFFFFE0];
	[tilespmem:s24+$0x40] =	vst v41  }
0x5ed: {  	v11 =	vmul.f32 v7, v1;
	v19 =	vld [tilespmem:s30+$0x60];
	[tilespmem:s24+$0xC0] =	vst v45  }
0x5ee: {  	v7 =	vmul.f32 v8, v1;
	v23 =	vld [tilespmem:s30+$0xE0];
	[tilespmem:s24+$0xFFFFFF50] =	vst v30  }
0x5ef: {  	v10 =	vmul.f32 v10, v1;
	v26 =	vld [tilespmem:s30+$0xFFFFFF70];
	[tilespmem:s24+$0xFFFFFFD0] =	vst v35  }
0x5f0: {  	v8 =	vmul.f32 v12, v1;
	v30 =	vld [tilespmem:s30+$0xFFFFFFF0];
	[tilespmem:s24+$0x50] =	vst v37  }
0x5f1: {  	v15 =	vmul.f32 v15, v1;
	v37 =	vld [tilespmem:s30+$0x70];
	[tilespmem:s24+$0xD0] =	vst v42  }
0x5f2: {  	v41 =	vld [tilespmem:s25+$0xFFFFFFD0];
	v12 =	vmul.f32 v19, v1;
	[tilespmem:s24+$0xFFFFFF60] =	vst v29  }
0x5f3: {  	v36 =	vld [tilespmem:s25+$0xFFFFFFE0];
	v19 =	vmul.f32 v23, v1;
	[tilespmem:s24+$0xFFFFFFE0] =	vst v40  }
.Ltmp37:
0x5f4: {  	v35 =	vld [tilespmem:s25+$0xFFFFFFF0];
	v26 =	vmul.f32 v26, v1;
	[tilespmem:s24+$0x60] =	vst v31;
	(pc) =	sbr.rel @p0 .LBB2_75-.Ltmp37, $4  }
0x5f5: {  	v31 =	vld [tilespmem:s25+$0x0];
	v23 =	vmul.f32 v30, v1;
	[tilespmem:s24+$0xE0] =	vst v43  }
0x5f6: {  	v30 =	vld [tilespmem:s25+$0x10];
	v40 =	vadd.f32 v26, v2;
	v26 =	vmul.f32 v37, v1;
	[tilespmem:s24+$0xFFFFFFF0] =	vst v38  }
0x5f7: {  	v38 =	vadd.f32 v32, v41;
	v34 =	vadd.f32 v34, v41;
	v29 =	vld [tilespmem:s25+$0x20];
	[tilespmem:s24+$0x70] =	vst v46;
	s24 =	smov.u32 s30  }
0x5f8: {  	v37 =	vadd.f32 v33, v41;
	v33 =	vadd.f32 v39, v41;
	s30 =	sadd.s32 $0x200, s30;
	v32 =	vld [tilespmem:s25+$0xFFFFFFC0];
	v39 =	vmax.f32 v40, $0.0e+00  }
.LBB2_76:
0x5f9: {  	v38 =	vmax.f32 v38, $0.0e+00;
	[tilespmem:s24+$0xFFFFFF70] =	vst v39  }
0x5fa: {  	v34 =	vmax.f32 v34, $0.0e+00;
	[tilespmem:s24+$0xFFFFFF10] =	vst v38  }
0x5fb: {  	v28 =	vadd.f32 v28, v36;
	[tilespmem:s24+$0xFFFFFF90] =	vst v34;
	v48 =	vmax.f32 v37, $0.0e+00  }
0x5fc: {  	v33 =	vmax.f32 v33, $0.0e+00;
	v63 =	vadd.f32 v23, v2;
	v2 =	vadd.f32 v26, v2;
	[tilespmem:s24+$0x10] =	vst v48  }
0x5fd: {  	[tilespmem:s24+$0x90] =	vst v33;
	v28 =	vmax.f32 v28, $0.0e+00;
	v3 =	vadd.f32 v3, v32  }
0x5fe: {  	[tilespmem:s24+$0xFFFFFF20] =	vst v28;
	v2 =	vmax.f32 v2, $0.0e+00;
	v4 =	vadd.f32 v4, v32  }
0x5ff: {  	v6 =	vadd.f32 v6, v32;
	[tilespmem:s24+$0x70] =	vst v2;
	v3 =	vmax.f32 v3, $0.0e+00  }
0x600: {  	v5 =	vadd.f32 v5, v32;
	v4 =	vmax.f32 v4, $0.0e+00;
	[tilespmem:s24+$0xFFFFFF00] =	vst v3  }
0x601: {  	v49 =	vadd.f32 v16, v36;
	v6 =	vmax.f32 v6, $0.0e+00;
	[tilespmem:s24+$0x0] =	vst v4  }
0x602: {  	v50 =	vadd.f32 v21, v36;
	v3 =	vmax.f32 v5, $0.0e+00;
	[tilespmem:s24+$0x80] =	vst v6  }
0x603: {  	v51 =	vadd.f32 v22, v35;
	v5 =	vmax.f32 v49, $0.0e+00;
	[tilespmem:s24+$0xFFFFFF80] =	vst v3  }
0x604: {  	v52 =	vadd.f32 v24, v35;
	v4 =	vmax.f32 v50, $0.0e+00;
	[tilespmem:s24+$0xFFFFFFA0] =	vst v5  }
0x605: {  	v53 =	vadd.f32 v27, v35;
	v6 =	vmax.f32 v51, $0.0e+00;
	[tilespmem:s24+$0xA0] =	vst v4  }
0x606: {  	v54 =	vadd.f32 v9, v31;
	v5 =	vmax.f32 v52, $0.0e+00;
	[tilespmem:s24+$0xFFFFFF30] =	vst v6  }
0x607: {  	v3 =	vadd.f32 v13, v36;
	v4 =	vmax.f32 v53, $0.0e+00;
	[tilespmem:s24+$0xFFFFFFB0] =	vst v5  }
0x608: {  	v55 =	vadd.f32 v17, v31;
	v6 =	vmax.f32 v54, $0.0e+00;
	[tilespmem:s24+$0xB0] =	vst v4  }
0x609: {  	v56 =	vadd.f32 v14, v31;
	[tilespmem:s24+$0xFFFFFF40] =	vst v6;
	v3 =	vmax.f32 v3, $0.0e+00  }
0x60a: {  	v5 =	vmax.f32 v55, $0.0e+00;
	[tilespmem:s24+$0x20] =	vst v3;
	v3 =	vadd.f32 v25, v35  }
0x60b: {  	v57 =	vadd.f32 v20, v30;
	v4 =	vmax.f32 v56, $0.0e+00;
	[tilespmem:s24+$0xFFFFFFC0] =	vst v5  }
0x60c: {  	v58 =	vadd.f32 v11, v30;
	[tilespmem:s24+$0xC0] =	vst v4;
	v3 =	vmax.f32 v3, $0.0e+00  }
0x60d: {  	v6 =	vmax.f32 v57, $0.0e+00;
	[tilespmem:s24+$0x30] =	vst v3;
	v3 =	vadd.f32 v18, v31  }
0x60e: {  	v59 =	vadd.f32 v10, v30;
	v5 =	vmax.f32 v58, $0.0e+00;
	[tilespmem:s24+$0xFFFFFF50] =	vst v6  }
0x60f: {  	v60 =	vadd.f32 v8, v29;
	[tilespmem:s24+$0xFFFFFFD0] =	vst v5;
	v3 =	vmax.f32 v3, $0.0e+00  }
0x610: {  	v4 =	vmax.f32 v59, $0.0e+00;
	[tilespmem:s24+$0x40] =	vst v3;
	v3 =	vadd.f32 v7, v30  }
0x611: {  	v61 =	vadd.f32 v15, v29;
	v6 =	vmax.f32 v60, $0.0e+00;
	[tilespmem:s24+$0xD0] =	vst v4  }
0x612: {  	v62 =	vadd.f32 v19, v29;
	[tilespmem:s24+$0xFFFFFF60] =	vst v6;
	v3 =	vmax.f32 v3, $0.0e+00  }
0x613: {  	v5 =	vmax.f32 v61, $0.0e+00;
	[tilespmem:s24+$0x50] =	vst v3;
	v3 =	vadd.f32 v12, v29  }
0x614: {  	v4 =	vmax.f32 v62, $0.0e+00;
	[tilespmem:s24+$0xFFFFFFE0] =	vst v5  }
0x615: {  	[tilespmem:s24+$0xE0] =	vst v4;
	v3 =	vmax.f32 v3, $0.0e+00  }
0x616: {  	s23 =	sshll.u32 s23, $0xC;
	[tilespmem:s24+$0x60] =	vst v3;
	v3 =	vmax.f32 v63, $0.0e+00  }
0x617: {  	s23 =	sadd.s32 s3, s23;
	[tilespmem:s24+$0xFFFFFFF0] =	vst v3  }
0x618: {  	[hbm4b:s23+s10] =	stream.strided.scatter [tilespmem:s12], [sflag:$0x3], $0x4000, s11, s10, $0x38;
	[tilespmem:$0x1FA80] =	vst v63  }
0x619: {  	_ =	swait.ge [sflag:s16], $0x4000  }
0x61a: {  	[sflag:s16] =	ssyncset.done $0x0  }
0x61b: {  	s23 =	simm.s32 $0x1A980;
	[sflag:s16] =	ssyncadd.s32 $0xFFFFC000  }
0x61c: {  	[tilespmem:s23+$0xFFFFFF00] =	vst v0  }
0x61d: {  	[tilespmem:s23+$0xF0] =	vst v0  }
0x61e: {  	[tilespmem:s23+$0x70] =	vst v0  }
0x61f: {  	[tilespmem:s23+$0xFFFFFFF0] =	vst v0  }
0x620: {  	[tilespmem:s23+$0xFFFFFF70] =	vst v0  }
0x621: {  	[tilespmem:s23+$0xE0] =	vst v0  }
0x622: {  	[tilespmem:s23+$0x60] =	vst v0  }
0x623: {  	[tilespmem:s23+$0xFFFFFFE0] =	vst v0  }
0x624: {  	[tilespmem:s23+$0xFFFFFF60] =	vst v0  }
0x625: {  	[tilespmem:s23+$0xD0] =	vst v0  }
0x626: {  	[tilespmem:s23+$0x50] =	vst v0  }
0x627: {  	[tilespmem:s23+$0xFFFFFFD0] =	vst v0  }
0x628: {  	[tilespmem:s23+$0xFFFFFF50] =	vst v0  }
0x629: {  	[tilespmem:s23+$0xC0] =	vst v0  }
0x62a: {  	[tilespmem:s23+$0x40] =	vst v0  }
0x62b: {  	[tilespmem:s23+$0xFFFFFFC0] =	vst v0  }
0x62c: {  	[tilespmem:s23+$0xFFFFFF40] =	vst v0  }
0x62d: {  	[tilespmem:s23+$0xB0] =	vst v0  }
0x62e: {  	[tilespmem:s23+$0x30] =	vst v0  }
0x62f: {  	[tilespmem:s23+$0xFFFFFFB0] =	vst v0  }
0x630: {  	[tilespmem:s23+$0xFFFFFF30] =	vst v0  }
0x631: {  	[tilespmem:s23+$0xA0] =	vst v0  }
0x632: {  	[tilespmem:s23+$0x20] =	vst v0  }
0x633: {  	[tilespmem:s23+$0xFFFFFFA0] =	vst v0  }
0x634: {  	[tilespmem:s23+$0xFFFFFF20] =	vst v0  }
0x635: {  	[tilespmem:s23+$0x90] =	vst v0  }
0x636: {  	[tilespmem:s23+$0x10] =	vst v0  }
0x637: {  	[tilespmem:s23+$0xFFFFFF90] =	vst v0  }
0x638: {  	[tilespmem:s23+$0xFFFFFF10] =	vst v0  }
0x639: {  	[tilespmem:s23+$0x80] =	vst v0  }
0x63a: {  	s24 =	simm.s32 $0x0;
	[tilespmem:s23+$0x0] =	vst v0  }
.LBB2_77:
0x63b: {  	s24 =	sadd.s32 $0x8, s24;
	[tilespmem:s23+$0xFFFFFF80] =	vst v0;
	s23 =	sadd.s32 $0x200, s23  }
0x63c: {  	[tilespmem:s23+$0xFFFFFF00] =	vst v0;
	p0 =	slt.u32 s24, $0xF8  }
0x63d: {  	[tilespmem:s23+$0xF0] =	vst v0  }
0x63e: {  	[tilespmem:s23+$0x70] =	vst v0  }
0x63f: {  	[tilespmem:s23+$0xFFFFFFF0] =	vst v0  }
0x640: {  	[tilespmem:s23+$0xFFFFFF70] =	vst v0  }
0x641: {  	[tilespmem:s23+$0xE0] =	vst v0  }
0x642: {  	[tilespmem:s23+$0x60] =	vst v0  }
0x643: {  	[tilespmem:s23+$0xFFFFFFE0] =	vst v0  }
0x644: {  	[tilespmem:s23+$0xFFFFFF60] =	vst v0  }
0x645: {  	[tilespmem:s23+$0xD0] =	vst v0  }
0x646: {  	[tilespmem:s23+$0x50] =	vst v0  }
0x647: {  	[tilespmem:s23+$0xFFFFFFD0] =	vst v0  }
0x648: {  	[tilespmem:s23+$0xFFFFFF50] =	vst v0  }
0x649: {  	[tilespmem:s23+$0xC0] =	vst v0  }
0x64a: {  	[tilespmem:s23+$0x40] =	vst v0  }
0x64b: {  	[tilespmem:s23+$0xFFFFFFC0] =	vst v0  }
0x64c: {  	[tilespmem:s23+$0xFFFFFF40] =	vst v0  }
0x64d: {  	[tilespmem:s23+$0xB0] =	vst v0  }
0x64e: {  	[tilespmem:s23+$0x30] =	vst v0  }
0x64f: {  	[tilespmem:s23+$0xFFFFFFB0] =	vst v0  }
0x650: {  	[tilespmem:s23+$0xFFFFFF30] =	vst v0  }
0x651: {  	[tilespmem:s23+$0xA0] =	vst v0  }
0x652: {  	[tilespmem:s23+$0x20] =	vst v0  }
0x653: {  	[tilespmem:s23+$0xFFFFFFA0] =	vst v0  }
0x654: {  	[tilespmem:s23+$0xFFFFFF20] =	vst v0  }
0x655: {  	[tilespmem:s23+$0x90] =	vst v0  }
.Ltmp38:
0x656: {  	[tilespmem:s23+$0x10] =	vst v0;
	(pc) =	sbr.rel @p0 .LBB2_77-.Ltmp38, $4  }
0x657: {  	[tilespmem:s23+$0xFFFFFF90] =	vst v0  }
0x658: {  	[tilespmem:s23+$0xFFFFFF10] =	vst v0  }
0x659: {  	[tilespmem:s23+$0x80] =	vst v0  }
0x65a: {  	s25 =	simm.s32 $0x4620;
	s26 =	simm.s32 $0x20;
	[tilespmem:s23+$0x0] =	vst v0  }
0x65b: {  	[tilespmem:s23+$0xFFFFFF80] =	vst v0  }
0x65c: {  	v2 =	vld [tilespmem:s26+$0x10];
	_ =	sdelay $0x2  }
0x65d: {  	v3 =	vld [tilespmem:s26+$0xFFFFFFE0]  }
0x65e: {  	v5 =	vld [tilespmem:s26+$0xFFFFFFF0]  }
0x65f: {  	v4 =	vshra.s32 v2, $0xC  }
0x660: {  	v6 =	vshll.u32 v4, $0x2  }
0x661: {  	v4 =	vand.u32 $0x7F, v4;
	v6 =	vand.u32 $0xFFFFFE00, v6  }
0x662: {  	v9 =	vor.u32 v4, v6;
	v4 =	vshra.s32 v3, $0xC  }
0x663: {  	v7 =	vld [tilespmem:s26+$0x0];
	v6 =	vshra.s32 v5, $0xC;
	v8 =	vshll.u32 v4, $0x2  }
0x664: {  	v10 =	vshll.u32 v6, $0x2;
	v4 =	vand.u32 $0x7F, v4;
	v8 =	vand.u32 $0xFFFFFE00, v8  }
0x665: {  	v10 =	vand.u32 $0xFFFFFE00, v10;
	v14 =	vor.u32 v4, v8;
	v4 =	vand.u32 $0x7F, v6  }
0x666: {  	v13 =	vor.u32 v4, v10;
	v10 =	vld [tilespmem:s25+$0x10]  }
0x667: {  	v4 =	vshll.u32 v2, $0x2;
	v6 =	vld.idx.msk [tilespmem:v9+s15+$0x0], $0xffff  }
0x668: {  	v8 =	vshra.s32 v7, $0xC;
	v2 =	vand.u32 $0x7F, v2;
	v4 =	vand.u32 $0x3E00, v4  }
0x669: {  	v11 =	vshll.u32 v8, $0x2;
	v2 =	vor.u32 v2, v4  }
0x66a: {  	v12 =	vor.u32 $0x80, v9;
	v8 =	vand.u32 $0x7F, v8;
	v11 =	vand.u32 $0xFFFFFE00, v11;
	v4 =	vld [tilespmem:s25+$0xFFFFFFE0]  }
0x66b: {  	v8 =	vor.u32 v8, v11;
	v15 =	vld.idx.msk [tilespmem:v14+s15+$0x0], $0xffff  }
0x66c: {  	v11 =	vshll.u32 v3, $0x2;
	v16 =	vld.idx.msk [tilespmem:v13+s15+$0x0], $0xffff;
	v17 =	vmul.f32 v6, v10  }
0x66d: {  	v3 =	vand.u32 $0x7F, v3;
	v11 =	vand.u32 $0x3E00, v11;
	v6 =	vld [tilespmem:s25+$0xFFFFFFF0]  }
0x66e: {  	v18 =	vshll.u32 v5, $0x2;
	v11 =	vor.u32 v3, v11;
	[tilespmem:v2+s14+$0x0] =	vst.idx.add.f32.msk $0xffff, v17  }
0x66f: {  	v5 =	vand.u32 $0x7F, v5;
	v3 =	vand.u32 $0x3E00, v18;
	v17 =	vor.u32 $0x80, v14;
	v18 =	vld.idx.msk [tilespmem:v12+s15+$0x0], $0xffff  }
0x670: {  	v12 =	vor.u32 v5, v3;
	v3 =	vld.idx.msk [tilespmem:v8+s15+$0x0], $0xffff  }
0x671: {  	v19 =	vshll.u32 v7, $0x2;
	v20 =	vor.u32 $0x80, v2;
	v5 =	vld [tilespmem:s25+$0x0];
	v15 =	vmul.f32 v15, v4;
	s25 =	simm.s32 $0x60  }
0x672: {  	v19 =	vand.u32 $0x3E00, v19;
	v21 =	vor.u32 $0x100, v9;
	v7 =	vand.u32 $0x7F, v7;
	v22 =	vld [tilespmem:s25+$0xFFFFFFE0]  }
0x673: {  	v7 =	vor.u32 v7, v19;
	[tilespmem:v11+s14+$0x0] =	vst.idx.add.f32.msk $0xffff, v15;
	v15 =	vmul.f32 v16, v6  }
0x674: {  	v16 =	vor.u32 $0x80, v13;
	v17 =	vld.idx.msk [tilespmem:v17+s15+$0x0], $0xffff;
	v18 =	vmul.f32 v18, v10  }
0x675: {  	v19 =	vor.u32 $0x80, v8;
	[tilespmem:v12+s14+$0x0] =	vst.idx.add.f32.msk $0xffff, v15  }
0x676: {  	v15 =	vor.u32 $0x80, v11;
	v3 =	vmul.f32 v3, v5;
	[tilespmem:v20+s14+$0x0] =	vst.idx.add.f32.msk $0xffff, v18  }
0x677: {  	v18 =	vor.u32 $0x100, v14;
	v20 =	vld.idx.msk [tilespmem:v21+s15+$0x0], $0xffff  }
0x678: {  	[tilespmem:v7+s14+$0x0] =	vst.idx.add.f32.msk $0xffff, v3  }
0x679: {  	v3 =	vld.idx.msk [tilespmem:v16+s15+$0x0], $0xffff;
	v16 =	vmul.f32 v17, v4;
	v17 =	vor.u32 $0x100, v2  }
0x67a: {  	v19 =	vld.idx.msk [tilespmem:v19+s15+$0x0], $0xffff  }
0x67b: {  	v9 =	vor.u32 $0x180, v9;
	[tilespmem:v15+s14+$0x0] =	vst.idx.add.f32.msk $0xffff, v16  }
0x67c: {  	v15 =	vld.idx.msk [tilespmem:v18+s15+$0x0], $0xffff;
	v16 =	vmul.f32 v20, v10  }
0x67d: {  	v18 =	vld [tilespmem:s25+$0x10]  }
0x67e: {  	[tilespmem:v17+s14+$0x0] =	vst.idx.add.f32.msk $0xffff, v16;
	v16 =	vor.u32 $0x80, v12  }
0x67f: {  	v20 =	vld [tilespmem:s25+$0xFFFFFFF0];
	v17 =	vor.u32 $0x80, v7  }
0x680: {  	v23 =	vor.u32 $0x100, v8;
	v21 =	vor.u32 $0x100, v13;
	v9 =	vld.idx.msk [tilespmem:v9+s15+$0x0], $0xffff  }
0x681: {  	v24 =	vor.u32 $0x100, v11;
	v25 =	vld [tilespmem:s25+$0x0];
	v11 =	vor.u32 $0x180, v11;
	v3 =	vmul.f32 v3, v6  }
0x682: {  	v14 =	vor.u32 $0x180, v14;
	v19 =	vmul.f32 v19, v5;
	v26 =	vshra.s32 v18, $0xC  }
0x683: {  	v2 =	vor.u32 $0x180, v2;
	[tilespmem:v16+s14+$0x0] =	vst.idx.add.f32.msk $0xffff, v3;
	v3 =	vmul.f32 v15, v4;
	v15 =	vshll.u32 v26, $0x2  }
0x684: {  	[tilespmem:v17+s14+$0x0] =	vst.idx.add.f32.msk $0xffff, v19;
	v16 =	vshra.s32 v20, $0xC;
	v17 =	vand.u32 $0x7F, v26;
	v15 =	vand.u32 $0xFFFFFE00, v15  }
0x685: {  	v19 =	vld.idx.msk [tilespmem:v21+s15+$0x0], $0xffff;
	v9 =	vmul.f32 v9, v10;
	v10 =	vshra.s32 v22, $0xC;
	v21 =	vor.u32 v17, v15  }
0x686: {  	v15 =	vshra.s32 v25, $0xC;
	v17 =	vshll.u32 v16, $0x2;
	v26 =	vshll.u32 v10, $0x2;
	[tilespmem:v24+s14+$0x0] =	vst.idx.add.f32.msk $0xffff, v3  }
0x687: {  	v10 =	vand.u32 $0x7F, v10;
	v3 =	vand.u32 $0xFFFFFE00, v17;
	v17 =	vand.u32 $0xFFFFFE00, v26;
	v24 =	vld.idx.msk [tilespmem:v14+s15+$0x0], $0xffff  }
0x688: {  	v14 =	vshll.u32 v15, $0x2;
	[tilespmem:v2+s14+$0x0] =	vst.idx.add.f32.msk $0xffff, v9;
	v9 =	vand.u32 $0x7F, v15;
	v15 =	vshll.u32 v22, $0x2  }
0x689: {  	s26 =	simm.s32 $0x4660;
	v23 =	vld.idx.msk [tilespmem:v23+s15+$0x0], $0xffff;
	v22 =	vand.u32 $0x7F, v22;
	v26 =	vor.u32 v10, v17;
	v10 =	vand.u32 $0x7F, v16  }
0x68a: {  	v2 =	vand.u32 $0xFFFFFE00, v14;
	v16 =	vld [tilespmem:s26+$0x10];
	v10 =	vor.u32 v10, v3;
	v3 =	vshll.u32 v18, $0x2  }
0x68b: {  	v17 =	vld [tilespmem:s26+$0xFFFFFFE0];
	v14 =	vand.u32 $0x7F, v18;
	v9 =	vor.u32 v9, v2;
	v3 =	vand.u32 $0x3E00, v3  }
0x68c: {  	v2 =	vld.idx.msk [tilespmem:v21+s15+$0x0], $0xffff;
	v27 =	vor.u32 v14, v3;
	v3 =	vand.u32 $0x3E00, v15;
	v14 =	vshll.u32 v20, $0x2  }
0x68d: {  	v32 =	vand.u32 $0x3E00, v14;
	v14 =	vor.u32 v22, v3;
	v3 =	vld [tilespmem:s26+$0xFFFFFFF0]  }
0x68e: {  	v18 =	vld.idx.msk [tilespmem:v26+s15+$0x0], $0xffff  }
0x68f: {  	v30 =	vor.u32 $0x80, v21;
	v4 =	vmul.f32 v24, v4;
	v29 =	vld.idx.msk [tilespmem:v10+s15+$0x0], $0xffff  }
0x690: {  	v28 =	vor.u32 $0x100, v12;
	v31 =	vld.idx.msk [tilespmem:v9+s15+$0x0], $0xffff  }
0x691: {  	v15 =	vshll.u32 v25, $0x2;
	[tilespmem:v11+s14+$0x0] =	vst.idx.add.f32.msk $0xffff, v4;
	v22 =	vmul.f32 v2, v16  }
0x692: {  	v33 =	vand.u32 $0x3E00, v15;
	v15 =	vand.u32 $0x7F, v20;
	v20 =	vor.u32 $0x80, v26;
	v2 =	vld [tilespmem:s26+$0x0]  }
0x693: {  	v13 =	vor.u32 $0x180, v13;
	v25 =	vand.u32 $0x7F, v25;
	[tilespmem:v27+s14+$0x0] =	vst.idx.add.f32.msk $0xffff, v22;
	v22 =	vmul.f32 v19, v6  }
0x694: {  	v15 =	vor.u32 v15, v32;
	v19 =	vor.u32 v25, v33;
	v18 =	vmul.f32 v18, v17;
	v25 =	vld.idx.msk [tilespmem:v30+s15+$0x0], $0xffff  }
0x695: {  	[tilespmem:v28+s14+$0x0] =	vst.idx.add.f32.msk $0xffff, v22  }
0x696: {  	v30 =	vor.u32 $0x80, v10;
	[tilespmem:v14+s14+$0x0] =	vst.idx.add.f32.msk $0xffff, v18  }
0x697: {  	v22 =	vor.u32 $0x80, v9;
	v18 =	vmul.f32 v29, v3;
	v20 =	vld.idx.msk [tilespmem:v20+s15+$0x0], $0xffff  }
0x698: {  	v29 =	vor.u32 $0x80, v27;
	v28 =	vmul.f32 v31, v2;
	v13 =	vld.idx.msk [tilespmem:v13+s15+$0x0], $0xffff  }
0x699: {  	v31 =	vor.u32 $0x100, v7;
	[tilespmem:v15+s14+$0x0] =	vst.idx.add.f32.msk $0xffff, v18  }
0x69a: {  	v18 =	vor.u32 $0x100, v21;
	[tilespmem:v19+s14+$0x0] =	vst.idx.add.f32.msk $0xffff, v28  }
0x69b: {  	v28 =	vor.u32 $0x80, v14;
	v30 =	vld.idx.msk [tilespmem:v30+s15+$0x0], $0xffff;
	v25 =	vmul.f32 v25, v16  }
0x69c: {  	v58 =	vor.u32 $0x100, v26;
	v23 =	vmul.f32 v23, v5;
	v22 =	vld.idx.msk [tilespmem:v22+s15+$0x0], $0xffff  }
0x69d: {  	[tilespmem:v29+s14+$0x0] =	vst.idx.add.f32.msk $0xffff, v25;
	v25 =	vor.u32 $0x80, v15  }
0x69e: {  	v20 =	vmul.f32 v20, v17;
	v29 =	vor.u32 $0x80, v19;
	[tilespmem:v31+s14+$0x0] =	vst.idx.add.f32.msk $0xffff, v23  }
0x69f: {  	v18 =	vld.idx.msk [tilespmem:v18+s15+$0x0], $0xffff  }
0x6a0: {  	[tilespmem:v28+s14+$0x0] =	vst.idx.add.f32.msk $0xffff, v20;
	v23 =	vmul.f32 v30, v3  }
0x6a1: {  	v28 =	vor.u32 $0x100, v27;
	v20 =	vld.idx.msk [tilespmem:v58+s15+$0x0], $0xffff;
	v22 =	vmul.f32 v22, v2  }
0x6a2: {  	[tilespmem:v25+s14+$0x0] =	vst.idx.add.f32.msk $0xffff, v23  }
0x6a3: {  	s30 =	simm.s32 $0xA0;
	v21 =	vor.u32 $0x180, v21;
	[tilespmem:v29+s14+$0x0] =	vst.idx.add.f32.msk $0xffff, v22  }
0x6a4: {  	v8 =	vor.u32 $0x180, v8;
	v18 =	vmul.f32 v18, v16;
	v22 =	vld [tilespmem:s30+$0x10]  }
0x6a5: {  	v29 =	vld [tilespmem:s30+$0xFFFFFFE0]  }
0x6a6: {  	v25 =	vor.u32 $0x100, v14;
	[tilespmem:v28+s14+$0x0] =	vst.idx.add.f32.msk $0xffff, v18  }
0x6a7: {  	v18 =	vor.u32 $0x100, v9;
	v28 =	vld [tilespmem:s30+$0xFFFFFFF0]  }
0x6a8: {  	v12 =	vor.u32 $0x180, v12;
	v21 =	vld.idx.msk [tilespmem:v21+s15+$0x0], $0xffff  }
0x6a9: {  	v60 =	vld.idx.msk [tilespmem:v8+s15+$0x0], $0xffff;
	v20 =	vmul.f32 v20, v17  }
0x6aa: {  	v26 =	vor.u32 $0x180, v26;
	v61 =	vor.u32 $0x100, v19;
	v27 =	vor.u32 $0x180, v27;
	v30 =	vld [tilespmem:s30+$0x0]  }
0x6ab: {  	v6 =	vmul.f32 v13, v6;
	v23 =	vor.u32 $0x100, v10;
	[tilespmem:v25+s14+$0x0] =	vst.idx.add.f32.msk $0xffff, v20;
	v31 =	vshra.s32 v22, $0xC  }
0x6ac: {  	v24 =	vshra.s32 v29, $0xC;
	v20 =	vand.u32 $0x7F, v31;
	v13 =	vld.idx.msk [tilespmem:v18+s15+$0x0], $0xffff;
	v18 =	vshll.u32 v31, $0x2  }
0x6ad: {  	s23 =	simm.s32 $0x46A0;
	[tilespmem:v12+s14+$0x0] =	vst.idx.add.f32.msk $0xffff, v6;
	v16 =	vmul.f32 v21, v16;
	v18 =	vand.u32 $0xFFFFFE00, v18;
	v21 =	vshra.s32 v28, $0xC  }
0x6ae: {  	v12 =	vld [tilespmem:s23+$0x10];
	v8 =	vand.u32 $0x7F, v24;
	v59 =	vor.u32 v20, v18;
	v20 =	vshll.u32 v21, $0x2  }
0x6af: {  	v4 =	vand.u32 $0x7F, v21;
	[tilespmem:v27+s14+$0x0] =	vst.idx.add.f32.msk $0xffff, v16;
	v16 =	vshll.u32 v24, $0x2;
	v20 =	vand.u32 $0xFFFFFE00, v20  }
0x6b0: {  	v23 =	vld.idx.msk [tilespmem:v23+s15+$0x0], $0xffff;
	v18 =	vshra.s32 v30, $0xC;
	v16 =	vand.u32 $0xFFFFFE00, v16;
	v20 =	vor.u32 v4, v20  }
0x6b1: {  	v31 =	vld.idx.msk [tilespmem:v26+s15+$0x0], $0xffff;
	v24 =	vshll.u32 v18, $0x2;
	v27 =	vor.u32 v8, v16  }
0x6b2: {  	v11 =	vand.u32 $0x7F, v18;
	v4 =	vld [tilespmem:s23+$0xFFFFFFE0];
	v8 =	vand.u32 $0xFFFFFE00, v24;
	v13 =	vmul.f32 v13, v2  }
0x6b3: {  	v21 =	vor.u32 v11, v8;
	v8 =	vshll.u32 v22, $0x2;
	v6 =	vld.idx.msk [tilespmem:v59+s15+$0x0], $0xffff  }
0x6b4: {  	v11 =	vand.u32 $0x7F, v22;
	v8 =	vand.u32 $0x3E00, v8;
	[tilespmem:v61+s14+$0x0] =	vst.idx.add.f32.msk $0xffff, v13  }
0x6b5: {  	v18 =	vshll.u32 v29, $0x2;
	v16 =	vor.u32 v11, v8;
	v24 =	vld.idx.msk [tilespmem:v20+s15+$0x0], $0xffff  }
0x6b6: {  	v25 =	vor.u32 $0x80, v59;
	v11 =	vand.u32 $0x3E00, v18;
	v18 =	vshll.u32 v28, $0x2;
	v22 =	vld.idx.msk [tilespmem:v27+s15+$0x0], $0xffff  }
0x6b7: {  	v29 =	vand.u32 $0x7F, v29;
	v8 =	vor.u32 $0x100, v15;
	v35 =	vand.u32 $0x3E00, v18;
	v18 =	vld [tilespmem:s23+$0xFFFFFFF0]  }
0x6b8: {  	v26 =	vshll.u32 v30, $0x2;
	v29 =	vor.u32 v29, v11;
	v34 =	vld.idx.msk [tilespmem:v21+s15+$0x0], $0xffff;
	v11 =	vmul.f32 v6, v12  }
0x6b9: {  	v26 =	vand.u32 $0x3E00, v26;
	v36 =	vor.u32 $0x80, v27;
	v28 =	vand.u32 $0x7F, v28;
	v6 =	vld [tilespmem:s23+$0x0]  }
0x6ba: {  	v30 =	vand.u32 $0x7F, v30;
	v35 =	vor.u32 v28, v35;
	[tilespmem:v16+s14+$0x0] =	vst.idx.add.f32.msk $0xffff, v11;
	v11 =	vmul.f32 v23, v3  }
0x6bb: {  	v30 =	vor.u32 v30, v26;
	v22 =	vmul.f32 v22, v4;
	v23 =	vld.idx.msk [tilespmem:v25+s15+$0x0], $0xffff  }
0x6bc: {  	v25 =	vor.u32 $0x80, v20;
	[tilespmem:v8+s14+$0x0] =	vst.idx.add.f32.msk $0xffff, v11  }
0x6bd: {  	v8 =	vor.u32 $0x80, v21;
	v11 =	vmul.f32 v24, v18;
	[tilespmem:v29+s14+$0x0] =	vst.idx.add.f32.msk $0xffff, v22  }
0x6be: {  	v26 =	vor.u32 $0x80, v16;
	v24 =	vmul.f32 v34, v6;
	v22 =	vld.idx.msk [tilespmem:v36+s15+$0x0], $0xffff  }
0x6bf: {  	v28 =	vor.u32 $0x100, v59;
	[tilespmem:v35+s14+$0x0] =	vst.idx.add.f32.msk $0xffff, v11  }
0x6c0: {  	v37 =	vor.u32 $0x80, v29;
	[tilespmem:v30+s14+$0x0] =	vst.idx.add.f32.msk $0xffff, v24  }
0x6c1: {  	v62 =	vor.u32 $0x180, v10;
	v38 =	vld.idx.msk [tilespmem:v25+s15+$0x0], $0xffff;
	v23 =	vmul.f32 v23, v12  }
0x6c2: {  	v10 =	vor.u32 $0x180, v15;
	v42 =	vor.u32 $0x80, v30;
	v39 =	vor.u32 $0x100, v27;
	v40 =	vld.idx.msk [tilespmem:v8+s15+$0x0], $0xffff  }
0x6c3: {  	v13 =	vor.u32 $0x100, v30;
	v41 =	vor.u32 $0x80, v35;
	[tilespmem:v26+s14+$0x0] =	vst.idx.add.f32.msk $0xffff, v23;
	v15 =	vmul.f32 v22, v4  }
0x6c4: {  	v24 =	vor.u32 $0x100, v21;
	v25 =	vor.u32 $0x100, v29;
	v8 =	vor.u32 $0x180, v19;
	v43 =	vld.idx.msk [tilespmem:v28+s15+$0x0], $0xffff  }
0x6c5: {  	v26 =	vor.u32 $0x100, v20;
	v23 =	vor.u32 $0x180, v27;
	[tilespmem:v37+s14+$0x0] =	vst.idx.add.f32.msk $0xffff, v15;
	v15 =	vor.u32 $0x180, v20  }
0x6c6: {  	v20 =	vor.u32 $0x180, v21;
	v63 =	vmul.f32 v38, v18;
	v21 =	vmul.f32 v31, v17  }
0x6c7: {  	v27 =	vld.idx.msk [tilespmem:v62+s15+$0x0], $0xffff;
	v17 =	vmul.f32 v60, v5;
	v5 =	vor.u32 $0x180, v30;
	v30 =	vor.u32 $0x100, v16  }
0x6c8: {  	v19 =	vor.u32 $0x180, v29;
	v29 =	vor.u32 $0x180, v59;
	v28 =	vld.idx.msk [tilespmem:v39+s15+$0x0], $0xffff;
	v31 =	vmul.f32 v40, v6  }
0x6c9: {  	v7 =	vor.u32 $0x180, v7;
	v11 =	vor.u32 $0x180, v9;
	v9 =	vor.u32 $0x180, v14;
	[tilespmem:v41+s14+$0x0] =	vst.idx.add.f32.msk $0xffff, v63  }
0x6ca: {  	s24 =	simm.s32 $0x8;
	s25 =	simm.s32 $0xE0;
	v14 =	vor.u32 $0x100, v35;
	v22 =	vor.u32 $0x180, v35;
	[tilespmem:v42+s14+$0x0] =	vst.idx.add.f32.msk $0xffff, v31;
	v31 =	vmul.f32 v43, v12  }
.LBB2_79:
0x6cb: {  	v32 =	vld [tilespmem:s25+$0x10]  }
0x6cc: {  	[tilespmem:v30+s14+$0x0] =	vst.idx.add.f32.msk $0xffff, v31  }
0x6cd: {  	s24 =	sadd.s32 $0x4, s24;
	v28 =	vmul.f32 v28, v4;
	v29 =	vld.idx.msk [tilespmem:v29+s15+$0x0], $0xffff  }
0x6ce: {  	p0 =	slt.u32 s24, $0x45C;
	v27 =	vmul.f32 v27, v3;
	v3 =	vmov v18;
	v30 =	vld [tilespmem:s25+$0xFFFFFFF0]  }
0x6cf: {  	v18 =	vld [tilespmem:s25+$0x0]  }
0x6d0: {  	v16 =	vor.u32 $0x180, v16;
	v31 =	vld [tilespmem:s25+$0xFFFFFFE0]  }
0x6d1: {  	v33 =	vld.idx.msk [tilespmem:v26+s15+$0x0], $0xffff  }
0x6d2: {  	v26 =	vshra.s32 v32, $0xC;
	v34 =	vld.idx.msk [tilespmem:v24+s15+$0x0], $0xffff  }
0x6d3: {  	v35 =	vshll.u32 v26, $0x2;
	v12 =	vmul.f32 v29, v12;
	v24 =	vshra.s32 v30, $0xC;
	[tilespmem:v25+s14+$0x0] =	vst.idx.add.f32.msk $0xffff, v28  }
0x6d4: {  	v26 =	vand.u32 $0x7F, v26;
	v28 =	vand.u32 $0xFFFFFE00, v35;
	v25 =	vshra.s32 v18, $0xC;
	v29 =	vld.idx.msk [tilespmem:v23+s15+$0x0], $0xffff  }
0x6d5: {  	v35 =	vshll.u32 v24, $0x2;
	v36 =	vor.u32 v26, v28;
	v23 =	vshra.s32 v31, $0xC;
	[tilespmem:v16+s14+$0x0] =	vst.idx.add.f32.msk $0xffff, v12  }
0x6d6: {  	v16 =	vand.u32 $0xFFFFFE00, v35;
	v26 =	vshll.u32 v25, $0x2;
	v12 =	vshll.u32 v23, $0x2;
	v28 =	vld.idx.msk [tilespmem:v11+s15+$0x0], $0xffff;
	v11 =	vmovc v20  }
0x6d7: {  	v20 =	vand.u32 $0x7F, v23;
	v23 =	vand.u32 $0xFFFFFE00, v26;
	v12 =	vand.u32 $0xFFFFFE00, v12;
	[tilespmem:v9+s14+$0x0] =	vst.idx.add.f32.msk $0xffff, v21;
	v9 =	vmovc v19  }
0x6d8: {  	v19 =	vor.u32 v20, v12;
	v12 =	vand.u32 $0x7F, v24;
	v20 =	vand.u32 $0x7F, v25;
	[tilespmem:v10+s14+$0x0] =	vst.idx.add.f32.msk $0xffff, v27;
	v10 =	vmovc v22  }
0x6d9: {  	v21 =	vshll.u32 v31, $0x2;
	v22 =	vor.u32 v12, v16;
	v20 =	vor.u32 v20, v23;
	[tilespmem:v7+s14+$0x0] =	vst.idx.add.f32.msk $0xffff, v17  }
0x6da: {  	s23 =	sadd.s32 $0x40, s23;
	v17 =	vand.u32 $0x3E00, v21;
	v12 =	vshll.u32 v30, $0x2;
	v16 =	vshll.u32 v18, $0x2;
	v7 =	vmovc v8;
	v8 =	vmovc v5;
	v21 =	vld.idx.msk [tilespmem:v36+s15+$0x0], $0xffff  }
0x6db: {  	v5 =	vand.u32 $0x3E00, v12;
	v23 =	vand.u32 $0x3E00, v16;
	v16 =	vshll.u32 v32, $0x2;
	v12 =	vld [tilespmem:s23+$0x10]  }
0x6dc: {  	v24 =	vand.u32 $0x7F, v31;
	v25 =	vand.u32 $0x7F, v32;
	v16 =	vand.u32 $0x3E00, v16;
	v27 =	vld [tilespmem:s23+$0xFFFFFFE0]  }
0x6dd: {  	v26 =	vand.u32 $0x7F, v30;
	v18 =	vand.u32 $0x7F, v18;
	v16 =	vor.u32 v25, v16;
	v31 =	vld.idx.msk [tilespmem:v19+s15+$0x0], $0xffff  }
0x6de: {  	v17 =	vor.u32 v24, v17;
	v32 =	vor.u32 $0x80, v36;
	v5 =	vor.u32 v26, v5;
	v30 =	vld.idx.msk [tilespmem:v22+s15+$0x0], $0xffff  }
0x6df: {  	v35 =	vor.u32 $0x80, v19;
	v37 =	vor.u32 $0x80, v22;
	v39 =	vor.u32 v18, v23;
	v38 =	vld.idx.msk [tilespmem:v20+s15+$0x0], $0xffff  }
0x6e0: {  	v41 =	vor.u32 $0x80, v20;
	v40 =	vor.u32 $0x80, v17;
	v18 =	vld [tilespmem:s23+$0xFFFFFFF0];
	v21 =	vmul.f32 v21, v12  }
0x6e1: {  	v42 =	vor.u32 $0x100, v19;
	v43 =	vor.u32 $0x80, v5;
	v45 =	vor.u32 $0x80, v39;
	v44 =	vld [tilespmem:s23+$0x0]  }
0x6e2: {  	v24 =	vor.u32 $0x100, v20;
	v26 =	vor.u32 $0x100, v22;
	[tilespmem:v16+s14+$0x0] =	vst.idx.add.f32.msk $0xffff, v21;
	v21 =	vmul.f32 v33, v3  }
0x6e3: {  	v25 =	vor.u32 $0x100, v17;
	v31 =	vmul.f32 v31, v27;
	v33 =	vmul.f32 v34, v6;
	v32 =	vld.idx.msk [tilespmem:v32+s15+$0x0], $0xffff  }
0x6e4: {  	v23 =	vor.u32 $0x180, v19;
	v34 =	vor.u32 $0x100, v39;
	[tilespmem:v14+s14+$0x0] =	vst.idx.add.f32.msk $0xffff, v21;
	v14 =	vor.u32 $0x100, v5  }
0x6e5: {  	v20 =	vor.u32 $0x180, v20;
	[tilespmem:v17+s14+$0x0] =	vst.idx.add.f32.msk $0xffff, v31;
	v30 =	vmul.f32 v30, v18;
	v31 =	vor.u32 $0x180, v22  }
0x6e6: {  	v46 =	vor.u32 $0x80, v16;
	v21 =	vmul.f32 v29, v4;
	v4 =	vmovc v27;
	v35 =	vld.idx.msk [tilespmem:v35+s15+$0x0], $0xffff;
	v38 =	vmul.f32 v38, v44  }
0x6e7: {  	v19 =	vor.u32 $0x180, v17;
	v27 =	vor.u32 $0x100, v36;
	v17 =	vmul.f32 v28, v2;
	v2 =	vmovc v6;
	[tilespmem:v5+s14+$0x0] =	vst.idx.add.f32.msk $0xffff, v30  }
0x6e8: {  	v22 =	vor.u32 $0x180, v5;
	v6 =	vmov v44;
	v5 =	vor.u32 $0x180, v39;
	[tilespmem:v39+s14+$0x0] =	vst.idx.add.f32.msk $0xffff, v38  }
0x6e9: {  	v28 =	vmul.f32 v32, v12;
	v29 =	vld.idx.msk [tilespmem:v37+s15+$0x0], $0xffff  }
0x6ea: {  	v32 =	vld.idx.msk [tilespmem:v41+s15+$0x0], $0xffff  }
0x6eb: {  	[tilespmem:v46+s14+$0x0] =	vst.idx.add.f32.msk $0xffff, v28  }
0x6ec: {  	v28 =	vmul.f32 v35, v4;
	v35 =	vld.idx.msk [tilespmem:v27+s15+$0x0], $0xffff  }
0x6ed: {  	[tilespmem:v13+s14+$0x0] =	vst.idx.add.f32.msk $0xffff, v33;
	v13 =	vmov v34  }
.Ltmp39:
0x6ee: {  	[tilespmem:v40+s14+$0x0] =	vst.idx.add.f32.msk $0xffff, v28;
	(pc) =	sbr.rel @p0 .LBB2_79-.Ltmp39, $4  }
0x6ef: {  	v30 =	vor.u32 $0x100, v16;
	v33 =	vmul.f32 v29, v18;
	v28 =	vld.idx.msk [tilespmem:v42+s15+$0x0], $0xffff  }
0x6f0: {  	v29 =	vor.u32 $0x180, v36;
	v32 =	vmul.f32 v32, v6;
	v27 =	vld.idx.msk [tilespmem:v15+s15+$0x0], $0xffff;
	v15 =	vmov v31  }
0x6f1: {  	[tilespmem:v43+s14+$0x0] =	vst.idx.add.f32.msk $0xffff, v33  }
0x6f2: {  	s25 =	sadd.s32 $0x40, s25;
	v31 =	vmul.f32 v35, v12;
	[tilespmem:v45+s14+$0x0] =	vst.idx.add.f32.msk $0xffff, v32  }
0x6f3: {  	_ =	sdelay $0x3  }
0x6f4: {  	v26 =	vld.idx.msk [tilespmem:v26+s15+$0x0], $0xffff  }
0x6f5: {  	v24 =	vld.idx.msk [tilespmem:v24+s15+$0x0], $0xffff  }
0x6f6: {  	[tilespmem:v30+s14+$0x0] =	vst.idx.add.f32.msk $0xffff, v31  }
0x6f7: {  	v28 =	vmul.f32 v28, v4;
	v29 =	vld.idx.msk [tilespmem:v29+s15+$0x0], $0xffff  }
0x6f8: {  	v11 =	vld.idx.msk [tilespmem:v11+s15+$0x0], $0xffff  }
0x6f9: {  	v16 =	vor.u32 $0x180, v16;
	[tilespmem:v25+s14+$0x0] =	vst.idx.add.f32.msk $0xffff, v28;
	v61 =	vmul.f32 v26, v18  }
0x6fa: {  	v23 =	vld.idx.msk [tilespmem:v23+s15+$0x0], $0xffff;
	v62 =	vmul.f32 v24, v6  }
0x6fb: {  	[tilespmem:v14+s14+$0x0] =	vst.idx.add.f32.msk $0xffff, v61  }
0x6fc: {  	v12 =	vmul.f32 v29, v12;
	[tilespmem:v13+s14+$0x0] =	vst.idx.add.f32.msk $0xffff, v62  }
0x6fd: {  	v13 =	vld.idx.msk [tilespmem:v20+s15+$0x0], $0xffff  }
0x6fe: {  	[tilespmem:v16+s14+$0x0] =	vst.idx.add.f32.msk $0xffff, v12  }
0x6ff: {  	v3 =	vmul.f32 v27, v3;
	v12 =	vld.idx.msk [tilespmem:v15+s15+$0x0], $0xffff  }
0x700: {  	[tilespmem:v9+s14+$0x0] =	vst.idx.add.f32.msk $0xffff, v21  }
0x701: {  	[tilespmem:v10+s14+$0x0] =	vst.idx.add.f32.msk $0xffff, v3;
	v3 =	vmul.f32 v23, v4  }
0x702: {  	[tilespmem:v7+s14+$0x0] =	vst.idx.add.f32.msk $0xffff, v17;
	v2 =	vmul.f32 v11, v2  }
0x703: {  	[tilespmem:v19+s14+$0x0] =	vst.idx.add.f32.msk $0xffff, v3;
	v3 =	vmul.f32 v13, v6  }
0x704: {  	[tilespmem:v8+s14+$0x0] =	vst.idx.add.f32.msk $0xffff, v2;
	v63 =	vmul.f32 v12, v18  }
0x705: {  	[tilespmem:v5+s14+$0x0] =	vst.idx.add.f32.msk $0xffff, v3  }
0x706: {  	[tilespmem:v22+s14+$0x0] =	vst.idx.add.f32.msk $0xffff, v63  }
0x707: {  	p0 =	seq.s32 s20, $0xF;
	_ =	swait.ge [sflag:s17], $0x4000  }
0x708: {  	s22 =	sadd.s32 @!p0 s22, s0;
	s23 =	simm.s32 @!p0 $0x200;
	[sflag:s17] =	ssyncset.done $0x0  }
0x709: {  	s24 =	simm.s32 @!p0 $0x400;
	s25 =	simm.s32 @!p0 $0x12880;
	[sflag:s17] =	ssyncadd.s32 $0xFFFFC000  }
0x70a: {  	[tilespmem:s25], [sflag:$0x1] =	stream.strided.gather @!p0 [hbm4b:s22+s23], $0x4000, s24, s23, $0x38;
	[tilespmem:$0x1FA80] =	vst v63  }
0x70b: {  	s22 =	simm.s32 $0x16980  }
0x70c: {  	[tilespmem:s22+$0xFFFFFF00] =	vst v0  }
0x70d: {  	[tilespmem:s22+$0xF0] =	vst v0  }
0x70e: {  	[tilespmem:s22+$0x70] =	vst v0  }
0x70f: {  	[tilespmem:s22+$0xFFFFFFF0] =	vst v0  }
0x710: {  	[tilespmem:s22+$0xFFFFFF70] =	vst v0  }
0x711: {  	[tilespmem:s22+$0xE0] =	vst v0  }
0x712: {  	[tilespmem:s22+$0x60] =	vst v0  }
0x713: {  	[tilespmem:s22+$0xFFFFFFE0] =	vst v0  }
0x714: {  	[tilespmem:s22+$0xFFFFFF60] =	vst v0  }
0x715: {  	[tilespmem:s22+$0xD0] =	vst v0  }
0x716: {  	[tilespmem:s22+$0x50] =	vst v0  }
0x717: {  	[tilespmem:s22+$0xFFFFFFD0] =	vst v0  }
0x718: {  	[tilespmem:s22+$0xFFFFFF50] =	vst v0  }
0x719: {  	[tilespmem:s22+$0xC0] =	vst v0  }
0x71a: {  	[tilespmem:s22+$0x40] =	vst v0  }
0x71b: {  	[tilespmem:s22+$0xFFFFFFC0] =	vst v0  }
0x71c: {  	[tilespmem:s22+$0xFFFFFF40] =	vst v0  }
0x71d: {  	[tilespmem:s22+$0xB0] =	vst v0  }
0x71e: {  	[tilespmem:s22+$0x30] =	vst v0  }
0x71f: {  	[tilespmem:s22+$0xFFFFFFB0] =	vst v0  }
0x720: {  	[tilespmem:s22+$0xFFFFFF30] =	vst v0  }
0x721: {  	[tilespmem:s22+$0xA0] =	vst v0  }
0x722: {  	[tilespmem:s22+$0x20] =	vst v0  }
0x723: {  	[tilespmem:s22+$0xFFFFFFA0] =	vst v0  }
0x724: {  	[tilespmem:s22+$0xFFFFFF20] =	vst v0  }
0x725: {  	[tilespmem:s22+$0x90] =	vst v0  }
0x726: {  	[tilespmem:s22+$0x10] =	vst v0  }
0x727: {  	[tilespmem:s22+$0xFFFFFF90] =	vst v0  }
0x728: {  	[tilespmem:s22+$0xFFFFFF10] =	vst v0  }
0x729: {  	[tilespmem:s22+$0x80] =	vst v0  }
0x72a: {  	s23 =	simm.s32 $0x0;
	[tilespmem:s22+$0x0] =	vst v0  }
.LBB2_81:
0x72b: {  	s23 =	sadd.s32 $0x8, s23;
	[tilespmem:s22+$0xFFFFFF80] =	vst v0;
	s22 =	sadd.s32 $0x200, s22  }
0x72c: {  	[tilespmem:s22+$0xFFFFFF00] =	vst v0;
	p0 =	slt.u32 s23, $0xF8  }
0x72d: {  	[tilespmem:s22+$0xF0] =	vst v0  }
0x72e: {  	[tilespmem:s22+$0x70] =	vst v0  }
0x72f: {  	[tilespmem:s22+$0xFFFFFFF0] =	vst v0  }
0x730: {  	[tilespmem:s22+$0xFFFFFF70] =	vst v0  }
0x731: {  	[tilespmem:s22+$0xE0] =	vst v0  }
0x732: {  	[tilespmem:s22+$0x60] =	vst v0  }
0x733: {  	[tilespmem:s22+$0xFFFFFFE0] =	vst v0  }
0x734: {  	[tilespmem:s22+$0xFFFFFF60] =	vst v0  }
0x735: {  	[tilespmem:s22+$0xD0] =	vst v0  }
0x736: {  	[tilespmem:s22+$0x50] =	vst v0  }
0x737: {  	[tilespmem:s22+$0xFFFFFFD0] =	vst v0  }
0x738: {  	[tilespmem:s22+$0xFFFFFF50] =	vst v0  }
0x739: {  	[tilespmem:s22+$0xC0] =	vst v0  }
0x73a: {  	[tilespmem:s22+$0x40] =	vst v0  }
0x73b: {  	[tilespmem:s22+$0xFFFFFFC0] =	vst v0  }
0x73c: {  	[tilespmem:s22+$0xFFFFFF40] =	vst v0  }
0x73d: {  	[tilespmem:s22+$0xB0] =	vst v0  }
0x73e: {  	[tilespmem:s22+$0x30] =	vst v0  }
0x73f: {  	[tilespmem:s22+$0xFFFFFFB0] =	vst v0  }
0x740: {  	[tilespmem:s22+$0xFFFFFF30] =	vst v0  }
0x741: {  	[tilespmem:s22+$0xA0] =	vst v0  }
0x742: {  	[tilespmem:s22+$0x20] =	vst v0  }
0x743: {  	[tilespmem:s22+$0xFFFFFFA0] =	vst v0  }
0x744: {  	[tilespmem:s22+$0xFFFFFF20] =	vst v0  }
0x745: {  	[tilespmem:s22+$0x90] =	vst v0  }
.Ltmp40:
0x746: {  	[tilespmem:s22+$0x10] =	vst v0;
	(pc) =	sbr.rel @p0 .LBB2_81-.Ltmp40, $4  }
0x747: {  	[tilespmem:s22+$0xFFFFFF90] =	vst v0  }
0x748: {  	[tilespmem:s22+$0xFFFFFF10] =	vst v0  }
0x749: {  	[tilespmem:s22+$0x80] =	vst v0  }
0x74a: {  	s24 =	simm.s32 $0xD220;
	s25 =	simm.s32 $0x8C20;
	[tilespmem:s22+$0x0] =	vst v0  }
0x74b: {  	[tilespmem:s22+$0xFFFFFF80] =	vst v0  }
0x74c: {  	v2 =	vld [tilespmem:s25+$0x10];
	_ =	sdelay $0x2  }
0x74d: {  	v3 =	vld [tilespmem:s25+$0xFFFFFFE0]  }
0x74e: {  	v5 =	vld [tilespmem:s25+$0xFFFFFFF0]  }
0x74f: {  	v4 =	vshra.s32 v2, $0xC  }
0x750: {  	v6 =	vshll.u32 v4, $0x2  }
0x751: {  	v4 =	vand.u32 $0x7F, v4;
	v6 =	vand.u32 $0xFFFFFE00, v6  }
0x752: {  	v9 =	vor.u32 v4, v6;
	v4 =	vshra.s32 v3, $0xC  }
0x753: {  	v7 =	vld [tilespmem:s25+$0x0];
	v6 =	vshra.s32 v5, $0xC;
	v8 =	vshll.u32 v4, $0x2  }
0x754: {  	v10 =	vshll.u32 v6, $0x2;
	v4 =	vand.u32 $0x7F, v4;
	v8 =	vand.u32 $0xFFFFFE00, v8  }
0x755: {  	v10 =	vand.u32 $0xFFFFFE00, v10;
	v14 =	vor.u32 v4, v8;
	v4 =	vand.u32 $0x7F, v6  }
0x756: {  	v13 =	vor.u32 v4, v10;
	v10 =	vld [tilespmem:s24+$0x10]  }
0x757: {  	v4 =	vshll.u32 v2, $0x2;
	v6 =	vld.idx.msk [tilespmem:v9+s14+$0x0], $0xffff  }
0x758: {  	v8 =	vshra.s32 v7, $0xC;
	v2 =	vand.u32 $0x7F, v2;
	v4 =	vand.u32 $0x3E00, v4  }
0x759: {  	v11 =	vshll.u32 v8, $0x2;
	v2 =	vor.u32 v2, v4  }
0x75a: {  	v12 =	vor.u32 $0x80, v9;
	v8 =	vand.u32 $0x7F, v8;
	v11 =	vand.u32 $0xFFFFFE00, v11;
	v4 =	vld [tilespmem:s24+$0xFFFFFFE0]  }
0x75b: {  	v8 =	vor.u32 v8, v11;
	v15 =	vld.idx.msk [tilespmem:v14+s14+$0x0], $0xffff  }
0x75c: {  	v11 =	vshll.u32 v3, $0x2;
	v16 =	vld.idx.msk [tilespmem:v13+s14+$0x0], $0xffff;
	v17 =	vmul.f32 v6, v10  }
0x75d: {  	v3 =	vand.u32 $0x7F, v3;
	v11 =	vand.u32 $0x3E00, v11;
	v6 =	vld [tilespmem:s24+$0xFFFFFFF0]  }
0x75e: {  	v18 =	vshll.u32 v5, $0x2;
	v11 =	vor.u32 v3, v11;
	[tilespmem:v2+s15+$0x0] =	vst.idx.add.f32.msk $0xffff, v17  }
0x75f: {  	v5 =	vand.u32 $0x7F, v5;
	v3 =	vand.u32 $0x3E00, v18;
	v17 =	vor.u32 $0x80, v14;
	v18 =	vld.idx.msk [tilespmem:v12+s14+$0x0], $0xffff  }
0x760: {  	v12 =	vor.u32 v5, v3;
	v3 =	vld.idx.msk [tilespmem:v8+s14+$0x0], $0xffff  }
0x761: {  	s25 =	simm.s32 $0x8C60;
	v19 =	vshll.u32 v7, $0x2;
	v20 =	vor.u32 $0x80, v2;
	v5 =	vld [tilespmem:s24+$0x0];
	v15 =	vmul.f32 v15, v4  }
0x762: {  	v22 =	vld [tilespmem:s25+$0xFFFFFFE0];
	v19 =	vand.u32 $0x3E00, v19;
	v21 =	vor.u32 $0x100, v9;
	v7 =	vand.u32 $0x7F, v7  }
0x763: {  	v7 =	vor.u32 v7, v19;
	[tilespmem:v11+s15+$0x0] =	vst.idx.add.f32.msk $0xffff, v15;
	v15 =	vmul.f32 v16, v6  }
0x764: {  	v16 =	vor.u32 $0x80, v13;
	v17 =	vld.idx.msk [tilespmem:v17+s14+$0x0], $0xffff;
	v18 =	vmul.f32 v18, v10  }
0x765: {  	v19 =	vor.u32 $0x80, v8;
	[tilespmem:v12+s15+$0x0] =	vst.idx.add.f32.msk $0xffff, v15  }
0x766: {  	v15 =	vor.u32 $0x80, v11;
	v3 =	vmul.f32 v3, v5;
	[tilespmem:v20+s15+$0x0] =	vst.idx.add.f32.msk $0xffff, v18  }
0x767: {  	v18 =	vor.u32 $0x100, v14;
	v20 =	vld.idx.msk [tilespmem:v21+s14+$0x0], $0xffff  }
0x768: {  	[tilespmem:v7+s15+$0x0] =	vst.idx.add.f32.msk $0xffff, v3  }
0x769: {  	v3 =	vld.idx.msk [tilespmem:v16+s14+$0x0], $0xffff;
	v16 =	vmul.f32 v17, v4;
	v17 =	vor.u32 $0x100, v2  }
0x76a: {  	v19 =	vld.idx.msk [tilespmem:v19+s14+$0x0], $0xffff  }
0x76b: {  	v9 =	vor.u32 $0x180, v9;
	[tilespmem:v15+s15+$0x0] =	vst.idx.add.f32.msk $0xffff, v16  }
0x76c: {  	v15 =	vld.idx.msk [tilespmem:v18+s14+$0x0], $0xffff;
	v16 =	vmul.f32 v20, v10  }
0x76d: {  	v18 =	vld [tilespmem:s25+$0x10]  }
0x76e: {  	[tilespmem:v17+s15+$0x0] =	vst.idx.add.f32.msk $0xffff, v16;
	v16 =	vor.u32 $0x80, v12  }
0x76f: {  	v20 =	vld [tilespmem:s25+$0xFFFFFFF0];
	v17 =	vor.u32 $0x80, v7  }
0x770: {  	v23 =	vor.u32 $0x100, v8;
	v21 =	vor.u32 $0x100, v13;
	v9 =	vld.idx.msk [tilespmem:v9+s14+$0x0], $0xffff  }
0x771: {  	v25 =	vld [tilespmem:s25+$0x0];
	v24 =	vor.u32 $0x100, v11;
	v11 =	vor.u32 $0x180, v11;
	v3 =	vmul.f32 v3, v6  }
0x772: {  	v14 =	vor.u32 $0x180, v14;
	v19 =	vmul.f32 v19, v5;
	v26 =	vshra.s32 v18, $0xC  }
0x773: {  	v2 =	vor.u32 $0x180, v2;
	[tilespmem:v16+s15+$0x0] =	vst.idx.add.f32.msk $0xffff, v3;
	v3 =	vmul.f32 v15, v4;
	v15 =	vshll.u32 v26, $0x2  }
0x774: {  	[tilespmem:v17+s15+$0x0] =	vst.idx.add.f32.msk $0xffff, v19;
	v16 =	vshra.s32 v20, $0xC;
	v17 =	vand.u32 $0x7F, v26;
	v15 =	vand.u32 $0xFFFFFE00, v15  }
0x775: {  	v19 =	vld.idx.msk [tilespmem:v21+s14+$0x0], $0xffff;
	v9 =	vmul.f32 v9, v10;
	v10 =	vshra.s32 v22, $0xC;
	v21 =	vor.u32 v17, v15  }
0x776: {  	v15 =	vshra.s32 v25, $0xC;
	v17 =	vshll.u32 v16, $0x2;
	v26 =	vshll.u32 v10, $0x2;
	[tilespmem:v24+s15+$0x0] =	vst.idx.add.f32.msk $0xffff, v3  }
0x777: {  	v10 =	vand.u32 $0x7F, v10;
	v3 =	vand.u32 $0xFFFFFE00, v17;
	v17 =	vand.u32 $0xFFFFFE00, v26;
	v24 =	vld.idx.msk [tilespmem:v14+s14+$0x0], $0xffff  }
0x778: {  	v14 =	vshll.u32 v15, $0x2;
	[tilespmem:v2+s15+$0x0] =	vst.idx.add.f32.msk $0xffff, v9;
	v9 =	vand.u32 $0x7F, v15;
	v15 =	vshll.u32 v22, $0x2  }
0x779: {  	s26 =	simm.s32 $0xD260;
	v23 =	vld.idx.msk [tilespmem:v23+s14+$0x0], $0xffff;
	v22 =	vand.u32 $0x7F, v22;
	v26 =	vor.u32 v10, v17;
	v10 =	vand.u32 $0x7F, v16  }
0x77a: {  	v2 =	vand.u32 $0xFFFFFE00, v14;
	v16 =	vld [tilespmem:s26+$0x10];
	v10 =	vor.u32 v10, v3;
	v3 =	vshll.u32 v18, $0x2  }
0x77b: {  	v17 =	vld [tilespmem:s26+$0xFFFFFFE0];
	v14 =	vand.u32 $0x7F, v18;
	v9 =	vor.u32 v9, v2;
	v3 =	vand.u32 $0x3E00, v3  }
0x77c: {  	v2 =	vld.idx.msk [tilespmem:v21+s14+$0x0], $0xffff;
	v27 =	vor.u32 v14, v3;
	v3 =	vand.u32 $0x3E00, v15;
	v14 =	vshll.u32 v20, $0x2  }
0x77d: {  	v32 =	vand.u32 $0x3E00, v14;
	v14 =	vor.u32 v22, v3;
	v3 =	vld [tilespmem:s26+$0xFFFFFFF0]  }
0x77e: {  	v18 =	vld.idx.msk [tilespmem:v26+s14+$0x0], $0xffff  }
0x77f: {  	v30 =	vor.u32 $0x80, v21;
	v4 =	vmul.f32 v24, v4;
	v29 =	vld.idx.msk [tilespmem:v10+s14+$0x0], $0xffff  }
0x780: {  	v28 =	vor.u32 $0x100, v12;
	v31 =	vld.idx.msk [tilespmem:v9+s14+$0x0], $0xffff  }
0x781: {  	v15 =	vshll.u32 v25, $0x2;
	[tilespmem:v11+s15+$0x0] =	vst.idx.add.f32.msk $0xffff, v4;
	v22 =	vmul.f32 v2, v16  }
0x782: {  	v33 =	vand.u32 $0x3E00, v15;
	v15 =	vand.u32 $0x7F, v20;
	v20 =	vor.u32 $0x80, v26;
	v2 =	vld [tilespmem:s26+$0x0]  }
0x783: {  	v13 =	vor.u32 $0x180, v13;
	v25 =	vand.u32 $0x7F, v25;
	[tilespmem:v27+s15+$0x0] =	vst.idx.add.f32.msk $0xffff, v22;
	v22 =	vmul.f32 v19, v6  }
0x784: {  	v15 =	vor.u32 v15, v32;
	v19 =	vor.u32 v25, v33;
	v18 =	vmul.f32 v18, v17;
	v25 =	vld.idx.msk [tilespmem:v30+s14+$0x0], $0xffff  }
0x785: {  	[tilespmem:v28+s15+$0x0] =	vst.idx.add.f32.msk $0xffff, v22  }
0x786: {  	v30 =	vor.u32 $0x80, v10;
	[tilespmem:v14+s15+$0x0] =	vst.idx.add.f32.msk $0xffff, v18  }
0x787: {  	v22 =	vor.u32 $0x80, v9;
	v18 =	vmul.f32 v29, v3;
	v20 =	vld.idx.msk [tilespmem:v20+s14+$0x0], $0xffff  }
0x788: {  	v29 =	vor.u32 $0x80, v27;
	v28 =	vmul.f32 v31, v2;
	v13 =	vld.idx.msk [tilespmem:v13+s14+$0x0], $0xffff  }
0x789: {  	v31 =	vor.u32 $0x100, v7;
	[tilespmem:v15+s15+$0x0] =	vst.idx.add.f32.msk $0xffff, v18  }
0x78a: {  	v18 =	vor.u32 $0x100, v21;
	[tilespmem:v19+s15+$0x0] =	vst.idx.add.f32.msk $0xffff, v28  }
0x78b: {  	v28 =	vor.u32 $0x80, v14;
	v30 =	vld.idx.msk [tilespmem:v30+s14+$0x0], $0xffff;
	v25 =	vmul.f32 v25, v16  }
0x78c: {  	v58 =	vor.u32 $0x100, v26;
	v23 =	vmul.f32 v23, v5;
	v22 =	vld.idx.msk [tilespmem:v22+s14+$0x0], $0xffff  }
0x78d: {  	[tilespmem:v29+s15+$0x0] =	vst.idx.add.f32.msk $0xffff, v25;
	v25 =	vor.u32 $0x80, v15  }
0x78e: {  	v20 =	vmul.f32 v20, v17;
	v29 =	vor.u32 $0x80, v19;
	[tilespmem:v31+s15+$0x0] =	vst.idx.add.f32.msk $0xffff, v23  }
0x78f: {  	v18 =	vld.idx.msk [tilespmem:v18+s14+$0x0], $0xffff  }
0x790: {  	[tilespmem:v28+s15+$0x0] =	vst.idx.add.f32.msk $0xffff, v20;
	v23 =	vmul.f32 v30, v3  }
0x791: {  	v28 =	vor.u32 $0x100, v27;
	v20 =	vld.idx.msk [tilespmem:v58+s14+$0x0], $0xffff;
	v22 =	vmul.f32 v22, v2  }
0x792: {  	[tilespmem:v25+s15+$0x0] =	vst.idx.add.f32.msk $0xffff, v23  }
0x793: {  	s30 =	simm.s32 $0x8CA0;
	v21 =	vor.u32 $0x180, v21;
	[tilespmem:v29+s15+$0x0] =	vst.idx.add.f32.msk $0xffff, v22  }
0x794: {  	v8 =	vor.u32 $0x180, v8;
	v18 =	vmul.f32 v18, v16;
	v22 =	vld [tilespmem:s30+$0x10]  }
0x795: {  	v29 =	vld [tilespmem:s30+$0xFFFFFFE0]  }
0x796: {  	v25 =	vor.u32 $0x100, v14;
	[tilespmem:v28+s15+$0x0] =	vst.idx.add.f32.msk $0xffff, v18  }
0x797: {  	v18 =	vor.u32 $0x100, v9;
	v28 =	vld [tilespmem:s30+$0xFFFFFFF0]  }
0x798: {  	v12 =	vor.u32 $0x180, v12;
	v21 =	vld.idx.msk [tilespmem:v21+s14+$0x0], $0xffff  }
0x799: {  	v60 =	vld.idx.msk [tilespmem:v8+s14+$0x0], $0xffff;
	v20 =	vmul.f32 v20, v17  }
0x79a: {  	v26 =	vor.u32 $0x180, v26;
	v61 =	vor.u32 $0x100, v19;
	v27 =	vor.u32 $0x180, v27;
	v30 =	vld [tilespmem:s30+$0x0]  }
0x79b: {  	v6 =	vmul.f32 v13, v6;
	v23 =	vor.u32 $0x100, v10;
	[tilespmem:v25+s15+$0x0] =	vst.idx.add.f32.msk $0xffff, v20;
	v31 =	vshra.s32 v22, $0xC  }
0x79c: {  	v24 =	vshra.s32 v29, $0xC;
	v20 =	vand.u32 $0x7F, v31;
	v13 =	vld.idx.msk [tilespmem:v18+s14+$0x0], $0xffff;
	v18 =	vshll.u32 v31, $0x2  }
0x79d: {  	s22 =	simm.s32 $0xD2A0;
	[tilespmem:v12+s15+$0x0] =	vst.idx.add.f32.msk $0xffff, v6;
	v16 =	vmul.f32 v21, v16;
	v18 =	vand.u32 $0xFFFFFE00, v18;
	v21 =	vshra.s32 v28, $0xC  }
0x79e: {  	v12 =	vld [tilespmem:s22+$0x10];
	v8 =	vand.u32 $0x7F, v24;
	v59 =	vor.u32 v20, v18;
	v20 =	vshll.u32 v21, $0x2  }
0x79f: {  	v4 =	vand.u32 $0x7F, v21;
	[tilespmem:v27+s15+$0x0] =	vst.idx.add.f32.msk $0xffff, v16;
	v16 =	vshll.u32 v24, $0x2;
	v20 =	vand.u32 $0xFFFFFE00, v20  }
0x7a0: {  	v23 =	vld.idx.msk [tilespmem:v23+s14+$0x0], $0xffff;
	v18 =	vshra.s32 v30, $0xC;
	v16 =	vand.u32 $0xFFFFFE00, v16;
	v20 =	vor.u32 v4, v20  }
0x7a1: {  	v31 =	vld.idx.msk [tilespmem:v26+s14+$0x0], $0xffff;
	v24 =	vshll.u32 v18, $0x2;
	v27 =	vor.u32 v8, v16  }
0x7a2: {  	v11 =	vand.u32 $0x7F, v18;
	v4 =	vld [tilespmem:s22+$0xFFFFFFE0];
	v8 =	vand.u32 $0xFFFFFE00, v24;
	v13 =	vmul.f32 v13, v2  }
0x7a3: {  	v21 =	vor.u32 v11, v8;
	v8 =	vshll.u32 v22, $0x2;
	v6 =	vld.idx.msk [tilespmem:v59+s14+$0x0], $0xffff  }
0x7a4: {  	v11 =	vand.u32 $0x7F, v22;
	v8 =	vand.u32 $0x3E00, v8;
	[tilespmem:v61+s15+$0x0] =	vst.idx.add.f32.msk $0xffff, v13  }
0x7a5: {  	v18 =	vshll.u32 v29, $0x2;
	v16 =	vor.u32 v11, v8;
	v24 =	vld.idx.msk [tilespmem:v20+s14+$0x0], $0xffff  }
0x7a6: {  	v25 =	vor.u32 $0x80, v59;
	v11 =	vand.u32 $0x3E00, v18;
	v18 =	vshll.u32 v28, $0x2;
	v22 =	vld.idx.msk [tilespmem:v27+s14+$0x0], $0xffff  }
0x7a7: {  	v29 =	vand.u32 $0x7F, v29;
	v8 =	vor.u32 $0x100, v15;
	v35 =	vand.u32 $0x3E00, v18;
	v18 =	vld [tilespmem:s22+$0xFFFFFFF0]  }
0x7a8: {  	v26 =	vshll.u32 v30, $0x2;
	v29 =	vor.u32 v29, v11;
	v34 =	vld.idx.msk [tilespmem:v21+s14+$0x0], $0xffff;
	v11 =	vmul.f32 v6, v12  }
0x7a9: {  	v26 =	vand.u32 $0x3E00, v26;
	v36 =	vor.u32 $0x80, v27;
	v28 =	vand.u32 $0x7F, v28;
	v6 =	vld [tilespmem:s22+$0x0]  }
0x7aa: {  	v30 =	vand.u32 $0x7F, v30;
	v35 =	vor.u32 v28, v35;
	[tilespmem:v16+s15+$0x0] =	vst.idx.add.f32.msk $0xffff, v11;
	v11 =	vmul.f32 v23, v3  }
0x7ab: {  	v30 =	vor.u32 v30, v26;
	v22 =	vmul.f32 v22, v4;
	v23 =	vld.idx.msk [tilespmem:v25+s14+$0x0], $0xffff  }
0x7ac: {  	v25 =	vor.u32 $0x80, v20;
	[tilespmem:v8+s15+$0x0] =	vst.idx.add.f32.msk $0xffff, v11  }
0x7ad: {  	v8 =	vor.u32 $0x80, v21;
	v11 =	vmul.f32 v24, v18;
	[tilespmem:v29+s15+$0x0] =	vst.idx.add.f32.msk $0xffff, v22  }
0x7ae: {  	v26 =	vor.u32 $0x80, v16;
	v24 =	vmul.f32 v34, v6;
	v22 =	vld.idx.msk [tilespmem:v36+s14+$0x0], $0xffff  }
0x7af: {  	v28 =	vor.u32 $0x100, v59;
	[tilespmem:v35+s15+$0x0] =	vst.idx.add.f32.msk $0xffff, v11  }
0x7b0: {  	v37 =	vor.u32 $0x80, v29;
	[tilespmem:v30+s15+$0x0] =	vst.idx.add.f32.msk $0xffff, v24  }
0x7b1: {  	v62 =	vor.u32 $0x180, v10;
	v38 =	vld.idx.msk [tilespmem:v25+s14+$0x0], $0xffff;
	v23 =	vmul.f32 v23, v12  }
0x7b2: {  	v10 =	vor.u32 $0x180, v15;
	v42 =	vor.u32 $0x80, v30;
	v39 =	vor.u32 $0x100, v27;
	v40 =	vld.idx.msk [tilespmem:v8+s14+$0x0], $0xffff  }
0x7b3: {  	v13 =	vor.u32 $0x100, v30;
	v41 =	vor.u32 $0x80, v35;
	[tilespmem:v26+s15+$0x0] =	vst.idx.add.f32.msk $0xffff, v23;
	v15 =	vmul.f32 v22, v4  }
0x7b4: {  	v24 =	vor.u32 $0x100, v21;
	v25 =	vor.u32 $0x100, v29;
	v8 =	vor.u32 $0x180, v19;
	v43 =	vld.idx.msk [tilespmem:v28+s14+$0x0], $0xffff  }
0x7b5: {  	v26 =	vor.u32 $0x100, v20;
	v23 =	vor.u32 $0x180, v27;
	[tilespmem:v37+s15+$0x0] =	vst.idx.add.f32.msk $0xffff, v15;
	v15 =	vor.u32 $0x180, v20  }
0x7b6: {  	v20 =	vor.u32 $0x180, v21;
	v63 =	vmul.f32 v38, v18;
	v21 =	vmul.f32 v31, v17  }
0x7b7: {  	v27 =	vld.idx.msk [tilespmem:v62+s14+$0x0], $0xffff;
	v17 =	vmul.f32 v60, v5;
	v5 =	vor.u32 $0x180, v30;
	v30 =	vor.u32 $0x100, v16  }
0x7b8: {  	v19 =	vor.u32 $0x180, v29;
	v29 =	vor.u32 $0x180, v59;
	v28 =	vld.idx.msk [tilespmem:v39+s14+$0x0], $0xffff;
	v31 =	vmul.f32 v40, v6  }
0x7b9: {  	v7 =	vor.u32 $0x180, v7;
	v11 =	vor.u32 $0x180, v9;
	v9 =	vor.u32 $0x180, v14;
	[tilespmem:v41+s15+$0x0] =	vst.idx.add.f32.msk $0xffff, v63  }
0x7ba: {  	s23 =	simm.s32 $0x8;
	s24 =	simm.s32 $0x8CE0;
	v14 =	vor.u32 $0x100, v35;
	v22 =	vor.u32 $0x180, v35;
	[tilespmem:v42+s15+$0x0] =	vst.idx.add.f32.msk $0xffff, v31;
	v31 =	vmul.f32 v43, v12  }
.LBB2_83:
0x7bb: {  	v32 =	vld [tilespmem:s24+$0x10]  }
0x7bc: {  	[tilespmem:v30+s15+$0x0] =	vst.idx.add.f32.msk $0xffff, v31  }
0x7bd: {  	s23 =	sadd.s32 $0x4, s23;
	v28 =	vmul.f32 v28, v4;
	v29 =	vld.idx.msk [tilespmem:v29+s14+$0x0], $0xffff  }
0x7be: {  	p0 =	slt.u32 s23, $0x45C;
	v27 =	vmul.f32 v27, v3;
	v3 =	vmov v18;
	v30 =	vld [tilespmem:s24+$0xFFFFFFF0]  }
0x7bf: {  	v18 =	vld [tilespmem:s24+$0x0]  }
0x7c0: {  	v16 =	vor.u32 $0x180, v16;
	v31 =	vld [tilespmem:s24+$0xFFFFFFE0]  }
0x7c1: {  	v33 =	vld.idx.msk [tilespmem:v26+s14+$0x0], $0xffff  }
0x7c2: {  	v26 =	vshra.s32 v32, $0xC;
	v34 =	vld.idx.msk [tilespmem:v24+s14+$0x0], $0xffff  }
0x7c3: {  	v35 =	vshll.u32 v26, $0x2;
	v12 =	vmul.f32 v29, v12;
	v24 =	vshra.s32 v30, $0xC;
	[tilespmem:v25+s15+$0x0] =	vst.idx.add.f32.msk $0xffff, v28  }
0x7c4: {  	v26 =	vand.u32 $0x7F, v26;
	v28 =	vand.u32 $0xFFFFFE00, v35;
	v25 =	vshra.s32 v18, $0xC;
	v29 =	vld.idx.msk [tilespmem:v23+s14+$0x0], $0xffff  }
0x7c5: {  	v35 =	vshll.u32 v24, $0x2;
	v36 =	vor.u32 v26, v28;
	v23 =	vshra.s32 v31, $0xC;
	[tilespmem:v16+s15+$0x0] =	vst.idx.add.f32.msk $0xffff, v12  }
0x7c6: {  	v16 =	vand.u32 $0xFFFFFE00, v35;
	v26 =	vshll.u32 v25, $0x2;
	v12 =	vshll.u32 v23, $0x2;
	v28 =	vld.idx.msk [tilespmem:v11+s14+$0x0], $0xffff;
	v11 =	vmovc v20  }
0x7c7: {  	v20 =	vand.u32 $0x7F, v23;
	v23 =	vand.u32 $0xFFFFFE00, v26;
	v12 =	vand.u32 $0xFFFFFE00, v12;
	[tilespmem:v9+s15+$0x0] =	vst.idx.add.f32.msk $0xffff, v21;
	v9 =	vmovc v19  }
0x7c8: {  	v19 =	vor.u32 v20, v12;
	v12 =	vand.u32 $0x7F, v24;
	v20 =	vand.u32 $0x7F, v25;
	[tilespmem:v10+s15+$0x0] =	vst.idx.add.f32.msk $0xffff, v27;
	v10 =	vmovc v22  }
0x7c9: {  	v21 =	vshll.u32 v31, $0x2;
	v22 =	vor.u32 v12, v16;
	v20 =	vor.u32 v20, v23;
	[tilespmem:v7+s15+$0x0] =	vst.idx.add.f32.msk $0xffff, v17  }
0x7ca: {  	s22 =	sadd.s32 $0x40, s22;
	v17 =	vand.u32 $0x3E00, v21;
	v12 =	vshll.u32 v30, $0x2;
	v16 =	vshll.u32 v18, $0x2;
	v7 =	vmovc v8;
	v8 =	vmovc v5;
	v21 =	vld.idx.msk [tilespmem:v36+s14+$0x0], $0xffff  }
0x7cb: {  	v5 =	vand.u32 $0x3E00, v12;
	v23 =	vand.u32 $0x3E00, v16;
	v16 =	vshll.u32 v32, $0x2;
	v12 =	vld [tilespmem:s22+$0x10]  }
0x7cc: {  	v24 =	vand.u32 $0x7F, v31;
	v25 =	vand.u32 $0x7F, v32;
	v16 =	vand.u32 $0x3E00, v16;
	v27 =	vld [tilespmem:s22+$0xFFFFFFE0]  }
0x7cd: {  	v26 =	vand.u32 $0x7F, v30;
	v18 =	vand.u32 $0x7F, v18;
	v16 =	vor.u32 v25, v16;
	v31 =	vld.idx.msk [tilespmem:v19+s14+$0x0], $0xffff  }
0x7ce: {  	v17 =	vor.u32 v24, v17;
	v32 =	vor.u32 $0x80, v36;
	v5 =	vor.u32 v26, v5;
	v30 =	vld.idx.msk [tilespmem:v22+s14+$0x0], $0xffff  }
0x7cf: {  	v35 =	vor.u32 $0x80, v19;
	v37 =	vor.u32 $0x80, v22;
	v39 =	vor.u32 v18, v23;
	v38 =	vld.idx.msk [tilespmem:v20+s14+$0x0], $0xffff  }
0x7d0: {  	v41 =	vor.u32 $0x80, v20;
	v40 =	vor.u32 $0x80, v17;
	v18 =	vld [tilespmem:s22+$0xFFFFFFF0];
	v21 =	vmul.f32 v21, v12  }
0x7d1: {  	v42 =	vor.u32 $0x100, v19;
	v43 =	vor.u32 $0x80, v5;
	v45 =	vor.u32 $0x80, v39;
	v44 =	vld [tilespmem:s22+$0x0]  }
0x7d2: {  	v24 =	vor.u32 $0x100, v20;
	v26 =	vor.u32 $0x100, v22;
	[tilespmem:v16+s15+$0x0] =	vst.idx.add.f32.msk $0xffff, v21;
	v21 =	vmul.f32 v33, v3  }
0x7d3: {  	v25 =	vor.u32 $0x100, v17;
	v31 =	vmul.f32 v31, v27;
	v33 =	vmul.f32 v34, v6;
	v32 =	vld.idx.msk [tilespmem:v32+s14+$0x0], $0xffff  }
0x7d4: {  	v23 =	vor.u32 $0x180, v19;
	v34 =	vor.u32 $0x100, v39;
	[tilespmem:v14+s15+$0x0] =	vst.idx.add.f32.msk $0xffff, v21;
	v14 =	vor.u32 $0x100, v5  }
0x7d5: {  	v20 =	vor.u32 $0x180, v20;
	[tilespmem:v17+s15+$0x0] =	vst.idx.add.f32.msk $0xffff, v31;
	v30 =	vmul.f32 v30, v18;
	v31 =	vor.u32 $0x180, v22  }
0x7d6: {  	v46 =	vor.u32 $0x80, v16;
	v21 =	vmul.f32 v29, v4;
	v4 =	vmovc v27;
	v35 =	vld.idx.msk [tilespmem:v35+s14+$0x0], $0xffff;
	v38 =	vmul.f32 v38, v44  }
0x7d7: {  	v19 =	vor.u32 $0x180, v17;
	v27 =	vor.u32 $0x100, v36;
	v17 =	vmul.f32 v28, v2;
	v2 =	vmovc v6;
	[tilespmem:v5+s15+$0x0] =	vst.idx.add.f32.msk $0xffff, v30  }
0x7d8: {  	v22 =	vor.u32 $0x180, v5;
	v6 =	vmov v44;
	v5 =	vor.u32 $0x180, v39;
	[tilespmem:v39+s15+$0x0] =	vst.idx.add.f32.msk $0xffff, v38  }
0x7d9: {  	v28 =	vmul.f32 v32, v12;
	v29 =	vld.idx.msk [tilespmem:v37+s14+$0x0], $0xffff  }
0x7da: {  	v32 =	vld.idx.msk [tilespmem:v41+s14+$0x0], $0xffff  }
0x7db: {  	[tilespmem:v46+s15+$0x0] =	vst.idx.add.f32.msk $0xffff, v28  }
0x7dc: {  	v28 =	vmul.f32 v35, v4;
	v35 =	vld.idx.msk [tilespmem:v27+s14+$0x0], $0xffff  }
0x7dd: {  	[tilespmem:v13+s15+$0x0] =	vst.idx.add.f32.msk $0xffff, v33;
	v13 =	vmov v34  }
.Ltmp41:
0x7de: {  	[tilespmem:v40+s15+$0x0] =	vst.idx.add.f32.msk $0xffff, v28;
	(pc) =	sbr.rel @p0 .LBB2_83-.Ltmp41, $4  }
0x7df: {  	v30 =	vor.u32 $0x100, v16;
	v33 =	vmul.f32 v29, v18;
	v28 =	vld.idx.msk [tilespmem:v42+s14+$0x0], $0xffff  }
0x7e0: {  	v29 =	vor.u32 $0x180, v36;
	v32 =	vmul.f32 v32, v6;
	v27 =	vld.idx.msk [tilespmem:v15+s14+$0x0], $0xffff;
	v15 =	vmov v31  }
0x7e1: {  	[tilespmem:v43+s15+$0x0] =	vst.idx.add.f32.msk $0xffff, v33  }
0x7e2: {  	s24 =	sadd.s32 $0x40, s24;
	v31 =	vmul.f32 v35, v12;
	[tilespmem:v45+s15+$0x0] =	vst.idx.add.f32.msk $0xffff, v32  }
0x7e3: {  	_ =	sdelay $0x3  }
0x7e4: {  	[tilespmem:v30+s15+$0x0] =	vst.idx.add.f32.msk $0xffff, v31  }
0x7e5: {  	v29 =	vld.idx.msk [tilespmem:v29+s14+$0x0], $0xffff;
	_ =	sdelay $0x1  }
0x7e6: {  	v16 =	vor.u32 $0x180, v16;
	v26 =	vld.idx.msk [tilespmem:v26+s14+$0x0], $0xffff  }
0x7e7: {  	v24 =	vld.idx.msk [tilespmem:v24+s14+$0x0], $0xffff  }
0x7e8: {  	v28 =	vmul.f32 v28, v4  }
0x7e9: {  	v11 =	vld.idx.msk [tilespmem:v11+s14+$0x0], $0xffff;
	v12 =	vmul.f32 v29, v12  }
0x7ea: {  	[tilespmem:v25+s15+$0x0] =	vst.idx.add.f32.msk $0xffff, v28  }
0x7eb: {  	[tilespmem:v16+s15+$0x0] =	vst.idx.add.f32.msk $0xffff, v12;
	v12 =	vmul.f32 v26, v18  }
0x7ec: {  	v23 =	vld.idx.msk [tilespmem:v23+s14+$0x0], $0xffff;
	v16 =	vmul.f32 v24, v6  }
0x7ed: {  	[tilespmem:v14+s15+$0x0] =	vst.idx.add.f32.msk $0xffff, v12  }
0x7ee: {  	[tilespmem:v13+s15+$0x0] =	vst.idx.add.f32.msk $0xffff, v16  }
0x7ef: {  	v12 =	vld.idx.msk [tilespmem:v15+s14+$0x0], $0xffff  }
0x7f0: {  	v13 =	vld.idx.msk [tilespmem:v20+s14+$0x0], $0xffff  }
0x7f1: {  	[tilespmem:v9+s15+$0x0] =	vst.idx.add.f32.msk $0xffff, v21;
	v3 =	vmul.f32 v27, v3  }
0x7f2: {  	[tilespmem:v7+s15+$0x0] =	vst.idx.add.f32.msk $0xffff, v17;
	v2 =	vmul.f32 v11, v2  }
0x7f3: {  	[tilespmem:v10+s15+$0x0] =	vst.idx.add.f32.msk $0xffff, v3;
	v3 =	vmul.f32 v23, v4  }
0x7f4: {  	[tilespmem:v8+s15+$0x0] =	vst.idx.add.f32.msk $0xffff, v2;
	v4 =	vmul.f32 v12, v18  }
0x7f5: {  	[tilespmem:v19+s15+$0x0] =	vst.idx.add.f32.msk $0xffff, v3;
	v3 =	vmul.f32 v13, v6  }
0x7f6: {  	[tilespmem:v22+s15+$0x0] =	vst.idx.add.f32.msk $0xffff, v4  }
0x7f7: {  	s22 =	simm.s32 $0x16980;
	[tilespmem:v5+s15+$0x0] =	vst.idx.add.f32.msk $0xffff, v3  }
0x7f8: {  	v3 =	vld [tilespmem:s22+$0xF0]  }
0x7f9: {  	s23 =	simm.s32 $0x11840;
	v4 =	vld [tilespmem:s22+$0xFFFFFF00]  }
0x7fa: {  	v2 =	vld [tilespmem:s23+$0x30]  }
0x7fb: {  	v5 =	vld [tilespmem:s22+$0xFFFFFF80]  }
0x7fc: {  	v6 =	vld [tilespmem:s22+$0x0]  }
0x7fd: {  	v7 =	vld [tilespmem:s22+$0x80]  }
0x7fe: {  	v8 =	vld [tilespmem:s22+$0xFFFFFF10]  }
0x7ff: {  	v9 =	vld [tilespmem:s22+$0xFFFFFF90]  }
0x800: {  	v10 =	vld [tilespmem:s22+$0x10]  }
0x801: {  	v11 =	vld [tilespmem:s22+$0x90]  }
0x802: {  	v12 =	vld [tilespmem:s22+$0xFFFFFF20]  }
0x803: {  	v13 =	vld [tilespmem:s22+$0xFFFFFFA0]  }
0x804: {  	v14 =	vld [tilespmem:s22+$0x20]  }
0x805: {  	v15 =	vld [tilespmem:s22+$0xA0]  }
0x806: {  	v17 =	vld [tilespmem:s22+$0xFFFFFF30]  }
0x807: {  	v18 =	vld [tilespmem:s22+$0xFFFFFFB0]  }
0x808: {  	v19 =	vld [tilespmem:s22+$0x30]  }
0x809: {  	v20 =	vld [tilespmem:s22+$0xB0]  }
0x80a: {  	v23 =	vld [tilespmem:s22+$0xFFFFFF40]  }
0x80b: {  	v26 =	vld [tilespmem:s22+$0xFFFFFFC0]  }
0x80c: {  	v29 =	vld [tilespmem:s22+$0x40]  }
0x80d: {  	v30 =	vld [tilespmem:s22+$0xC0]  }
0x80e: {  	v31 =	vld [tilespmem:s22+$0xFFFFFF50]  }
0x80f: {  	v32 =	vld [tilespmem:s22+$0xFFFFFFD0];
	v16 =	vmul.f32 v3, v1  }
0x810: {  	v35 =	vld [tilespmem:s22+$0xFFFFFF60];
	v3 =	vmul.f32 v4, v1;
	v5 =	vmul.f32 v5, v1  }
0x811: {  	v38 =	vld [tilespmem:s22+$0x60];
	v4 =	vmul.f32 v6, v1;
	v6 =	vmul.f32 v7, v1  }
0x812: {  	v40 =	vld [tilespmem:s22+$0xE0];
	v33 =	vmul.f32 v8, v1;
	v34 =	vmul.f32 v9, v1  }
0x813: {  	v41 =	vld [tilespmem:s23+$0xFFFFFFD0];
	v37 =	vmul.f32 v10, v1;
	v39 =	vmul.f32 v11, v1  }
0x814: {  	v36 =	vld [tilespmem:s23+$0xFFFFFFE0];
	v28 =	vmul.f32 v12, v1;
	v21 =	vmul.f32 v15, v1  }
0x815: {  	v7 =	vld [tilespmem:s22+$0x50];
	v22 =	vmul.f32 v17, v1;
	v24 =	vmul.f32 v18, v1  }
0x816: {  	v25 =	vmul.f32 v19, v1;
	v27 =	vmul.f32 v20, v1;
	v15 =	vld [tilespmem:s22+$0xFFFFFF70]  }
0x817: {  	v8 =	vld [tilespmem:s22+$0xD0];
	v17 =	vmul.f32 v26, v1;
	v18 =	vmul.f32 v29, v1;
	v9 =	vadd.f32 v16, v2  }
0x818: {  	v12 =	vld [tilespmem:s22+$0xFFFFFFE0];
	v20 =	vmul.f32 v31, v1;
	v11 =	vmul.f32 v32, v1  }
0x819: {  	v26 =	vld [tilespmem:s22+$0x70];
	v19 =	vmul.f32 v40, v1;
	v16 =	vmul.f32 v13, v1;
	v9 =	vmax.f32 v9, $0.0e+00  }
0x81a: {  	p0 =	por $0x1, $0x1;
	v13 =	vmul.f32 v14, v1;
	[tilespmem:s22+$0xF0] =	vst v9;
	v9 =	vmul.f32 v23, v1;
	v23 =	vld [tilespmem:s22+$0xFFFFFFF0]  }
.Ltmp42:
0x81b: {  	v31 =	vld [tilespmem:s23+$0x0];
	v14 =	vmul.f32 v30, v1;
	v34 =	vadd.f32 v34, v41;
	v29 =	vmul.f32 v15, v1;
	(pc) =	sbr.rel @!p0 .LBB2_86-.Ltmp42, $4  }
0x81c: {  	v32 =	vld [tilespmem:s23+$0xFFFFFFC0];
	v37 =	vadd.f32 v37, v41;
	v7 =	vmul.f32 v7, v1;
	v10 =	vmul.f32 v8, v1  }
0x81d: {  	v8 =	vmul.f32 v35, v1;
	v35 =	vld [tilespmem:s23+$0xFFFFFFF0];
	v15 =	vmul.f32 v12, v1;
	v63 =	vadd.f32 v29, v2  }
0x81e: {  	v30 =	vld [tilespmem:s23+$0x10];
	v12 =	vmul.f32 v38, v1;
	v26 =	vmul.f32 v26, v1;
	v38 =	vadd.f32 v33, v41  }
0x81f: {  	s24 =	simm.s32 $0x0;
	s25 =	simm.s32 $0x16B80;
	v33 =	vadd.f32 v39, v41;
	v29 =	vld [tilespmem:s23+$0x20];
	v39 =	vmax.f32 v63, $0.0e+00;
	v23 =	vmul.f32 v23, v1  }
.LBB2_85:
0x820: {  	v40 =	vld [tilespmem:s25+$0xF0];
	s24 =	sadd.s32 $0x8, s24;
	v38 =	vmax.f32 v38, $0.0e+00;
	v28 =	vadd.f32 v28, v36;
	v16 =	vadd.f32 v16, v36;
	[tilespmem:s22+$0xFFFFFF70] =	vst v39  }
0x821: {  	v34 =	vmax.f32 v34, $0.0e+00;
	v13 =	vadd.f32 v13, v36;
	v21 =	vadd.f32 v21, v36;
	s23 =	sadd.s32 $0x80, s23;
	v39 =	vld [tilespmem:s25+$0xFFFFFF00];
	p0 =	slt.u32 s24, $0xF8;
	[tilespmem:s22+$0xFFFFFF10] =	vst v38  }
0x822: {  	v22 =	vadd.f32 v22, v35;
	v24 =	vadd.f32 v24, v35;
	v36 =	vld [tilespmem:s23+$0x30];
	[tilespmem:s22+$0xFFFFFF90] =	vst v34;
	v34 =	vmax.f32 v37, $0.0e+00  }
0x823: {  	v25 =	vadd.f32 v25, v35;
	v27 =	vadd.f32 v27, v35;
	v33 =	vmax.f32 v33, $0.0e+00;
	v37 =	vld [tilespmem:s25+$0xFFFFFF80];
	[tilespmem:s22+$0x10] =	vst v34  }
0x824: {  	v34 =	vld [tilespmem:s25+$0x0];
	v35 =	vadd.f32 v3, v32;
	v38 =	vadd.f32 v5, v32;
	[tilespmem:s22+$0x90] =	vst v33;
	v3 =	vmax.f32 v28, $0.0e+00  }
0x825: {  	v41 =	vadd.f32 v6, v32;
	v28 =	vld [tilespmem:s25+$0x80];
	v5 =	vmul.f32 v40, v1;
	v40 =	vadd.f32 v4, v32;
	[tilespmem:s22+$0xFFFFFF20] =	vst v3  }
0x826: {  	v9 =	vadd.f32 v9, v31;
	v17 =	vadd.f32 v17, v31;
	v3 =	vmul.f32 v39, v1;
	v32 =	vld [tilespmem:s25+$0xFFFFFF10]  }
0x827: {  	v18 =	vadd.f32 v18, v31;
	v4 =	vmax.f32 v35, $0.0e+00;
	v33 =	vld [tilespmem:s25+$0xFFFFFF90];
	v6 =	vadd.f32 v5, v36  }
0x828: {  	v14 =	vadd.f32 v14, v31;
	v20 =	vadd.f32 v20, v30;
	v5 =	vmul.f32 v37, v1;
	v35 =	vld [tilespmem:s25+$0x10];
	[tilespmem:s22+$0xFFFFFF00] =	vst v4  }
0x829: {  	v11 =	vadd.f32 v11, v30;
	v4 =	vmul.f32 v34, v1;
	v31 =	vld [tilespmem:s25+$0x90];
	v34 =	vmax.f32 v6, $0.0e+00  }
0x82a: {  	v7 =	vadd.f32 v7, v30;
	v10 =	vadd.f32 v10, v30;
	v6 =	vmul.f32 v28, v1;
	v28 =	vld [tilespmem:s25+$0xFFFFFF20];
	[tilespmem:s25+$0xF0] =	vst v34  }
0x82b: {  	v8 =	vadd.f32 v8, v29;
	v15 =	vadd.f32 v15, v29;
	v32 =	vmul.f32 v32, v1;
	v30 =	vld [tilespmem:s25+$0xFFFFFFA0]  }
0x82c: {  	v12 =	vadd.f32 v12, v29;
	v19 =	vadd.f32 v19, v29;
	v34 =	vmul.f32 v33, v1;
	v37 =	vld [tilespmem:s25+$0x20]  }
0x82d: {  	v23 =	vadd.f32 v23, v2;
	v26 =	vadd.f32 v26, v2;
	v2 =	vmovc v36;
	v33 =	vmul.f32 v35, v1;
	v29 =	vld [tilespmem:s25+$0xA0]  }
0x82e: {  	v36 =	vmax.f32 v40, $0.0e+00;
	v35 =	vmax.f32 v38, $0.0e+00;
	v39 =	vmul.f32 v31, v1;
	v31 =	vld [tilespmem:s25+$0xFFFFFF30]  }
0x82f: {  	v40 =	vmax.f32 v16, $0.0e+00;
	v28 =	vmul.f32 v28, v1;
	v38 =	vld [tilespmem:s25+$0xFFFFFFB0];
	[tilespmem:s22+$0xFFFFFF80] =	vst v35;
	v35 =	vmax.f32 v41, $0.0e+00  }
0x830: {  	v41 =	vmax.f32 v21, $0.0e+00;
	v16 =	vmul.f32 v30, v1;
	v30 =	vld [tilespmem:s25+$0x30];
	[tilespmem:s22+$0x0] =	vst v36;
	v36 =	vmax.f32 v13, $0.0e+00  }
0x831: {  	v42 =	vmax.f32 v24, $0.0e+00;
	v13 =	vmul.f32 v37, v1;
	v37 =	vld [tilespmem:s25+$0xB0];
	[tilespmem:s22+$0x80] =	vst v35;
	v35 =	vmax.f32 v22, $0.0e+00  }
0x832: {  	v43 =	vmax.f32 v27, $0.0e+00;
	v21 =	vmul.f32 v29, v1;
	v29 =	vld [tilespmem:s25+$0xFFFFFF40];
	[tilespmem:s22+$0xFFFFFFA0] =	vst v40;
	v40 =	vmax.f32 v25, $0.0e+00  }
0x833: {  	v44 =	vmax.f32 v17, $0.0e+00;
	v22 =	vmul.f32 v31, v1;
	v31 =	vld [tilespmem:s25+$0xFFFFFFC0];
	[tilespmem:s22+$0x20] =	vst v36;
	v36 =	vmax.f32 v9, $0.0e+00  }
0x834: {  	v45 =	vmax.f32 v14, $0.0e+00;
	v24 =	vmul.f32 v38, v1;
	v38 =	vld [tilespmem:s25+$0x40];
	[tilespmem:s22+$0xA0] =	vst v41;
	v41 =	vmax.f32 v18, $0.0e+00  }
0x835: {  	v25 =	vmul.f32 v30, v1;
	v14 =	vld [tilespmem:s25+$0xC0];
	[tilespmem:s22+$0xFFFFFF30] =	vst v35;
	v30 =	vmax.f32 v20, $0.0e+00;
	v35 =	vmax.f32 v11, $0.0e+00  }
0x836: {  	v27 =	vmul.f32 v37, v1;
	v11 =	vld [tilespmem:s25+$0xFFFFFF50];
	[tilespmem:s22+$0xFFFFFFB0] =	vst v42;
	v37 =	vmax.f32 v7, $0.0e+00;
	v42 =	vmax.f32 v10, $0.0e+00  }
0x837: {  	v9 =	vmul.f32 v29, v1;
	v7 =	vld [tilespmem:s25+$0xFFFFFFD0];
	[tilespmem:s22+$0x30] =	vst v40;
	v29 =	vmax.f32 v8, $0.0e+00;
	v40 =	vmax.f32 v15, $0.0e+00  }
0x838: {  	v17 =	vmul.f32 v31, v1;
	v8 =	vld [tilespmem:s25+$0x50];
	[tilespmem:s22+$0xB0] =	vst v43;
	v31 =	vmax.f32 v12, $0.0e+00;
	v43 =	vmax.f32 v19, $0.0e+00  }
0x839: {  	v46 =	vmax.f32 v26, $0.0e+00;
	v18 =	vmul.f32 v38, v1;
	v10 =	vld [tilespmem:s25+$0xD0];
	[tilespmem:s22+$0xFFFFFF40] =	vst v36;
	v38 =	vmax.f32 v23, $0.0e+00  }
0x83a: {  	v14 =	vmul.f32 v14, v1;
	v12 =	vld [tilespmem:s25+$0xFFFFFF60];
	[tilespmem:s22+$0xFFFFFFC0] =	vst v44  }
0x83b: {  	v20 =	vmul.f32 v11, v1;
	v15 =	vld [tilespmem:s25+$0xFFFFFFE0];
	[tilespmem:s22+$0x40] =	vst v41  }
0x83c: {  	v11 =	vmul.f32 v7, v1;
	v19 =	vld [tilespmem:s25+$0x60];
	[tilespmem:s22+$0xC0] =	vst v45  }
0x83d: {  	v7 =	vmul.f32 v8, v1;
	v23 =	vld [tilespmem:s25+$0xE0];
	[tilespmem:s22+$0xFFFFFF50] =	vst v30  }
0x83e: {  	v10 =	vmul.f32 v10, v1;
	v26 =	vld [tilespmem:s25+$0xFFFFFF70];
	[tilespmem:s22+$0xFFFFFFD0] =	vst v35  }
0x83f: {  	v8 =	vmul.f32 v12, v1;
	v30 =	vld [tilespmem:s25+$0xFFFFFFF0];
	[tilespmem:s22+$0x50] =	vst v37  }
0x840: {  	v15 =	vmul.f32 v15, v1;
	v37 =	vld [tilespmem:s25+$0x70];
	[tilespmem:s22+$0xD0] =	vst v42  }
0x841: {  	v41 =	vld [tilespmem:s23+$0xFFFFFFD0];
	v12 =	vmul.f32 v19, v1;
	[tilespmem:s22+$0xFFFFFF60] =	vst v29  }
0x842: {  	v36 =	vld [tilespmem:s23+$0xFFFFFFE0];
	v19 =	vmul.f32 v23, v1;
	[tilespmem:s22+$0xFFFFFFE0] =	vst v40  }
.Ltmp43:
0x843: {  	v35 =	vld [tilespmem:s23+$0xFFFFFFF0];
	v26 =	vmul.f32 v26, v1;
	[tilespmem:s22+$0x60] =	vst v31;
	(pc) =	sbr.rel @p0 .LBB2_85-.Ltmp43, $4  }
0x844: {  	v31 =	vld [tilespmem:s23+$0x0];
	v23 =	vmul.f32 v30, v1;
	[tilespmem:s22+$0xE0] =	vst v43  }
0x845: {  	v30 =	vld [tilespmem:s23+$0x10];
	v40 =	vadd.f32 v26, v2;
	v26 =	vmul.f32 v37, v1;
	[tilespmem:s22+$0xFFFFFFF0] =	vst v38  }
0x846: {  	v38 =	vadd.f32 v32, v41;
	v34 =	vadd.f32 v34, v41;
	v29 =	vld [tilespmem:s23+$0x20];
	[tilespmem:s22+$0x70] =	vst v46;
	s22 =	smov.u32 s25  }
0x847: {  	v37 =	vadd.f32 v33, v41;
	v33 =	vadd.f32 v39, v41;
	s25 =	sadd.s32 $0x200, s25;
	v32 =	vld [tilespmem:s23+$0xFFFFFFC0];
	v39 =	vmax.f32 v40, $0.0e+00  }
.LBB2_86:
0x848: {  	v38 =	vmax.f32 v38, $0.0e+00;
	[tilespmem:s22+$0xFFFFFF70] =	vst v39  }
0x849: {  	v34 =	vmax.f32 v34, $0.0e+00;
	[tilespmem:s22+$0xFFFFFF10] =	vst v38  }
0x84a: {  	v28 =	vadd.f32 v28, v36;
	[tilespmem:s22+$0xFFFFFF90] =	vst v34;
	v48 =	vmax.f32 v37, $0.0e+00  }
0x84b: {  	v33 =	vmax.f32 v33, $0.0e+00;
	v63 =	vadd.f32 v23, v2;
	v2 =	vadd.f32 v26, v2;
	[tilespmem:s22+$0x10] =	vst v48  }
0x84c: {  	[tilespmem:s22+$0x90] =	vst v33;
	v28 =	vmax.f32 v28, $0.0e+00;
	v3 =	vadd.f32 v3, v32  }
0x84d: {  	[tilespmem:s22+$0xFFFFFF20] =	vst v28;
	v2 =	vmax.f32 v2, $0.0e+00;
	v4 =	vadd.f32 v4, v32  }
0x84e: {  	v6 =	vadd.f32 v6, v32;
	[tilespmem:s22+$0x70] =	vst v2;
	v3 =	vmax.f32 v3, $0.0e+00  }
0x84f: {  	v5 =	vadd.f32 v5, v32;
	v4 =	vmax.f32 v4, $0.0e+00;
	[tilespmem:s22+$0xFFFFFF00] =	vst v3  }
0x850: {  	v49 =	vadd.f32 v16, v36;
	v6 =	vmax.f32 v6, $0.0e+00;
	[tilespmem:s22+$0x0] =	vst v4  }
0x851: {  	v50 =	vadd.f32 v21, v36;
	v3 =	vmax.f32 v5, $0.0e+00;
	[tilespmem:s22+$0x80] =	vst v6  }
0x852: {  	v51 =	vadd.f32 v22, v35;
	v5 =	vmax.f32 v49, $0.0e+00;
	[tilespmem:s22+$0xFFFFFF80] =	vst v3  }
0x853: {  	v52 =	vadd.f32 v24, v35;
	v4 =	vmax.f32 v50, $0.0e+00;
	[tilespmem:s22+$0xFFFFFFA0] =	vst v5  }
0x854: {  	v53 =	vadd.f32 v27, v35;
	v6 =	vmax.f32 v51, $0.0e+00;
	[tilespmem:s22+$0xA0] =	vst v4  }
0x855: {  	v54 =	vadd.f32 v9, v31;
	v5 =	vmax.f32 v52, $0.0e+00;
	[tilespmem:s22+$0xFFFFFF30] =	vst v6  }
0x856: {  	v3 =	vadd.f32 v13, v36;
	v4 =	vmax.f32 v53, $0.0e+00;
	[tilespmem:s22+$0xFFFFFFB0] =	vst v5  }
0x857: {  	v55 =	vadd.f32 v17, v31;
	v6 =	vmax.f32 v54, $0.0e+00;
	[tilespmem:s22+$0xB0] =	vst v4  }
0x858: {  	v56 =	vadd.f32 v14, v31;
	[tilespmem:s22+$0xFFFFFF40] =	vst v6;
	v3 =	vmax.f32 v3, $0.0e+00  }
0x859: {  	v5 =	vmax.f32 v55, $0.0e+00;
	[tilespmem:s22+$0x20] =	vst v3;
	v3 =	vadd.f32 v25, v35  }
0x85a: {  	v57 =	vadd.f32 v20, v30;
	v4 =	vmax.f32 v56, $0.0e+00;
	[tilespmem:s22+$0xFFFFFFC0] =	vst v5  }
0x85b: {  	v58 =	vadd.f32 v11, v30;
	[tilespmem:s22+$0xC0] =	vst v4;
	v3 =	vmax.f32 v3, $0.0e+00  }
0x85c: {  	v6 =	vmax.f32 v57, $0.0e+00;
	[tilespmem:s22+$0x30] =	vst v3;
	v3 =	vadd.f32 v18, v31  }
0x85d: {  	v59 =	vadd.f32 v10, v30;
	v5 =	vmax.f32 v58, $0.0e+00;
	[tilespmem:s22+$0xFFFFFF50] =	vst v6  }
0x85e: {  	v60 =	vadd.f32 v8, v29;
	[tilespmem:s22+$0xFFFFFFD0] =	vst v5;
	v3 =	vmax.f32 v3, $0.0e+00  }
0x85f: {  	v4 =	vmax.f32 v59, $0.0e+00;
	[tilespmem:s22+$0x40] =	vst v3;
	v3 =	vadd.f32 v7, v30  }
0x860: {  	v61 =	vadd.f32 v15, v29;
	v6 =	vmax.f32 v60, $0.0e+00;
	[tilespmem:s22+$0xD0] =	vst v4  }
0x861: {  	s20 =	sadd.s32 $0x1, s20;
	v62 =	vadd.f32 v19, v29;
	[tilespmem:s22+$0xFFFFFF60] =	vst v6;
	v3 =	vmax.f32 v3, $0.0e+00  }
0x862: {  	p0 =	sne.s32 s20, $0x10;
	v5 =	vmax.f32 v61, $0.0e+00;
	[tilespmem:s22+$0x50] =	vst v3;
	v3 =	vadd.f32 v12, v29  }
.Ltmp44:
0x863: {  	v4 =	vmax.f32 v62, $0.0e+00;
	[tilespmem:s22+$0xFFFFFFE0] =	vst v5;
	(pc) =	sbr.rel @p0 .LBB2_66-.Ltmp44, $4  }
0x864: {  	[tilespmem:s22+$0xE0] =	vst v4;
	v3 =	vmax.f32 v3, $0.0e+00  }
0x865: {  	[tilespmem:s22+$0x60] =	vst v3;
	v3 =	vmax.f32 v63, $0.0e+00  }
0x866: {  	s21 =	sadd.s32 s3, s21;
	[tilespmem:s22+$0xFFFFFFF0] =	vst v3  }
0x867: {  	[hbm4b:s21+s10] =	stream.strided.scatter [tilespmem:s15], [sflag:$0x4], $0x4000, s11, s10, $0x38;
	[tilespmem:$0x1FA80] =	vst v63  }
0x868: {  	_ =	swait.ge [sflag:s18], $0x4000  }
0x869: {  	s20 =	sld [smem:$0x7FD];
	_ =	sdelay $0x1  }
0x86a: {  	s19 =	sadd.s32 $0x1, s19  }
0x86b: {  	p0 =	sne.s32 s19, s20  }
.Ltmp45:
0x86c: {  	_ = 	snop;
	(pc) =	sbr.rel @p0 .LBB2_1-.Ltmp45, $3  }
0x86d: {  	_ =	sdelay $0x1  }
0x86e: {  	[sflag:s18] =	ssyncset.done $0x0  }
0x86f: {  	[sflag:s18] =	ssyncadd.s32 $0xFFFFC000  }
0x870: {  	_ =	sfence.sel $0x180000  }
0x871: {  	[bflag:$0x0] =	sbarrier.arrive $0xFFFF  }
0x872: {  	_ =	strace $0x9000004D  }
0x873: {  	s0 =	stileid.u32;
	[bflag:$0x2] =	sbarrier.arrive $0xFFFF  }
0x874: {  	p0 =	sne.s32 s0, $0x0;
	s0 =	rddreg [dreg:$0x4]  }
0x875: {  	s0 =	sadd.s32 @!p0 $0x100000, s0  }
0x876: {  	[sflag:s0] =	ssyncadd.tile.s32 @!p0 $0x1;
	_ =	shalt  }
.Lfunc_end2:
_tile_overlayer_lowered:
.L_overlay_start_2:
0x877: {  	(tag) =	ssettag $0x2  }
0x878: {  	s0 =	rddreg [dreg:$0x0];
	s2 =	stileid.u32  }
0x879: {  	s1 =	rddreg [dreg:$0x1];
	p0 =	sne.s32 s2, $0x0  }
0x87a: {  	s3 =	rddreg [dreg:$0x2];
	[bflag:$0x3] =	sbarrier.arrive $0xFFFF;
	s2 =	simm.s32 @!p0 $0x1C05  }
0x87b: {  	[timem:s3], [sflag:s2] =	dma.local @!p0 [hbm:s0], s1  }
0x87c: {  	s0 =	simm.s32 @!p0 $0x5  }
0x87d: {  	_ =	swait.ge @!p0 [sflag:s0], s1  }
0x87e: {  	s1 =	ssub.s32 @!p0 $0x0, s1;
	[sflag:s0] =	ssyncset.done @!p0 $0x0  }
0x87f: {  	[sflag:s0] =	ssyncadd.s32 @!p0 s1  }
0x880: {  	[bflag:$0x3] =	sbarrier.arrive $0xFFFF  }
0x881: {  	_ =	shalt  }

</sc_bundles>
